<compile_context>
chip_gen: v7x
topology: tpu7x:2x2x1
jax: 0.10.2.dev20260603
libtpu: 0.0.44.dev20260713+nightly
codegen_flags: <defaults>
</compile_context>

<pallas_src>
import functools

import jax
import jax.numpy as jnp
from jax import lax
from jax.experimental import pallas as pl
from jax.experimental.pallas import tpu as pltpu
from jax.experimental.pallas import tpu_sc as plsc

N = 10000
D = 128
NC = 2
NS = 16
NT = NC * NS
CH = 128
NCH = 80
EPAD = NT * NCH * CH
NPAD = 10240
RPT = NPAD // NS
ZR = 16
NB = 2
P = 32
C0 = 128
C1 = 32

_f32 = jnp.float32


@functools.cache
def _mesh():
    return plsc.VectorSubcoreMesh(
        core_axis_name="c", subcore_axis_name="s",
        num_cores=NC, num_subcores=NS)


def _deg_body(dst_hbm, out_hbm, idxv, onesv, zv, acc, sem):
    cid = lax.axis_index("c")
    sid = lax.axis_index("s")
    wid = cid * NS + sid
    z16 = jnp.zeros((16,), _f32)
    for j in range(8):
        onesv[pl.ds(j * 16, 16)] = jnp.full((16,), 1.0, _f32)

    def zfill(i, _):
        zv[pl.ds(i * 16, 16)] = z16
        return 0
    lax.fori_loop(0, RPT // 16, zfill, 0)

    pltpu.sync_copy(dst_hbm.at[wid], idxv)
    pltpu.sync_copy(zv, acc.at[pl.ds(sid * RPT, RPT)])
    plsc.subcore_barrier()

    def body(j, _):
        pltpu.sync_copy(onesv, acc.at[idxv.at[j]], add=True)
        return 0
    lax.fori_loop(0, NCH, body, 0)
    plsc.subcore_barrier()
    pltpu.sync_copy(acc.at[pl.ds(sid * RPT, RPT)],
                    out_hbm.at[cid, pl.ds(sid * RPT, RPT)])


@functools.cache
def _deg_kernel():
    return pl.kernel(
        _deg_body,
        out_type=jax.ShapeDtypeStruct((NC, NPAD), _f32),
        mesh=_mesh(),
        scratch_types=[
            pltpu.VMEM((NCH, CH), jnp.int32),
            pltpu.VMEM((CH,), _f32),
            pltpu.VMEM((RPT,), _f32),
            pltpu.VMEM_SHARED((NPAD,), _f32),
            pltpu.SemaphoreType.DMA,
        ],
    )


def _pass_body(table_hbm, srcA, dstA, srcB, dstB, out_hbm,
               srcv, dstv, r0, r1, zbuf, acc, s0, s1):
    cid = lax.axis_index("c")
    sid = lax.axis_index("s")
    rows = [r0, r1]
    sems = [s0, s1]
    z16 = jnp.zeros((16,), _f32)

    def zfill(i, _):
        for j in range(D // 16):
            zbuf[i, pl.ds(j * 16, 16)] = z16
        return 0
    lax.fori_loop(0, ZR, zfill, 0)

    def zacc(r, _):
        pltpu.sync_copy(zbuf, acc.at[pl.ds(sid * RPT + r * ZR, ZR)])
        return 0
    lax.fori_loop(0, RPT // ZR, zacc, 0)
    plsc.subcore_barrier()

    def run(src_hbm, dst_hbm, nch):
        for st in range(nch // P):
            pltpu.sync_copy(src_hbm.at[sid, pl.ds(st * P, P)], srcv)
            pltpu.sync_copy(dst_hbm.at[sid, pl.ds(st * P, P)], dstv)
            for b in range(NB):
                pltpu.async_copy(table_hbm.at[srcv.at[b]], rows[b], sems[b])

            def body(i, _):
                for b in range(NB):
                    j = i * NB + b
                    pltpu.make_async_copy(
                        table_hbm.at[srcv.at[j]], rows[b], sems[b]).wait()
                    pltpu.sync_copy(rows[b], acc.at[dstv.at[j]], add=True)
                    jn = j + NB

                    @pl.when(jn < P)
                    def _():
                        pltpu.async_copy(
                            table_hbm.at[srcv.at[jn]], rows[b], sems[b])
                return 0
            lax.fori_loop(0, P // NB, body, 0)

    @pl.when(cid == 0)
    def _():
        run(srcA, dstA, C0)

    @pl.when(cid == 1)
    def _():
        run(srcB, dstB, C1)

    plsc.subcore_barrier()
    pltpu.sync_copy(acc.at[pl.ds(sid * RPT, RPT)],
                    out_hbm.at[cid, pl.ds(sid * RPT, RPT), :])


@functools.cache
def _pass_kernel():
    return pl.kernel(
        _pass_body,
        out_type=jax.ShapeDtypeStruct((NC, NPAD, D), _f32),
        mesh=_mesh(),
        scratch_types=[
            pltpu.VMEM((P, CH), jnp.int32),
            pltpu.VMEM((P, CH), jnp.int32),
            pltpu.VMEM((CH, D), _f32),
            pltpu.VMEM((CH, D), _f32),
            pltpu.VMEM((ZR, D), _f32),
            pltpu.VMEM_SHARED((NPAD, D), _f32),
            pltpu.SemaphoreType.DMA,
            pltpu.SemaphoreType.DMA,
        ],
    )


def _scale_body(x_ref, c_ref, o_ref):
    o_ref[...] = x_ref[...] * c_ref[...]


def _scale_rows(x, col, blk=400):
    m = x.shape[0] // blk
    return pl.pallas_call(
        _scale_body,
        grid=(m,),
        in_specs=[
            pl.BlockSpec((blk, D), lambda i: (i, 0)),
            pl.BlockSpec((blk, 1), lambda i: (i, 0)),
        ],
        out_specs=pl.BlockSpec((blk, D), lambda i: (i, 0)),
        out_shape=jax.ShapeDtypeStruct((x.shape[0], D), _f32),
    )(x, col)


def _scale2_body(a_ref, c_ref, o_ref):
    o_ref[...] = (a_ref[0] + a_ref[1]) * c_ref[...]


def _combine_scale(acc2, col, blk=512):
    m = acc2.shape[1] // blk
    return pl.pallas_call(
        _scale2_body,
        grid=(m,),
        in_specs=[
            pl.BlockSpec((NC, blk, D), lambda i: (0, i, 0)),
            pl.BlockSpec((blk, 1), lambda i: (i, 0)),
        ],
        out_specs=pl.BlockSpec((blk, D), lambda i: (i, 0)),
        out_shape=jax.ShapeDtypeStruct((acc2.shape[1], D), _f32),
    )(acc2, col)


def _final_body(x_ref, g2_ref, a2_ref, sc_ref, nc_ref, w_ref, b_ref, o_ref):
    x = x_ref[...]
    h1 = g2_ref[...] * sc_ref[...]
    h2 = (a2_ref[0] + a2_ref[1]) * nc_ref[...]
    w = w_ref[...]
    acc = jnp.dot(x, w[0], preferred_element_type=_f32)
    acc += jnp.dot(h1, w[1], preferred_element_type=_f32)
    acc += jnp.dot(h2, w[2], preferred_element_type=_f32)
    o_ref[...] = acc + b_ref[...]


def _final(feat, g2, acc2, scol, ncol, wcat, bias, blk=400):
    m = N // blk
    return pl.pallas_call(
        _final_body,
        grid=(m,),
        in_specs=[
            pl.BlockSpec((blk, D), lambda i: (i, 0)),
            pl.BlockSpec((blk, D), lambda i: (i, 0)),
            pl.BlockSpec((NC, blk, D), lambda i: (0, i, 0)),
            pl.BlockSpec((blk, 1), lambda i: (i, 0)),
            pl.BlockSpec((blk, 1), lambda i: (i, 0)),
            pl.BlockSpec((3, D, D), lambda i: (0, 0, 0)),
            pl.BlockSpec((1, D), lambda i: (0, 0)),
        ],
        out_specs=pl.BlockSpec((blk, D), lambda i: (i, 0)),
        out_shape=jax.ShapeDtypeStruct((N, D), _f32),
    )(feat, g2, acc2, scol, ncol, wcat, bias)


@jax.jit
def kernel(feat, edge_index, W, bias):
    src = edge_index[0]
    dst = edge_index[1]
    pad = EPAD - src.shape[0]
    pad_dst = N + (jnp.arange(pad, dtype=jnp.int32) % (NPAD - N))
    srcp = jnp.concatenate([src, jnp.zeros((pad,), jnp.int32)])
    dstp = jnp.concatenate([dst, pad_dst])
    eA = NS * C0 * CH
    srcA = srcp[:eA].reshape(NS, C0, CH)
    dstA = dstp[:eA].reshape(NS, C0, CH)
    srcB = srcp[eA:].reshape(NS, C1, CH)
    dstB = dstp[eA:].reshape(NS, C1, CH)

    deg2 = _deg_kernel()(dstp.reshape(NT, NCH, CH))
    degf = deg2[0] + deg2[1]
    cdeg = jnp.clip(degf, 1.0, None)
    n2col = jnp.reshape(1.0 / cdeg, (NPAD, 1))
    ncol = jnp.reshape(cdeg[:N] ** -0.5, (N, 1))
    scol = jnp.reshape(cdeg[:N] ** 0.5, (N, 1))

    g1 = _scale_rows(feat, ncol)
    acc1 = _pass_kernel()(g1, srcA, dstA, srcB, dstB)
    g2 = _combine_scale(acc1, n2col)
    acc2 = _pass_kernel()(g2, srcA, dstA, srcB, dstB)

    wcat = jnp.stack([
        (W[0] - W[2]).T,
        -W[1].T,
        2.0 * W[2].T,
    ])
    return _final(feat, g2, acc2, scol, ncol, wcat,
                  jnp.reshape(bias, (1, D)))

# --- scband reference (transcript-rebuilt; emitter-appended) ---
"""Pipeline reference for scband-cheb-conv-47055661695424 (READ-ONLY COPY).

The authoritative reference and input builder live on the scoring server;
editing this copy changes nothing except your own understanding.
"""

import jax, jax.numpy as jnp
import numpy as np

N = 10000
E = 320000
D_IN = 128
D_OUT = 128
K = 3


def setup_inputs(seed: int = 0) -> dict:
    key = jax.random.key(seed)
    k1, k2, k3 = jax.random.split(key, 3)
    feat = jax.random.normal(k1, (N, D_IN), dtype=jnp.float32)
    edge_index = jax.random.randint(k2, (2, E), 0, N, dtype=jnp.int32)
    # xavier_normal with relu gain for each of the K Linear weights [out, in]
    gain = np.sqrt(2.0)
    std = gain * np.sqrt(2.0 / (D_IN + D_OUT))
    W = jax.random.normal(k3, (K, D_OUT, D_IN), dtype=jnp.float32) * std
    bias = jnp.zeros((D_OUT,), dtype=jnp.float32)
    return {"feat": feat, "edge_index": edge_index, "W": W, "bias": bias}


def reference(feat, edge_index, W, bias):
    src = edge_index[0]
    dst = edge_index[1]
    # in-degree normalization: D^{-1/2}
    deg = jnp.zeros((N,), dtype=jnp.float32).at[dst].add(1.0)
    norm = jnp.power(jnp.clip(deg, 1.0, None), -0.5).reshape(N, 1)
    lambda_max = 2.0  # standard fallback used when eigendecomposition is skipped
    Tx_0 = feat
    rst = Tx_0 @ W[0].T
    # graph.update_all(copy_u('h'), sum('m')) == scatter-add of source feats to dst
    h = jax.ops.segment_sum((Tx_0 * norm)[src], dst, num_segments=N) * norm
    Tx_1 = -2.0 * h / lambda_max + Tx_0 * (2.0 / lambda_max - 1.0)
    rst = rst + Tx_1 @ W[1].T
    for i in range(2, K):
        h = jax.ops.segment_sum((Tx_1 * norm)[src], dst, num_segments=N) * norm
        Tx_2 = -4.0 * h / lambda_max + Tx_1 * (4.0 / lambda_max - 2.0) - Tx_0
        rst = rst + Tx_2 @ W[i].T
        Tx_1, Tx_0 = Tx_2, Tx_1
    return rst + bias

if __name__ == "__main__":
    import jax
    _d = setup_inputs()
    print(jax.jit(kernel)(*tuple(_d.values())))

</pallas_src>

<mosaic_0001>
#map = affine_map<(d0, d1) -> (0, 0)>
#map1 = affine_map<(d0, d1) -> (0, 0, 0)>
module attributes {stable_mosaic.version = 14 : i64} {
  func.func @_pass_body(%arg0: i32, %arg1: i32, %arg2: memref<10240x128xf32, #tpu.memory_space<hbm>>, %arg3: memref<16x128x128xi32, #tpu.memory_space<hbm>>, %arg4: memref<16x128x128xi32, #tpu.memory_space<hbm>>, %arg5: memref<16x32x128xi32, #tpu.memory_space<hbm>>, %arg6: memref<16x32x128xi32, #tpu.memory_space<hbm>>, %arg7: memref<2x10240x128xf32, #tpu.memory_space<hbm>>, %arg8: memref<32x128xi32, #tpu.memory_space<vmem>>, %arg9: memref<32x128xi32, #tpu.memory_space<vmem>>, %arg10: memref<128x128xf32, #tpu.memory_space<vmem>>, %arg11: memref<128x128xf32, #tpu.memory_space<vmem>>, %arg12: memref<16x128xf32, #tpu.memory_space<vmem>>, %arg13: memref<10240x128xf32, #tpu.memory_space<vmem_shared>>, %arg14: memref<!tpu.dma_semaphore, #tpu.memory_space<semaphore_mem>>, %arg15: memref<!tpu.dma_semaphore, #tpu.memory_space<semaphore_mem>>) attributes {dimension_semantics = [#tpu.dimension_semantics<core_parallel>, #tpu.dimension_semantics<subcore_parallel>], iteration_bounds = array<i64: 2, 16>, scalar_prefetch = 0 : i64, scratch_operands = 8 : i64, tpu.core_type = #tpu.core_type<sc_vector_subcore>, window_params = [{transform_indices = #map}, {transform_indices = #map1}, {transform_indices = #map1}, {transform_indices = #map1}, {transform_indices = #map1}, {transform_indices = #map1}]} {
    %broadcast_in_dim3A = arith.constant 0.000000e+00 : f32
    %broadcast_in_dim3A_0 = vector.broadcast %broadcast_in_dim3A : f32 to vector<16xf32>
    %scan3A = arith.constant 0 : i32
    %scan3A_1 = arith.constant 0 : i32
    %scan3A_2 = arith.constant 16 : i32
    %scan3A_3 = arith.addi %scan3A_1, %scan3A_2 : i32
    %scan3A_4 = arith.constant 1 : i32
    %scan3A_5 = scf.for %scan3A_25 = %scan3A_1 to %scan3A_3 step %scan3A_4 iter_args(%scan3A_26 = %scan3A) -> (i32)  : i32 {
      %swap3A = arith.index_cast %scan3A_25 : i32 to index
      %swap3A_27 = arith.constant 0 : index
      %swap3A_28 = tpu.vector_load %arg12[%swap3A, %swap3A_27] {strides = array<i32>} : memref<16x128xf32, #tpu.memory_space<vmem>>, vector<1x16xf32>,
      %swap3A_29 = vector.shape_cast %swap3A_28 : vector<1x16xf32> to vector<16xf32>
      %swap3A_30 = vector.shape_cast %broadcast_in_dim3A_0 : vector<16xf32> to vector<1x16xf32>
      tpu.vector_store %arg12[%swap3A, %swap3A_27], %swap3A_30 {strides = array<i32>} : memref<16x128xf32, #tpu.memory_space<vmem>>, vector<1x16xf32>,
      %swap3A_31 = arith.index_cast %scan3A_25 : i32 to index
      %swap3A_32 = arith.constant 16 : index
      %swap3A_33 = tpu.vector_load %arg12[%swap3A_31, %swap3A_32] {strides = array<i32>} : memref<16x128xf32, #tpu.memory_space<vmem>>, vector<1x16xf32>,
      %swap3A_34 = vector.shape_cast %swap3A_33 : vector<1x16xf32> to vector<16xf32>
      %swap3A_35 = vector.shape_cast %broadcast_in_dim3A_0 : vector<16xf32> to vector<1x16xf32>
      tpu.vector_store %arg12[%swap3A_31, %swap3A_32], %swap3A_35 {strides = array<i32>} : memref<16x128xf32, #tpu.memory_space<vmem>>, vector<1x16xf32>,
      %swap3A_36 = arith.index_cast %scan3A_25 : i32 to index
      %swap3A_37 = arith.constant 32 : index
      %swap3A_38 = tpu.vector_load %arg12[%swap3A_36, %swap3A_37] {strides = array<i32>} : memref<16x128xf32, #tpu.memory_space<vmem>>, vector<1x16xf32>,
      %swap3A_39 = vector.shape_cast %swap3A_38 : vector<1x16xf32> to vector<16xf32>
      %swap3A_40 = vector.shape_cast %broadcast_in_dim3A_0 : vector<16xf32> to vector<1x16xf32>
      tpu.vector_store %arg12[%swap3A_36, %swap3A_37], %swap3A_40 {strides = array<i32>} : memref<16x128xf32, #tpu.memory_space<vmem>>, vector<1x16xf32>,
      %swap3A_41 = arith.index_cast %scan3A_25 : i32 to index
      %swap3A_42 = arith.constant 48 : index
      %swap3A_43 = tpu.vector_load %arg12[%swap3A_41, %swap3A_42] {strides = array<i32>} : memref<16x128xf32, #tpu.memory_space<vmem>>, vector<1x16xf32>,
      %swap3A_44 = vector.shape_cast %swap3A_43 : vector<1x16xf32> to vector<16xf32>
      %swap3A_45 = vector.shape_cast %broadcast_in_dim3A_0 : vector<16xf32> to vector<1x16xf32>
      tpu.vector_store %arg12[%swap3A_41, %swap3A_42], %swap3A_45 {strides = array<i32>} : memref<16x128xf32, #tpu.memory_space<vmem>>, vector<1x16xf32>,
      %swap3A_46 = arith.index_cast %scan3A_25 : i32 to index
      %swap3A_47 = arith.constant 64 : index
      %swap3A_48 = tpu.vector_load %arg12[%swap3A_46, %swap3A_47] {strides = array<i32>} : memref<16x128xf32, #tpu.memory_space<vmem>>, vector<1x16xf32>,
      %swap3A_49 = vector.shape_cast %swap3A_48 : vector<1x16xf32> to vector<16xf32>
      %swap3A_50 = vector.shape_cast %broadcast_in_dim3A_0 : vector<16xf32> to vector<1x16xf32>
      tpu.vector_store %arg12[%swap3A_46, %swap3A_47], %swap3A_50 {strides = array<i32>} : memref<16x128xf32, #tpu.memory_space<vmem>>, vector<1x16xf32>,
      %swap3A_51 = arith.index_cast %scan3A_25 : i32 to index
      %swap3A_52 = arith.constant 80 : index
      %swap3A_53 = tpu.vector_load %arg12[%swap3A_51, %swap3A_52] {strides = array<i32>} : memref<16x128xf32, #tpu.memory_space<vmem>>, vector<1x16xf32>,
      %swap3A_54 = vector.shape_cast %swap3A_53 : vector<1x16xf32> to vector<16xf32>
      %swap3A_55 = vector.shape_cast %broadcast_in_dim3A_0 : vector<16xf32> to vector<1x16xf32>
      tpu.vector_store %arg12[%swap3A_51, %swap3A_52], %swap3A_55 {strides = array<i32>} : memref<16x128xf32, #tpu.memory_space<vmem>>, vector<1x16xf32>,
      %swap3A_56 = arith.index_cast %scan3A_25 : i32 to index
      %swap3A_57 = arith.constant 96 : index
      %swap3A_58 = tpu.vector_load %arg12[%swap3A_56, %swap3A_57] {strides = array<i32>} : memref<16x128xf32, #tpu.memory_space<vmem>>, vector<1x16xf32>,
      %swap3A_59 = vector.shape_cast %swap3A_58 : vector<1x16xf32> to vector<16xf32>
      %swap3A_60 = vector.shape_cast %broadcast_in_dim3A_0 : vector<16xf32> to vector<1x16xf32>
      tpu.vector_store %arg12[%swap3A_56, %swap3A_57], %swap3A_60 {strides = array<i32>} : memref<16x128xf32, #tpu.memory_space<vmem>>, vector<1x16xf32>,
      %swap3A_61 = arith.index_cast %scan3A_25 : i32 to index
      %swap3A_62 = arith.constant 112 : index
      %swap3A_63 = tpu.vector_load %arg12[%swap3A_61, %swap3A_62] {strides = array<i32>} : memref<16x128xf32, #tpu.memory_space<vmem>>, vector<1x16xf32>,
      %swap3A_64 = vector.shape_cast %swap3A_63 : vector<1x16xf32> to vector<16xf32>
      %swap3A_65 = vector.shape_cast %broadcast_in_dim3A_0 : vector<16xf32> to vector<1x16xf32>
      tpu.vector_store %arg12[%swap3A_61, %swap3A_62], %swap3A_65 {strides = array<i32>} : memref<16x128xf32, #tpu.memory_space<vmem>>, vector<1x16xf32>,
      %scan3A_66 = arith.constant 0 : i32
      scf.yield %scan3A_66 : i32
    }
    %scan3A_6 = arith.constant 16 : i32
    %scan3A_7 = arith.constant 0 : i32
    %scan3A_8 = arith.constant 0 : i32
    %scan3A_9 = arith.constant 40 : i32
    %scan3A_10 = arith.addi %scan3A_8, %scan3A_9 : i32
    %scan3A_11 = arith.constant 1 : i32
    %scan3A_12 = scf.for %scan3A_25 = %scan3A_8 to %scan3A_10 step %scan3A_11 iter_args(%scan3A_26 = %scan3A_7) -> (i32)  : i32 {
      %mul3A_27 = arith.constant 640 : i32
      %mul3A_28 = arith.muli %arg1, %mul3A_27 : i32
      %mul3A_29 = arith.constant 16 : i32
      %mul3A_30 = arith.muli %scan3A_25, %mul3A_29 : i32
      %add3A = arith.addi %mul3A_28, %mul3A_30 : i32
      "tpu.region"() ({
        %run_scoped3A = tpu.sem_alloc : memref<!tpu.dma_semaphore, #tpu.memory_space<semaphore_mem>>
        %dma_start3A = arith.constant 0 : i32
        %dma_start3A_32 = tpu.memref_slice %arg13[%add3A, %dma_start3A] : memref<10240x128xf32, #tpu.memory_space<vmem_shared>> -> memref<16x128xf32, #tpu.memory_space<vmem_shared>>
        %dma_start3A_33 = arith.constant 0 : i32
        %dma_start3A_34 = tpu.memref_slice %arg13[%add3A, %dma_start3A_33] : memref<10240x128xf32, #tpu.memory_space<vmem_shared>> -> memref<16x128xf32, #tpu.memory_space<vmem_shared>>
        tpu.enqueue_dma source(%arg12 : memref<16x128xf32, #tpu.memory_space<vmem>>) target(%dma_start3A_34 : memref<16x128xf32, #tpu.memory_space<vmem_shared>>) target_semaphore(%run_scoped3A : memref<!tpu.dma_semaphore, #tpu.memory_space<semaphore_mem>>)
        %dma_wait3A = arith.constant 0 : i32
        %dma_wait3A_35 = tpu.memref_slice %arg13[%add3A, %dma_wait3A] : memref<10240x128xf32, #tpu.memory_space<vmem_shared>> -> memref<16x128xf32, #tpu.memory_space<vmem_shared>>
        %dma_wait3A_36 = arith.constant 0 : i32
        %dma_wait3A_37 = tpu.memref_slice %arg13[%add3A, %dma_wait3A_36] : memref<10240x128xf32, #tpu.memory_space<vmem_shared>> -> memref<16x128xf32, #tpu.memory_space<vmem_shared>>
        tpu.wait_dma2 semaphore(%run_scoped3A : memref<!tpu.dma_semaphore, #tpu.memory_space<semaphore_mem>>) src(%arg12 : memref<16x128xf32, #tpu.memory_space<vmem>>) dst(%dma_wait3A_37 : memref<16x128xf32, #tpu.memory_space<vmem_shared>>)
        tpu.yield
      }) : () -> ()
      %scan3A_31 = arith.constant 0 : i32
      scf.yield %scan3A_31 : i32
    }
    %scan3A_13 = arith.constant 40 : i32
    %barrier3A = arith.constant 0 : index
    tpu.barrier barrier_id(%barrier3A)
    %eq3A = arith.constant 0 : i32
    %eq3A_14 = arith.cmpi eq, %arg0, %eq3A : i32
    %convert_element_type3A = arith.extui %eq3A_14 : i1 to i32
    %cond3A = arith.constant 0 : i32
    %cond3A_15 = arith.cmpi ne, %convert_element_type3A, %cond3A : i32
    scf.if %cond3A_15 {
      "tpu.region"() ({
        %run_scoped3A = tpu.sem_alloc : memref<!tpu.dma_semaphore, #tpu.memory_space<semaphore_mem>>
        %dma_start3A_108 = arith.constant 0 : i32
        %dma_start3A_109 = arith.constant 0 : i32
        %dma_start3A_110 = tpu.memref_slice %arg3[%arg1, %dma_start3A_108, %dma_start3A_109] : memref<16x128x128xi32, #tpu.memory_space<hbm>> -> memref<1x32x128xi32, #tpu.memory_space<hbm>>
        %dma_start3A_111 = tpu.memref_squeeze %dma_start3A_110 : memref<1x32x128xi32, #tpu.memory_space<hbm>> -> memref<32x128xi32, #tpu.memory_space<hbm>>
        %dma_start3A_112 = arith.constant 0 : i32
        %dma_start3A_113 = arith.constant 0 : i32
        %dma_start3A_114 = tpu.memref_slice %arg3[%arg1, %dma_start3A_112, %dma_start3A_113] : memref<16x128x128xi32, #tpu.memory_space<hbm>> -> memref<1x32x128xi32, #tpu.memory_space<hbm>>
        %dma_start3A_115 = tpu.memref_squeeze %dma_start3A_114 : memref<1x32x128xi32, #tpu.memory_space<hbm>> -> memref<32x128xi32, #tpu.memory_space<hbm>>
        tpu.enqueue_dma source(%dma_start3A_115 : memref<32x128xi32, #tpu.memory_space<hbm>>) target(%arg8 : memref<32x128xi32, #tpu.memory_space<vmem>>) target_semaphore(%run_scoped3A : memref<!tpu.dma_semaphore, #tpu.memory_space<semaphore_mem>>)
        %dma_wait3A = arith.constant 0 : i32
        %dma_wait3A_116 = arith.constant 0 : i32
        %dma_wait3A_117 = tpu.memref_slice %arg3[%arg1, %dma_wait3A, %dma_wait3A_116] : memref<16x128x128xi32, #tpu.memory_space<hbm>> -> memref<1x32x128xi32, #tpu.memory_space<hbm>>
        %dma_wait3A_118 = tpu.memref_squeeze %dma_wait3A_117 : memref<1x32x128xi32, #tpu.memory_space<hbm>> -> memref<32x128xi32, #tpu.memory_space<hbm>>
        %dma_wait3A_119 = arith.constant 0 : i32
        %dma_wait3A_120 = arith.constant 0 : i32
        %dma_wait3A_121 = tpu.memref_slice %arg3[%arg1, %dma_wait3A_119, %dma_wait3A_120] : memref<16x128x128xi32, #tpu.memory_space<hbm>> -> memref<1x32x128xi32, #tpu.memory_space<hbm>>
        %dma_wait3A_122 = tpu.memref_squeeze %dma_wait3A_121 : memref<1x32x128xi32, #tpu.memory_space<hbm>> -> memref<32x128xi32, #tpu.memory_space<hbm>>
        tpu.wait_dma2 semaphore(%run_scoped3A : memref<!tpu.dma_semaphore, #tpu.memory_space<semaphore_mem>>) src(%dma_wait3A_122 : memref<32x128xi32, #tpu.memory_space<hbm>>) dst(%arg8 : memref<32x128xi32, #tpu.memory_space<vmem>>)
        tpu.yield
      }) : () -> ()
      "tpu.region"() ({
        %run_scoped3A = tpu.sem_alloc : memref<!tpu.dma_semaphore, #tpu.memory_space<semaphore_mem>>
        %dma_start3A_108 = arith.constant 0 : i32
        %dma_start3A_109 = arith.constant 0 : i32
        %dma_start3A_110 = tpu.memref_slice %arg4[%arg1, %dma_start3A_108, %dma_start3A_109] : memref<16x128x128xi32, #tpu.memory_space<hbm>> -> memref<1x32x128xi32, #tpu.memory_space<hbm>>
        %dma_start3A_111 = tpu.memref_squeeze %dma_start3A_110 : memref<1x32x128xi32, #tpu.memory_space<hbm>> -> memref<32x128xi32, #tpu.memory_space<hbm>>
        %dma_start3A_112 = arith.constant 0 : i32
        %dma_start3A_113 = arith.constant 0 : i32
        %dma_start3A_114 = tpu.memref_slice %arg4[%arg1, %dma_start3A_112, %dma_start3A_113] : memref<16x128x128xi32, #tpu.memory_space<hbm>> -> memref<1x32x128xi32, #tpu.memory_space<hbm>>
        %dma_start3A_115 = tpu.memref_squeeze %dma_start3A_114 : memref<1x32x128xi32, #tpu.memory_space<hbm>> -> memref<32x128xi32, #tpu.memory_space<hbm>>
        tpu.enqueue_dma source(%dma_start3A_115 : memref<32x128xi32, #tpu.memory_space<hbm>>) target(%arg9 : memref<32x128xi32, #tpu.memory_space<vmem>>) target_semaphore(%run_scoped3A : memref<!tpu.dma_semaphore, #tpu.memory_space<semaphore_mem>>)
        %dma_wait3A = arith.constant 0 : i32
        %dma_wait3A_116 = arith.constant 0 : i32
        %dma_wait3A_117 = tpu.memref_slice %arg4[%arg1, %dma_wait3A, %dma_wait3A_116] : memref<16x128x128xi32, #tpu.memory_space<hbm>> -> memref<1x32x128xi32, #tpu.memory_space<hbm>>
        %dma_wait3A_118 = tpu.memref_squeeze %dma_wait3A_117 : memref<1x32x128xi32, #tpu.memory_space<hbm>> -> memref<32x128xi32, #tpu.memory_space<hbm>>
        %dma_wait3A_119 = arith.constant 0 : i32
        %dma_wait3A_120 = arith.constant 0 : i32
        %dma_wait3A_121 = tpu.memref_slice %arg4[%arg1, %dma_wait3A_119, %dma_wait3A_120] : memref<16x128x128xi32, #tpu.memory_space<hbm>> -> memref<1x32x128xi32, #tpu.memory_space<hbm>>
        %dma_wait3A_122 = tpu.memref_squeeze %dma_wait3A_121 : memref<1x32x128xi32, #tpu.memory_space<hbm>> -> memref<32x128xi32, #tpu.memory_space<hbm>>
        tpu.wait_dma2 semaphore(%run_scoped3A : memref<!tpu.dma_semaphore, #tpu.memory_space<semaphore_mem>>) src(%dma_wait3A_122 : memref<32x128xi32, #tpu.memory_space<hbm>>) dst(%arg9 : memref<32x128xi32, #tpu.memory_space<vmem>>)
        tpu.yield
      }) : () -> ()
      %dma_start3A = arith.constant 0 : i32
      %dma_start3A_25 = arith.constant 0 : i32
      %dma_start3A_26 = tpu.memref_slice %arg8[%dma_start3A, %dma_start3A_25] : memref<32x128xi32, #tpu.memory_space<vmem>> -> memref<1x128xi32, #tpu.memory_space<vmem>>
      %dma_start3A_27 = tpu.memref_squeeze %dma_start3A_26 : memref<1x128xi32, #tpu.memory_space<vmem>> -> memref<128xi32, #tpu.memory_space<vmem>>
      %dma_start3A_28 = arith.constant 0 : i32
      %dma_start3A_29 = arith.constant 0 : i32
      %dma_start3A_30 = tpu.memref_slice %arg2[%dma_start3A_28, %dma_start3A_29] : memref<10240x128xf32, #tpu.memory_space<hbm>> -> memref<10240x128xf32, #tpu.memory_space<hbm>>
      tpu.enqueue_indirect_dma source(%dma_start3A_30 : memref<10240x128xf32, #tpu.memory_space<hbm>>) target(%arg10 : memref<128x128xf32, #tpu.memory_space<vmem>>) offsets(%dma_start3A_27 : memref<128xi32, #tpu.memory_space<vmem>>) semaphore(%arg14 : memref<!tpu.dma_semaphore, #tpu.memory_space<semaphore_mem>>)
      %dma_start3A_31 = arith.constant 1 : i32
      %dma_start3A_32 = arith.constant 0 : i32
      %dma_start3A_33 = tpu.memref_slice %arg8[%dma_start3A_31, %dma_start3A_32] : memref<32x128xi32, #tpu.memory_space<vmem>> -> memref<1x128xi32, #tpu.memory_space<vmem>>
      %dma_start3A_34 = tpu.memref_squeeze %dma_start3A_33 : memref<1x128xi32, #tpu.memory_space<vmem>> -> memref<128xi32, #tpu.memory_space<vmem>>
      %dma_start3A_35 = arith.constant 0 : i32
      %dma_start3A_36 = arith.constant 0 : i32
      %dma_start3A_37 = tpu.memref_slice %arg2[%dma_start3A_35, %dma_start3A_36] : memref<10240x128xf32, #tpu.memory_space<hbm>> -> memref<10240x128xf32, #tpu.memory_space<hbm>>
      tpu.enqueue_indirect_dma source(%dma_start3A_37 : memref<10240x128xf32, #tpu.memory_space<hbm>>) target(%arg11 : memref<128x128xf32, #tpu.memory_space<vmem>>) offsets(%dma_start3A_34 : memref<128xi32, #tpu.memory_space<vmem>>) semaphore(%arg15 : memref<!tpu.dma_semaphore, #tpu.memory_space<semaphore_mem>>)
      %scan3A_38 = arith.constant 0 : i32
      %scan3A_39 = arith.constant 0 : i32
      %scan3A_40 = arith.constant 16 : i32
      %scan3A_41 = arith.addi %scan3A_39, %scan3A_40 : i32
      %scan3A_42 = arith.constant 1 : i32
      %scan3A_43 = scf.for %scan3A_108 = %scan3A_39 to %scan3A_41 step %scan3A_42 iter_args(%scan3A_109 = %scan3A_38) -> (i32)  : i32 {
        %mul3A_110 = arith.constant 2 : i32
        %mul3A_111 = arith.muli %scan3A_108, %mul3A_110 : i32
        %add3A = arith.constant 0 : i32
        %add3A_112 = arith.addi %mul3A_111, %add3A : i32
        %dma_wait3A = arith.constant 0 : i32
        %dma_wait3A_113 = tpu.memref_slice %arg8[%add3A_112, %dma_wait3A] : memref<32x128xi32, #tpu.memory_space<vmem>> -> memref<1x128xi32, #tpu.memory_space<vmem>>
        %dma_wait3A_114 = tpu.memref_squeeze %dma_wait3A_113 : memref<1x128xi32, #tpu.memory_space<vmem>> -> memref<128xi32, #tpu.memory_space<vmem>>
        %dma_wait3A_115 = arith.constant 0 : i32
        %dma_wait3A_116 = arith.constant 0 : i32
        %dma_wait3A_117 = tpu.memref_slice %arg2[%dma_wait3A_115, %dma_wait3A_116] : memref<10240x128xf32, #tpu.memory_space<hbm>> -> memref<10240x128xf32, #tpu.memory_space<hbm>>
        tpu.wait_indirect_dma semaphore(%arg14 : memref<!tpu.dma_semaphore, #tpu.memory_space<semaphore_mem>>) src(%dma_wait3A_117 : memref<10240x128xf32, #tpu.memory_space<hbm>>) dst(%arg10 : memref<128x128xf32, #tpu.memory_space<vmem>>)
        "tpu.region"() ({
          %run_scoped3A = tpu.sem_alloc : memref<!tpu.dma_semaphore, #tpu.memory_space<semaphore_mem>>
          %dma_start3A_142 = arith.constant 0 : i32
          %dma_start3A_143 = tpu.memref_slice %arg9[%add3A_112, %dma_start3A_142] : memref<32x128xi32, #tpu.memory_space<vmem>> -> memref<1x128xi32, #tpu.memory_space<vmem>>
          %dma_start3A_144 = tpu.memref_squeeze %dma_start3A_143 : memref<1x128xi32, #tpu.memory_space<vmem>> -> memref<128xi32, #tpu.memory_space<vmem>>
          %dma_start3A_145 = arith.constant 0 : i32
          %dma_start3A_146 = arith.constant 0 : i32
          %dma_start3A_147 = tpu.memref_slice %arg13[%dma_start3A_145, %dma_start3A_146] : memref<10240x128xf32, #tpu.memory_space<vmem_shared>> -> memref<10240x128xf32, #tpu.memory_space<vmem_shared>>
          tpu.enqueue_indirect_dma source(%arg10 : memref<128x128xf32, #tpu.memory_space<vmem>>) target(%dma_start3A_147 : memref<10240x128xf32, #tpu.memory_space<vmem_shared>>) offsets(%dma_start3A_144 : memref<128xi32, #tpu.memory_space<vmem>>) semaphore(%run_scoped3A : memref<!tpu.dma_semaphore, #tpu.memory_space<semaphore_mem>>) {add = true}
          %dma_wait3A_148 = arith.constant 0 : i32
          %dma_wait3A_149 = tpu.memref_slice %arg9[%add3A_112, %dma_wait3A_148] : memref<32x128xi32, #tpu.memory_space<vmem>> -> memref<1x128xi32, #tpu.memory_space<vmem>>
          %dma_wait3A_150 = tpu.memref_squeeze %dma_wait3A_149 : memref<1x128xi32, #tpu.memory_space<vmem>> -> memref<128xi32, #tpu.memory_space<vmem>>
          %dma_wait3A_151 = arith.constant 0 : i32
          %dma_wait3A_152 = arith.constant 0 : i32
          %dma_wait3A_153 = tpu.memref_slice %arg13[%dma_wait3A_151, %dma_wait3A_152] : memref<10240x128xf32, #tpu.memory_space<vmem_shared>> -> memref<10240x128xf32, #tpu.memory_space<vmem_shared>>
          tpu.wait_indirect_dma semaphore(%run_scoped3A : memref<!tpu.dma_semaphore, #tpu.memory_space<semaphore_mem>>) src(%arg10 : memref<128x128xf32, #tpu.memory_space<vmem>>) dst(%dma_wait3A_153 : memref<10240x128xf32, #tpu.memory_space<vmem_shared>>)
          tpu.yield
        }) : () -> ()
        %add3A_118 = arith.constant 2 : i32
        %add3A_119 = arith.addi %add3A_112, %add3A_118 : i32
        %lt3A = arith.constant 32 : i32
        %lt3A_120 = arith.cmpi slt, %add3A_119, %lt3A : i32
        %convert_element_type3A_121 = arith.extui %lt3A_120 : i1 to i32
        %cond3A_122 = arith.constant 0 : i32
        %cond3A_123 = arith.cmpi ne, %convert_element_type3A_121, %cond3A_122 : i32
        scf.if %cond3A_123 {
          %dma_start3A_142 = arith.constant 0 : i32
          %dma_start3A_143 = tpu.memref_slice %arg8[%add3A_119, %dma_start3A_142] : memref<32x128xi32, #tpu.memory_space<vmem>> -> memref<1x128xi32, #tpu.memory_space<vmem>>
          %dma_start3A_144 = tpu.memref_squeeze %dma_start3A_143 : memref<1x128xi32, #tpu.memory_space<vmem>> -> memref<128xi32, #tpu.memory_space<vmem>>
          %dma_start3A_145 = arith.constant 0 : i32
          %dma_start3A_146 = arith.constant 0 : i32
          %dma_start3A_147 = tpu.memref_slice %arg2[%dma_start3A_145, %dma_start3A_146] : memref<10240x128xf32, #tpu.memory_space<hbm>> -> memref<10240x128xf32, #tpu.memory_space<hbm>>
          tpu.enqueue_indirect_dma source(%dma_start3A_147 : memref<10240x128xf32, #tpu.memory_space<hbm>>) target(%arg10 : memref<128x128xf32, #tpu.memory_space<vmem>>) offsets(%dma_start3A_144 : memref<128xi32, #tpu.memory_space<vmem>>) semaphore(%arg14 : memref<!tpu.dma_semaphore, #tpu.memory_space<semaphore_mem>>)
        } else {
        }
        %mul3A_124 = arith.constant 2 : i32
        %mul3A_125 = arith.muli %scan3A_108, %mul3A_124 : i32
        %add3A_126 = arith.constant 1 : i32
        %add3A_127 = arith.addi %mul3A_125, %add3A_126 : i32
        %dma_wait3A_128 = arith.constant 0 : i32
        %dma_wait3A_129 = tpu.memref_slice %arg8[%add3A_127, %dma_wait3A_128] : memref<32x128xi32, #tpu.memory_space<vmem>> -> memref<1x128xi32, #tpu.memory_space<vmem>>
        %dma_wait3A_130 = tpu.memref_squeeze %dma_wait3A_129 : memref<1x128xi32, #tpu.memory_space<vmem>> -> memref<128xi32, #tpu.memory_space<vmem>>
        %dma_wait3A_131 = arith.constant 0 : i32
        %dma_wait3A_132 = arith.constant 0 : i32
        %dma_wait3A_133 = tpu.memref_slice %arg2[%dma_wait3A_131, %dma_wait3A_132] : memref<10240x128xf32, #tpu.memory_space<hbm>> -> memref<10240x128xf32, #tpu.memory_space<hbm>>
        tpu.wait_indirect_dma semaphore(%arg15 : memref<!tpu.dma_semaphore, #tpu.memory_space<semaphore_mem>>) src(%dma_wait3A_133 : memref<10240x128xf32, #tpu.memory_space<hbm>>) dst(%arg11 : memref<128x128xf32, #tpu.memory_space<vmem>>)
        "tpu.region"() ({
          %run_scoped3A = tpu.sem_alloc : memref<!tpu.dma_semaphore, #tpu.memory_space<semaphore_mem>>
          %dma_start3A_142 = arith.constant 0 : i32
          %dma_start3A_143 = tpu.memref_slice %arg9[%add3A_127, %dma_start3A_142] : memref<32x128xi32, #tpu.memory_space<vmem>> -> memref<1x128xi32, #tpu.memory_space<vmem>>
          %dma_start3A_144 = tpu.memref_squeeze %dma_start3A_143 : memref<1x128xi32, #tpu.memory_space<vmem>> -> memref<128xi32, #tpu.memory_space<vmem>>
          %dma_start3A_145 = arith.constant 0 : i32
          %dma_start3A_146 = arith.constant 0 : i32
          %dma_start3A_147 = tpu.memref_slice %arg13[%dma_start3A_145, %dma_start3A_146] : memref<10240x128xf32, #tpu.memory_space<vmem_shared>> -> memref<10240x128xf32, #tpu.memory_space<vmem_shared>>
          tpu.enqueue_indirect_dma source(%arg11 : memref<128x128xf32, #tpu.memory_space<vmem>>) target(%dma_start3A_147 : memref<10240x128xf32, #tpu.memory_space<vmem_shared>>) offsets(%dma_start3A_144 : memref<128xi32, #tpu.memory_space<vmem>>) semaphore(%run_scoped3A : memref<!tpu.dma_semaphore, #tpu.memory_space<semaphore_mem>>) {add = true}
          %dma_wait3A_148 = arith.constant 0 : i32
          %dma_wait3A_149 = tpu.memref_slice %arg9[%add3A_127, %dma_wait3A_148] : memref<32x128xi32, #tpu.memory_space<vmem>> -> memref<1x128xi32, #tpu.memory_space<vmem>>
          %dma_wait3A_150 = tpu.memref_squeeze %dma_wait3A_149 : memref<1x128xi32, #tpu.memory_space<vmem>> -> memref<128xi32, #tpu.memory_space<vmem>>
          %dma_wait3A_151 = arith.constant 0 : i32
          %dma_wait3A_152 = arith.constant 0 : i32
          %dma_wait3A_153 = tpu.memref_slice %arg13[%dma_wait3A_151, %dma_wait3A_152] : memref<10240x128xf32, #tpu.memory_space<vmem_shared>> -> memref<10240x128xf32, #tpu.memory_space<vmem_shared>>
          tpu.wait_indirect_dma semaphore(%run_scoped3A : memref<!tpu.dma_semaphore, #tpu.memory_space<semaphore_mem>>) src(%arg11 : memref<128x128xf32, #tpu.memory_space<vmem>>) dst(%dma_wait3A_153 : memref<10240x128xf32, #tpu.memory_space<vmem_shared>>)
          tpu.yield
        }) : () -> ()
        %add3A_134 = arith.constant 2 : i32
        %add3A_135 = arith.addi %add3A_127, %add3A_134 : i32
        %lt3A_136 = arith.constant 32 : i32
        %lt3A_137 = arith.cmpi slt, %add3A_135, %lt3A_136 : i32
        %convert_element_type3A_138 = arith.extui %lt3A_137 : i1 to i32
        %cond3A_139 = arith.constant 0 : i32
        %cond3A_140 = arith.cmpi ne, %convert_element_type3A_138, %cond3A_139 : i32
        scf.if %cond3A_140 {
          %dma_start3A_142 = arith.constant 0 : i32
          %dma_start3A_143 = tpu.memref_slice %arg8[%add3A_135, %dma_start3A_142] : memref<32x128xi32, #tpu.memory_space<vmem>> -> memref<1x128xi32, #tpu.memory_space<vmem>>
          %dma_start3A_144 = tpu.memref_squeeze %dma_start3A_143 : memref<1x128xi32, #tpu.memory_space<vmem>> -> memref<128xi32, #tpu.memory_space<vmem>>
          %dma_start3A_145 = arith.constant 0 : i32
          %dma_start3A_146 = arith.constant 0 : i32
          %dma_start3A_147 = tpu.memref_slice %arg2[%dma_start3A_145, %dma_start3A_146] : memref<10240x128xf32, #tpu.memory_space<hbm>> -> memref<10240x128xf32, #tpu.memory_space<hbm>>
          tpu.enqueue_indirect_dma source(%dma_start3A_147 : memref<10240x128xf32, #tpu.memory_space<hbm>>) target(%arg11 : memref<128x128xf32, #tpu.memory_space<vmem>>) offsets(%dma_start3A_144 : memref<128xi32, #tpu.memory_space<vmem>>) semaphore(%arg15 : memref<!tpu.dma_semaphore, #tpu.memory_space<semaphore_mem>>)
        } else {
        }
        %scan3A_141 = arith.constant 0 : i32
        scf.yield %scan3A_141 : i32
      }
      %scan3A_44 = arith.constant 16 : i32
      "tpu.region"() ({
        %run_scoped3A = tpu.sem_alloc : memref<!tpu.dma_semaphore, #tpu.memory_space<semaphore_mem>>
        %dma_start3A_108 = arith.constant 32 : i32
        %dma_start3A_109 = arith.constant 0 : i32
        %dma_start3A_110 = tpu.memref_slice %arg3[%arg1, %dma_start3A_108, %dma_start3A_109] : memref<16x128x128xi32, #tpu.memory_space<hbm>> -> memref<1x32x128xi32, #tpu.memory_space<hbm>>
        %dma_start3A_111 = tpu.memref_squeeze %dma_start3A_110 : memref<1x32x128xi32, #tpu.memory_space<hbm>> -> memref<32x128xi32, #tpu.memory_space<hbm>>
        %dma_start3A_112 = arith.constant 32 : i32
        %dma_start3A_113 = arith.constant 0 : i32
        %dma_start3A_114 = tpu.memref_slice %arg3[%arg1, %dma_start3A_112, %dma_start3A_113] : memref<16x128x128xi32, #tpu.memory_space<hbm>> -> memref<1x32x128xi32, #tpu.memory_space<hbm>>
        %dma_start3A_115 = tpu.memref_squeeze %dma_start3A_114 : memref<1x32x128xi32, #tpu.memory_space<hbm>> -> memref<32x128xi32, #tpu.memory_space<hbm>>
        tpu.enqueue_dma source(%dma_start3A_115 : memref<32x128xi32, #tpu.memory_space<hbm>>) target(%arg8 : memref<32x128xi32, #tpu.memory_space<vmem>>) target_semaphore(%run_scoped3A : memref<!tpu.dma_semaphore, #tpu.memory_space<semaphore_mem>>)
        %dma_wait3A = arith.constant 32 : i32
        %dma_wait3A_116 = arith.constant 0 : i32
        %dma_wait3A_117 = tpu.memref_slice %arg3[%arg1, %dma_wait3A, %dma_wait3A_116] : memref<16x128x128xi32, #tpu.memory_space<hbm>> -> memref<1x32x128xi32, #tpu.memory_space<hbm>>
        %dma_wait3A_118 = tpu.memref_squeeze %dma_wait3A_117 : memref<1x32x128xi32, #tpu.memory_space<hbm>> -> memref<32x128xi32, #tpu.memory_space<hbm>>
        %dma_wait3A_119 = arith.constant 32 : i32
        %dma_wait3A_120 = arith.constant 0 : i32
        %dma_wait3A_121 = tpu.memref_slice %arg3[%arg1, %dma_wait3A_119, %dma_wait3A_120] : memref<16x128x128xi32, #tpu.memory_space<hbm>> -> memref<1x32x128xi32, #tpu.memory_space<hbm>>
        %dma_wait3A_122 = tpu.memref_squeeze %dma_wait3A_121 : memref<1x32x128xi32, #tpu.memory_space<hbm>> -> memref<32x128xi32, #tpu.memory_space<hbm>>
        tpu.wait_dma2 semaphore(%run_scoped3A : memref<!tpu.dma_semaphore, #tpu.memory_space<semaphore_mem>>) src(%dma_wait3A_122 : memref<32x128xi32, #tpu.memory_space<hbm>>) dst(%arg8 : memref<32x128xi32, #tpu.memory_space<vmem>>)
        tpu.yield
      }) : () -> ()
      "tpu.region"() ({
        %run_scoped3A = tpu.sem_alloc : memref<!tpu.dma_semaphore, #tpu.memory_space<semaphore_mem>>
        %dma_start3A_108 = arith.constant 32 : i32
        %dma_start3A_109 = arith.constant 0 : i32
        %dma_start3A_110 = tpu.memref_slice %arg4[%arg1, %dma_start3A_108, %dma_start3A_109] : memref<16x128x128xi32, #tpu.memory_space<hbm>> -> memref<1x32x128xi32, #tpu.memory_space<hbm>>
        %dma_start3A_111 = tpu.memref_squeeze %dma_start3A_110 : memref<1x32x128xi32, #tpu.memory_space<hbm>> -> memref<32x128xi32, #tpu.memory_space<hbm>>
        %dma_start3A_112 = arith.constant 32 : i32
        %dma_start3A_113 = arith.constant 0 : i32
        %dma_start3A_114 = tpu.memref_slice %arg4[%arg1, %dma_start3A_112, %dma_start3A_113] : memref<16x128x128xi32, #tpu.memory_space<hbm>> -> memref<1x32x128xi32, #tpu.memory_space<hbm>>
        %dma_start3A_115 = tpu.memref_squeeze %dma_start3A_114 : memref<1x32x128xi32, #tpu.memory_space<hbm>> -> memref<32x128xi32, #tpu.memory_space<hbm>>
        tpu.enqueue_dma source(%dma_start3A_115 : memref<32x128xi32, #tpu.memory_space<hbm>>) target(%arg9 : memref<32x128xi32, #tpu.memory_space<vmem>>) target_semaphore(%run_scoped3A : memref<!tpu.dma_semaphore, #tpu.memory_space<semaphore_mem>>)
        %dma_wait3A = arith.constant 32 : i32
        %dma_wait3A_116 = arith.constant 0 : i32
        %dma_wait3A_117 = tpu.memref_slice %arg4[%arg1, %dma_wait3A, %dma_wait3A_116] : memref<16x128x128xi32, #tpu.memory_space<hbm>> -> memref<1x32x128xi32, #tpu.memory_space<hbm>>
        %dma_wait3A_118 = tpu.memref_squeeze %dma_wait3A_117 : memref<1x32x128xi32, #tpu.memory_space<hbm>> -> memref<32x128xi32, #tpu.memory_space<hbm>>
        %dma_wait3A_119 = arith.constant 32 : i32
        %dma_wait3A_120 = arith.constant 0 : i32
        %dma_wait3A_121 = tpu.memref_slice %arg4[%arg1, %dma_wait3A_119, %dma_wait3A_120] : memref<16x128x128xi32, #tpu.memory_space<hbm>> -> memref<1x32x128xi32, #tpu.memory_space<hbm>>
        %dma_wait3A_122 = tpu.memref_squeeze %dma_wait3A_121 : memref<1x32x128xi32, #tpu.memory_space<hbm>> -> memref<32x128xi32, #tpu.memory_space<hbm>>
        tpu.wait_dma2 semaphore(%run_scoped3A : memref<!tpu.dma_semaphore, #tpu.memory_space<semaphore_mem>>) src(%dma_wait3A_122 : memref<32x128xi32, #tpu.memory_space<hbm>>) dst(%arg9 : memref<32x128xi32, #tpu.memory_space<vmem>>)
        tpu.yield
      }) : () -> ()
      %dma_start3A_45 = arith.constant 0 : i32
      %dma_start3A_46 = arith.constant 0 : i32
      %dma_start3A_47 = tpu.memref_slice %arg8[%dma_start3A_45, %dma_start3A_46] : memref<32x128xi32, #tpu.memory_space<vmem>> -> memref<1x128xi32, #tpu.memory_space<vmem>>
      %dma_start3A_48 = tpu.memref_squeeze %dma_start3A_47 : memref<1x128xi32, #tpu.memory_space<vmem>> -> memref<128xi32, #tpu.memory_space<vmem>>
      %dma_start3A_49 = arith.constant 0 : i32
      %dma_start3A_50 = arith.constant 0 : i32
      %dma_start3A_51 = tpu.memref_slice %arg2[%dma_start3A_49, %dma_start3A_50] : memref<10240x128xf32, #tpu.memory_space<hbm>> -> memref<10240x128xf32, #tpu.memory_space<hbm>>
      tpu.enqueue_indirect_dma source(%dma_start3A_51 : memref<10240x128xf32, #tpu.memory_space<hbm>>) target(%arg10 : memref<128x128xf32, #tpu.memory_space<vmem>>) offsets(%dma_start3A_48 : memref<128xi32, #tpu.memory_space<vmem>>) semaphore(%arg14 : memref<!tpu.dma_semaphore, #tpu.memory_space<semaphore_mem>>)
      %dma_start3A_52 = arith.constant 1 : i32
      %dma_start3A_53 = arith.constant 0 : i32
      %dma_start3A_54 = tpu.memref_slice %arg8[%dma_start3A_52, %dma_start3A_53] : memref<32x128xi32, #tpu.memory_space<vmem>> -> memref<1x128xi32, #tpu.memory_space<vmem>>
      %dma_start3A_55 = tpu.memref_squeeze %dma_start3A_54 : memref<1x128xi32, #tpu.memory_space<vmem>> -> memref<128xi32, #tpu.memory_space<vmem>>
      %dma_start3A_56 = arith.constant 0 : i32
      %dma_start3A_57 = arith.constant 0 : i32
      %dma_start3A_58 = tpu.memref_slice %arg2[%dma_start3A_56, %dma_start3A_57] : memref<10240x128xf32, #tpu.memory_space<hbm>> -> memref<10240x128xf32, #tpu.memory_space<hbm>>
      tpu.enqueue_indirect_dma source(%dma_start3A_58 : memref<10240x128xf32, #tpu.memory_space<hbm>>) target(%arg11 : memref<128x128xf32, #tpu.memory_space<vmem>>) offsets(%dma_start3A_55 : memref<128xi32, #tpu.memory_space<vmem>>) semaphore(%arg15 : memref<!tpu.dma_semaphore, #tpu.memory_space<semaphore_mem>>)
      %scan3A_59 = arith.constant 0 : i32
      %scan3A_60 = arith.constant 0 : i32
      %scan3A_61 = arith.constant 16 : i32
      %scan3A_62 = arith.addi %scan3A_60, %scan3A_61 : i32
      %scan3A_63 = arith.constant 1 : i32
      %scan3A_64 = scf.for %scan3A_108 = %scan3A_60 to %scan3A_62 step %scan3A_63 iter_args(%scan3A_109 = %scan3A_59) -> (i32)  : i32 {
        %mul3A_110 = arith.constant 2 : i32
        %mul3A_111 = arith.muli %scan3A_108, %mul3A_110 : i32
        %add3A = arith.constant 0 : i32
        %add3A_112 = arith.addi %mul3A_111, %add3A : i32
        %dma_wait3A = arith.constant 0 : i32
        %dma_wait3A_113 = tpu.memref_slice %arg8[%add3A_112, %dma_wait3A] : memref<32x128xi32, #tpu.memory_space<vmem>> -> memref<1x128xi32, #tpu.memory_space<vmem>>
        %dma_wait3A_114 = tpu.memref_squeeze %dma_wait3A_113 : memref<1x128xi32, #tpu.memory_space<vmem>> -> memref<128xi32, #tpu.memory_space<vmem>>
        %dma_wait3A_115 = arith.constant 0 : i32
        %dma_wait3A_116 = arith.constant 0 : i32
        %dma_wait3A_117 = tpu.memref_slice %arg2[%dma_wait3A_115, %dma_wait3A_116] : memref<10240x128xf32, #tpu.memory_space<hbm>> -> memref<10240x128xf32, #tpu.memory_space<hbm>>
        tpu.wait_indirect_dma semaphore(%arg14 : memref<!tpu.dma_semaphore, #tpu.memory_space<semaphore_mem>>) src(%dma_wait3A_117 : memref<10240x128xf32, #tpu.memory_space<hbm>>) dst(%arg10 : memref<128x128xf32, #tpu.memory_space<vmem>>)
        "tpu.region"() ({
          %run_scoped3A = tpu.sem_alloc : memref<!tpu.dma_semaphore, #tpu.memory_space<semaphore_mem>>
          %dma_start3A_142 = arith.constant 0 : i32
          %dma_start3A_143 = tpu.memref_slice %arg9[%add3A_112, %dma_start3A_142] : memref<32x128xi32, #tpu.memory_space<vmem>> -> memref<1x128xi32, #tpu.memory_space<vmem>>
          %dma_start3A_144 = tpu.memref_squeeze %dma_start3A_143 : memref<1x128xi32, #tpu.memory_space<vmem>> -> memref<128xi32, #tpu.memory_space<vmem>>
          %dma_start3A_145 = arith.constant 0 : i32
          %dma_start3A_146 = arith.constant 0 : i32
          %dma_start3A_147 = tpu.memref_slice %arg13[%dma_start3A_145, %dma_start3A_146] : memref<10240x128xf32, #tpu.memory_space<vmem_shared>> -> memref<10240x128xf32, #tpu.memory_space<vmem_shared>>
          tpu.enqueue_indirect_dma source(%arg10 : memref<128x128xf32, #tpu.memory_space<vmem>>) target(%dma_start3A_147 : memref<10240x128xf32, #tpu.memory_space<vmem_shared>>) offsets(%dma_start3A_144 : memref<128xi32, #tpu.memory_space<vmem>>) semaphore(%run_scoped3A : memref<!tpu.dma_semaphore, #tpu.memory_space<semaphore_mem>>) {add = true}
          %dma_wait3A_148 = arith.constant 0 : i32
          %dma_wait3A_149 = tpu.memref_slice %arg9[%add3A_112, %dma_wait3A_148] : memref<32x128xi32, #tpu.memory_space<vmem>> -> memref<1x128xi32, #tpu.memory_space<vmem>>
          %dma_wait3A_150 = tpu.memref_squeeze %dma_wait3A_149 : memref<1x128xi32, #tpu.memory_space<vmem>> -> memref<128xi32, #tpu.memory_space<vmem>>
          %dma_wait3A_151 = arith.constant 0 : i32
          %dma_wait3A_152 = arith.constant 0 : i32
          %dma_wait3A_153 = tpu.memref_slice %arg13[%dma_wait3A_151, %dma_wait3A_152] : memref<10240x128xf32, #tpu.memory_space<vmem_shared>> -> memref<10240x128xf32, #tpu.memory_space<vmem_shared>>
          tpu.wait_indirect_dma semaphore(%run_scoped3A : memref<!tpu.dma_semaphore, #tpu.memory_space<semaphore_mem>>) src(%arg10 : memref<128x128xf32, #tpu.memory_space<vmem>>) dst(%dma_wait3A_153 : memref<10240x128xf32, #tpu.memory_space<vmem_shared>>)
          tpu.yield
        }) : () -> ()
        %add3A_118 = arith.constant 2 : i32
        %add3A_119 = arith.addi %add3A_112, %add3A_118 : i32
        %lt3A = arith.constant 32 : i32
        %lt3A_120 = arith.cmpi slt, %add3A_119, %lt3A : i32
        %convert_element_type3A_121 = arith.extui %lt3A_120 : i1 to i32
        %cond3A_122 = arith.constant 0 : i32
        %cond3A_123 = arith.cmpi ne, %convert_element_type3A_121, %cond3A_122 : i32
        scf.if %cond3A_123 {
          %dma_start3A_142 = arith.constant 0 : i32
          %dma_start3A_143 = tpu.memref_slice %arg8[%add3A_119, %dma_start3A_142] : memref<32x128xi32, #tpu.memory_space<vmem>> -> memref<1x128xi32, #tpu.memory_space<vmem>>
          %dma_start3A_144 = tpu.memref_squeeze %dma_start3A_143 : memref<1x128xi32, #tpu.memory_space<vmem>> -> memref<128xi32, #tpu.memory_space<vmem>>
          %dma_start3A_145 = arith.constant 0 : i32
          %dma_start3A_146 = arith.constant 0 : i32
          %dma_start3A_147 = tpu.memref_slice %arg2[%dma_start3A_145, %dma_start3A_146] : memref<10240x128xf32, #tpu.memory_space<hbm>> -> memref<10240x128xf32, #tpu.memory_space<hbm>>
          tpu.enqueue_indirect_dma source(%dma_start3A_147 : memref<10240x128xf32, #tpu.memory_space<hbm>>) target(%arg10 : memref<128x128xf32, #tpu.memory_space<vmem>>) offsets(%dma_start3A_144 : memref<128xi32, #tpu.memory_space<vmem>>) semaphore(%arg14 : memref<!tpu.dma_semaphore, #tpu.memory_space<semaphore_mem>>)
        } else {
        }
        %mul3A_124 = arith.constant 2 : i32
        %mul3A_125 = arith.muli %scan3A_108, %mul3A_124 : i32
        %add3A_126 = arith.constant 1 : i32
        %add3A_127 = arith.addi %mul3A_125, %add3A_126 : i32
        %dma_wait3A_128 = arith.constant 0 : i32
        %dma_wait3A_129 = tpu.memref_slice %arg8[%add3A_127, %dma_wait3A_128] : memref<32x128xi32, #tpu.memory_space<vmem>> -> memref<1x128xi32, #tpu.memory_space<vmem>>
        %dma_wait3A_130 = tpu.memref_squeeze %dma_wait3A_129 : memref<1x128xi32, #tpu.memory_space<vmem>> -> memref<128xi32, #tpu.memory_space<vmem>>
        %dma_wait3A_131 = arith.constant 0 : i32
        %dma_wait3A_132 = arith.constant 0 : i32
        %dma_wait3A_133 = tpu.memref_slice %arg2[%dma_wait3A_131, %dma_wait3A_132] : memref<10240x128xf32, #tpu.memory_space<hbm>> -> memref<10240x128xf32, #tpu.memory_space<hbm>>
        tpu.wait_indirect_dma semaphore(%arg15 : memref<!tpu.dma_semaphore, #tpu.memory_space<semaphore_mem>>) src(%dma_wait3A_133 : memref<10240x128xf32, #tpu.memory_space<hbm>>) dst(%arg11 : memref<128x128xf32, #tpu.memory_space<vmem>>)
        "tpu.region"() ({
          %run_scoped3A = tpu.sem_alloc : memref<!tpu.dma_semaphore, #tpu.memory_space<semaphore_mem>>
          %dma_start3A_142 = arith.constant 0 : i32
          %dma_start3A_143 = tpu.memref_slice %arg9[%add3A_127, %dma_start3A_142] : memref<32x128xi32, #tpu.memory_space<vmem>> -> memref<1x128xi32, #tpu.memory_space<vmem>>
          %dma_start3A_144 = tpu.memref_squeeze %dma_start3A_143 : memref<1x128xi32, #tpu.memory_space<vmem>> -> memref<128xi32, #tpu.memory_space<vmem>>
          %dma_start3A_145 = arith.constant 0 : i32
          %dma_start3A_146 = arith.constant 0 : i32
          %dma_start3A_147 = tpu.memref_slice %arg13[%dma_start3A_145, %dma_start3A_146] : memref<10240x128xf32, #tpu.memory_space<vmem_shared>> -> memref<10240x128xf32, #tpu.memory_space<vmem_shared>>
          tpu.enqueue_indirect_dma source(%arg11 : memref<128x128xf32, #tpu.memory_space<vmem>>) target(%dma_start3A_147 : memref<10240x128xf32, #tpu.memory_space<vmem_shared>>) offsets(%dma_start3A_144 : memref<128xi32, #tpu.memory_space<vmem>>) semaphore(%run_scoped3A : memref<!tpu.dma_semaphore, #tpu.memory_space<semaphore_mem>>) {add = true}
          %dma_wait3A_148 = arith.constant 0 : i32
          %dma_wait3A_149 = tpu.memref_slice %arg9[%add3A_127, %dma_wait3A_148] : memref<32x128xi32, #tpu.memory_space<vmem>> -> memref<1x128xi32, #tpu.memory_space<vmem>>
          %dma_wait3A_150 = tpu.memref_squeeze %dma_wait3A_149 : memref<1x128xi32, #tpu.memory_space<vmem>> -> memref<128xi32, #tpu.memory_space<vmem>>
          %dma_wait3A_151 = arith.constant 0 : i32
          %dma_wait3A_152 = arith.constant 0 : i32
          %dma_wait3A_153 = tpu.memref_slice %arg13[%dma_wait3A_151, %dma_wait3A_152] : memref<10240x128xf32, #tpu.memory_space<vmem_shared>> -> memref<10240x128xf32, #tpu.memory_space<vmem_shared>>
          tpu.wait_indirect_dma semaphore(%run_scoped3A : memref<!tpu.dma_semaphore, #tpu.memory_space<semaphore_mem>>) src(%arg11 : memref<128x128xf32, #tpu.memory_space<vmem>>) dst(%dma_wait3A_153 : memref<10240x128xf32, #tpu.memory_space<vmem_shared>>)
          tpu.yield
        }) : () -> ()
        %add3A_134 = arith.constant 2 : i32
        %add3A_135 = arith.addi %add3A_127, %add3A_134 : i32
        %lt3A_136 = arith.constant 32 : i32
        %lt3A_137 = arith.cmpi slt, %add3A_135, %lt3A_136 : i32
        %convert_element_type3A_138 = arith.extui %lt3A_137 : i1 to i32
        %cond3A_139 = arith.constant 0 : i32
        %cond3A_140 = arith.cmpi ne, %convert_element_type3A_138, %cond3A_139 : i32
        scf.if %cond3A_140 {
          %dma_start3A_142 = arith.constant 0 : i32
          %dma_start3A_143 = tpu.memref_slice %arg8[%add3A_135, %dma_start3A_142] : memref<32x128xi32, #tpu.memory_space<vmem>> -> memref<1x128xi32, #tpu.memory_space<vmem>>
          %dma_start3A_144 = tpu.memref_squeeze %dma_start3A_143 : memref<1x128xi32, #tpu.memory_space<vmem>> -> memref<128xi32, #tpu.memory_space<vmem>>
          %dma_start3A_145 = arith.constant 0 : i32
          %dma_start3A_146 = arith.constant 0 : i32
          %dma_start3A_147 = tpu.memref_slice %arg2[%dma_start3A_145, %dma_start3A_146] : memref<10240x128xf32, #tpu.memory_space<hbm>> -> memref<10240x128xf32, #tpu.memory_space<hbm>>
          tpu.enqueue_indirect_dma source(%dma_start3A_147 : memref<10240x128xf32, #tpu.memory_space<hbm>>) target(%arg11 : memref<128x128xf32, #tpu.memory_space<vmem>>) offsets(%dma_start3A_144 : memref<128xi32, #tpu.memory_space<vmem>>) semaphore(%arg15 : memref<!tpu.dma_semaphore, #tpu.memory_space<semaphore_mem>>)
        } else {
        }
        %scan3A_141 = arith.constant 0 : i32
        scf.yield %scan3A_141 : i32
      }
      %scan3A_65 = arith.constant 16 : i32
      "tpu.region"() ({
        %run_scoped3A = tpu.sem_alloc : memref<!tpu.dma_semaphore, #tpu.memory_space<semaphore_mem>>
        %dma_start3A_108 = arith.constant 64 : i32
        %dma_start3A_109 = arith.constant 0 : i32
        %dma_start3A_110 = tpu.memref_slice %arg3[%arg1, %dma_start3A_108, %dma_start3A_109] : memref<16x128x128xi32, #tpu.memory_space<hbm>> -> memref<1x32x128xi32, #tpu.memory_space<hbm>>
        %dma_start3A_111 = tpu.memref_squeeze %dma_start3A_110 : memref<1x32x128xi32, #tpu.memory_space<hbm>> -> memref<32x128xi32, #tpu.memory_space<hbm>>
        %dma_start3A_112 = arith.constant 64 : i32
        %dma_start3A_113 = arith.constant 0 : i32
        %dma_start3A_114 = tpu.memref_slice %arg3[%arg1, %dma_start3A_112, %dma_start3A_113] : memref<16x128x128xi32, #tpu.memory_space<hbm>> -> memref<1x32x128xi32, #tpu.memory_space<hbm>>
        %dma_start3A_115 = tpu.memref_squeeze %dma_start3A_114 : memref<1x32x128xi32, #tpu.memory_space<hbm>> -> memref<32x128xi32, #tpu.memory_space<hbm>>
        tpu.enqueue_dma source(%dma_start3A_115 : memref<32x128xi32, #tpu.memory_space<hbm>>) target(%arg8 : memref<32x128xi32, #tpu.memory_space<vmem>>) target_semaphore(%run_scoped3A : memref<!tpu.dma_semaphore, #tpu.memory_space<semaphore_mem>>)
        %dma_wait3A = arith.constant 64 : i32
        %dma_wait3A_116 = arith.constant 0 : i32
        %dma_wait3A_117 = tpu.memref_slice %arg3[%arg1, %dma_wait3A, %dma_wait3A_116] : memref<16x128x128xi32, #tpu.memory_space<hbm>> -> memref<1x32x128xi32, #tpu.memory_space<hbm>>
        %dma_wait3A_118 = tpu.memref_squeeze %dma_wait3A_117 : memref<1x32x128xi32, #tpu.memory_space<hbm>> -> memref<32x128xi32, #tpu.memory_space<hbm>>
        %dma_wait3A_119 = arith.constant 64 : i32
        %dma_wait3A_120 = arith.constant 0 : i32
        %dma_wait3A_121 = tpu.memref_slice %arg3[%arg1, %dma_wait3A_119, %dma_wait3A_120] : memref<16x128x128xi32, #tpu.memory_space<hbm>> -> memref<1x32x128xi32, #tpu.memory_space<hbm>>
        %dma_wait3A_122 = tpu.memref_squeeze %dma_wait3A_121 : memref<1x32x128xi32, #tpu.memory_space<hbm>> -> memref<32x128xi32, #tpu.memory_space<hbm>>
        tpu.wait_dma2 semaphore(%run_scoped3A : memref<!tpu.dma_semaphore, #tpu.memory_space<semaphore_mem>>) src(%dma_wait3A_122 : memref<32x128xi32, #tpu.memory_space<hbm>>) dst(%arg8 : memref<32x128xi32, #tpu.memory_space<vmem>>)
        tpu.yield
      }) : () -> ()
      "tpu.region"() ({
        %run_scoped3A = tpu.sem_alloc : memref<!tpu.dma_semaphore, #tpu.memory_space<semaphore_mem>>
        %dma_start3A_108 = arith.constant 64 : i32
        %dma_start3A_109 = arith.constant 0 : i32
        %dma_start3A_110 = tpu.memref_slice %arg4[%arg1, %dma_start3A_108, %dma_start3A_109] : memref<16x128x128xi32, #tpu.memory_space<hbm>> -> memref<1x32x128xi32, #tpu.memory_space<hbm>>
        %dma_start3A_111 = tpu.memref_squeeze %dma_start3A_110 : memref<1x32x128xi32, #tpu.memory_space<hbm>> -> memref<32x128xi32, #tpu.memory_space<hbm>>
        %dma_start3A_112 = arith.constant 64 : i32
        %dma_start3A_113 = arith.constant 0 : i32
        %dma_start3A_114 = tpu.memref_slice %arg4[%arg1, %dma_start3A_112, %dma_start3A_113] : memref<16x128x128xi32, #tpu.memory_space<hbm>> -> memref<1x32x128xi32, #tpu.memory_space<hbm>>
        %dma_start3A_115 = tpu.memref_squeeze %dma_start3A_114 : memref<1x32x128xi32, #tpu.memory_space<hbm>> -> memref<32x128xi32, #tpu.memory_space<hbm>>
        tpu.enqueue_dma source(%dma_start3A_115 : memref<32x128xi32, #tpu.memory_space<hbm>>) target(%arg9 : memref<32x128xi32, #tpu.memory_space<vmem>>) target_semaphore(%run_scoped3A : memref<!tpu.dma_semaphore, #tpu.memory_space<semaphore_mem>>)
        %dma_wait3A = arith.constant 64 : i32
        %dma_wait3A_116 = arith.constant 0 : i32
        %dma_wait3A_117 = tpu.memref_slice %arg4[%arg1, %dma_wait3A, %dma_wait3A_116] : memref<16x128x128xi32, #tpu.memory_space<hbm>> -> memref<1x32x128xi32, #tpu.memory_space<hbm>>
        %dma_wait3A_118 = tpu.memref_squeeze %dma_wait3A_117 : memref<1x32x128xi32, #tpu.memory_space<hbm>> -> memref<32x128xi32, #tpu.memory_space<hbm>>
        %dma_wait3A_119 = arith.constant 64 : i32
        %dma_wait3A_120 = arith.constant 0 : i32
        %dma_wait3A_121 = tpu.memref_slice %arg4[%arg1, %dma_wait3A_119, %dma_wait3A_120] : memref<16x128x128xi32, #tpu.memory_space<hbm>> -> memref<1x32x128xi32, #tpu.memory_space<hbm>>
        %dma_wait3A_122 = tpu.memref_squeeze %dma_wait3A_121 : memref<1x32x128xi32, #tpu.memory_space<hbm>> -> memref<32x128xi32, #tpu.memory_space<hbm>>
        tpu.wait_dma2 semaphore(%run_scoped3A : memref<!tpu.dma_semaphore, #tpu.memory_space<semaphore_mem>>) src(%dma_wait3A_122 : memref<32x128xi32, #tpu.memory_space<hbm>>) dst(%arg9 : memref<32x128xi32, #tpu.memory_space<vmem>>)
        tpu.yield
      }) : () -> ()
      %dma_start3A_66 = arith.constant 0 : i32
      %dma_start3A_67 = arith.constant 0 : i32
      %dma_start3A_68 = tpu.memref_slice %arg8[%dma_start3A_66, %dma_start3A_67] : memref<32x128xi32, #tpu.memory_space<vmem>> -> memref<1x128xi32, #tpu.memory_space<vmem>>
      %dma_start3A_69 = tpu.memref_squeeze %dma_start3A_68 : memref<1x128xi32, #tpu.memory_space<vmem>> -> memref<128xi32, #tpu.memory_space<vmem>>
      %dma_start3A_70 = arith.constant 0 : i32
      %dma_start3A_71 = arith.constant 0 : i32
      %dma_start3A_72 = tpu.memref_slice %arg2[%dma_start3A_70, %dma_start3A_71] : memref<10240x128xf32, #tpu.memory_space<hbm>> -> memref<10240x128xf32, #tpu.memory_space<hbm>>
      tpu.enqueue_indirect_dma source(%dma_start3A_72 : memref<10240x128xf32, #tpu.memory_space<hbm>>) target(%arg10 : memref<128x128xf32, #tpu.memory_space<vmem>>) offsets(%dma_start3A_69 : memref<128xi32, #tpu.memory_space<vmem>>) semaphore(%arg14 : memref<!tpu.dma_semaphore, #tpu.memory_space<semaphore_mem>>)
      %dma_start3A_73 = arith.constant 1 : i32
      %dma_start3A_74 = arith.constant 0 : i32
      %dma_start3A_75 = tpu.memref_slice %arg8[%dma_start3A_73, %dma_start3A_74] : memref<32x128xi32, #tpu.memory_space<vmem>> -> memref<1x128xi32, #tpu.memory_space<vmem>>
      %dma_start3A_76 = tpu.memref_squeeze %dma_start3A_75 : memref<1x128xi32, #tpu.memory_space<vmem>> -> memref<128xi32, #tpu.memory_space<vmem>>
      %dma_start3A_77 = arith.constant 0 : i32
      %dma_start3A_78 = arith.constant 0 : i32
      %dma_start3A_79 = tpu.memref_slice %arg2[%dma_start3A_77, %dma_start3A_78] : memref<10240x128xf32, #tpu.memory_space<hbm>> -> memref<10240x128xf32, #tpu.memory_space<hbm>>
      tpu.enqueue_indirect_dma source(%dma_start3A_79 : memref<10240x128xf32, #tpu.memory_space<hbm>>) target(%arg11 : memref<128x128xf32, #tpu.memory_space<vmem>>) offsets(%dma_start3A_76 : memref<128xi32, #tpu.memory_space<vmem>>) semaphore(%arg15 : memref<!tpu.dma_semaphore, #tpu.memory_space<semaphore_mem>>)
      %scan3A_80 = arith.constant 0 : i32
      %scan3A_81 = arith.constant 0 : i32
      %scan3A_82 = arith.constant 16 : i32
      %scan3A_83 = arith.addi %scan3A_81, %scan3A_82 : i32
      %scan3A_84 = arith.constant 1 : i32
      %scan3A_85 = scf.for %scan3A_108 = %scan3A_81 to %scan3A_83 step %scan3A_84 iter_args(%scan3A_109 = %scan3A_80) -> (i32)  : i32 {
        %mul3A_110 = arith.constant 2 : i32
        %mul3A_111 = arith.muli %scan3A_108, %mul3A_110 : i32
        %add3A = arith.constant 0 : i32
        %add3A_112 = arith.addi %mul3A_111, %add3A : i32
        %dma_wait3A = arith.constant 0 : i32
        %dma_wait3A_113 = tpu.memref_slice %arg8[%add3A_112, %dma_wait3A] : memref<32x128xi32, #tpu.memory_space<vmem>> -> memref<1x128xi32, #tpu.memory_space<vmem>>
        %dma_wait3A_114 = tpu.memref_squeeze %dma_wait3A_113 : memref<1x128xi32, #tpu.memory_space<vmem>> -> memref<128xi32, #tpu.memory_space<vmem>>
        %dma_wait3A_115 = arith.constant 0 : i32
        %dma_wait3A_116 = arith.constant 0 : i32
        %dma_wait3A_117 = tpu.memref_slice %arg2[%dma_wait3A_115, %dma_wait3A_116] : memref<10240x128xf32, #tpu.memory_space<hbm>> -> memref<10240x128xf32, #tpu.memory_space<hbm>>
        tpu.wait_indirect_dma semaphore(%arg14 : memref<!tpu.dma_semaphore, #tpu.memory_space<semaphore_mem>>) src(%dma_wait3A_117 : memref<10240x128xf32, #tpu.memory_space<hbm>>) dst(%arg10 : memref<128x128xf32, #tpu.memory_space<vmem>>)
        "tpu.region"() ({
          %run_scoped3A = tpu.sem_alloc : memref<!tpu.dma_semaphore, #tpu.memory_space<semaphore_mem>>
          %dma_start3A_142 = arith.constant 0 : i32
          %dma_start3A_143 = tpu.memref_slice %arg9[%add3A_112, %dma_start3A_142] : memref<32x128xi32, #tpu.memory_space<vmem>> -> memref<1x128xi32, #tpu.memory_space<vmem>>
          %dma_start3A_144 = tpu.memref_squeeze %dma_start3A_143 : memref<1x128xi32, #tpu.memory_space<vmem>> -> memref<128xi32, #tpu.memory_space<vmem>>
          %dma_start3A_145 = arith.constant 0 : i32
          %dma_start3A_146 = arith.constant 0 : i32
          %dma_start3A_147 = tpu.memref_slice %arg13[%dma_start3A_145, %dma_start3A_146] : memref<10240x128xf32, #tpu.memory_space<vmem_shared>> -> memref<10240x128xf32, #tpu.memory_space<vmem_shared>>
          tpu.enqueue_indirect_dma source(%arg10 : memref<128x128xf32, #tpu.memory_space<vmem>>) target(%dma_start3A_147 : memref<10240x128xf32, #tpu.memory_space<vmem_shared>>) offsets(%dma_start3A_144 : memref<128xi32, #tpu.memory_space<vmem>>) semaphore(%run_scoped3A : memref<!tpu.dma_semaphore, #tpu.memory_space<semaphore_mem>>) {add = true}
          %dma_wait3A_148 = arith.constant 0 : i32
          %dma_wait3A_149 = tpu.memref_slice %arg9[%add3A_112, %dma_wait3A_148] : memref<32x128xi32, #tpu.memory_space<vmem>> -> memref<1x128xi32, #tpu.memory_space<vmem>>
          %dma_wait3A_150 = tpu.memref_squeeze %dma_wait3A_149 : memref<1x128xi32, #tpu.memory_space<vmem>> -> memref<128xi32, #tpu.memory_space<vmem>>
          %dma_wait3A_151 = arith.constant 0 : i32
          %dma_wait3A_152 = arith.constant 0 : i32
          %dma_wait3A_153 = tpu.memref_slice %arg13[%dma_wait3A_151, %dma_wait3A_152] : memref<10240x128xf32, #tpu.memory_space<vmem_shared>> -> memref<10240x128xf32, #tpu.memory_space<vmem_shared>>
          tpu.wait_indirect_dma semaphore(%run_scoped3A : memref<!tpu.dma_semaphore, #tpu.memory_space<semaphore_mem>>) src(%arg10 : memref<128x128xf32, #tpu.memory_space<vmem>>) dst(%dma_wait3A_153 : memref<10240x128xf32, #tpu.memory_space<vmem_shared>>)
          tpu.yield
        }) : () -> ()
        %add3A_118 = arith.constant 2 : i32
        %add3A_119 = arith.addi %add3A_112, %add3A_118 : i32
        %lt3A = arith.constant 32 : i32
        %lt3A_120 = arith.cmpi slt, %add3A_119, %lt3A : i32
        %convert_element_type3A_121 = arith.extui %lt3A_120 : i1 to i32
        %cond3A_122 = arith.constant 0 : i32
        %cond3A_123 = arith.cmpi ne, %convert_element_type3A_121, %cond3A_122 : i32
        scf.if %cond3A_123 {
          %dma_start3A_142 = arith.constant 0 : i32
          %dma_start3A_143 = tpu.memref_slice %arg8[%add3A_119, %dma_start3A_142] : memref<32x128xi32, #tpu.memory_space<vmem>> -> memref<1x128xi32, #tpu.memory_space<vmem>>
          %dma_start3A_144 = tpu.memref_squeeze %dma_start3A_143 : memref<1x128xi32, #tpu.memory_space<vmem>> -> memref<128xi32, #tpu.memory_space<vmem>>
          %dma_start3A_145 = arith.constant 0 : i32
          %dma_start3A_146 = arith.constant 0 : i32
          %dma_start3A_147 = tpu.memref_slice %arg2[%dma_start3A_145, %dma_start3A_146] : memref<10240x128xf32, #tpu.memory_space<hbm>> -> memref<10240x128xf32, #tpu.memory_space<hbm>>
          tpu.enqueue_indirect_dma source(%dma_start3A_147 : memref<10240x128xf32, #tpu.memory_space<hbm>>) target(%arg10 : memref<128x128xf32, #tpu.memory_space<vmem>>) offsets(%dma_start3A_144 : memref<128xi32, #tpu.memory_space<vmem>>) semaphore(%arg14 : memref<!tpu.dma_semaphore, #tpu.memory_space<semaphore_mem>>)
        } else {
        }
        %mul3A_124 = arith.constant 2 : i32
        %mul3A_125 = arith.muli %scan3A_108, %mul3A_124 : i32
        %add3A_126 = arith.constant 1 : i32
        %add3A_127 = arith.addi %mul3A_125, %add3A_126 : i32
        %dma_wait3A_128 = arith.constant 0 : i32
        %dma_wait3A_129 = tpu.memref_slice %arg8[%add3A_127, %dma_wait3A_128] : memref<32x128xi32, #tpu.memory_space<vmem>> -> memref<1x128xi32, #tpu.memory_space<vmem>>
        %dma_wait3A_130 = tpu.memref_squeeze %dma_wait3A_129 : memref<1x128xi32, #tpu.memory_space<vmem>> -> memref<128xi32, #tpu.memory_space<vmem>>
        %dma_wait3A_131 = arith.constant 0 : i32
        %dma_wait3A_132 = arith.constant 0 : i32
        %dma_wait3A_133 = tpu.memref_slice %arg2[%dma_wait3A_131, %dma_wait3A_132] : memref<10240x128xf32, #tpu.memory_space<hbm>> -> memref<10240x128xf32, #tpu.memory_space<hbm>>
        tpu.wait_indirect_dma semaphore(%arg15 : memref<!tpu.dma_semaphore, #tpu.memory_space<semaphore_mem>>) src(%dma_wait3A_133 : memref<10240x128xf32, #tpu.memory_space<hbm>>) dst(%arg11 : memref<128x128xf32, #tpu.memory_space<vmem>>)
        "tpu.region"() ({
          %run_scoped3A = tpu.sem_alloc : memref<!tpu.dma_semaphore, #tpu.memory_space<semaphore_mem>>
          %dma_start3A_142 = arith.constant 0 : i32
          %dma_start3A_143 = tpu.memref_slice %arg9[%add3A_127, %dma_start3A_142] : memref<32x128xi32, #tpu.memory_space<vmem>> -> memref<1x128xi32, #tpu.memory_space<vmem>>
          %dma_start3A_144 = tpu.memref_squeeze %dma_start3A_143 : memref<1x128xi32, #tpu.memory_space<vmem>> -> memref<128xi32, #tpu.memory_space<vmem>>
          %dma_start3A_145 = arith.constant 0 : i32
          %dma_start3A_146 = arith.constant 0 : i32
          %dma_start3A_147 = tpu.memref_slice %arg13[%dma_start3A_145, %dma_start3A_146] : memref<10240x128xf32, #tpu.memory_space<vmem_shared>> -> memref<10240x128xf32, #tpu.memory_space<vmem_shared>>
          tpu.enqueue_indirect_dma source(%arg11 : memref<128x128xf32, #tpu.memory_space<vmem>>) target(%dma_start3A_147 : memref<10240x128xf32, #tpu.memory_space<vmem_shared>>) offsets(%dma_start3A_144 : memref<128xi32, #tpu.memory_space<vmem>>) semaphore(%run_scoped3A : memref<!tpu.dma_semaphore, #tpu.memory_space<semaphore_mem>>) {add = true}
          %dma_wait3A_148 = arith.constant 0 : i32
          %dma_wait3A_149 = tpu.memref_slice %arg9[%add3A_127, %dma_wait3A_148] : memref<32x128xi32, #tpu.memory_space<vmem>> -> memref<1x128xi32, #tpu.memory_space<vmem>>
          %dma_wait3A_150 = tpu.memref_squeeze %dma_wait3A_149 : memref<1x128xi32, #tpu.memory_space<vmem>> -> memref<128xi32, #tpu.memory_space<vmem>>
          %dma_wait3A_151 = arith.constant 0 : i32
          %dma_wait3A_152 = arith.constant 0 : i32
          %dma_wait3A_153 = tpu.memref_slice %arg13[%dma_wait3A_151, %dma_wait3A_152] : memref<10240x128xf32, #tpu.memory_space<vmem_shared>> -> memref<10240x128xf32, #tpu.memory_space<vmem_shared>>
          tpu.wait_indirect_dma semaphore(%run_scoped3A : memref<!tpu.dma_semaphore, #tpu.memory_space<semaphore_mem>>) src(%arg11 : memref<128x128xf32, #tpu.memory_space<vmem>>) dst(%dma_wait3A_153 : memref<10240x128xf32, #tpu.memory_space<vmem_shared>>)
          tpu.yield
        }) : () -> ()
        %add3A_134 = arith.constant 2 : i32
        %add3A_135 = arith.addi %add3A_127, %add3A_134 : i32
        %lt3A_136 = arith.constant 32 : i32
        %lt3A_137 = arith.cmpi slt, %add3A_135, %lt3A_136 : i32
        %convert_element_type3A_138 = arith.extui %lt3A_137 : i1 to i32
        %cond3A_139 = arith.constant 0 : i32
        %cond3A_140 = arith.cmpi ne, %convert_element_type3A_138, %cond3A_139 : i32
        scf.if %cond3A_140 {
          %dma_start3A_142 = arith.constant 0 : i32
          %dma_start3A_143 = tpu.memref_slice %arg8[%add3A_135, %dma_start3A_142] : memref<32x128xi32, #tpu.memory_space<vmem>> -> memref<1x128xi32, #tpu.memory_space<vmem>>
          %dma_start3A_144 = tpu.memref_squeeze %dma_start3A_143 : memref<1x128xi32, #tpu.memory_space<vmem>> -> memref<128xi32, #tpu.memory_space<vmem>>
          %dma_start3A_145 = arith.constant 0 : i32
          %dma_start3A_146 = arith.constant 0 : i32
          %dma_start3A_147 = tpu.memref_slice %arg2[%dma_start3A_145, %dma_start3A_146] : memref<10240x128xf32, #tpu.memory_space<hbm>> -> memref<10240x128xf32, #tpu.memory_space<hbm>>
          tpu.enqueue_indirect_dma source(%dma_start3A_147 : memref<10240x128xf32, #tpu.memory_space<hbm>>) target(%arg11 : memref<128x128xf32, #tpu.memory_space<vmem>>) offsets(%dma_start3A_144 : memref<128xi32, #tpu.memory_space<vmem>>) semaphore(%arg15 : memref<!tpu.dma_semaphore, #tpu.memory_space<semaphore_mem>>)
        } else {
        }
        %scan3A_141 = arith.constant 0 : i32
        scf.yield %scan3A_141 : i32
      }
      %scan3A_86 = arith.constant 16 : i32
      "tpu.region"() ({
        %run_scoped3A = tpu.sem_alloc : memref<!tpu.dma_semaphore, #tpu.memory_space<semaphore_mem>>
        %dma_start3A_108 = arith.constant 96 : i32
        %dma_start3A_109 = arith.constant 0 : i32
        %dma_start3A_110 = tpu.memref_slice %arg3[%arg1, %dma_start3A_108, %dma_start3A_109] : memref<16x128x128xi32, #tpu.memory_space<hbm>> -> memref<1x32x128xi32, #tpu.memory_space<hbm>>
        %dma_start3A_111 = tpu.memref_squeeze %dma_start3A_110 : memref<1x32x128xi32, #tpu.memory_space<hbm>> -> memref<32x128xi32, #tpu.memory_space<hbm>>
        %dma_start3A_112 = arith.constant 96 : i32
        %dma_start3A_113 = arith.constant 0 : i32
        %dma_start3A_114 = tpu.memref_slice %arg3[%arg1, %dma_start3A_112, %dma_start3A_113] : memref<16x128x128xi32, #tpu.memory_space<hbm>> -> memref<1x32x128xi32, #tpu.memory_space<hbm>>
        %dma_start3A_115 = tpu.memref_squeeze %dma_start3A_114 : memref<1x32x128xi32, #tpu.memory_space<hbm>> -> memref<32x128xi32, #tpu.memory_space<hbm>>
        tpu.enqueue_dma source(%dma_start3A_115 : memref<32x128xi32, #tpu.memory_space<hbm>>) target(%arg8 : memref<32x128xi32, #tpu.memory_space<vmem>>) target_semaphore(%run_scoped3A : memref<!tpu.dma_semaphore, #tpu.memory_space<semaphore_mem>>)
        %dma_wait3A = arith.constant 96 : i32
        %dma_wait3A_116 = arith.constant 0 : i32
        %dma_wait3A_117 = tpu.memref_slice %arg3[%arg1, %dma_wait3A, %dma_wait3A_116] : memref<16x128x128xi32, #tpu.memory_space<hbm>> -> memref<1x32x128xi32, #tpu.memory_space<hbm>>
        %dma_wait3A_118 = tpu.memref_squeeze %dma_wait3A_117 : memref<1x32x128xi32, #tpu.memory_space<hbm>> -> memref<32x128xi32, #tpu.memory_space<hbm>>
        %dma_wait3A_119 = arith.constant 96 : i32
        %dma_wait3A_120 = arith.constant 0 : i32
        %dma_wait3A_121 = tpu.memref_slice %arg3[%arg1, %dma_wait3A_119, %dma_wait3A_120] : memref<16x128x128xi32, #tpu.memory_space<hbm>> -> memref<1x32x128xi32, #tpu.memory_space<hbm>>
        %dma_wait3A_122 = tpu.memref_squeeze %dma_wait3A_121 : memref<1x32x128xi32, #tpu.memory_space<hbm>> -> memref<32x128xi32, #tpu.memory_space<hbm>>
        tpu.wait_dma2 semaphore(%run_scoped3A : memref<!tpu.dma_semaphore, #tpu.memory_space<semaphore_mem>>) src(%dma_wait3A_122 : memref<32x128xi32, #tpu.memory_space<hbm>>) dst(%arg8 : memref<32x128xi32, #tpu.memory_space<vmem>>)
        tpu.yield
      }) : () -> ()
      "tpu.region"() ({
        %run_scoped3A = tpu.sem_alloc : memref<!tpu.dma_semaphore, #tpu.memory_space<semaphore_mem>>
        %dma_start3A_108 = arith.constant 96 : i32
        %dma_start3A_109 = arith.constant 0 : i32
        %dma_start3A_110 = tpu.memref_slice %arg4[%arg1, %dma_start3A_108, %dma_start3A_109] : memref<16x128x128xi32, #tpu.memory_space<hbm>> -> memref<1x32x128xi32, #tpu.memory_space<hbm>>
        %dma_start3A_111 = tpu.memref_squeeze %dma_start3A_110 : memref<1x32x128xi32, #tpu.memory_space<hbm>> -> memref<32x128xi32, #tpu.memory_space<hbm>>
        %dma_start3A_112 = arith.constant 96 : i32
        %dma_start3A_113 = arith.constant 0 : i32
        %dma_start3A_114 = tpu.memref_slice %arg4[%arg1, %dma_start3A_112, %dma_start3A_113] : memref<16x128x128xi32, #tpu.memory_space<hbm>> -> memref<1x32x128xi32, #tpu.memory_space<hbm>>
        %dma_start3A_115 = tpu.memref_squeeze %dma_start3A_114 : memref<1x32x128xi32, #tpu.memory_space<hbm>> -> memref<32x128xi32, #tpu.memory_space<hbm>>
        tpu.enqueue_dma source(%dma_start3A_115 : memref<32x128xi32, #tpu.memory_space<hbm>>) target(%arg9 : memref<32x128xi32, #tpu.memory_space<vmem>>) target_semaphore(%run_scoped3A : memref<!tpu.dma_semaphore, #tpu.memory_space<semaphore_mem>>)
        %dma_wait3A = arith.constant 96 : i32
        %dma_wait3A_116 = arith.constant 0 : i32
        %dma_wait3A_117 = tpu.memref_slice %arg4[%arg1, %dma_wait3A, %dma_wait3A_116] : memref<16x128x128xi32, #tpu.memory_space<hbm>> -> memref<1x32x128xi32, #tpu.memory_space<hbm>>
        %dma_wait3A_118 = tpu.memref_squeeze %dma_wait3A_117 : memref<1x32x128xi32, #tpu.memory_space<hbm>> -> memref<32x128xi32, #tpu.memory_space<hbm>>
        %dma_wait3A_119 = arith.constant 96 : i32
        %dma_wait3A_120 = arith.constant 0 : i32
        %dma_wait3A_121 = tpu.memref_slice %arg4[%arg1, %dma_wait3A_119, %dma_wait3A_120] : memref<16x128x128xi32, #tpu.memory_space<hbm>> -> memref<1x32x128xi32, #tpu.memory_space<hbm>>
        %dma_wait3A_122 = tpu.memref_squeeze %dma_wait3A_121 : memref<1x32x128xi32, #tpu.memory_space<hbm>> -> memref<32x128xi32, #tpu.memory_space<hbm>>
        tpu.wait_dma2 semaphore(%run_scoped3A : memref<!tpu.dma_semaphore, #tpu.memory_space<semaphore_mem>>) src(%dma_wait3A_122 : memref<32x128xi32, #tpu.memory_space<hbm>>) dst(%arg9 : memref<32x128xi32, #tpu.memory_space<vmem>>)
        tpu.yield
      }) : () -> ()
      %dma_start3A_87 = arith.constant 0 : i32
      %dma_start3A_88 = arith.constant 0 : i32
      %dma_start3A_89 = tpu.memref_slice %arg8[%dma_start3A_87, %dma_start3A_88] : memref<32x128xi32, #tpu.memory_space<vmem>> -> memref<1x128xi32, #tpu.memory_space<vmem>>
      %dma_start3A_90 = tpu.memref_squeeze %dma_start3A_89 : memref<1x128xi32, #tpu.memory_space<vmem>> -> memref<128xi32, #tpu.memory_space<vmem>>
      %dma_start3A_91 = arith.constant 0 : i32
      %dma_start3A_92 = arith.constant 0 : i32
      %dma_start3A_93 = tpu.memref_slice %arg2[%dma_start3A_91, %dma_start3A_92] : memref<10240x128xf32, #tpu.memory_space<hbm>> -> memref<10240x128xf32, #tpu.memory_space<hbm>>
      tpu.enqueue_indirect_dma source(%dma_start3A_93 : memref<10240x128xf32, #tpu.memory_space<hbm>>) target(%arg10 : memref<128x128xf32, #tpu.memory_space<vmem>>) offsets(%dma_start3A_90 : memref<128xi32, #tpu.memory_space<vmem>>) semaphore(%arg14 : memref<!tpu.dma_semaphore, #tpu.memory_space<semaphore_mem>>)
      %dma_start3A_94 = arith.constant 1 : i32
      %dma_start3A_95 = arith.constant 0 : i32
      %dma_start3A_96 = tpu.memref_slice %arg8[%dma_start3A_94, %dma_start3A_95] : memref<32x128xi32, #tpu.memory_space<vmem>> -> memref<1x128xi32, #tpu.memory_space<vmem>>
      %dma_start3A_97 = tpu.memref_squeeze %dma_start3A_96 : memref<1x128xi32, #tpu.memory_space<vmem>> -> memref<128xi32, #tpu.memory_space<vmem>>
      %dma_start3A_98 = arith.constant 0 : i32
      %dma_start3A_99 = arith.constant 0 : i32
      %dma_start3A_100 = tpu.memref_slice %arg2[%dma_start3A_98, %dma_start3A_99] : memref<10240x128xf32, #tpu.memory_space<hbm>> -> memref<10240x128xf32, #tpu.memory_space<hbm>>
      tpu.enqueue_indirect_dma source(%dma_start3A_100 : memref<10240x128xf32, #tpu.memory_space<hbm>>) target(%arg11 : memref<128x128xf32, #tpu.memory_space<vmem>>) offsets(%dma_start3A_97 : memref<128xi32, #tpu.memory_space<vmem>>) semaphore(%arg15 : memref<!tpu.dma_semaphore, #tpu.memory_space<semaphore_mem>>)
      %scan3A_101 = arith.constant 0 : i32
      %scan3A_102 = arith.constant 0 : i32
      %scan3A_103 = arith.constant 16 : i32
      %scan3A_104 = arith.addi %scan3A_102, %scan3A_103 : i32
      %scan3A_105 = arith.constant 1 : i32
      %scan3A_106 = scf.for %scan3A_108 = %scan3A_102 to %scan3A_104 step %scan3A_105 iter_args(%scan3A_109 = %scan3A_101) -> (i32)  : i32 {
        %mul3A_110 = arith.constant 2 : i32
        %mul3A_111 = arith.muli %scan3A_108, %mul3A_110 : i32
        %add3A = arith.constant 0 : i32
        %add3A_112 = arith.addi %mul3A_111, %add3A : i32
        %dma_wait3A = arith.constant 0 : i32
        %dma_wait3A_113 = tpu.memref_slice %arg8[%add3A_112, %dma_wait3A] : memref<32x128xi32, #tpu.memory_space<vmem>> -> memref<1x128xi32, #tpu.memory_space<vmem>>
        %dma_wait3A_114 = tpu.memref_squeeze %dma_wait3A_113 : memref<1x128xi32, #tpu.memory_space<vmem>> -> memref<128xi32, #tpu.memory_space<vmem>>
        %dma_wait3A_115 = arith.constant 0 : i32
        %dma_wait3A_116 = arith.constant 0 : i32
        %dma_wait3A_117 = tpu.memref_slice %arg2[%dma_wait3A_115, %dma_wait3A_116] : memref<10240x128xf32, #tpu.memory_space<hbm>> -> memref<10240x128xf32, #tpu.memory_space<hbm>>
        tpu.wait_indirect_dma semaphore(%arg14 : memref<!tpu.dma_semaphore, #tpu.memory_space<semaphore_mem>>) src(%dma_wait3A_117 : memref<10240x128xf32, #tpu.memory_space<hbm>>) dst(%arg10 : memref<128x128xf32, #tpu.memory_space<vmem>>)
        "tpu.region"() ({
          %run_scoped3A = tpu.sem_alloc : memref<!tpu.dma_semaphore, #tpu.memory_space<semaphore_mem>>
          %dma_start3A_142 = arith.constant 0 : i32
          %dma_start3A_143 = tpu.memref_slice %arg9[%add3A_112, %dma_start3A_142] : memref<32x128xi32, #tpu.memory_space<vmem>> -> memref<1x128xi32, #tpu.memory_space<vmem>>
          %dma_start3A_144 = tpu.memref_squeeze %dma_start3A_143 : memref<1x128xi32, #tpu.memory_space<vmem>> -> memref<128xi32, #tpu.memory_space<vmem>>
          %dma_start3A_145 = arith.constant 0 : i32
          %dma_start3A_146 = arith.constant 0 : i32
          %dma_start3A_147 = tpu.memref_slice %arg13[%dma_start3A_145, %dma_start3A_146] : memref<10240x128xf32, #tpu.memory_space<vmem_shared>> -> memref<10240x128xf32, #tpu.memory_space<vmem_shared>>
          tpu.enqueue_indirect_dma source(%arg10 : memref<128x128xf32, #tpu.memory_space<vmem>>) target(%dma_start3A_147 : memref<10240x128xf32, #tpu.memory_space<vmem_shared>>) offsets(%dma_start3A_144 : memref<128xi32, #tpu.memory_space<vmem>>) semaphore(%run_scoped3A : memref<!tpu.dma_semaphore, #tpu.memory_space<semaphore_mem>>) {add = true}
          %dma_wait3A_148 = arith.constant 0 : i32
          %dma_wait3A_149 = tpu.memref_slice %arg9[%add3A_112, %dma_wait3A_148] : memref<32x128xi32, #tpu.memory_space<vmem>> -> memref<1x128xi32, #tpu.memory_space<vmem>>
          %dma_wait3A_150 = tpu.memref_squeeze %dma_wait3A_149 : memref<1x128xi32, #tpu.memory_space<vmem>> -> memref<128xi32, #tpu.memory_space<vmem>>
          %dma_wait3A_151 = arith.constant 0 : i32
          %dma_wait3A_152 = arith.constant 0 : i32
          %dma_wait3A_153 = tpu.memref_slice %arg13[%dma_wait3A_151, %dma_wait3A_152] : memref<10240x128xf32, #tpu.memory_space<vmem_shared>> -> memref<10240x128xf32, #tpu.memory_space<vmem_shared>>
          tpu.wait_indirect_dma semaphore(%run_scoped3A : memref<!tpu.dma_semaphore, #tpu.memory_space<semaphore_mem>>) src(%arg10 : memref<128x128xf32, #tpu.memory_space<vmem>>) dst(%dma_wait3A_153 : memref<10240x128xf32, #tpu.memory_space<vmem_shared>>)
          tpu.yield
        }) : () -> ()
        %add3A_118 = arith.constant 2 : i32
        %add3A_119 = arith.addi %add3A_112, %add3A_118 : i32
        %lt3A = arith.constant 32 : i32
        %lt3A_120 = arith.cmpi slt, %add3A_119, %lt3A : i32
        %convert_element_type3A_121 = arith.extui %lt3A_120 : i1 to i32
        %cond3A_122 = arith.constant 0 : i32
        %cond3A_123 = arith.cmpi ne, %convert_element_type3A_121, %cond3A_122 : i32
        scf.if %cond3A_123 {
          %dma_start3A_142 = arith.constant 0 : i32
          %dma_start3A_143 = tpu.memref_slice %arg8[%add3A_119, %dma_start3A_142] : memref<32x128xi32, #tpu.memory_space<vmem>> -> memref<1x128xi32, #tpu.memory_space<vmem>>
          %dma_start3A_144 = tpu.memref_squeeze %dma_start3A_143 : memref<1x128xi32, #tpu.memory_space<vmem>> -> memref<128xi32, #tpu.memory_space<vmem>>
          %dma_start3A_145 = arith.constant 0 : i32
          %dma_start3A_146 = arith.constant 0 : i32
          %dma_start3A_147 = tpu.memref_slice %arg2[%dma_start3A_145, %dma_start3A_146] : memref<10240x128xf32, #tpu.memory_space<hbm>> -> memref<10240x128xf32, #tpu.memory_space<hbm>>
          tpu.enqueue_indirect_dma source(%dma_start3A_147 : memref<10240x128xf32, #tpu.memory_space<hbm>>) target(%arg10 : memref<128x128xf32, #tpu.memory_space<vmem>>) offsets(%dma_start3A_144 : memref<128xi32, #tpu.memory_space<vmem>>) semaphore(%arg14 : memref<!tpu.dma_semaphore, #tpu.memory_space<semaphore_mem>>)
        } else {
        }
        %mul3A_124 = arith.constant 2 : i32
        %mul3A_125 = arith.muli %scan3A_108, %mul3A_124 : i32
        %add3A_126 = arith.constant 1 : i32
        %add3A_127 = arith.addi %mul3A_125, %add3A_126 : i32
        %dma_wait3A_128 = arith.constant 0 : i32
        %dma_wait3A_129 = tpu.memref_slice %arg8[%add3A_127, %dma_wait3A_128] : memref<32x128xi32, #tpu.memory_space<vmem>> -> memref<1x128xi32, #tpu.memory_space<vmem>>
        %dma_wait3A_130 = tpu.memref_squeeze %dma_wait3A_129 : memref<1x128xi32, #tpu.memory_space<vmem>> -> memref<128xi32, #tpu.memory_space<vmem>>
        %dma_wait3A_131 = arith.constant 0 : i32
        %dma_wait3A_132 = arith.constant 0 : i32
        %dma_wait3A_133 = tpu.memref_slice %arg2[%dma_wait3A_131, %dma_wait3A_132] : memref<10240x128xf32, #tpu.memory_space<hbm>> -> memref<10240x128xf32, #tpu.memory_space<hbm>>
        tpu.wait_indirect_dma semaphore(%arg15 : memref<!tpu.dma_semaphore, #tpu.memory_space<semaphore_mem>>) src(%dma_wait3A_133 : memref<10240x128xf32, #tpu.memory_space<hbm>>) dst(%arg11 : memref<128x128xf32, #tpu.memory_space<vmem>>)
        "tpu.region"() ({
          %run_scoped3A = tpu.sem_alloc : memref<!tpu.dma_semaphore, #tpu.memory_space<semaphore_mem>>
          %dma_start3A_142 = arith.constant 0 : i32
          %dma_start3A_143 = tpu.memref_slice %arg9[%add3A_127, %dma_start3A_142] : memref<32x128xi32, #tpu.memory_space<vmem>> -> memref<1x128xi32, #tpu.memory_space<vmem>>
          %dma_start3A_144 = tpu.memref_squeeze %dma_start3A_143 : memref<1x128xi32, #tpu.memory_space<vmem>> -> memref<128xi32, #tpu.memory_space<vmem>>
          %dma_start3A_145 = arith.constant 0 : i32
          %dma_start3A_146 = arith.constant 0 : i32
          %dma_start3A_147 = tpu.memref_slice %arg13[%dma_start3A_145, %dma_start3A_146] : memref<10240x128xf32, #tpu.memory_space<vmem_shared>> -> memref<10240x128xf32, #tpu.memory_space<vmem_shared>>
          tpu.enqueue_indirect_dma source(%arg11 : memref<128x128xf32, #tpu.memory_space<vmem>>) target(%dma_start3A_147 : memref<10240x128xf32, #tpu.memory_space<vmem_shared>>) offsets(%dma_start3A_144 : memref<128xi32, #tpu.memory_space<vmem>>) semaphore(%run_scoped3A : memref<!tpu.dma_semaphore, #tpu.memory_space<semaphore_mem>>) {add = true}
          %dma_wait3A_148 = arith.constant 0 : i32
          %dma_wait3A_149 = tpu.memref_slice %arg9[%add3A_127, %dma_wait3A_148] : memref<32x128xi32, #tpu.memory_space<vmem>> -> memref<1x128xi32, #tpu.memory_space<vmem>>
          %dma_wait3A_150 = tpu.memref_squeeze %dma_wait3A_149 : memref<1x128xi32, #tpu.memory_space<vmem>> -> memref<128xi32, #tpu.memory_space<vmem>>
          %dma_wait3A_151 = arith.constant 0 : i32
          %dma_wait3A_152 = arith.constant 0 : i32
          %dma_wait3A_153 = tpu.memref_slice %arg13[%dma_wait3A_151, %dma_wait3A_152] : memref<10240x128xf32, #tpu.memory_space<vmem_shared>> -> memref<10240x128xf32, #tpu.memory_space<vmem_shared>>
          tpu.wait_indirect_dma semaphore(%run_scoped3A : memref<!tpu.dma_semaphore, #tpu.memory_space<semaphore_mem>>) src(%arg11 : memref<128x128xf32, #tpu.memory_space<vmem>>) dst(%dma_wait3A_153 : memref<10240x128xf32, #tpu.memory_space<vmem_shared>>)
          tpu.yield
        }) : () -> ()
        %add3A_134 = arith.constant 2 : i32
        %add3A_135 = arith.addi %add3A_127, %add3A_134 : i32
        %lt3A_136 = arith.constant 32 : i32
        %lt3A_137 = arith.cmpi slt, %add3A_135, %lt3A_136 : i32
        %convert_element_type3A_138 = arith.extui %lt3A_137 : i1 to i32
        %cond3A_139 = arith.constant 0 : i32
        %cond3A_140 = arith.cmpi ne, %convert_element_type3A_138, %cond3A_139 : i32
        scf.if %cond3A_140 {
          %dma_start3A_142 = arith.constant 0 : i32
          %dma_start3A_143 = tpu.memref_slice %arg8[%add3A_135, %dma_start3A_142] : memref<32x128xi32, #tpu.memory_space<vmem>> -> memref<1x128xi32, #tpu.memory_space<vmem>>
          %dma_start3A_144 = tpu.memref_squeeze %dma_start3A_143 : memref<1x128xi32, #tpu.memory_space<vmem>> -> memref<128xi32, #tpu.memory_space<vmem>>
          %dma_start3A_145 = arith.constant 0 : i32
          %dma_start3A_146 = arith.constant 0 : i32
          %dma_start3A_147 = tpu.memref_slice %arg2[%dma_start3A_145, %dma_start3A_146] : memref<10240x128xf32, #tpu.memory_space<hbm>> -> memref<10240x128xf32, #tpu.memory_space<hbm>>
          tpu.enqueue_indirect_dma source(%dma_start3A_147 : memref<10240x128xf32, #tpu.memory_space<hbm>>) target(%arg11 : memref<128x128xf32, #tpu.memory_space<vmem>>) offsets(%dma_start3A_144 : memref<128xi32, #tpu.memory_space<vmem>>) semaphore(%arg15 : memref<!tpu.dma_semaphore, #tpu.memory_space<semaphore_mem>>)
        } else {
        }
        %scan3A_141 = arith.constant 0 : i32
        scf.yield %scan3A_141 : i32
      }
      %scan3A_107 = arith.constant 16 : i32
    } else {
    }
    %eq3A_16 = arith.constant 1 : i32
    %eq3A_17 = arith.cmpi eq, %arg0, %eq3A_16 : i32
    %convert_element_type3A_18 = arith.extui %eq3A_17 : i1 to i32
    %cond3A_19 = arith.constant 0 : i32
    %cond3A_20 = arith.cmpi ne, %convert_element_type3A_18, %cond3A_19 : i32
    scf.if %cond3A_20 {
      "tpu.region"() ({
        %run_scoped3A = tpu.sem_alloc : memref<!tpu.dma_semaphore, #tpu.memory_space<semaphore_mem>>
        %dma_start3A_45 = arith.constant 0 : i32
        %dma_start3A_46 = arith.constant 0 : i32
        %dma_start3A_47 = tpu.memref_slice %arg5[%arg1, %dma_start3A_45, %dma_start3A_46] : memref<16x32x128xi32, #tpu.memory_space<hbm>> -> memref<1x32x128xi32, #tpu.memory_space<hbm>>
        %dma_start3A_48 = tpu.memref_squeeze %dma_start3A_47 : memref<1x32x128xi32, #tpu.memory_space<hbm>> -> memref<32x128xi32, #tpu.memory_space<hbm>>
        %dma_start3A_49 = arith.constant 0 : i32
        %dma_start3A_50 = arith.constant 0 : i32
        %dma_start3A_51 = tpu.memref_slice %arg5[%arg1, %dma_start3A_49, %dma_start3A_50] : memref<16x32x128xi32, #tpu.memory_space<hbm>> -> memref<1x32x128xi32, #tpu.memory_space<hbm>>
        %dma_start3A_52 = tpu.memref_squeeze %dma_start3A_51 : memref<1x32x128xi32, #tpu.memory_space<hbm>> -> memref<32x128xi32, #tpu.memory_space<hbm>>
        tpu.enqueue_dma source(%dma_start3A_52 : memref<32x128xi32, #tpu.memory_space<hbm>>) target(%arg8 : memref<32x128xi32, #tpu.memory_space<vmem>>) target_semaphore(%run_scoped3A : memref<!tpu.dma_semaphore, #tpu.memory_space<semaphore_mem>>)
        %dma_wait3A = arith.constant 0 : i32
        %dma_wait3A_53 = arith.constant 0 : i32
        %dma_wait3A_54 = tpu.memref_slice %arg5[%arg1, %dma_wait3A, %dma_wait3A_53] : memref<16x32x128xi32, #tpu.memory_space<hbm>> -> memref<1x32x128xi32, #tpu.memory_space<hbm>>
        %dma_wait3A_55 = tpu.memref_squeeze %dma_wait3A_54 : memref<1x32x128xi32, #tpu.memory_space<hbm>> -> memref<32x128xi32, #tpu.memory_space<hbm>>
        %dma_wait3A_56 = arith.constant 0 : i32
        %dma_wait3A_57 = arith.constant 0 : i32
        %dma_wait3A_58 = tpu.memref_slice %arg5[%arg1, %dma_wait3A_56, %dma_wait3A_57] : memref<16x32x128xi32, #tpu.memory_space<hbm>> -> memref<1x32x128xi32, #tpu.memory_space<hbm>>
        %dma_wait3A_59 = tpu.memref_squeeze %dma_wait3A_58 : memref<1x32x128xi32, #tpu.memory_space<hbm>> -> memref<32x128xi32, #tpu.memory_space<hbm>>
        tpu.wait_dma2 semaphore(%run_scoped3A : memref<!tpu.dma_semaphore, #tpu.memory_space<semaphore_mem>>) src(%dma_wait3A_59 : memref<32x128xi32, #tpu.memory_space<hbm>>) dst(%arg8 : memref<32x128xi32, #tpu.memory_space<vmem>>)
        tpu.yield
      }) : () -> ()
      "tpu.region"() ({
        %run_scoped3A = tpu.sem_alloc : memref<!tpu.dma_semaphore, #tpu.memory_space<semaphore_mem>>
        %dma_start3A_45 = arith.constant 0 : i32
        %dma_start3A_46 = arith.constant 0 : i32
        %dma_start3A_47 = tpu.memref_slice %arg6[%arg1, %dma_start3A_45, %dma_start3A_46] : memref<16x32x128xi32, #tpu.memory_space<hbm>> -> memref<1x32x128xi32, #tpu.memory_space<hbm>>
        %dma_start3A_48 = tpu.memref_squeeze %dma_start3A_47 : memref<1x32x128xi32, #tpu.memory_space<hbm>> -> memref<32x128xi32, #tpu.memory_space<hbm>>
        %dma_start3A_49 = arith.constant 0 : i32
        %dma_start3A_50 = arith.constant 0 : i32
        %dma_start3A_51 = tpu.memref_slice %arg6[%arg1, %dma_start3A_49, %dma_start3A_50] : memref<16x32x128xi32, #tpu.memory_space<hbm>> -> memref<1x32x128xi32, #tpu.memory_space<hbm>>
        %dma_start3A_52 = tpu.memref_squeeze %dma_start3A_51 : memref<1x32x128xi32, #tpu.memory_space<hbm>> -> memref<32x128xi32, #tpu.memory_space<hbm>>
        tpu.enqueue_dma source(%dma_start3A_52 : memref<32x128xi32, #tpu.memory_space<hbm>>) target(%arg9 : memref<32x128xi32, #tpu.memory_space<vmem>>) target_semaphore(%run_scoped3A : memref<!tpu.dma_semaphore, #tpu.memory_space<semaphore_mem>>)
        %dma_wait3A = arith.constant 0 : i32
        %dma_wait3A_53 = arith.constant 0 : i32
        %dma_wait3A_54 = tpu.memref_slice %arg6[%arg1, %dma_wait3A, %dma_wait3A_53] : memref<16x32x128xi32, #tpu.memory_space<hbm>> -> memref<1x32x128xi32, #tpu.memory_space<hbm>>
        %dma_wait3A_55 = tpu.memref_squeeze %dma_wait3A_54 : memref<1x32x128xi32, #tpu.memory_space<hbm>> -> memref<32x128xi32, #tpu.memory_space<hbm>>
        %dma_wait3A_56 = arith.constant 0 : i32
        %dma_wait3A_57 = arith.constant 0 : i32
        %dma_wait3A_58 = tpu.memref_slice %arg6[%arg1, %dma_wait3A_56, %dma_wait3A_57] : memref<16x32x128xi32, #tpu.memory_space<hbm>> -> memref<1x32x128xi32, #tpu.memory_space<hbm>>
        %dma_wait3A_59 = tpu.memref_squeeze %dma_wait3A_58 : memref<1x32x128xi32, #tpu.memory_space<hbm>> -> memref<32x128xi32, #tpu.memory_space<hbm>>
        tpu.wait_dma2 semaphore(%run_scoped3A : memref<!tpu.dma_semaphore, #tpu.memory_space<semaphore_mem>>) src(%dma_wait3A_59 : memref<32x128xi32, #tpu.memory_space<hbm>>) dst(%arg9 : memref<32x128xi32, #tpu.memory_space<vmem>>)
        tpu.yield
      }) : () -> ()
      %dma_start3A = arith.constant 0 : i32
      %dma_start3A_25 = arith.constant 0 : i32
      %dma_start3A_26 = tpu.memref_slice %arg8[%dma_start3A, %dma_start3A_25] : memref<32x128xi32, #tpu.memory_space<vmem>> -> memref<1x128xi32, #tpu.memory_space<vmem>>
      %dma_start3A_27 = tpu.memref_squeeze %dma_start3A_26 : memref<1x128xi32, #tpu.memory_space<vmem>> -> memref<128xi32, #tpu.memory_space<vmem>>
      %dma_start3A_28 = arith.constant 0 : i32
      %dma_start3A_29 = arith.constant 0 : i32
      %dma_start3A_30 = tpu.memref_slice %arg2[%dma_start3A_28, %dma_start3A_29] : memref<10240x128xf32, #tpu.memory_space<hbm>> -> memref<10240x128xf32, #tpu.memory_space<hbm>>
      tpu.enqueue_indirect_dma source(%dma_start3A_30 : memref<10240x128xf32, #tpu.memory_space<hbm>>) target(%arg10 : memref<128x128xf32, #tpu.memory_space<vmem>>) offsets(%dma_start3A_27 : memref<128xi32, #tpu.memory_space<vmem>>) semaphore(%arg14 : memref<!tpu.dma_semaphore, #tpu.memory_space<semaphore_mem>>)
      %dma_start3A_31 = arith.constant 1 : i32
      %dma_start3A_32 = arith.constant 0 : i32
      %dma_start3A_33 = tpu.memref_slice %arg8[%dma_start3A_31, %dma_start3A_32] : memref<32x128xi32, #tpu.memory_space<vmem>> -> memref<1x128xi32, #tpu.memory_space<vmem>>
      %dma_start3A_34 = tpu.memref_squeeze %dma_start3A_33 : memref<1x128xi32, #tpu.memory_space<vmem>> -> memref<128xi32, #tpu.memory_space<vmem>>
      %dma_start3A_35 = arith.constant 0 : i32
      %dma_start3A_36 = arith.constant 0 : i32
      %dma_start3A_37 = tpu.memref_slice %arg2[%dma_start3A_35, %dma_start3A_36] : memref<10240x128xf32, #tpu.memory_space<hbm>> -> memref<10240x128xf32, #tpu.memory_space<hbm>>
      tpu.enqueue_indirect_dma source(%dma_start3A_37 : memref<10240x128xf32, #tpu.memory_space<hbm>>) target(%arg11 : memref<128x128xf32, #tpu.memory_space<vmem>>) offsets(%dma_start3A_34 : memref<128xi32, #tpu.memory_space<vmem>>) semaphore(%arg15 : memref<!tpu.dma_semaphore, #tpu.memory_space<semaphore_mem>>)
      %scan3A_38 = arith.constant 0 : i32
      %scan3A_39 = arith.constant 0 : i32
      %scan3A_40 = arith.constant 16 : i32
      %scan3A_41 = arith.addi %scan3A_39, %scan3A_40 : i32
      %scan3A_42 = arith.constant 1 : i32
      %scan3A_43 = scf.for %scan3A_45 = %scan3A_39 to %scan3A_41 step %scan3A_42 iter_args(%scan3A_46 = %scan3A_38) -> (i32)  : i32 {
        %mul3A_47 = arith.constant 2 : i32
        %mul3A_48 = arith.muli %scan3A_45, %mul3A_47 : i32
        %add3A = arith.constant 0 : i32
        %add3A_49 = arith.addi %mul3A_48, %add3A : i32
        %dma_wait3A = arith.constant 0 : i32
        %dma_wait3A_50 = tpu.memref_slice %arg8[%add3A_49, %dma_wait3A] : memref<32x128xi32, #tpu.memory_space<vmem>> -> memref<1x128xi32, #tpu.memory_space<vmem>>
        %dma_wait3A_51 = tpu.memref_squeeze %dma_wait3A_50 : memref<1x128xi32, #tpu.memory_space<vmem>> -> memref<128xi32, #tpu.memory_space<vmem>>
        %dma_wait3A_52 = arith.constant 0 : i32
        %dma_wait3A_53 = arith.constant 0 : i32
        %dma_wait3A_54 = tpu.memref_slice %arg2[%dma_wait3A_52, %dma_wait3A_53] : memref<10240x128xf32, #tpu.memory_space<hbm>> -> memref<10240x128xf32, #tpu.memory_space<hbm>>
        tpu.wait_indirect_dma semaphore(%arg14 : memref<!tpu.dma_semaphore, #tpu.memory_space<semaphore_mem>>) src(%dma_wait3A_54 : memref<10240x128xf32, #tpu.memory_space<hbm>>) dst(%arg10 : memref<128x128xf32, #tpu.memory_space<vmem>>)
        "tpu.region"() ({
          %run_scoped3A = tpu.sem_alloc : memref<!tpu.dma_semaphore, #tpu.memory_space<semaphore_mem>>
          %dma_start3A_79 = arith.constant 0 : i32
          %dma_start3A_80 = tpu.memref_slice %arg9[%add3A_49, %dma_start3A_79] : memref<32x128xi32, #tpu.memory_space<vmem>> -> memref<1x128xi32, #tpu.memory_space<vmem>>
          %dma_start3A_81 = tpu.memref_squeeze %dma_start3A_80 : memref<1x128xi32, #tpu.memory_space<vmem>> -> memref<128xi32, #tpu.memory_space<vmem>>
          %dma_start3A_82 = arith.constant 0 : i32
          %dma_start3A_83 = arith.constant 0 : i32
          %dma_start3A_84 = tpu.memref_slice %arg13[%dma_start3A_82, %dma_start3A_83] : memref<10240x128xf32, #tpu.memory_space<vmem_shared>> -> memref<10240x128xf32, #tpu.memory_space<vmem_shared>>
          tpu.enqueue_indirect_dma source(%arg10 : memref<128x128xf32, #tpu.memory_space<vmem>>) target(%dma_start3A_84 : memref<10240x128xf32, #tpu.memory_space<vmem_shared>>) offsets(%dma_start3A_81 : memref<128xi32, #tpu.memory_space<vmem>>) semaphore(%run_scoped3A : memref<!tpu.dma_semaphore, #tpu.memory_space<semaphore_mem>>) {add = true}
          %dma_wait3A_85 = arith.constant 0 : i32
          %dma_wait3A_86 = tpu.memref_slice %arg9[%add3A_49, %dma_wait3A_85] : memref<32x128xi32, #tpu.memory_space<vmem>> -> memref<1x128xi32, #tpu.memory_space<vmem>>
          %dma_wait3A_87 = tpu.memref_squeeze %dma_wait3A_86 : memref<1x128xi32, #tpu.memory_space<vmem>> -> memref<128xi32, #tpu.memory_space<vmem>>
          %dma_wait3A_88 = arith.constant 0 : i32
          %dma_wait3A_89 = arith.constant 0 : i32
          %dma_wait3A_90 = tpu.memref_slice %arg13[%dma_wait3A_88, %dma_wait3A_89] : memref<10240x128xf32, #tpu.memory_space<vmem_shared>> -> memref<10240x128xf32, #tpu.memory_space<vmem_shared>>
          tpu.wait_indirect_dma semaphore(%run_scoped3A : memref<!tpu.dma_semaphore, #tpu.memory_space<semaphore_mem>>) src(%arg10 : memref<128x128xf32, #tpu.memory_space<vmem>>) dst(%dma_wait3A_90 : memref<10240x128xf32, #tpu.memory_space<vmem_shared>>)
          tpu.yield
        }) : () -> ()
        %add3A_55 = arith.constant 2 : i32
        %add3A_56 = arith.addi %add3A_49, %add3A_55 : i32
        %lt3A = arith.constant 32 : i32
        %lt3A_57 = arith.cmpi slt, %add3A_56, %lt3A : i32
        %convert_element_type3A_58 = arith.extui %lt3A_57 : i1 to i32
        %cond3A_59 = arith.constant 0 : i32
        %cond3A_60 = arith.cmpi ne, %convert_element_type3A_58, %cond3A_59 : i32
        scf.if %cond3A_60 {
          %dma_start3A_79 = arith.constant 0 : i32
          %dma_start3A_80 = tpu.memref_slice %arg8[%add3A_56, %dma_start3A_79] : memref<32x128xi32, #tpu.memory_space<vmem>> -> memref<1x128xi32, #tpu.memory_space<vmem>>
          %dma_start3A_81 = tpu.memref_squeeze %dma_start3A_80 : memref<1x128xi32, #tpu.memory_space<vmem>> -> memref<128xi32, #tpu.memory_space<vmem>>
          %dma_start3A_82 = arith.constant 0 : i32
          %dma_start3A_83 = arith.constant 0 : i32
          %dma_start3A_84 = tpu.memref_slice %arg2[%dma_start3A_82, %dma_start3A_83] : memref<10240x128xf32, #tpu.memory_space<hbm>> -> memref<10240x128xf32, #tpu.memory_space<hbm>>
          tpu.enqueue_indirect_dma source(%dma_start3A_84 : memref<10240x128xf32, #tpu.memory_space<hbm>>) target(%arg10 : memref<128x128xf32, #tpu.memory_space<vmem>>) offsets(%dma_start3A_81 : memref<128xi32, #tpu.memory_space<vmem>>) semaphore(%arg14 : memref<!tpu.dma_semaphore, #tpu.memory_space<semaphore_mem>>)
        } else {
        }
        %mul3A_61 = arith.constant 2 : i32
        %mul3A_62 = arith.muli %scan3A_45, %mul3A_61 : i32
        %add3A_63 = arith.constant 1 : i32
        %add3A_64 = arith.addi %mul3A_62, %add3A_63 : i32
        %dma_wait3A_65 = arith.constant 0 : i32
        %dma_wait3A_66 = tpu.memref_slice %arg8[%add3A_64, %dma_wait3A_65] : memref<32x128xi32, #tpu.memory_space<vmem>> -> memref<1x128xi32, #tpu.memory_space<vmem>>
        %dma_wait3A_67 = tpu.memref_squeeze %dma_wait3A_66 : memref<1x128xi32, #tpu.memory_space<vmem>> -> memref<128xi32, #tpu.memory_space<vmem>>
        %dma_wait3A_68 = arith.constant 0 : i32
        %dma_wait3A_69 = arith.constant 0 : i32
        %dma_wait3A_70 = tpu.memref_slice %arg2[%dma_wait3A_68, %dma_wait3A_69] : memref<10240x128xf32, #tpu.memory_space<hbm>> -> memref<10240x128xf32, #tpu.memory_space<hbm>>
        tpu.wait_indirect_dma semaphore(%arg15 : memref<!tpu.dma_semaphore, #tpu.memory_space<semaphore_mem>>) src(%dma_wait3A_70 : memref<10240x128xf32, #tpu.memory_space<hbm>>) dst(%arg11 : memref<128x128xf32, #tpu.memory_space<vmem>>)
        "tpu.region"() ({
          %run_scoped3A = tpu.sem_alloc : memref<!tpu.dma_semaphore, #tpu.memory_space<semaphore_mem>>
          %dma_start3A_79 = arith.constant 0 : i32
          %dma_start3A_80 = tpu.memref_slice %arg9[%add3A_64, %dma_start3A_79] : memref<32x128xi32, #tpu.memory_space<vmem>> -> memref<1x128xi32, #tpu.memory_space<vmem>>
          %dma_start3A_81 = tpu.memref_squeeze %dma_start3A_80 : memref<1x128xi32, #tpu.memory_space<vmem>> -> memref<128xi32, #tpu.memory_space<vmem>>
          %dma_start3A_82 = arith.constant 0 : i32
          %dma_start3A_83 = arith.constant 0 : i32
          %dma_start3A_84 = tpu.memref_slice %arg13[%dma_start3A_82, %dma_start3A_83] : memref<10240x128xf32, #tpu.memory_space<vmem_shared>> -> memref<10240x128xf32, #tpu.memory_space<vmem_shared>>
          tpu.enqueue_indirect_dma source(%arg11 : memref<128x128xf32, #tpu.memory_space<vmem>>) target(%dma_start3A_84 : memref<10240x128xf32, #tpu.memory_space<vmem_shared>>) offsets(%dma_start3A_81 : memref<128xi32, #tpu.memory_space<vmem>>) semaphore(%run_scoped3A : memref<!tpu.dma_semaphore, #tpu.memory_space<semaphore_mem>>) {add = true}
          %dma_wait3A_85 = arith.constant 0 : i32
          %dma_wait3A_86 = tpu.memref_slice %arg9[%add3A_64, %dma_wait3A_85] : memref<32x128xi32, #tpu.memory_space<vmem>> -> memref<1x128xi32, #tpu.memory_space<vmem>>
          %dma_wait3A_87 = tpu.memref_squeeze %dma_wait3A_86 : memref<1x128xi32, #tpu.memory_space<vmem>> -> memref<128xi32, #tpu.memory_space<vmem>>
          %dma_wait3A_88 = arith.constant 0 : i32
          %dma_wait3A_89 = arith.constant 0 : i32
          %dma_wait3A_90 = tpu.memref_slice %arg13[%dma_wait3A_88, %dma_wait3A_89] : memref<10240x128xf32, #tpu.memory_space<vmem_shared>> -> memref<10240x128xf32, #tpu.memory_space<vmem_shared>>
          tpu.wait_indirect_dma semaphore(%run_scoped3A : memref<!tpu.dma_semaphore, #tpu.memory_space<semaphore_mem>>) src(%arg11 : memref<128x128xf32, #tpu.memory_space<vmem>>) dst(%dma_wait3A_90 : memref<10240x128xf32, #tpu.memory_space<vmem_shared>>)
          tpu.yield
        }) : () -> ()
        %add3A_71 = arith.constant 2 : i32
        %add3A_72 = arith.addi %add3A_64, %add3A_71 : i32
        %lt3A_73 = arith.constant 32 : i32
        %lt3A_74 = arith.cmpi slt, %add3A_72, %lt3A_73 : i32
        %convert_element_type3A_75 = arith.extui %lt3A_74 : i1 to i32
        %cond3A_76 = arith.constant 0 : i32
        %cond3A_77 = arith.cmpi ne, %convert_element_type3A_75, %cond3A_76 : i32
        scf.if %cond3A_77 {
          %dma_start3A_79 = arith.constant 0 : i32
          %dma_start3A_80 = tpu.memref_slice %arg8[%add3A_72, %dma_start3A_79] : memref<32x128xi32, #tpu.memory_space<vmem>> -> memref<1x128xi32, #tpu.memory_space<vmem>>
          %dma_start3A_81 = tpu.memref_squeeze %dma_start3A_80 : memref<1x128xi32, #tpu.memory_space<vmem>> -> memref<128xi32, #tpu.memory_space<vmem>>
          %dma_start3A_82 = arith.constant 0 : i32
          %dma_start3A_83 = arith.constant 0 : i32
          %dma_start3A_84 = tpu.memref_slice %arg2[%dma_start3A_82, %dma_start3A_83] : memref<10240x128xf32, #tpu.memory_space<hbm>> -> memref<10240x128xf32, #tpu.memory_space<hbm>>
          tpu.enqueue_indirect_dma source(%dma_start3A_84 : memref<10240x128xf32, #tpu.memory_space<hbm>>) target(%arg11 : memref<128x128xf32, #tpu.memory_space<vmem>>) offsets(%dma_start3A_81 : memref<128xi32, #tpu.memory_space<vmem>>) semaphore(%arg15 : memref<!tpu.dma_semaphore, #tpu.memory_space<semaphore_mem>>)
        } else {
        }
        %scan3A_78 = arith.constant 0 : i32
        scf.yield %scan3A_78 : i32
      }
      %scan3A_44 = arith.constant 16 : i32
    } else {
    }
    %barrier3A_21 = arith.constant 0 : index
    tpu.barrier barrier_id(%barrier3A_21)
    %mul3A = arith.constant 640 : i32
    %mul3A_22 = arith.muli %arg1, %mul3A : i32
    %mul3A_23 = arith.constant 640 : i32
    %mul3A_24 = arith.muli %arg1, %mul3A_23 : i32
    "tpu.region"() ({
      %run_scoped3A = tpu.sem_alloc : memref<!tpu.dma_semaphore, #tpu.memory_space<semaphore_mem>>
      %dma_start3A = arith.constant 0 : i32
      %dma_start3A_25 = tpu.memref_slice %arg7[%arg0, %mul3A_24, %dma_start3A] : memref<2x10240x128xf32, #tpu.memory_space<hbm>> -> memref<1x640x128xf32, #tpu.memory_space<hbm>>
      %dma_start3A_26 = tpu.memref_squeeze %dma_start3A_25 : memref<1x640x128xf32, #tpu.memory_space<hbm>> -> memref<640x128xf32, #tpu.memory_space<hbm>>
      %dma_start3A_27 = arith.constant 0 : i32
      %dma_start3A_28 = tpu.memref_slice %arg13[%mul3A_22, %dma_start3A_27] : memref<10240x128xf32, #tpu.memory_space<vmem_shared>> -> memref<640x128xf32, #tpu.memory_space<vmem_shared>>
      tpu.enqueue_dma source(%dma_start3A_28 : memref<640x128xf32, #tpu.memory_space<vmem_shared>>) target(%dma_start3A_26 : memref<640x128xf32, #tpu.memory_space<hbm>>) target_semaphore(%run_scoped3A : memref<!tpu.dma_semaphore, #tpu.memory_space<semaphore_mem>>)
      %dma_wait3A = arith.constant 0 : i32
      %dma_wait3A_29 = tpu.memref_slice %arg7[%arg0, %mul3A_24, %dma_wait3A] : memref<2x10240x128xf32, #tpu.memory_space<hbm>> -> memref<1x640x128xf32, #tpu.memory_space<hbm>>
      %dma_wait3A_30 = tpu.memref_squeeze %dma_wait3A_29 : memref<1x640x128xf32, #tpu.memory_space<hbm>> -> memref<640x128xf32, #tpu.memory_space<hbm>>
      %dma_wait3A_31 = arith.constant 0 : i32
      %dma_wait3A_32 = tpu.memref_slice %arg13[%mul3A_22, %dma_wait3A_31] : memref<10240x128xf32, #tpu.memory_space<vmem_shared>> -> memref<640x128xf32, #tpu.memory_space<vmem_shared>>
      tpu.wait_dma2 semaphore(%run_scoped3A : memref<!tpu.dma_semaphore, #tpu.memory_space<semaphore_mem>>) src(%dma_wait3A_32 : memref<640x128xf32, #tpu.memory_space<vmem_shared>>) dst(%dma_wait3A_30 : memref<640x128xf32, #tpu.memory_space<hbm>>)
      tpu.yield
    }) : () -> ()
    return
  }
}

#map = affine_map<(d0, d1) -> (0, 0, 0)>
#map1 = affine_map<(d0, d1) -> (0, 0)>
module attributes {stable_mosaic.version = 14 : i64} {
  func.func @_deg_body(%arg0: i32, %arg1: i32, %arg2: memref<32x80x128xi32, #tpu.memory_space<hbm>>, %arg3: memref<2x10240xf32, #tpu.memory_space<hbm>>, %arg4: memref<80x128xi32, #tpu.memory_space<vmem>>, %arg5: memref<128xf32, #tpu.memory_space<vmem>>, %arg6: memref<640xf32, #tpu.memory_space<vmem>>, %arg7: memref<10240xf32, #tpu.memory_space<vmem_shared>>, %arg8: memref<!tpu.dma_semaphore, #tpu.memory_space<semaphore_mem>>) attributes {dimension_semantics = [#tpu.dimension_semantics<core_parallel>, #tpu.dimension_semantics<subcore_parallel>], iteration_bounds = array<i64: 2, 16>, scalar_prefetch = 0 : i64, scratch_operands = 5 : i64, tpu.core_type = #tpu.core_type<sc_vector_subcore>, window_params = [{transform_indices = #map}, {transform_indices = #map1}]} {
    %mul3A = arith.constant 16 : i32
    %mul3A_0 = arith.muli %arg0, %mul3A : i32
    %add3A = arith.addi %mul3A_0, %arg1 : i32
    %broadcast_in_dim3A = arith.constant 0.000000e+00 : f32
    %broadcast_in_dim3A_1 = vector.broadcast %broadcast_in_dim3A : f32 to vector<16xf32>
    %broadcast_in_dim3A_2 = arith.constant 1.000000e+00 : f32
    %broadcast_in_dim3A_3 = vector.broadcast %broadcast_in_dim3A_2 : f32 to vector<16xf32>
    %swap3A = arith.constant 0 : index
    %swap3A_4 = tpu.vector_load %arg5[%swap3A] {strides = array<i32>} : memref<128xf32, #tpu.memory_space<vmem>>, vector<16xf32>,
    %swap3A_5 = vector.shape_cast %swap3A_4 : vector<16xf32> to vector<16xf32>
    %swap3A_6 = vector.shape_cast %broadcast_in_dim3A_3 : vector<16xf32> to vector<16xf32>
    tpu.vector_store %arg5[%swap3A], %swap3A_6 {strides = array<i32>} : memref<128xf32, #tpu.memory_space<vmem>>, vector<16xf32>,
    %broadcast_in_dim3A_7 = arith.constant 1.000000e+00 : f32
    %broadcast_in_dim3A_8 = vector.broadcast %broadcast_in_dim3A_7 : f32 to vector<16xf32>
    %swap3A_9 = arith.constant 16 : index
    %swap3A_10 = tpu.vector_load %arg5[%swap3A_9] {strides = array<i32>} : memref<128xf32, #tpu.memory_space<vmem>>, vector<16xf32>,
    %swap3A_11 = vector.shape_cast %swap3A_10 : vector<16xf32> to vector<16xf32>
    %swap3A_12 = vector.shape_cast %broadcast_in_dim3A_8 : vector<16xf32> to vector<16xf32>
    tpu.vector_store %arg5[%swap3A_9], %swap3A_12 {strides = array<i32>} : memref<128xf32, #tpu.memory_space<vmem>>, vector<16xf32>,
    %broadcast_in_dim3A_13 = arith.constant 1.000000e+00 : f32
    %broadcast_in_dim3A_14 = vector.broadcast %broadcast_in_dim3A_13 : f32 to vector<16xf32>
    %swap3A_15 = arith.constant 32 : index
    %swap3A_16 = tpu.vector_load %arg5[%swap3A_15] {strides = array<i32>} : memref<128xf32, #tpu.memory_space<vmem>>, vector<16xf32>,
    %swap3A_17 = vector.shape_cast %swap3A_16 : vector<16xf32> to vector<16xf32>
    %swap3A_18 = vector.shape_cast %broadcast_in_dim3A_14 : vector<16xf32> to vector<16xf32>
    tpu.vector_store %arg5[%swap3A_15], %swap3A_18 {strides = array<i32>} : memref<128xf32, #tpu.memory_space<vmem>>, vector<16xf32>,
    %broadcast_in_dim3A_19 = arith.constant 1.000000e+00 : f32
    %broadcast_in_dim3A_20 = vector.broadcast %broadcast_in_dim3A_19 : f32 to vector<16xf32>
    %swap3A_21 = arith.constant 48 : index
    %swap3A_22 = tpu.vector_load %arg5[%swap3A_21] {strides = array<i32>} : memref<128xf32, #tpu.memory_space<vmem>>, vector<16xf32>,
    %swap3A_23 = vector.shape_cast %swap3A_22 : vector<16xf32> to vector<16xf32>
    %swap3A_24 = vector.shape_cast %broadcast_in_dim3A_20 : vector<16xf32> to vector<16xf32>
    tpu.vector_store %arg5[%swap3A_21], %swap3A_24 {strides = array<i32>} : memref<128xf32, #tpu.memory_space<vmem>>, vector<16xf32>,
    %broadcast_in_dim3A_25 = arith.constant 1.000000e+00 : f32
    %broadcast_in_dim3A_26 = vector.broadcast %broadcast_in_dim3A_25 : f32 to vector<16xf32>
    %swap3A_27 = arith.constant 64 : index
    %swap3A_28 = tpu.vector_load %arg5[%swap3A_27] {strides = array<i32>} : memref<128xf32, #tpu.memory_space<vmem>>, vector<16xf32>,
    %swap3A_29 = vector.shape_cast %swap3A_28 : vector<16xf32> to vector<16xf32>
    %swap3A_30 = vector.shape_cast %broadcast_in_dim3A_26 : vector<16xf32> to vector<16xf32>
    tpu.vector_store %arg5[%swap3A_27], %swap3A_30 {strides = array<i32>} : memref<128xf32, #tpu.memory_space<vmem>>, vector<16xf32>,
    %broadcast_in_dim3A_31 = arith.constant 1.000000e+00 : f32
    %broadcast_in_dim3A_32 = vector.broadcast %broadcast_in_dim3A_31 : f32 to vector<16xf32>
    %swap3A_33 = arith.constant 80 : index
    %swap3A_34 = tpu.vector_load %arg5[%swap3A_33] {strides = array<i32>} : memref<128xf32, #tpu.memory_space<vmem>>, vector<16xf32>,
    %swap3A_35 = vector.shape_cast %swap3A_34 : vector<16xf32> to vector<16xf32>
    %swap3A_36 = vector.shape_cast %broadcast_in_dim3A_32 : vector<16xf32> to vector<16xf32>
    tpu.vector_store %arg5[%swap3A_33], %swap3A_36 {strides = array<i32>} : memref<128xf32, #tpu.memory_space<vmem>>, vector<16xf32>,
    %broadcast_in_dim3A_37 = arith.constant 1.000000e+00 : f32
    %broadcast_in_dim3A_38 = vector.broadcast %broadcast_in_dim3A_37 : f32 to vector<16xf32>
    %swap3A_39 = arith.constant 96 : index
    %swap3A_40 = tpu.vector_load %arg5[%swap3A_39] {strides = array<i32>} : memref<128xf32, #tpu.memory_space<vmem>>, vector<16xf32>,
    %swap3A_41 = vector.shape_cast %swap3A_40 : vector<16xf32> to vector<16xf32>
    %swap3A_42 = vector.shape_cast %broadcast_in_dim3A_38 : vector<16xf32> to vector<16xf32>
    tpu.vector_store %arg5[%swap3A_39], %swap3A_42 {strides = array<i32>} : memref<128xf32, #tpu.memory_space<vmem>>, vector<16xf32>,
    %broadcast_in_dim3A_43 = arith.constant 1.000000e+00 : f32
    %broadcast_in_dim3A_44 = vector.broadcast %broadcast_in_dim3A_43 : f32 to vector<16xf32>
    %swap3A_45 = arith.constant 112 : index
    %swap3A_46 = tpu.vector_load %arg5[%swap3A_45] {strides = array<i32>} : memref<128xf32, #tpu.memory_space<vmem>>, vector<16xf32>,
    %swap3A_47 = vector.shape_cast %swap3A_46 : vector<16xf32> to vector<16xf32>
    %swap3A_48 = vector.shape_cast %broadcast_in_dim3A_44 : vector<16xf32> to vector<16xf32>
    tpu.vector_store %arg5[%swap3A_45], %swap3A_48 {strides = array<i32>} : memref<128xf32, #tpu.memory_space<vmem>>, vector<16xf32>,
    %scan3A = arith.constant 0 : i32
    %scan3A_49 = arith.constant 0 : i32
    %scan3A_50 = arith.constant 40 : i32
    %scan3A_51 = arith.addi %scan3A_49, %scan3A_50 : i32
    %scan3A_52 = arith.constant 1 : i32
    %scan3A_53 = scf.for %scan3A_69 = %scan3A_49 to %scan3A_51 step %scan3A_52 iter_args(%scan3A_70 = %scan3A) -> (i32)  : i32 {
      %mul3A_71 = arith.constant 16 : i32
      %mul3A_72 = arith.muli %scan3A_69, %mul3A_71 : i32
      %swap3A_73 = arith.index_cast %mul3A_72 : i32 to index
      %swap3A_74 = tpu.vector_load %arg6[%swap3A_73] {strides = array<i32>} : memref<640xf32, #tpu.memory_space<vmem>>, vector<16xf32>,
      %swap3A_75 = vector.shape_cast %swap3A_74 : vector<16xf32> to vector<16xf32>
      %swap3A_76 = vector.shape_cast %broadcast_in_dim3A_1 : vector<16xf32> to vector<16xf32>
      tpu.vector_store %arg6[%swap3A_73], %swap3A_76 {strides = array<i32>} : memref<640xf32, #tpu.memory_space<vmem>>, vector<16xf32>,
      %scan3A_77 = arith.constant 0 : i32
      scf.yield %scan3A_77 : i32
    }
    %scan3A_54 = arith.constant 40 : i32
    "tpu.region"() ({
      %run_scoped3A = tpu.sem_alloc : memref<!tpu.dma_semaphore, #tpu.memory_space<semaphore_mem>>
      %dma_start3A = arith.constant 0 : i32
      %dma_start3A_69 = arith.constant 0 : i32
      %dma_start3A_70 = tpu.memref_slice %arg2[%add3A, %dma_start3A, %dma_start3A_69] : memref<32x80x128xi32, #tpu.memory_space<hbm>> -> memref<1x80x128xi32, #tpu.memory_space<hbm>>
      %dma_start3A_71 = tpu.memref_squeeze %dma_start3A_70 : memref<1x80x128xi32, #tpu.memory_space<hbm>> -> memref<80x128xi32, #tpu.memory_space<hbm>>
      %dma_start3A_72 = arith.constant 0 : i32
      %dma_start3A_73 = arith.constant 0 : i32
      %dma_start3A_74 = tpu.memref_slice %arg2[%add3A, %dma_start3A_72, %dma_start3A_73] : memref<32x80x128xi32, #tpu.memory_space<hbm>> -> memref<1x80x128xi32, #tpu.memory_space<hbm>>
      %dma_start3A_75 = tpu.memref_squeeze %dma_start3A_74 : memref<1x80x128xi32, #tpu.memory_space<hbm>> -> memref<80x128xi32, #tpu.memory_space<hbm>>
      tpu.enqueue_dma source(%dma_start3A_75 : memref<80x128xi32, #tpu.memory_space<hbm>>) target(%arg4 : memref<80x128xi32, #tpu.memory_space<vmem>>) target_semaphore(%run_scoped3A : memref<!tpu.dma_semaphore, #tpu.memory_space<semaphore_mem>>)
      %dma_wait3A = arith.constant 0 : i32
      %dma_wait3A_76 = arith.constant 0 : i32
      %dma_wait3A_77 = tpu.memref_slice %arg2[%add3A, %dma_wait3A, %dma_wait3A_76] : memref<32x80x128xi32, #tpu.memory_space<hbm>> -> memref<1x80x128xi32, #tpu.memory_space<hbm>>
      %dma_wait3A_78 = tpu.memref_squeeze %dma_wait3A_77 : memref<1x80x128xi32, #tpu.memory_space<hbm>> -> memref<80x128xi32, #tpu.memory_space<hbm>>
      %dma_wait3A_79 = arith.constant 0 : i32
      %dma_wait3A_80 = arith.constant 0 : i32
      %dma_wait3A_81 = tpu.memref_slice %arg2[%add3A, %dma_wait3A_79, %dma_wait3A_80] : memref<32x80x128xi32, #tpu.memory_space<hbm>> -> memref<1x80x128xi32, #tpu.memory_space<hbm>>
      %dma_wait3A_82 = tpu.memref_squeeze %dma_wait3A_81 : memref<1x80x128xi32, #tpu.memory_space<hbm>> -> memref<80x128xi32, #tpu.memory_space<hbm>>
      tpu.wait_dma2 semaphore(%run_scoped3A : memref<!tpu.dma_semaphore, #tpu.memory_space<semaphore_mem>>) src(%dma_wait3A_82 : memref<80x128xi32, #tpu.memory_space<hbm>>) dst(%arg4 : memref<80x128xi32, #tpu.memory_space<vmem>>)
      tpu.yield
    }) : () -> ()
    %mul3A_55 = arith.constant 640 : i32
    %mul3A_56 = arith.muli %arg1, %mul3A_55 : i32
    "tpu.region"() ({
      %run_scoped3A = tpu.sem_alloc : memref<!tpu.dma_semaphore, #tpu.memory_space<semaphore_mem>>
      %dma_start3A = tpu.memref_slice %arg7[%mul3A_56] : memref<10240xf32, #tpu.memory_space<vmem_shared>> -> memref<640xf32, #tpu.memory_space<vmem_shared>>
      %dma_start3A_69 = tpu.memref_slice %arg7[%mul3A_56] : memref<10240xf32, #tpu.memory_space<vmem_shared>> -> memref<640xf32, #tpu.memory_space<vmem_shared>>
      tpu.enqueue_dma source(%arg6 : memref<640xf32, #tpu.memory_space<vmem>>) target(%dma_start3A_69 : memref<640xf32, #tpu.memory_space<vmem_shared>>) target_semaphore(%run_scoped3A : memref<!tpu.dma_semaphore, #tpu.memory_space<semaphore_mem>>)
      %dma_wait3A = tpu.memref_slice %arg7[%mul3A_56] : memref<10240xf32, #tpu.memory_space<vmem_shared>> -> memref<640xf32, #tpu.memory_space<vmem_shared>>
      %dma_wait3A_70 = tpu.memref_slice %arg7[%mul3A_56] : memref<10240xf32, #tpu.memory_space<vmem_shared>> -> memref<640xf32, #tpu.memory_space<vmem_shared>>
      tpu.wait_dma2 semaphore(%run_scoped3A : memref<!tpu.dma_semaphore, #tpu.memory_space<semaphore_mem>>) src(%arg6 : memref<640xf32, #tpu.memory_space<vmem>>) dst(%dma_wait3A_70 : memref<640xf32, #tpu.memory_space<vmem_shared>>)
      tpu.yield
    }) : () -> ()
    %barrier3A = arith.constant 0 : index
    tpu.barrier barrier_id(%barrier3A)
    %scan3A_57 = arith.constant 0 : i32
    %scan3A_58 = arith.constant 0 : i32
    %scan3A_59 = arith.constant 80 : i32
    %scan3A_60 = arith.addi %scan3A_58, %scan3A_59 : i32
    %scan3A_61 = arith.constant 1 : i32
    %scan3A_62 = scf.for %scan3A_69 = %scan3A_58 to %scan3A_60 step %scan3A_61 iter_args(%scan3A_70 = %scan3A_57) -> (i32)  : i32 {
      "tpu.region"() ({
        %run_scoped3A = tpu.sem_alloc : memref<!tpu.dma_semaphore, #tpu.memory_space<semaphore_mem>>
        %dma_start3A = arith.constant 0 : i32
        %dma_start3A_72 = tpu.memref_slice %arg4[%scan3A_69, %dma_start3A] : memref<80x128xi32, #tpu.memory_space<vmem>> -> memref<1x128xi32, #tpu.memory_space<vmem>>
        %dma_start3A_73 = tpu.memref_squeeze %dma_start3A_72 : memref<1x128xi32, #tpu.memory_space<vmem>> -> memref<128xi32, #tpu.memory_space<vmem>>
        %dma_start3A_74 = arith.constant 0 : i32
        %dma_start3A_75 = tpu.memref_slice %arg7[%dma_start3A_74] : memref<10240xf32, #tpu.memory_space<vmem_shared>> -> memref<10240xf32, #tpu.memory_space<vmem_shared>>
        tpu.enqueue_indirect_dma source(%arg5 : memref<128xf32, #tpu.memory_space<vmem>>) target(%dma_start3A_75 : memref<10240xf32, #tpu.memory_space<vmem_shared>>) offsets(%dma_start3A_73 : memref<128xi32, #tpu.memory_space<vmem>>) semaphore(%run_scoped3A : memref<!tpu.dma_semaphore, #tpu.memory_space<semaphore_mem>>) {add = true}
        %dma_wait3A = arith.constant 0 : i32
        %dma_wait3A_76 = tpu.memref_slice %arg4[%scan3A_69, %dma_wait3A] : memref<80x128xi32, #tpu.memory_space<vmem>> -> memref<1x128xi32, #tpu.memory_space<vmem>>
        %dma_wait3A_77 = tpu.memref_squeeze %dma_wait3A_76 : memref<1x128xi32, #tpu.memory_space<vmem>> -> memref<128xi32, #tpu.memory_space<vmem>>
        %dma_wait3A_78 = arith.constant 0 : i32
        %dma_wait3A_79 = tpu.memref_slice %arg7[%dma_wait3A_78] : memref<10240xf32, #tpu.memory_space<vmem_shared>> -> memref<10240xf32, #tpu.memory_space<vmem_shared>>
        tpu.wait_indirect_dma semaphore(%run_scoped3A : memref<!tpu.dma_semaphore, #tpu.memory_space<semaphore_mem>>) src(%arg5 : memref<128xf32, #tpu.memory_space<vmem>>) dst(%dma_wait3A_79 : memref<10240xf32, #tpu.memory_space<vmem_shared>>)
        tpu.yield
      }) : () -> ()
      %scan3A_71 = arith.constant 0 : i32
      scf.yield %scan3A_71 : i32
    }
    %scan3A_63 = arith.constant 80 : i32
    %barrier3A_64 = arith.constant 0 : index
    tpu.barrier barrier_id(%barrier3A_64)
    %mul3A_65 = arith.constant 640 : i32
    %mul3A_66 = arith.muli %arg1, %mul3A_65 : i32
    %mul3A_67 = arith.constant 640 : i32
    %mul3A_68 = arith.muli %arg1, %mul3A_67 : i32
    "tpu.region"() ({
      %run_scoped3A = tpu.sem_alloc : memref<!tpu.dma_semaphore, #tpu.memory_space<semaphore_mem>>
      %dma_start3A = tpu.memref_slice %arg3[%arg0, %mul3A_68] : memref<2x10240xf32, #tpu.memory_space<hbm>> -> memref<1x640xf32, #tpu.memory_space<hbm>>
      %dma_start3A_69 = tpu.memref_squeeze %dma_start3A : memref<1x640xf32, #tpu.memory_space<hbm>> -> memref<640xf32, #tpu.memory_space<hbm>>
      %dma_start3A_70 = tpu.memref_slice %arg7[%mul3A_66] : memref<10240xf32, #tpu.memory_space<vmem_shared>> -> memref<640xf32, #tpu.memory_space<vmem_shared>>
      tpu.enqueue_dma source(%dma_start3A_70 : memref<640xf32, #tpu.memory_space<vmem_shared>>) target(%dma_start3A_69 : memref<640xf32, #tpu.memory_space<hbm>>) target_semaphore(%run_scoped3A : memref<!tpu.dma_semaphore, #tpu.memory_space<semaphore_mem>>)
      %dma_wait3A = tpu.memref_slice %arg3[%arg0, %mul3A_68] : memref<2x10240xf32, #tpu.memory_space<hbm>> -> memref<1x640xf32, #tpu.memory_space<hbm>>
      %dma_wait3A_71 = tpu.memref_squeeze %dma_wait3A : memref<1x640xf32, #tpu.memory_space<hbm>> -> memref<640xf32, #tpu.memory_space<hbm>>
      %dma_wait3A_72 = tpu.memref_slice %arg7[%mul3A_66] : memref<10240xf32, #tpu.memory_space<vmem_shared>> -> memref<640xf32, #tpu.memory_space<vmem_shared>>
      tpu.wait_dma2 semaphore(%run_scoped3A : memref<!tpu.dma_semaphore, #tpu.memory_space<semaphore_mem>>) src(%dma_wait3A_72 : memref<640xf32, #tpu.memory_space<vmem_shared>>) dst(%dma_wait3A_71 : memref<640xf32, #tpu.memory_space<hbm>>)
      tpu.yield
    }) : () -> ()
    return
  }
}

#map = affine_map<(d0, d1) -> (0, 0)>
#map1 = affine_map<(d0, d1) -> (0, 0, 0)>
module attributes {stable_mosaic.version = 14 : i64} {
  func.func @_pass_body(%arg0: i32, %arg1: i32, %arg2: memref<10000x128xf32, #tpu.memory_space<hbm>>, %arg3: memref<16x128x128xi32, #tpu.memory_space<hbm>>, %arg4: memref<16x128x128xi32, #tpu.memory_space<hbm>>, %arg5: memref<16x32x128xi32, #tpu.memory_space<hbm>>, %arg6: memref<16x32x128xi32, #tpu.memory_space<hbm>>, %arg7: memref<2x10240x128xf32, #tpu.memory_space<hbm>>, %arg8: memref<32x128xi32, #tpu.memory_space<vmem>>, %arg9: memref<32x128xi32, #tpu.memory_space<vmem>>, %arg10: memref<128x128xf32, #tpu.memory_space<vmem>>, %arg11: memref<128x128xf32, #tpu.memory_space<vmem>>, %arg12: memref<16x128xf32, #tpu.memory_space<vmem>>, %arg13: memref<10240x128xf32, #tpu.memory_space<vmem_shared>>, %arg14: memref<!tpu.dma_semaphore, #tpu.memory_space<semaphore_mem>>, %arg15: memref<!tpu.dma_semaphore, #tpu.memory_space<semaphore_mem>>) attributes {dimension_semantics = [#tpu.dimension_semantics<core_parallel>, #tpu.dimension_semantics<subcore_parallel>], iteration_bounds = array<i64: 2, 16>, scalar_prefetch = 0 : i64, scratch_operands = 8 : i64, tpu.core_type = #tpu.core_type<sc_vector_subcore>, window_params = [{transform_indices = #map}, {transform_indices = #map1}, {transform_indices = #map1}, {transform_indices = #map1}, {transform_indices = #map1}, {transform_indices = #map1}]} {
    %broadcast_in_dim3A = arith.constant 0.000000e+00 : f32
    %broadcast_in_dim3A_0 = vector.broadcast %broadcast_in_dim3A : f32 to vector<16xf32>
    %scan3A = arith.constant 0 : i32
    %scan3A_1 = arith.constant 0 : i32
    %scan3A_2 = arith.constant 16 : i32
    %scan3A_3 = arith.addi %scan3A_1, %scan3A_2 : i32
    %scan3A_4 = arith.constant 1 : i32
    %scan3A_5 = scf.for %scan3A_25 = %scan3A_1 to %scan3A_3 step %scan3A_4 iter_args(%scan3A_26 = %scan3A) -> (i32)  : i32 {
      %swap3A = arith.index_cast %scan3A_25 : i32 to index
      %swap3A_27 = arith.constant 0 : index
      %swap3A_28 = tpu.vector_load %arg12[%swap3A, %swap3A_27] {strides = array<i32>} : memref<16x128xf32, #tpu.memory_space<vmem>>, vector<1x16xf32>,
      %swap3A_29 = vector.shape_cast %swap3A_28 : vector<1x16xf32> to vector<16xf32>
      %swap3A_30 = vector.shape_cast %broadcast_in_dim3A_0 : vector<16xf32> to vector<1x16xf32>
      tpu.vector_store %arg12[%swap3A, %swap3A_27], %swap3A_30 {strides = array<i32>} : memref<16x128xf32, #tpu.memory_space<vmem>>, vector<1x16xf32>,
      %swap3A_31 = arith.index_cast %scan3A_25 : i32 to index
      %swap3A_32 = arith.constant 16 : index
      %swap3A_33 = tpu.vector_load %arg12[%swap3A_31, %swap3A_32] {strides = array<i32>} : memref<16x128xf32, #tpu.memory_space<vmem>>, vector<1x16xf32>,
      %swap3A_34 = vector.shape_cast %swap3A_33 : vector<1x16xf32> to vector<16xf32>
      %swap3A_35 = vector.shape_cast %broadcast_in_dim3A_0 : vector<16xf32> to vector<1x16xf32>
      tpu.vector_store %arg12[%swap3A_31, %swap3A_32], %swap3A_35 {strides = array<i32>} : memref<16x128xf32, #tpu.memory_space<vmem>>, vector<1x16xf32>,
      %swap3A_36 = arith.index_cast %scan3A_25 : i32 to index
      %swap3A_37 = arith.constant 32 : index
      %swap3A_38 = tpu.vector_load %arg12[%swap3A_36, %swap3A_37] {strides = array<i32>} : memref<16x128xf32, #tpu.memory_space<vmem>>, vector<1x16xf32>,
      %swap3A_39 = vector.shape_cast %swap3A_38 : vector<1x16xf32> to vector<16xf32>
      %swap3A_40 = vector.shape_cast %broadcast_in_dim3A_0 : vector<16xf32> to vector<1x16xf32>
      tpu.vector_store %arg12[%swap3A_36, %swap3A_37], %swap3A_40 {strides = array<i32>} : memref<16x128xf32, #tpu.memory_space<vmem>>, vector<1x16xf32>,
      %swap3A_41 = arith.index_cast %scan3A_25 : i32 to index
      %swap3A_42 = arith.constant 48 : index
      %swap3A_43 = tpu.vector_load %arg12[%swap3A_41, %swap3A_42] {strides = array<i32>} : memref<16x128xf32, #tpu.memory_space<vmem>>, vector<1x16xf32>,
      %swap3A_44 = vector.shape_cast %swap3A_43 : vector<1x16xf32> to vector<16xf32>
      %swap3A_45 = vector.shape_cast %broadcast_in_dim3A_0 : vector<16xf32> to vector<1x16xf32>
      tpu.vector_store %arg12[%swap3A_41, %swap3A_42], %swap3A_45 {strides = array<i32>} : memref<16x128xf32, #tpu.memory_space<vmem>>, vector<1x16xf32>,
      %swap3A_46 = arith.index_cast %scan3A_25 : i32 to index
      %swap3A_47 = arith.constant 64 : index
      %swap3A_48 = tpu.vector_load %arg12[%swap3A_46, %swap3A_47] {strides = array<i32>} : memref<16x128xf32, #tpu.memory_space<vmem>>, vector<1x16xf32>,
      %swap3A_49 = vector.shape_cast %swap3A_48 : vector<1x16xf32> to vector<16xf32>
      %swap3A_50 = vector.shape_cast %broadcast_in_dim3A_0 : vector<16xf32> to vector<1x16xf32>
      tpu.vector_store %arg12[%swap3A_46, %swap3A_47], %swap3A_50 {strides = array<i32>} : memref<16x128xf32, #tpu.memory_space<vmem>>, vector<1x16xf32>,
      %swap3A_51 = arith.index_cast %scan3A_25 : i32 to index
      %swap3A_52 = arith.constant 80 : index
      %swap3A_53 = tpu.vector_load %arg12[%swap3A_51, %swap3A_52] {strides = array<i32>} : memref<16x128xf32, #tpu.memory_space<vmem>>, vector<1x16xf32>,
      %swap3A_54 = vector.shape_cast %swap3A_53 : vector<1x16xf32> to vector<16xf32>
      %swap3A_55 = vector.shape_cast %broadcast_in_dim3A_0 : vector<16xf32> to vector<1x16xf32>
      tpu.vector_store %arg12[%swap3A_51, %swap3A_52], %swap3A_55 {strides = array<i32>} : memref<16x128xf32, #tpu.memory_space<vmem>>, vector<1x16xf32>,
      %swap3A_56 = arith.index_cast %scan3A_25 : i32 to index
      %swap3A_57 = arith.constant 96 : index
      %swap3A_58 = tpu.vector_load %arg12[%swap3A_56, %swap3A_57] {strides = array<i32>} : memref<16x128xf32, #tpu.memory_space<vmem>>, vector<1x16xf32>,
      %swap3A_59 = vector.shape_cast %swap3A_58 : vector<1x16xf32> to vector<16xf32>
      %swap3A_60 = vector.shape_cast %broadcast_in_dim3A_0 : vector<16xf32> to vector<1x16xf32>
      tpu.vector_store %arg12[%swap3A_56, %swap3A_57], %swap3A_60 {strides = array<i32>} : memref<16x128xf32, #tpu.memory_space<vmem>>, vector<1x16xf32>,
      %swap3A_61 = arith.index_cast %scan3A_25 : i32 to index
      %swap3A_62 = arith.constant 112 : index
      %swap3A_63 = tpu.vector_load %arg12[%swap3A_61, %swap3A_62] {strides = array<i32>} : memref<16x128xf32, #tpu.memory_space<vmem>>, vector<1x16xf32>,
      %swap3A_64 = vector.shape_cast %swap3A_63 : vector<1x16xf32> to vector<16xf32>
      %swap3A_65 = vector.shape_cast %broadcast_in_dim3A_0 : vector<16xf32> to vector<1x16xf32>
      tpu.vector_store %arg12[%swap3A_61, %swap3A_62], %swap3A_65 {strides = array<i32>} : memref<16x128xf32, #tpu.memory_space<vmem>>, vector<1x16xf32>,
      %scan3A_66 = arith.constant 0 : i32
      scf.yield %scan3A_66 : i32
    }
    %scan3A_6 = arith.constant 16 : i32
    %scan3A_7 = arith.constant 0 : i32
    %scan3A_8 = arith.constant 0 : i32
    %scan3A_9 = arith.constant 40 : i32
    %scan3A_10 = arith.addi %scan3A_8, %scan3A_9 : i32
    %scan3A_11 = arith.constant 1 : i32
    %scan3A_12 = scf.for %scan3A_25 = %scan3A_8 to %scan3A_10 step %scan3A_11 iter_args(%scan3A_26 = %scan3A_7) -> (i32)  : i32 {
      %mul3A_27 = arith.constant 640 : i32
      %mul3A_28 = arith.muli %arg1, %mul3A_27 : i32
      %mul3A_29 = arith.constant 16 : i32
      %mul3A_30 = arith.muli %scan3A_25, %mul3A_29 : i32
      %add3A = arith.addi %mul3A_28, %mul3A_30 : i32
      "tpu.region"() ({
        %run_scoped3A = tpu.sem_alloc : memref<!tpu.dma_semaphore, #tpu.memory_space<semaphore_mem>>
        %dma_start3A = arith.constant 0 : i32
        %dma_start3A_32 = tpu.memref_slice %arg13[%add3A, %dma_start3A] : memref<10240x128xf32, #tpu.memory_space<vmem_shared>> -> memref<16x128xf32, #tpu.memory_space<vmem_shared>>
        %dma_start3A_33 = arith.constant 0 : i32
        %dma_start3A_34 = tpu.memref_slice %arg13[%add3A, %dma_start3A_33] : memref<10240x128xf32, #tpu.memory_space<vmem_shared>> -> memref<16x128xf32, #tpu.memory_space<vmem_shared>>
        tpu.enqueue_dma source(%arg12 : memref<16x128xf32, #tpu.memory_space<vmem>>) target(%dma_start3A_34 : memref<16x128xf32, #tpu.memory_space<vmem_shared>>) target_semaphore(%run_scoped3A : memref<!tpu.dma_semaphore, #tpu.memory_space<semaphore_mem>>)
        %dma_wait3A = arith.constant 0 : i32
        %dma_wait3A_35 = tpu.memref_slice %arg13[%add3A, %dma_wait3A] : memref<10240x128xf32, #tpu.memory_space<vmem_shared>> -> memref<16x128xf32, #tpu.memory_space<vmem_shared>>
        %dma_wait3A_36 = arith.constant 0 : i32
        %dma_wait3A_37 = tpu.memref_slice %arg13[%add3A, %dma_wait3A_36] : memref<10240x128xf32, #tpu.memory_space<vmem_shared>> -> memref<16x128xf32, #tpu.memory_space<vmem_shared>>
        tpu.wait_dma2 semaphore(%run_scoped3A : memref<!tpu.dma_semaphore, #tpu.memory_space<semaphore_mem>>) src(%arg12 : memref<16x128xf32, #tpu.memory_space<vmem>>) dst(%dma_wait3A_37 : memref<16x128xf32, #tpu.memory_space<vmem_shared>>)
        tpu.yield
      }) : () -> ()
      %scan3A_31 = arith.constant 0 : i32
      scf.yield %scan3A_31 : i32
    }
    %scan3A_13 = arith.constant 40 : i32
    %barrier3A = arith.constant 0 : index
    tpu.barrier barrier_id(%barrier3A)
    %eq3A = arith.constant 0 : i32
    %eq3A_14 = arith.cmpi eq, %arg0, %eq3A : i32
    %convert_element_type3A = arith.extui %eq3A_14 : i1 to i32
    %cond3A = arith.constant 0 : i32
    %cond3A_15 = arith.cmpi ne, %convert_element_type3A, %cond3A : i32
    scf.if %cond3A_15 {
      "tpu.region"() ({
        %run_scoped3A = tpu.sem_alloc : memref<!tpu.dma_semaphore, #tpu.memory_space<semaphore_mem>>
        %dma_start3A_108 = arith.constant 0 : i32
        %dma_start3A_109 = arith.constant 0 : i32
        %dma_start3A_110 = tpu.memref_slice %arg3[%arg1, %dma_start3A_108, %dma_start3A_109] : memref<16x128x128xi32, #tpu.memory_space<hbm>> -> memref<1x32x128xi32, #tpu.memory_space<hbm>>
        %dma_start3A_111 = tpu.memref_squeeze %dma_start3A_110 : memref<1x32x128xi32, #tpu.memory_space<hbm>> -> memref<32x128xi32, #tpu.memory_space<hbm>>
        %dma_start3A_112 = arith.constant 0 : i32
        %dma_start3A_113 = arith.constant 0 : i32
        %dma_start3A_114 = tpu.memref_slice %arg3[%arg1, %dma_start3A_112, %dma_start3A_113] : memref<16x128x128xi32, #tpu.memory_space<hbm>> -> memref<1x32x128xi32, #tpu.memory_space<hbm>>
        %dma_start3A_115 = tpu.memref_squeeze %dma_start3A_114 : memref<1x32x128xi32, #tpu.memory_space<hbm>> -> memref<32x128xi32, #tpu.memory_space<hbm>>
        tpu.enqueue_dma source(%dma_start3A_115 : memref<32x128xi32, #tpu.memory_space<hbm>>) target(%arg8 : memref<32x128xi32, #tpu.memory_space<vmem>>) target_semaphore(%run_scoped3A : memref<!tpu.dma_semaphore, #tpu.memory_space<semaphore_mem>>)
        %dma_wait3A = arith.constant 0 : i32
        %dma_wait3A_116 = arith.constant 0 : i32
        %dma_wait3A_117 = tpu.memref_slice %arg3[%arg1, %dma_wait3A, %dma_wait3A_116] : memref<16x128x128xi32, #tpu.memory_space<hbm>> -> memref<1x32x128xi32, #tpu.memory_space<hbm>>
        %dma_wait3A_118 = tpu.memref_squeeze %dma_wait3A_117 : memref<1x32x128xi32, #tpu.memory_space<hbm>> -> memref<32x128xi32, #tpu.memory_space<hbm>>
        %dma_wait3A_119 = arith.constant 0 : i32
        %dma_wait3A_120 = arith.constant 0 : i32
        %dma_wait3A_121 = tpu.memref_slice %arg3[%arg1, %dma_wait3A_119, %dma_wait3A_120] : memref<16x128x128xi32, #tpu.memory_space<hbm>> -> memref<1x32x128xi32, #tpu.memory_space<hbm>>
        %dma_wait3A_122 = tpu.memref_squeeze %dma_wait3A_121 : memref<1x32x128xi32, #tpu.memory_space<hbm>> -> memref<32x128xi32, #tpu.memory_space<hbm>>
        tpu.wait_dma2 semaphore(%run_scoped3A : memref<!tpu.dma_semaphore, #tpu.memory_space<semaphore_mem>>) src(%dma_wait3A_122 : memref<32x128xi32, #tpu.memory_space<hbm>>) dst(%arg8 : memref<32x128xi32, #tpu.memory_space<vmem>>)
        tpu.yield
      }) : () -> ()
      "tpu.region"() ({
        %run_scoped3A = tpu.sem_alloc : memref<!tpu.dma_semaphore, #tpu.memory_space<semaphore_mem>>
        %dma_start3A_108 = arith.constant 0 : i32
        %dma_start3A_109 = arith.constant 0 : i32
        %dma_start3A_110 = tpu.memref_slice %arg4[%arg1, %dma_start3A_108, %dma_start3A_109] : memref<16x128x128xi32, #tpu.memory_space<hbm>> -> memref<1x32x128xi32, #tpu.memory_space<hbm>>
        %dma_start3A_111 = tpu.memref_squeeze %dma_start3A_110 : memref<1x32x128xi32, #tpu.memory_space<hbm>> -> memref<32x128xi32, #tpu.memory_space<hbm>>
        %dma_start3A_112 = arith.constant 0 : i32
        %dma_start3A_113 = arith.constant 0 : i32
        %dma_start3A_114 = tpu.memref_slice %arg4[%arg1, %dma_start3A_112, %dma_start3A_113] : memref<16x128x128xi32, #tpu.memory_space<hbm>> -> memref<1x32x128xi32, #tpu.memory_space<hbm>>
        %dma_start3A_115 = tpu.memref_squeeze %dma_start3A_114 : memref<1x32x128xi32, #tpu.memory_space<hbm>> -> memref<32x128xi32, #tpu.memory_space<hbm>>
        tpu.enqueue_dma source(%dma_start3A_115 : memref<32x128xi32, #tpu.memory_space<hbm>>) target(%arg9 : memref<32x128xi32, #tpu.memory_space<vmem>>) target_semaphore(%run_scoped3A : memref<!tpu.dma_semaphore, #tpu.memory_space<semaphore_mem>>)
        %dma_wait3A = arith.constant 0 : i32
        %dma_wait3A_116 = arith.constant 0 : i32
        %dma_wait3A_117 = tpu.memref_slice %arg4[%arg1, %dma_wait3A, %dma_wait3A_116] : memref<16x128x128xi32, #tpu.memory_space<hbm>> -> memref<1x32x128xi32, #tpu.memory_space<hbm>>
        %dma_wait3A_118 = tpu.memref_squeeze %dma_wait3A_117 : memref<1x32x128xi32, #tpu.memory_space<hbm>> -> memref<32x128xi32, #tpu.memory_space<hbm>>
        %dma_wait3A_119 = arith.constant 0 : i32
        %dma_wait3A_120 = arith.constant 0 : i32
        %dma_wait3A_121 = tpu.memref_slice %arg4[%arg1, %dma_wait3A_119, %dma_wait3A_120] : memref<16x128x128xi32, #tpu.memory_space<hbm>> -> memref<1x32x128xi32, #tpu.memory_space<hbm>>
        %dma_wait3A_122 = tpu.memref_squeeze %dma_wait3A_121 : memref<1x32x128xi32, #tpu.memory_space<hbm>> -> memref<32x128xi32, #tpu.memory_space<hbm>>
        tpu.wait_dma2 semaphore(%run_scoped3A : memref<!tpu.dma_semaphore, #tpu.memory_space<semaphore_mem>>) src(%dma_wait3A_122 : memref<32x128xi32, #tpu.memory_space<hbm>>) dst(%arg9 : memref<32x128xi32, #tpu.memory_space<vmem>>)
        tpu.yield
      }) : () -> ()
      %dma_start3A = arith.constant 0 : i32
      %dma_start3A_25 = arith.constant 0 : i32
      %dma_start3A_26 = tpu.memref_slice %arg8[%dma_start3A, %dma_start3A_25] : memref<32x128xi32, #tpu.memory_space<vmem>> -> memref<1x128xi32, #tpu.memory_space<vmem>>
      %dma_start3A_27 = tpu.memref_squeeze %dma_start3A_26 : memref<1x128xi32, #tpu.memory_space<vmem>> -> memref<128xi32, #tpu.memory_space<vmem>>
      %dma_start3A_28 = arith.constant 0 : i32
      %dma_start3A_29 = arith.constant 0 : i32
      %dma_start3A_30 = tpu.memref_slice %arg2[%dma_start3A_28, %dma_start3A_29] : memref<10000x128xf32, #tpu.memory_space<hbm>> -> memref<10000x128xf32, #tpu.memory_space<hbm>>
      tpu.enqueue_indirect_dma source(%dma_start3A_30 : memref<10000x128xf32, #tpu.memory_space<hbm>>) target(%arg10 : memref<128x128xf32, #tpu.memory_space<vmem>>) offsets(%dma_start3A_27 : memref<128xi32, #tpu.memory_space<vmem>>) semaphore(%arg14 : memref<!tpu.dma_semaphore, #tpu.memory_space<semaphore_mem>>)
      %dma_start3A_31 = arith.constant 1 : i32
      %dma_start3A_32 = arith.constant 0 : i32
      %dma_start3A_33 = tpu.memref_slice %arg8[%dma_start3A_31, %dma_start3A_32] : memref<32x128xi32, #tpu.memory_space<vmem>> -> memref<1x128xi32, #tpu.memory_space<vmem>>
      %dma_start3A_34 = tpu.memref_squeeze %dma_start3A_33 : memref<1x128xi32, #tpu.memory_space<vmem>> -> memref<128xi32, #tpu.memory_space<vmem>>
      %dma_start3A_35 = arith.constant 0 : i32
      %dma_start3A_36 = arith.constant 0 : i32
      %dma_start3A_37 = tpu.memref_slice %arg2[%dma_start3A_35, %dma_start3A_36] : memref<10000x128xf32, #tpu.memory_space<hbm>> -> memref<10000x128xf32, #tpu.memory_space<hbm>>
      tpu.enqueue_indirect_dma source(%dma_start3A_37 : memref<10000x128xf32, #tpu.memory_space<hbm>>) target(%arg11 : memref<128x128xf32, #tpu.memory_space<vmem>>) offsets(%dma_start3A_34 : memref<128xi32, #tpu.memory_space<vmem>>) semaphore(%arg15 : memref<!tpu.dma_semaphore, #tpu.memory_space<semaphore_mem>>)
      %scan3A_38 = arith.constant 0 : i32
      %scan3A_39 = arith.constant 0 : i32
      %scan3A_40 = arith.constant 16 : i32
      %scan3A_41 = arith.addi %scan3A_39, %scan3A_40 : i32
      %scan3A_42 = arith.constant 1 : i32
      %scan3A_43 = scf.for %scan3A_108 = %scan3A_39 to %scan3A_41 step %scan3A_42 iter_args(%scan3A_109 = %scan3A_38) -> (i32)  : i32 {
        %mul3A_110 = arith.constant 2 : i32
        %mul3A_111 = arith.muli %scan3A_108, %mul3A_110 : i32
        %add3A = arith.constant 0 : i32
        %add3A_112 = arith.addi %mul3A_111, %add3A : i32
        %dma_wait3A = arith.constant 0 : i32
        %dma_wait3A_113 = tpu.memref_slice %arg8[%add3A_112, %dma_wait3A] : memref<32x128xi32, #tpu.memory_space<vmem>> -> memref<1x128xi32, #tpu.memory_space<vmem>>
        %dma_wait3A_114 = tpu.memref_squeeze %dma_wait3A_113 : memref<1x128xi32, #tpu.memory_space<vmem>> -> memref<128xi32, #tpu.memory_space<vmem>>
        %dma_wait3A_115 = arith.constant 0 : i32
        %dma_wait3A_116 = arith.constant 0 : i32
        %dma_wait3A_117 = tpu.memref_slice %arg2[%dma_wait3A_115, %dma_wait3A_116] : memref<10000x128xf32, #tpu.memory_space<hbm>> -> memref<10000x128xf32, #tpu.memory_space<hbm>>
        tpu.wait_indirect_dma semaphore(%arg14 : memref<!tpu.dma_semaphore, #tpu.memory_space<semaphore_mem>>) src(%dma_wait3A_117 : memref<10000x128xf32, #tpu.memory_space<hbm>>) dst(%arg10 : memref<128x128xf32, #tpu.memory_space<vmem>>)
        "tpu.region"() ({
          %run_scoped3A = tpu.sem_alloc : memref<!tpu.dma_semaphore, #tpu.memory_space<semaphore_mem>>
          %dma_start3A_142 = arith.constant 0 : i32
          %dma_start3A_143 = tpu.memref_slice %arg9[%add3A_112, %dma_start3A_142] : memref<32x128xi32, #tpu.memory_space<vmem>> -> memref<1x128xi32, #tpu.memory_space<vmem>>
          %dma_start3A_144 = tpu.memref_squeeze %dma_start3A_143 : memref<1x128xi32, #tpu.memory_space<vmem>> -> memref<128xi32, #tpu.memory_space<vmem>>
          %dma_start3A_145 = arith.constant 0 : i32
          %dma_start3A_146 = arith.constant 0 : i32
          %dma_start3A_147 = tpu.memref_slice %arg13[%dma_start3A_145, %dma_start3A_146] : memref<10240x128xf32, #tpu.memory_space<vmem_shared>> -> memref<10240x128xf32, #tpu.memory_space<vmem_shared>>
          tpu.enqueue_indirect_dma source(%arg10 : memref<128x128xf32, #tpu.memory_space<vmem>>) target(%dma_start3A_147 : memref<10240x128xf32, #tpu.memory_space<vmem_shared>>) offsets(%dma_start3A_144 : memref<128xi32, #tpu.memory_space<vmem>>) semaphore(%run_scoped3A : memref<!tpu.dma_semaphore, #tpu.memory_space<semaphore_mem>>) {add = true}
          %dma_wait3A_148 = arith.constant 0 : i32
          %dma_wait3A_149 = tpu.memref_slice %arg9[%add3A_112, %dma_wait3A_148] : memref<32x128xi32, #tpu.memory_space<vmem>> -> memref<1x128xi32, #tpu.memory_space<vmem>>
          %dma_wait3A_150 = tpu.memref_squeeze %dma_wait3A_149 : memref<1x128xi32, #tpu.memory_space<vmem>> -> memref<128xi32, #tpu.memory_space<vmem>>
          %dma_wait3A_151 = arith.constant 0 : i32
          %dma_wait3A_152 = arith.constant 0 : i32
          %dma_wait3A_153 = tpu.memref_slice %arg13[%dma_wait3A_151, %dma_wait3A_152] : memref<10240x128xf32, #tpu.memory_space<vmem_shared>> -> memref<10240x128xf32, #tpu.memory_space<vmem_shared>>
          tpu.wait_indirect_dma semaphore(%run_scoped3A : memref<!tpu.dma_semaphore, #tpu.memory_space<semaphore_mem>>) src(%arg10 : memref<128x128xf32, #tpu.memory_space<vmem>>) dst(%dma_wait3A_153 : memref<10240x128xf32, #tpu.memory_space<vmem_shared>>)
          tpu.yield
        }) : () -> ()
        %add3A_118 = arith.constant 2 : i32
        %add3A_119 = arith.addi %add3A_112, %add3A_118 : i32
        %lt3A = arith.constant 32 : i32
        %lt3A_120 = arith.cmpi slt, %add3A_119, %lt3A : i32
        %convert_element_type3A_121 = arith.extui %lt3A_120 : i1 to i32
        %cond3A_122 = arith.constant 0 : i32
        %cond3A_123 = arith.cmpi ne, %convert_element_type3A_121, %cond3A_122 : i32
        scf.if %cond3A_123 {
          %dma_start3A_142 = arith.constant 0 : i32
          %dma_start3A_143 = tpu.memref_slice %arg8[%add3A_119, %dma_start3A_142] : memref<32x128xi32, #tpu.memory_space<vmem>> -> memref<1x128xi32, #tpu.memory_space<vmem>>
          %dma_start3A_144 = tpu.memref_squeeze %dma_start3A_143 : memref<1x128xi32, #tpu.memory_space<vmem>> -> memref<128xi32, #tpu.memory_space<vmem>>
          %dma_start3A_145 = arith.constant 0 : i32
          %dma_start3A_146 = arith.constant 0 : i32
          %dma_start3A_147 = tpu.memref_slice %arg2[%dma_start3A_145, %dma_start3A_146] : memref<10000x128xf32, #tpu.memory_space<hbm>> -> memref<10000x128xf32, #tpu.memory_space<hbm>>
          tpu.enqueue_indirect_dma source(%dma_start3A_147 : memref<10000x128xf32, #tpu.memory_space<hbm>>) target(%arg10 : memref<128x128xf32, #tpu.memory_space<vmem>>) offsets(%dma_start3A_144 : memref<128xi32, #tpu.memory_space<vmem>>) semaphore(%arg14 : memref<!tpu.dma_semaphore, #tpu.memory_space<semaphore_mem>>)
        } else {
        }
        %mul3A_124 = arith.constant 2 : i32
        %mul3A_125 = arith.muli %scan3A_108, %mul3A_124 : i32
        %add3A_126 = arith.constant 1 : i32
        %add3A_127 = arith.addi %mul3A_125, %add3A_126 : i32
        %dma_wait3A_128 = arith.constant 0 : i32
        %dma_wait3A_129 = tpu.memref_slice %arg8[%add3A_127, %dma_wait3A_128] : memref<32x128xi32, #tpu.memory_space<vmem>> -> memref<1x128xi32, #tpu.memory_space<vmem>>
        %dma_wait3A_130 = tpu.memref_squeeze %dma_wait3A_129 : memref<1x128xi32, #tpu.memory_space<vmem>> -> memref<128xi32, #tpu.memory_space<vmem>>
        %dma_wait3A_131 = arith.constant 0 : i32
        %dma_wait3A_132 = arith.constant 0 : i32
        %dma_wait3A_133 = tpu.memref_slice %arg2[%dma_wait3A_131, %dma_wait3A_132] : memref<10000x128xf32, #tpu.memory_space<hbm>> -> memref<10000x128xf32, #tpu.memory_space<hbm>>
        tpu.wait_indirect_dma semaphore(%arg15 : memref<!tpu.dma_semaphore, #tpu.memory_space<semaphore_mem>>) src(%dma_wait3A_133 : memref<10000x128xf32, #tpu.memory_space<hbm>>) dst(%arg11 : memref<128x128xf32, #tpu.memory_space<vmem>>)
        "tpu.region"() ({
          %run_scoped3A = tpu.sem_alloc : memref<!tpu.dma_semaphore, #tpu.memory_space<semaphore_mem>>
          %dma_start3A_142 = arith.constant 0 : i32
          %dma_start3A_143 = tpu.memref_slice %arg9[%add3A_127, %dma_start3A_142] : memref<32x128xi32, #tpu.memory_space<vmem>> -> memref<1x128xi32, #tpu.memory_space<vmem>>
          %dma_start3A_144 = tpu.memref_squeeze %dma_start3A_143 : memref<1x128xi32, #tpu.memory_space<vmem>> -> memref<128xi32, #tpu.memory_space<vmem>>
          %dma_start3A_145 = arith.constant 0 : i32
          %dma_start3A_146 = arith.constant 0 : i32
          %dma_start3A_147 = tpu.memref_slice %arg13[%dma_start3A_145, %dma_start3A_146] : memref<10240x128xf32, #tpu.memory_space<vmem_shared>> -> memref<10240x128xf32, #tpu.memory_space<vmem_shared>>
          tpu.enqueue_indirect_dma source(%arg11 : memref<128x128xf32, #tpu.memory_space<vmem>>) target(%dma_start3A_147 : memref<10240x128xf32, #tpu.memory_space<vmem_shared>>) offsets(%dma_start3A_144 : memref<128xi32, #tpu.memory_space<vmem>>) semaphore(%run_scoped3A : memref<!tpu.dma_semaphore, #tpu.memory_space<semaphore_mem>>) {add = true}
          %dma_wait3A_148 = arith.constant 0 : i32
          %dma_wait3A_149 = tpu.memref_slice %arg9[%add3A_127, %dma_wait3A_148] : memref<32x128xi32, #tpu.memory_space<vmem>> -> memref<1x128xi32, #tpu.memory_space<vmem>>
          %dma_wait3A_150 = tpu.memref_squeeze %dma_wait3A_149 : memref<1x128xi32, #tpu.memory_space<vmem>> -> memref<128xi32, #tpu.memory_space<vmem>>
          %dma_wait3A_151 = arith.constant 0 : i32
          %dma_wait3A_152 = arith.constant 0 : i32
          %dma_wait3A_153 = tpu.memref_slice %arg13[%dma_wait3A_151, %dma_wait3A_152] : memref<10240x128xf32, #tpu.memory_space<vmem_shared>> -> memref<10240x128xf32, #tpu.memory_space<vmem_shared>>
          tpu.wait_indirect_dma semaphore(%run_scoped3A : memref<!tpu.dma_semaphore, #tpu.memory_space<semaphore_mem>>) src(%arg11 : memref<128x128xf32, #tpu.memory_space<vmem>>) dst(%dma_wait3A_153 : memref<10240x128xf32, #tpu.memory_space<vmem_shared>>)
          tpu.yield
        }) : () -> ()
        %add3A_134 = arith.constant 2 : i32
        %add3A_135 = arith.addi %add3A_127, %add3A_134 : i32
        %lt3A_136 = arith.constant 32 : i32
        %lt3A_137 = arith.cmpi slt, %add3A_135, %lt3A_136 : i32
        %convert_element_type3A_138 = arith.extui %lt3A_137 : i1 to i32
        %cond3A_139 = arith.constant 0 : i32
        %cond3A_140 = arith.cmpi ne, %convert_element_type3A_138, %cond3A_139 : i32
        scf.if %cond3A_140 {
          %dma_start3A_142 = arith.constant 0 : i32
          %dma_start3A_143 = tpu.memref_slice %arg8[%add3A_135, %dma_start3A_142] : memref<32x128xi32, #tpu.memory_space<vmem>> -> memref<1x128xi32, #tpu.memory_space<vmem>>
          %dma_start3A_144 = tpu.memref_squeeze %dma_start3A_143 : memref<1x128xi32, #tpu.memory_space<vmem>> -> memref<128xi32, #tpu.memory_space<vmem>>
          %dma_start3A_145 = arith.constant 0 : i32
          %dma_start3A_146 = arith.constant 0 : i32
          %dma_start3A_147 = tpu.memref_slice %arg2[%dma_start3A_145, %dma_start3A_146] : memref<10000x128xf32, #tpu.memory_space<hbm>> -> memref<10000x128xf32, #tpu.memory_space<hbm>>
          tpu.enqueue_indirect_dma source(%dma_start3A_147 : memref<10000x128xf32, #tpu.memory_space<hbm>>) target(%arg11 : memref<128x128xf32, #tpu.memory_space<vmem>>) offsets(%dma_start3A_144 : memref<128xi32, #tpu.memory_space<vmem>>) semaphore(%arg15 : memref<!tpu.dma_semaphore, #tpu.memory_space<semaphore_mem>>)
        } else {
        }
        %scan3A_141 = arith.constant 0 : i32
        scf.yield %scan3A_141 : i32
      }
      %scan3A_44 = arith.constant 16 : i32
      "tpu.region"() ({
        %run_scoped3A = tpu.sem_alloc : memref<!tpu.dma_semaphore, #tpu.memory_space<semaphore_mem>>
        %dma_start3A_108 = arith.constant 32 : i32
        %dma_start3A_109 = arith.constant 0 : i32
        %dma_start3A_110 = tpu.memref_slice %arg3[%arg1, %dma_start3A_108, %dma_start3A_109] : memref<16x128x128xi32, #tpu.memory_space<hbm>> -> memref<1x32x128xi32, #tpu.memory_space<hbm>>
        %dma_start3A_111 = tpu.memref_squeeze %dma_start3A_110 : memref<1x32x128xi32, #tpu.memory_space<hbm>> -> memref<32x128xi32, #tpu.memory_space<hbm>>
        %dma_start3A_112 = arith.constant 32 : i32
        %dma_start3A_113 = arith.constant 0 : i32
        %dma_start3A_114 = tpu.memref_slice %arg3[%arg1, %dma_start3A_112, %dma_start3A_113] : memref<16x128x128xi32, #tpu.memory_space<hbm>> -> memref<1x32x128xi32, #tpu.memory_space<hbm>>
        %dma_start3A_115 = tpu.memref_squeeze %dma_start3A_114 : memref<1x32x128xi32, #tpu.memory_space<hbm>> -> memref<32x128xi32, #tpu.memory_space<hbm>>
        tpu.enqueue_dma source(%dma_start3A_115 : memref<32x128xi32, #tpu.memory_space<hbm>>) target(%arg8 : memref<32x128xi32, #tpu.memory_space<vmem>>) target_semaphore(%run_scoped3A : memref<!tpu.dma_semaphore, #tpu.memory_space<semaphore_mem>>)
        %dma_wait3A = arith.constant 32 : i32
        %dma_wait3A_116 = arith.constant 0 : i32
        %dma_wait3A_117 = tpu.memref_slice %arg3[%arg1, %dma_wait3A, %dma_wait3A_116] : memref<16x128x128xi32, #tpu.memory_space<hbm>> -> memref<1x32x128xi32, #tpu.memory_space<hbm>>
        %dma_wait3A_118 = tpu.memref_squeeze %dma_wait3A_117 : memref<1x32x128xi32, #tpu.memory_space<hbm>> -> memref<32x128xi32, #tpu.memory_space<hbm>>
        %dma_wait3A_119 = arith.constant 32 : i32
        %dma_wait3A_120 = arith.constant 0 : i32
        %dma_wait3A_121 = tpu.memref_slice %arg3[%arg1, %dma_wait3A_119, %dma_wait3A_120] : memref<16x128x128xi32, #tpu.memory_space<hbm>> -> memref<1x32x128xi32, #tpu.memory_space<hbm>>
        %dma_wait3A_122 = tpu.memref_squeeze %dma_wait3A_121 : memref<1x32x128xi32, #tpu.memory_space<hbm>> -> memref<32x128xi32, #tpu.memory_space<hbm>>
        tpu.wait_dma2 semaphore(%run_scoped3A : memref<!tpu.dma_semaphore, #tpu.memory_space<semaphore_mem>>) src(%dma_wait3A_122 : memref<32x128xi32, #tpu.memory_space<hbm>>) dst(%arg8 : memref<32x128xi32, #tpu.memory_space<vmem>>)
        tpu.yield
      }) : () -> ()
      "tpu.region"() ({
        %run_scoped3A = tpu.sem_alloc : memref<!tpu.dma_semaphore, #tpu.memory_space<semaphore_mem>>
        %dma_start3A_108 = arith.constant 32 : i32
        %dma_start3A_109 = arith.constant 0 : i32
        %dma_start3A_110 = tpu.memref_slice %arg4[%arg1, %dma_start3A_108, %dma_start3A_109] : memref<16x128x128xi32, #tpu.memory_space<hbm>> -> memref<1x32x128xi32, #tpu.memory_space<hbm>>
        %dma_start3A_111 = tpu.memref_squeeze %dma_start3A_110 : memref<1x32x128xi32, #tpu.memory_space<hbm>> -> memref<32x128xi32, #tpu.memory_space<hbm>>
        %dma_start3A_112 = arith.constant 32 : i32
        %dma_start3A_113 = arith.constant 0 : i32
        %dma_start3A_114 = tpu.memref_slice %arg4[%arg1, %dma_start3A_112, %dma_start3A_113] : memref<16x128x128xi32, #tpu.memory_space<hbm>> -> memref<1x32x128xi32, #tpu.memory_space<hbm>>
        %dma_start3A_115 = tpu.memref_squeeze %dma_start3A_114 : memref<1x32x128xi32, #tpu.memory_space<hbm>> -> memref<32x128xi32, #tpu.memory_space<hbm>>
        tpu.enqueue_dma source(%dma_start3A_115 : memref<32x128xi32, #tpu.memory_space<hbm>>) target(%arg9 : memref<32x128xi32, #tpu.memory_space<vmem>>) target_semaphore(%run_scoped3A : memref<!tpu.dma_semaphore, #tpu.memory_space<semaphore_mem>>)
        %dma_wait3A = arith.constant 32 : i32
        %dma_wait3A_116 = arith.constant 0 : i32
        %dma_wait3A_117 = tpu.memref_slice %arg4[%arg1, %dma_wait3A, %dma_wait3A_116] : memref<16x128x128xi32, #tpu.memory_space<hbm>> -> memref<1x32x128xi32, #tpu.memory_space<hbm>>
        %dma_wait3A_118 = tpu.memref_squeeze %dma_wait3A_117 : memref<1x32x128xi32, #tpu.memory_space<hbm>> -> memref<32x128xi32, #tpu.memory_space<hbm>>
        %dma_wait3A_119 = arith.constant 32 : i32
        %dma_wait3A_120 = arith.constant 0 : i32
        %dma_wait3A_121 = tpu.memref_slice %arg4[%arg1, %dma_wait3A_119, %dma_wait3A_120] : memref<16x128x128xi32, #tpu.memory_space<hbm>> -> memref<1x32x128xi32, #tpu.memory_space<hbm>>
        %dma_wait3A_122 = tpu.memref_squeeze %dma_wait3A_121 : memref<1x32x128xi32, #tpu.memory_space<hbm>> -> memref<32x128xi32, #tpu.memory_space<hbm>>
        tpu.wait_dma2 semaphore(%run_scoped3A : memref<!tpu.dma_semaphore, #tpu.memory_space<semaphore_mem>>) src(%dma_wait3A_122 : memref<32x128xi32, #tpu.memory_space<hbm>>) dst(%arg9 : memref<32x128xi32, #tpu.memory_space<vmem>>)
        tpu.yield
      }) : () -> ()
      %dma_start3A_45 = arith.constant 0 : i32
      %dma_start3A_46 = arith.constant 0 : i32
      %dma_start3A_47 = tpu.memref_slice %arg8[%dma_start3A_45, %dma_start3A_46] : memref<32x128xi32, #tpu.memory_space<vmem>> -> memref<1x128xi32, #tpu.memory_space<vmem>>
      %dma_start3A_48 = tpu.memref_squeeze %dma_start3A_47 : memref<1x128xi32, #tpu.memory_space<vmem>> -> memref<128xi32, #tpu.memory_space<vmem>>
      %dma_start3A_49 = arith.constant 0 : i32
      %dma_start3A_50 = arith.constant 0 : i32
      %dma_start3A_51 = tpu.memref_slice %arg2[%dma_start3A_49, %dma_start3A_50] : memref<10000x128xf32, #tpu.memory_space<hbm>> -> memref<10000x128xf32, #tpu.memory_space<hbm>>
      tpu.enqueue_indirect_dma source(%dma_start3A_51 : memref<10000x128xf32, #tpu.memory_space<hbm>>) target(%arg10 : memref<128x128xf32, #tpu.memory_space<vmem>>) offsets(%dma_start3A_48 : memref<128xi32, #tpu.memory_space<vmem>>) semaphore(%arg14 : memref<!tpu.dma_semaphore, #tpu.memory_space<semaphore_mem>>)
      %dma_start3A_52 = arith.constant 1 : i32
      %dma_start3A_53 = arith.constant 0 : i32
      %dma_start3A_54 = tpu.memref_slice %arg8[%dma_start3A_52, %dma_start3A_53] : memref<32x128xi32, #tpu.memory_space<vmem>> -> memref<1x128xi32, #tpu.memory_space<vmem>>
      %dma_start3A_55 = tpu.memref_squeeze %dma_start3A_54 : memref<1x128xi32, #tpu.memory_space<vmem>> -> memref<128xi32, #tpu.memory_space<vmem>>
      %dma_start3A_56 = arith.constant 0 : i32
      %dma_start3A_57 = arith.constant 0 : i32
      %dma_start3A_58 = tpu.memref_slice %arg2[%dma_start3A_56, %dma_start3A_57] : memref<10000x128xf32, #tpu.memory_space<hbm>> -> memref<10000x128xf32, #tpu.memory_space<hbm>>
      tpu.enqueue_indirect_dma source(%dma_start3A_58 : memref<10000x128xf32, #tpu.memory_space<hbm>>) target(%arg11 : memref<128x128xf32, #tpu.memory_space<vmem>>) offsets(%dma_start3A_55 : memref<128xi32, #tpu.memory_space<vmem>>) semaphore(%arg15 : memref<!tpu.dma_semaphore, #tpu.memory_space<semaphore_mem>>)
      %scan3A_59 = arith.constant 0 : i32
      %scan3A_60 = arith.constant 0 : i32
      %scan3A_61 = arith.constant 16 : i32
      %scan3A_62 = arith.addi %scan3A_60, %scan3A_61 : i32
      %scan3A_63 = arith.constant 1 : i32
      %scan3A_64 = scf.for %scan3A_108 = %scan3A_60 to %scan3A_62 step %scan3A_63 iter_args(%scan3A_109 = %scan3A_59) -> (i32)  : i32 {
        %mul3A_110 = arith.constant 2 : i32
        %mul3A_111 = arith.muli %scan3A_108, %mul3A_110 : i32
        %add3A = arith.constant 0 : i32
        %add3A_112 = arith.addi %mul3A_111, %add3A : i32
        %dma_wait3A = arith.constant 0 : i32
        %dma_wait3A_113 = tpu.memref_slice %arg8[%add3A_112, %dma_wait3A] : memref<32x128xi32, #tpu.memory_space<vmem>> -> memref<1x128xi32, #tpu.memory_space<vmem>>
        %dma_wait3A_114 = tpu.memref_squeeze %dma_wait3A_113 : memref<1x128xi32, #tpu.memory_space<vmem>> -> memref<128xi32, #tpu.memory_space<vmem>>
        %dma_wait3A_115 = arith.constant 0 : i32
        %dma_wait3A_116 = arith.constant 0 : i32
        %dma_wait3A_117 = tpu.memref_slice %arg2[%dma_wait3A_115, %dma_wait3A_116] : memref<10000x128xf32, #tpu.memory_space<hbm>> -> memref<10000x128xf32, #tpu.memory_space<hbm>>
        tpu.wait_indirect_dma semaphore(%arg14 : memref<!tpu.dma_semaphore, #tpu.memory_space<semaphore_mem>>) src(%dma_wait3A_117 : memref<10000x128xf32, #tpu.memory_space<hbm>>) dst(%arg10 : memref<128x128xf32, #tpu.memory_space<vmem>>)
        "tpu.region"() ({
          %run_scoped3A = tpu.sem_alloc : memref<!tpu.dma_semaphore, #tpu.memory_space<semaphore_mem>>
          %dma_start3A_142 = arith.constant 0 : i32
          %dma_start3A_143 = tpu.memref_slice %arg9[%add3A_112, %dma_start3A_142] : memref<32x128xi32, #tpu.memory_space<vmem>> -> memref<1x128xi32, #tpu.memory_space<vmem>>
          %dma_start3A_144 = tpu.memref_squeeze %dma_start3A_143 : memref<1x128xi32, #tpu.memory_space<vmem>> -> memref<128xi32, #tpu.memory_space<vmem>>
          %dma_start3A_145 = arith.constant 0 : i32
          %dma_start3A_146 = arith.constant 0 : i32
          %dma_start3A_147 = tpu.memref_slice %arg13[%dma_start3A_145, %dma_start3A_146] : memref<10240x128xf32, #tpu.memory_space<vmem_shared>> -> memref<10240x128xf32, #tpu.memory_space<vmem_shared>>
          tpu.enqueue_indirect_dma source(%arg10 : memref<128x128xf32, #tpu.memory_space<vmem>>) target(%dma_start3A_147 : memref<10240x128xf32, #tpu.memory_space<vmem_shared>>) offsets(%dma_start3A_144 : memref<128xi32, #tpu.memory_space<vmem>>) semaphore(%run_scoped3A : memref<!tpu.dma_semaphore, #tpu.memory_space<semaphore_mem>>) {add = true}
          %dma_wait3A_148 = arith.constant 0 : i32
          %dma_wait3A_149 = tpu.memref_slice %arg9[%add3A_112, %dma_wait3A_148] : memref<32x128xi32, #tpu.memory_space<vmem>> -> memref<1x128xi32, #tpu.memory_space<vmem>>
          %dma_wait3A_150 = tpu.memref_squeeze %dma_wait3A_149 : memref<1x128xi32, #tpu.memory_space<vmem>> -> memref<128xi32, #tpu.memory_space<vmem>>
          %dma_wait3A_151 = arith.constant 0 : i32
          %dma_wait3A_152 = arith.constant 0 : i32
          %dma_wait3A_153 = tpu.memref_slice %arg13[%dma_wait3A_151, %dma_wait3A_152] : memref<10240x128xf32, #tpu.memory_space<vmem_shared>> -> memref<10240x128xf32, #tpu.memory_space<vmem_shared>>
          tpu.wait_indirect_dma semaphore(%run_scoped3A : memref<!tpu.dma_semaphore, #tpu.memory_space<semaphore_mem>>) src(%arg10 : memref<128x128xf32, #tpu.memory_space<vmem>>) dst(%dma_wait3A_153 : memref<10240x128xf32, #tpu.memory_space<vmem_shared>>)
          tpu.yield
        }) : () -> ()
        %add3A_118 = arith.constant 2 : i32
        %add3A_119 = arith.addi %add3A_112, %add3A_118 : i32
        %lt3A = arith.constant 32 : i32
        %lt3A_120 = arith.cmpi slt, %add3A_119, %lt3A : i32
        %convert_element_type3A_121 = arith.extui %lt3A_120 : i1 to i32
        %cond3A_122 = arith.constant 0 : i32
        %cond3A_123 = arith.cmpi ne, %convert_element_type3A_121, %cond3A_122 : i32
        scf.if %cond3A_123 {
          %dma_start3A_142 = arith.constant 0 : i32
          %dma_start3A_143 = tpu.memref_slice %arg8[%add3A_119, %dma_start3A_142] : memref<32x128xi32, #tpu.memory_space<vmem>> -> memref<1x128xi32, #tpu.memory_space<vmem>>
          %dma_start3A_144 = tpu.memref_squeeze %dma_start3A_143 : memref<1x128xi32, #tpu.memory_space<vmem>> -> memref<128xi32, #tpu.memory_space<vmem>>
          %dma_start3A_145 = arith.constant 0 : i32
          %dma_start3A_146 = arith.constant 0 : i32
          %dma_start3A_147 = tpu.memref_slice %arg2[%dma_start3A_145, %dma_start3A_146] : memref<10000x128xf32, #tpu.memory_space<hbm>> -> memref<10000x128xf32, #tpu.memory_space<hbm>>
          tpu.enqueue_indirect_dma source(%dma_start3A_147 : memref<10000x128xf32, #tpu.memory_space<hbm>>) target(%arg10 : memref<128x128xf32, #tpu.memory_space<vmem>>) offsets(%dma_start3A_144 : memref<128xi32, #tpu.memory_space<vmem>>) semaphore(%arg14 : memref<!tpu.dma_semaphore, #tpu.memory_space<semaphore_mem>>)
        } else {
        }
        %mul3A_124 = arith.constant 2 : i32
        %mul3A_125 = arith.muli %scan3A_108, %mul3A_124 : i32
        %add3A_126 = arith.constant 1 : i32
        %add3A_127 = arith.addi %mul3A_125, %add3A_126 : i32
        %dma_wait3A_128 = arith.constant 0 : i32
        %dma_wait3A_129 = tpu.memref_slice %arg8[%add3A_127, %dma_wait3A_128] : memref<32x128xi32, #tpu.memory_space<vmem>> -> memref<1x128xi32, #tpu.memory_space<vmem>>
        %dma_wait3A_130 = tpu.memref_squeeze %dma_wait3A_129 : memref<1x128xi32, #tpu.memory_space<vmem>> -> memref<128xi32, #tpu.memory_space<vmem>>
        %dma_wait3A_131 = arith.constant 0 : i32
        %dma_wait3A_132 = arith.constant 0 : i32
        %dma_wait3A_133 = tpu.memref_slice %arg2[%dma_wait3A_131, %dma_wait3A_132] : memref<10000x128xf32, #tpu.memory_space<hbm>> -> memref<10000x128xf32, #tpu.memory_space<hbm>>
        tpu.wait_indirect_dma semaphore(%arg15 : memref<!tpu.dma_semaphore, #tpu.memory_space<semaphore_mem>>) src(%dma_wait3A_133 : memref<10000x128xf32, #tpu.memory_space<hbm>>) dst(%arg11 : memref<128x128xf32, #tpu.memory_space<vmem>>)
        "tpu.region"() ({
          %run_scoped3A = tpu.sem_alloc : memref<!tpu.dma_semaphore, #tpu.memory_space<semaphore_mem>>
          %dma_start3A_142 = arith.constant 0 : i32
          %dma_start3A_143 = tpu.memref_slice %arg9[%add3A_127, %dma_start3A_142] : memref<32x128xi32, #tpu.memory_space<vmem>> -> memref<1x128xi32, #tpu.memory_space<vmem>>
          %dma_start3A_144 = tpu.memref_squeeze %dma_start3A_143 : memref<1x128xi32, #tpu.memory_space<vmem>> -> memref<128xi32, #tpu.memory_space<vmem>>
          %dma_start3A_145 = arith.constant 0 : i32
          %dma_start3A_146 = arith.constant 0 : i32
          %dma_start3A_147 = tpu.memref_slice %arg13[%dma_start3A_145, %dma_start3A_146] : memref<10240x128xf32, #tpu.memory_space<vmem_shared>> -> memref<10240x128xf32, #tpu.memory_space<vmem_shared>>
          tpu.enqueue_indirect_dma source(%arg11 : memref<128x128xf32, #tpu.memory_space<vmem>>) target(%dma_start3A_147 : memref<10240x128xf32, #tpu.memory_space<vmem_shared>>) offsets(%dma_start3A_144 : memref<128xi32, #tpu.memory_space<vmem>>) semaphore(%run_scoped3A : memref<!tpu.dma_semaphore, #tpu.memory_space<semaphore_mem>>) {add = true}
          %dma_wait3A_148 = arith.constant 0 : i32
          %dma_wait3A_149 = tpu.memref_slice %arg9[%add3A_127, %dma_wait3A_148] : memref<32x128xi32, #tpu.memory_space<vmem>> -> memref<1x128xi32, #tpu.memory_space<vmem>>
          %dma_wait3A_150 = tpu.memref_squeeze %dma_wait3A_149 : memref<1x128xi32, #tpu.memory_space<vmem>> -> memref<128xi32, #tpu.memory_space<vmem>>
          %dma_wait3A_151 = arith.constant 0 : i32
          %dma_wait3A_152 = arith.constant 0 : i32
          %dma_wait3A_153 = tpu.memref_slice %arg13[%dma_wait3A_151, %dma_wait3A_152] : memref<10240x128xf32, #tpu.memory_space<vmem_shared>> -> memref<10240x128xf32, #tpu.memory_space<vmem_shared>>
          tpu.wait_indirect_dma semaphore(%run_scoped3A : memref<!tpu.dma_semaphore, #tpu.memory_space<semaphore_mem>>) src(%arg11 : memref<128x128xf32, #tpu.memory_space<vmem>>) dst(%dma_wait3A_153 : memref<10240x128xf32, #tpu.memory_space<vmem_shared>>)
          tpu.yield
        }) : () -> ()
        %add3A_134 = arith.constant 2 : i32
        %add3A_135 = arith.addi %add3A_127, %add3A_134 : i32
        %lt3A_136 = arith.constant 32 : i32
        %lt3A_137 = arith.cmpi slt, %add3A_135, %lt3A_136 : i32
        %convert_element_type3A_138 = arith.extui %lt3A_137 : i1 to i32
        %cond3A_139 = arith.constant 0 : i32
        %cond3A_140 = arith.cmpi ne, %convert_element_type3A_138, %cond3A_139 : i32
        scf.if %cond3A_140 {
          %dma_start3A_142 = arith.constant 0 : i32
          %dma_start3A_143 = tpu.memref_slice %arg8[%add3A_135, %dma_start3A_142] : memref<32x128xi32, #tpu.memory_space<vmem>> -> memref<1x128xi32, #tpu.memory_space<vmem>>
          %dma_start3A_144 = tpu.memref_squeeze %dma_start3A_143 : memref<1x128xi32, #tpu.memory_space<vmem>> -> memref<128xi32, #tpu.memory_space<vmem>>
          %dma_start3A_145 = arith.constant 0 : i32
          %dma_start3A_146 = arith.constant 0 : i32
          %dma_start3A_147 = tpu.memref_slice %arg2[%dma_start3A_145, %dma_start3A_146] : memref<10000x128xf32, #tpu.memory_space<hbm>> -> memref<10000x128xf32, #tpu.memory_space<hbm>>
          tpu.enqueue_indirect_dma source(%dma_start3A_147 : memref<10000x128xf32, #tpu.memory_space<hbm>>) target(%arg11 : memref<128x128xf32, #tpu.memory_space<vmem>>) offsets(%dma_start3A_144 : memref<128xi32, #tpu.memory_space<vmem>>) semaphore(%arg15 : memref<!tpu.dma_semaphore, #tpu.memory_space<semaphore_mem>>)
        } else {
        }
        %scan3A_141 = arith.constant 0 : i32
        scf.yield %scan3A_141 : i32
      }
      %scan3A_65 = arith.constant 16 : i32
      "tpu.region"() ({
        %run_scoped3A = tpu.sem_alloc : memref<!tpu.dma_semaphore, #tpu.memory_space<semaphore_mem>>
        %dma_start3A_108 = arith.constant 64 : i32
        %dma_start3A_109 = arith.constant 0 : i32
        %dma_start3A_110 = tpu.memref_slice %arg3[%arg1, %dma_start3A_108, %dma_start3A_109] : memref<16x128x128xi32, #tpu.memory_space<hbm>> -> memref<1x32x128xi32, #tpu.memory_space<hbm>>
        %dma_start3A_111 = tpu.memref_squeeze %dma_start3A_110 : memref<1x32x128xi32, #tpu.memory_space<hbm>> -> memref<32x128xi32, #tpu.memory_space<hbm>>
        %dma_start3A_112 = arith.constant 64 : i32
        %dma_start3A_113 = arith.constant 0 : i32
        %dma_start3A_114 = tpu.memref_slice %arg3[%arg1, %dma_start3A_112, %dma_start3A_113] : memref<16x128x128xi32, #tpu.memory_space<hbm>> -> memref<1x32x128xi32, #tpu.memory_space<hbm>>
        %dma_start3A_115 = tpu.memref_squeeze %dma_start3A_114 : memref<1x32x128xi32, #tpu.memory_space<hbm>> -> memref<32x128xi32, #tpu.memory_space<hbm>>
        tpu.enqueue_dma source(%dma_start3A_115 : memref<32x128xi32, #tpu.memory_space<hbm>>) target(%arg8 : memref<32x128xi32, #tpu.memory_space<vmem>>) target_semaphore(%run_scoped3A : memref<!tpu.dma_semaphore, #tpu.memory_space<semaphore_mem>>)
        %dma_wait3A = arith.constant 64 : i32
        %dma_wait3A_116 = arith.constant 0 : i32
        %dma_wait3A_117 = tpu.memref_slice %arg3[%arg1, %dma_wait3A, %dma_wait3A_116] : memref<16x128x128xi32, #tpu.memory_space<hbm>> -> memref<1x32x128xi32, #tpu.memory_space<hbm>>
        %dma_wait3A_118 = tpu.memref_squeeze %dma_wait3A_117 : memref<1x32x128xi32, #tpu.memory_space<hbm>> -> memref<32x128xi32, #tpu.memory_space<hbm>>
        %dma_wait3A_119 = arith.constant 64 : i32
        %dma_wait3A_120 = arith.constant 0 : i32
        %dma_wait3A_121 = tpu.memref_slice %arg3[%arg1, %dma_wait3A_119, %dma_wait3A_120] : memref<16x128x128xi32, #tpu.memory_space<hbm>> -> memref<1x32x128xi32, #tpu.memory_space<hbm>>
        %dma_wait3A_122 = tpu.memref_squeeze %dma_wait3A_121 : memref<1x32x128xi32, #tpu.memory_space<hbm>> -> memref<32x128xi32, #tpu.memory_space<hbm>>
        tpu.wait_dma2 semaphore(%run_scoped3A : memref<!tpu.dma_semaphore, #tpu.memory_space<semaphore_mem>>) src(%dma_wait3A_122 : memref<32x128xi32, #tpu.memory_space<hbm>>) dst(%arg8 : memref<32x128xi32, #tpu.memory_space<vmem>>)
        tpu.yield
      }) : () -> ()
      "tpu.region"() ({
        %run_scoped3A = tpu.sem_alloc : memref<!tpu.dma_semaphore, #tpu.memory_space<semaphore_mem>>
        %dma_start3A_108 = arith.constant 64 : i32
        %dma_start3A_109 = arith.constant 0 : i32
        %dma_start3A_110 = tpu.memref_slice %arg4[%arg1, %dma_start3A_108, %dma_start3A_109] : memref<16x128x128xi32, #tpu.memory_space<hbm>> -> memref<1x32x128xi32, #tpu.memory_space<hbm>>
        %dma_start3A_111 = tpu.memref_squeeze %dma_start3A_110 : memref<1x32x128xi32, #tpu.memory_space<hbm>> -> memref<32x128xi32, #tpu.memory_space<hbm>>
        %dma_start3A_112 = arith.constant 64 : i32
        %dma_start3A_113 = arith.constant 0 : i32
        %dma_start3A_114 = tpu.memref_slice %arg4[%arg1, %dma_start3A_112, %dma_start3A_113] : memref<16x128x128xi32, #tpu.memory_space<hbm>> -> memref<1x32x128xi32, #tpu.memory_space<hbm>>
        %dma_start3A_115 = tpu.memref_squeeze %dma_start3A_114 : memref<1x32x128xi32, #tpu.memory_space<hbm>> -> memref<32x128xi32, #tpu.memory_space<hbm>>
        tpu.enqueue_dma source(%dma_start3A_115 : memref<32x128xi32, #tpu.memory_space<hbm>>) target(%arg9 : memref<32x128xi32, #tpu.memory_space<vmem>>) target_semaphore(%run_scoped3A : memref<!tpu.dma_semaphore, #tpu.memory_space<semaphore_mem>>)
        %dma_wait3A = arith.constant 64 : i32
        %dma_wait3A_116 = arith.constant 0 : i32
        %dma_wait3A_117 = tpu.memref_slice %arg4[%arg1, %dma_wait3A, %dma_wait3A_116] : memref<16x128x128xi32, #tpu.memory_space<hbm>> -> memref<1x32x128xi32, #tpu.memory_space<hbm>>
        %dma_wait3A_118 = tpu.memref_squeeze %dma_wait3A_117 : memref<1x32x128xi32, #tpu.memory_space<hbm>> -> memref<32x128xi32, #tpu.memory_space<hbm>>
        %dma_wait3A_119 = arith.constant 64 : i32
        %dma_wait3A_120 = arith.constant 0 : i32
        %dma_wait3A_121 = tpu.memref_slice %arg4[%arg1, %dma_wait3A_119, %dma_wait3A_120] : memref<16x128x128xi32, #tpu.memory_space<hbm>> -> memref<1x32x128xi32, #tpu.memory_space<hbm>>
        %dma_wait3A_122 = tpu.memref_squeeze %dma_wait3A_121 : memref<1x32x128xi32, #tpu.memory_space<hbm>> -> memref<32x128xi32, #tpu.memory_space<hbm>>
        tpu.wait_dma2 semaphore(%run_scoped3A : memref<!tpu.dma_semaphore, #tpu.memory_space<semaphore_mem>>) src(%dma_wait3A_122 : memref<32x128xi32, #tpu.memory_space<hbm>>) dst(%arg9 : memref<32x128xi32, #tpu.memory_space<vmem>>)
        tpu.yield
      }) : () -> ()
      %dma_start3A_66 = arith.constant 0 : i32
      %dma_start3A_67 = arith.constant 0 : i32
      %dma_start3A_68 = tpu.memref_slice %arg8[%dma_start3A_66, %dma_start3A_67] : memref<32x128xi32, #tpu.memory_space<vmem>> -> memref<1x128xi32, #tpu.memory_space<vmem>>
      %dma_start3A_69 = tpu.memref_squeeze %dma_start3A_68 : memref<1x128xi32, #tpu.memory_space<vmem>> -> memref<128xi32, #tpu.memory_space<vmem>>
      %dma_start3A_70 = arith.constant 0 : i32
      %dma_start3A_71 = arith.constant 0 : i32
      %dma_start3A_72 = tpu.memref_slice %arg2[%dma_start3A_70, %dma_start3A_71] : memref<10000x128xf32, #tpu.memory_space<hbm>> -> memref<10000x128xf32, #tpu.memory_space<hbm>>
      tpu.enqueue_indirect_dma source(%dma_start3A_72 : memref<10000x128xf32, #tpu.memory_space<hbm>>) target(%arg10 : memref<128x128xf32, #tpu.memory_space<vmem>>) offsets(%dma_start3A_69 : memref<128xi32, #tpu.memory_space<vmem>>) semaphore(%arg14 : memref<!tpu.dma_semaphore, #tpu.memory_space<semaphore_mem>>)
      %dma_start3A_73 = arith.constant 1 : i32
      %dma_start3A_74 = arith.constant 0 : i32
      %dma_start3A_75 = tpu.memref_slice %arg8[%dma_start3A_73, %dma_start3A_74] : memref<32x128xi32, #tpu.memory_space<vmem>> -> memref<1x128xi32, #tpu.memory_space<vmem>>
      %dma_start3A_76 = tpu.memref_squeeze %dma_start3A_75 : memref<1x128xi32, #tpu.memory_space<vmem>> -> memref<128xi32, #tpu.memory_space<vmem>>
      %dma_start3A_77 = arith.constant 0 : i32
      %dma_start3A_78 = arith.constant 0 : i32
      %dma_start3A_79 = tpu.memref_slice %arg2[%dma_start3A_77, %dma_start3A_78] : memref<10000x128xf32, #tpu.memory_space<hbm>> -> memref<10000x128xf32, #tpu.memory_space<hbm>>
      tpu.enqueue_indirect_dma source(%dma_start3A_79 : memref<10000x128xf32, #tpu.memory_space<hbm>>) target(%arg11 : memref<128x128xf32, #tpu.memory_space<vmem>>) offsets(%dma_start3A_76 : memref<128xi32, #tpu.memory_space<vmem>>) semaphore(%arg15 : memref<!tpu.dma_semaphore, #tpu.memory_space<semaphore_mem>>)
      %scan3A_80 = arith.constant 0 : i32
      %scan3A_81 = arith.constant 0 : i32
      %scan3A_82 = arith.constant 16 : i32
      %scan3A_83 = arith.addi %scan3A_81, %scan3A_82 : i32
      %scan3A_84 = arith.constant 1 : i32
      %scan3A_85 = scf.for %scan3A_108 = %scan3A_81 to %scan3A_83 step %scan3A_84 iter_args(%scan3A_109 = %scan3A_80) -> (i32)  : i32 {
        %mul3A_110 = arith.constant 2 : i32
        %mul3A_111 = arith.muli %scan3A_108, %mul3A_110 : i32
        %add3A = arith.constant 0 : i32
        %add3A_112 = arith.addi %mul3A_111, %add3A : i32
        %dma_wait3A = arith.constant 0 : i32
        %dma_wait3A_113 = tpu.memref_slice %arg8[%add3A_112, %dma_wait3A] : memref<32x128xi32, #tpu.memory_space<vmem>> -> memref<1x128xi32, #tpu.memory_space<vmem>>
        %dma_wait3A_114 = tpu.memref_squeeze %dma_wait3A_113 : memref<1x128xi32, #tpu.memory_space<vmem>> -> memref<128xi32, #tpu.memory_space<vmem>>
        %dma_wait3A_115 = arith.constant 0 : i32
        %dma_wait3A_116 = arith.constant 0 : i32
        %dma_wait3A_117 = tpu.memref_slice %arg2[%dma_wait3A_115, %dma_wait3A_116] : memref<10000x128xf32, #tpu.memory_space<hbm>> -> memref<10000x128xf32, #tpu.memory_space<hbm>>
        tpu.wait_indirect_dma semaphore(%arg14 : memref<!tpu.dma_semaphore, #tpu.memory_space<semaphore_mem>>) src(%dma_wait3A_117 : memref<10000x128xf32, #tpu.memory_space<hbm>>) dst(%arg10 : memref<128x128xf32, #tpu.memory_space<vmem>>)
        "tpu.region"() ({
          %run_scoped3A = tpu.sem_alloc : memref<!tpu.dma_semaphore, #tpu.memory_space<semaphore_mem>>
          %dma_start3A_142 = arith.constant 0 : i32
          %dma_start3A_143 = tpu.memref_slice %arg9[%add3A_112, %dma_start3A_142] : memref<32x128xi32, #tpu.memory_space<vmem>> -> memref<1x128xi32, #tpu.memory_space<vmem>>
          %dma_start3A_144 = tpu.memref_squeeze %dma_start3A_143 : memref<1x128xi32, #tpu.memory_space<vmem>> -> memref<128xi32, #tpu.memory_space<vmem>>
          %dma_start3A_145 = arith.constant 0 : i32
          %dma_start3A_146 = arith.constant 0 : i32
          %dma_start3A_147 = tpu.memref_slice %arg13[%dma_start3A_145, %dma_start3A_146] : memref<10240x128xf32, #tpu.memory_space<vmem_shared>> -> memref<10240x128xf32, #tpu.memory_space<vmem_shared>>
          tpu.enqueue_indirect_dma source(%arg10 : memref<128x128xf32, #tpu.memory_space<vmem>>) target(%dma_start3A_147 : memref<10240x128xf32, #tpu.memory_space<vmem_shared>>) offsets(%dma_start3A_144 : memref<128xi32, #tpu.memory_space<vmem>>) semaphore(%run_scoped3A : memref<!tpu.dma_semaphore, #tpu.memory_space<semaphore_mem>>) {add = true}
          %dma_wait3A_148 = arith.constant 0 : i32
          %dma_wait3A_149 = tpu.memref_slice %arg9[%add3A_112, %dma_wait3A_148] : memref<32x128xi32, #tpu.memory_space<vmem>> -> memref<1x128xi32, #tpu.memory_space<vmem>>
          %dma_wait3A_150 = tpu.memref_squeeze %dma_wait3A_149 : memref<1x128xi32, #tpu.memory_space<vmem>> -> memref<128xi32, #tpu.memory_space<vmem>>
          %dma_wait3A_151 = arith.constant 0 : i32
          %dma_wait3A_152 = arith.constant 0 : i32
          %dma_wait3A_153 = tpu.memref_slice %arg13[%dma_wait3A_151, %dma_wait3A_152] : memref<10240x128xf32, #tpu.memory_space<vmem_shared>> -> memref<10240x128xf32, #tpu.memory_space<vmem_shared>>
          tpu.wait_indirect_dma semaphore(%run_scoped3A : memref<!tpu.dma_semaphore, #tpu.memory_space<semaphore_mem>>) src(%arg10 : memref<128x128xf32, #tpu.memory_space<vmem>>) dst(%dma_wait3A_153 : memref<10240x128xf32, #tpu.memory_space<vmem_shared>>)
          tpu.yield
        }) : () -> ()
        %add3A_118 = arith.constant 2 : i32
        %add3A_119 = arith.addi %add3A_112, %add3A_118 : i32
        %lt3A = arith.constant 32 : i32
        %lt3A_120 = arith.cmpi slt, %add3A_119, %lt3A : i32
        %convert_element_type3A_121 = arith.extui %lt3A_120 : i1 to i32
        %cond3A_122 = arith.constant 0 : i32
        %cond3A_123 = arith.cmpi ne, %convert_element_type3A_121, %cond3A_122 : i32
        scf.if %cond3A_123 {
          %dma_start3A_142 = arith.constant 0 : i32
          %dma_start3A_143 = tpu.memref_slice %arg8[%add3A_119, %dma_start3A_142] : memref<32x128xi32, #tpu.memory_space<vmem>> -> memref<1x128xi32, #tpu.memory_space<vmem>>
          %dma_start3A_144 = tpu.memref_squeeze %dma_start3A_143 : memref<1x128xi32, #tpu.memory_space<vmem>> -> memref<128xi32, #tpu.memory_space<vmem>>
          %dma_start3A_145 = arith.constant 0 : i32
          %dma_start3A_146 = arith.constant 0 : i32
          %dma_start3A_147 = tpu.memref_slice %arg2[%dma_start3A_145, %dma_start3A_146] : memref<10000x128xf32, #tpu.memory_space<hbm>> -> memref<10000x128xf32, #tpu.memory_space<hbm>>
          tpu.enqueue_indirect_dma source(%dma_start3A_147 : memref<10000x128xf32, #tpu.memory_space<hbm>>) target(%arg10 : memref<128x128xf32, #tpu.memory_space<vmem>>) offsets(%dma_start3A_144 : memref<128xi32, #tpu.memory_space<vmem>>) semaphore(%arg14 : memref<!tpu.dma_semaphore, #tpu.memory_space<semaphore_mem>>)
        } else {
        }
        %mul3A_124 = arith.constant 2 : i32
        %mul3A_125 = arith.muli %scan3A_108, %mul3A_124 : i32
        %add3A_126 = arith.constant 1 : i32
        %add3A_127 = arith.addi %mul3A_125, %add3A_126 : i32
        %dma_wait3A_128 = arith.constant 0 : i32
        %dma_wait3A_129 = tpu.memref_slice %arg8[%add3A_127, %dma_wait3A_128] : memref<32x128xi32, #tpu.memory_space<vmem>> -> memref<1x128xi32, #tpu.memory_space<vmem>>
        %dma_wait3A_130 = tpu.memref_squeeze %dma_wait3A_129 : memref<1x128xi32, #tpu.memory_space<vmem>> -> memref<128xi32, #tpu.memory_space<vmem>>
        %dma_wait3A_131 = arith.constant 0 : i32
        %dma_wait3A_132 = arith.constant 0 : i32
        %dma_wait3A_133 = tpu.memref_slice %arg2[%dma_wait3A_131, %dma_wait3A_132] : memref<10000x128xf32, #tpu.memory_space<hbm>> -> memref<10000x128xf32, #tpu.memory_space<hbm>>
        tpu.wait_indirect_dma semaphore(%arg15 : memref<!tpu.dma_semaphore, #tpu.memory_space<semaphore_mem>>) src(%dma_wait3A_133 : memref<10000x128xf32, #tpu.memory_space<hbm>>) dst(%arg11 : memref<128x128xf32, #tpu.memory_space<vmem>>)
        "tpu.region"() ({
          %run_scoped3A = tpu.sem_alloc : memref<!tpu.dma_semaphore, #tpu.memory_space<semaphore_mem>>
          %dma_start3A_142 = arith.constant 0 : i32
          %dma_start3A_143 = tpu.memref_slice %arg9[%add3A_127, %dma_start3A_142] : memref<32x128xi32, #tpu.memory_space<vmem>> -> memref<1x128xi32, #tpu.memory_space<vmem>>
          %dma_start3A_144 = tpu.memref_squeeze %dma_start3A_143 : memref<1x128xi32, #tpu.memory_space<vmem>> -> memref<128xi32, #tpu.memory_space<vmem>>
          %dma_start3A_145 = arith.constant 0 : i32
          %dma_start3A_146 = arith.constant 0 : i32
          %dma_start3A_147 = tpu.memref_slice %arg13[%dma_start3A_145, %dma_start3A_146] : memref<10240x128xf32, #tpu.memory_space<vmem_shared>> -> memref<10240x128xf32, #tpu.memory_space<vmem_shared>>
          tpu.enqueue_indirect_dma source(%arg11 : memref<128x128xf32, #tpu.memory_space<vmem>>) target(%dma_start3A_147 : memref<10240x128xf32, #tpu.memory_space<vmem_shared>>) offsets(%dma_start3A_144 : memref<128xi32, #tpu.memory_space<vmem>>) semaphore(%run_scoped3A : memref<!tpu.dma_semaphore, #tpu.memory_space<semaphore_mem>>) {add = true}
          %dma_wait3A_148 = arith.constant 0 : i32
          %dma_wait3A_149 = tpu.memref_slice %arg9[%add3A_127, %dma_wait3A_148] : memref<32x128xi32, #tpu.memory_space<vmem>> -> memref<1x128xi32, #tpu.memory_space<vmem>>
          %dma_wait3A_150 = tpu.memref_squeeze %dma_wait3A_149 : memref<1x128xi32, #tpu.memory_space<vmem>> -> memref<128xi32, #tpu.memory_space<vmem>>
          %dma_wait3A_151 = arith.constant 0 : i32
          %dma_wait3A_152 = arith.constant 0 : i32
          %dma_wait3A_153 = tpu.memref_slice %arg13[%dma_wait3A_151, %dma_wait3A_152] : memref<10240x128xf32, #tpu.memory_space<vmem_shared>> -> memref<10240x128xf32, #tpu.memory_space<vmem_shared>>
          tpu.wait_indirect_dma semaphore(%run_scoped3A : memref<!tpu.dma_semaphore, #tpu.memory_space<semaphore_mem>>) src(%arg11 : memref<128x128xf32, #tpu.memory_space<vmem>>) dst(%dma_wait3A_153 : memref<10240x128xf32, #tpu.memory_space<vmem_shared>>)
          tpu.yield
        }) : () -> ()
        %add3A_134 = arith.constant 2 : i32
        %add3A_135 = arith.addi %add3A_127, %add3A_134 : i32
        %lt3A_136 = arith.constant 32 : i32
        %lt3A_137 = arith.cmpi slt, %add3A_135, %lt3A_136 : i32
        %convert_element_type3A_138 = arith.extui %lt3A_137 : i1 to i32
        %cond3A_139 = arith.constant 0 : i32
        %cond3A_140 = arith.cmpi ne, %convert_element_type3A_138, %cond3A_139 : i32
        scf.if %cond3A_140 {
          %dma_start3A_142 = arith.constant 0 : i32
          %dma_start3A_143 = tpu.memref_slice %arg8[%add3A_135, %dma_start3A_142] : memref<32x128xi32, #tpu.memory_space<vmem>> -> memref<1x128xi32, #tpu.memory_space<vmem>>
          %dma_start3A_144 = tpu.memref_squeeze %dma_start3A_143 : memref<1x128xi32, #tpu.memory_space<vmem>> -> memref<128xi32, #tpu.memory_space<vmem>>
          %dma_start3A_145 = arith.constant 0 : i32
          %dma_start3A_146 = arith.constant 0 : i32
          %dma_start3A_147 = tpu.memref_slice %arg2[%dma_start3A_145, %dma_start3A_146] : memref<10000x128xf32, #tpu.memory_space<hbm>> -> memref<10000x128xf32, #tpu.memory_space<hbm>>
          tpu.enqueue_indirect_dma source(%dma_start3A_147 : memref<10000x128xf32, #tpu.memory_space<hbm>>) target(%arg11 : memref<128x128xf32, #tpu.memory_space<vmem>>) offsets(%dma_start3A_144 : memref<128xi32, #tpu.memory_space<vmem>>) semaphore(%arg15 : memref<!tpu.dma_semaphore, #tpu.memory_space<semaphore_mem>>)
        } else {
        }
        %scan3A_141 = arith.constant 0 : i32
        scf.yield %scan3A_141 : i32
      }
      %scan3A_86 = arith.constant 16 : i32
      "tpu.region"() ({
        %run_scoped3A = tpu.sem_alloc : memref<!tpu.dma_semaphore, #tpu.memory_space<semaphore_mem>>
        %dma_start3A_108 = arith.constant 96 : i32
        %dma_start3A_109 = arith.constant 0 : i32
        %dma_start3A_110 = tpu.memref_slice %arg3[%arg1, %dma_start3A_108, %dma_start3A_109] : memref<16x128x128xi32, #tpu.memory_space<hbm>> -> memref<1x32x128xi32, #tpu.memory_space<hbm>>
        %dma_start3A_111 = tpu.memref_squeeze %dma_start3A_110 : memref<1x32x128xi32, #tpu.memory_space<hbm>> -> memref<32x128xi32, #tpu.memory_space<hbm>>
        %dma_start3A_112 = arith.constant 96 : i32
        %dma_start3A_113 = arith.constant 0 : i32
        %dma_start3A_114 = tpu.memref_slice %arg3[%arg1, %dma_start3A_112, %dma_start3A_113] : memref<16x128x128xi32, #tpu.memory_space<hbm>> -> memref<1x32x128xi32, #tpu.memory_space<hbm>>
        %dma_start3A_115 = tpu.memref_squeeze %dma_start3A_114 : memref<1x32x128xi32, #tpu.memory_space<hbm>> -> memref<32x128xi32, #tpu.memory_space<hbm>>
        tpu.enqueue_dma source(%dma_start3A_115 : memref<32x128xi32, #tpu.memory_space<hbm>>) target(%arg8 : memref<32x128xi32, #tpu.memory_space<vmem>>) target_semaphore(%run_scoped3A : memref<!tpu.dma_semaphore, #tpu.memory_space<semaphore_mem>>)
        %dma_wait3A = arith.constant 96 : i32
        %dma_wait3A_116 = arith.constant 0 : i32
        %dma_wait3A_117 = tpu.memref_slice %arg3[%arg1, %dma_wait3A, %dma_wait3A_116] : memref<16x128x128xi32, #tpu.memory_space<hbm>> -> memref<1x32x128xi32, #tpu.memory_space<hbm>>
        %dma_wait3A_118 = tpu.memref_squeeze %dma_wait3A_117 : memref<1x32x128xi32, #tpu.memory_space<hbm>> -> memref<32x128xi32, #tpu.memory_space<hbm>>
        %dma_wait3A_119 = arith.constant 96 : i32
        %dma_wait3A_120 = arith.constant 0 : i32
        %dma_wait3A_121 = tpu.memref_slice %arg3[%arg1, %dma_wait3A_119, %dma_wait3A_120] : memref<16x128x128xi32, #tpu.memory_space<hbm>> -> memref<1x32x128xi32, #tpu.memory_space<hbm>>
        %dma_wait3A_122 = tpu.memref_squeeze %dma_wait3A_121 : memref<1x32x128xi32, #tpu.memory_space<hbm>> -> memref<32x128xi32, #tpu.memory_space<hbm>>
        tpu.wait_dma2 semaphore(%run_scoped3A : memref<!tpu.dma_semaphore, #tpu.memory_space<semaphore_mem>>) src(%dma_wait3A_122 : memref<32x128xi32, #tpu.memory_space<hbm>>) dst(%arg8 : memref<32x128xi32, #tpu.memory_space<vmem>>)
        tpu.yield
      }) : () -> ()
      "tpu.region"() ({
        %run_scoped3A = tpu.sem_alloc : memref<!tpu.dma_semaphore, #tpu.memory_space<semaphore_mem>>
        %dma_start3A_108 = arith.constant 96 : i32
        %dma_start3A_109 = arith.constant 0 : i32
        %dma_start3A_110 = tpu.memref_slice %arg4[%arg1, %dma_start3A_108, %dma_start3A_109] : memref<16x128x128xi32, #tpu.memory_space<hbm>> -> memref<1x32x128xi32, #tpu.memory_space<hbm>>
        %dma_start3A_111 = tpu.memref_squeeze %dma_start3A_110 : memref<1x32x128xi32, #tpu.memory_space<hbm>> -> memref<32x128xi32, #tpu.memory_space<hbm>>
        %dma_start3A_112 = arith.constant 96 : i32
        %dma_start3A_113 = arith.constant 0 : i32
        %dma_start3A_114 = tpu.memref_slice %arg4[%arg1, %dma_start3A_112, %dma_start3A_113] : memref<16x128x128xi32, #tpu.memory_space<hbm>> -> memref<1x32x128xi32, #tpu.memory_space<hbm>>
        %dma_start3A_115 = tpu.memref_squeeze %dma_start3A_114 : memref<1x32x128xi32, #tpu.memory_space<hbm>> -> memref<32x128xi32, #tpu.memory_space<hbm>>
        tpu.enqueue_dma source(%dma_start3A_115 : memref<32x128xi32, #tpu.memory_space<hbm>>) target(%arg9 : memref<32x128xi32, #tpu.memory_space<vmem>>) target_semaphore(%run_scoped3A : memref<!tpu.dma_semaphore, #tpu.memory_space<semaphore_mem>>)
        %dma_wait3A = arith.constant 96 : i32
        %dma_wait3A_116 = arith.constant 0 : i32
        %dma_wait3A_117 = tpu.memref_slice %arg4[%arg1, %dma_wait3A, %dma_wait3A_116] : memref<16x128x128xi32, #tpu.memory_space<hbm>> -> memref<1x32x128xi32, #tpu.memory_space<hbm>>
        %dma_wait3A_118 = tpu.memref_squeeze %dma_wait3A_117 : memref<1x32x128xi32, #tpu.memory_space<hbm>> -> memref<32x128xi32, #tpu.memory_space<hbm>>
        %dma_wait3A_119 = arith.constant 96 : i32
        %dma_wait3A_120 = arith.constant 0 : i32
        %dma_wait3A_121 = tpu.memref_slice %arg4[%arg1, %dma_wait3A_119, %dma_wait3A_120] : memref<16x128x128xi32, #tpu.memory_space<hbm>> -> memref<1x32x128xi32, #tpu.memory_space<hbm>>
        %dma_wait3A_122 = tpu.memref_squeeze %dma_wait3A_121 : memref<1x32x128xi32, #tpu.memory_space<hbm>> -> memref<32x128xi32, #tpu.memory_space<hbm>>
        tpu.wait_dma2 semaphore(%run_scoped3A : memref<!tpu.dma_semaphore, #tpu.memory_space<semaphore_mem>>) src(%dma_wait3A_122 : memref<32x128xi32, #tpu.memory_space<hbm>>) dst(%arg9 : memref<32x128xi32, #tpu.memory_space<vmem>>)
        tpu.yield
      }) : () -> ()
      %dma_start3A_87 = arith.constant 0 : i32
      %dma_start3A_88 = arith.constant 0 : i32
      %dma_start3A_89 = tpu.memref_slice %arg8[%dma_start3A_87, %dma_start3A_88] : memref<32x128xi32, #tpu.memory_space<vmem>> -> memref<1x128xi32, #tpu.memory_space<vmem>>
      %dma_start3A_90 = tpu.memref_squeeze %dma_start3A_89 : memref<1x128xi32, #tpu.memory_space<vmem>> -> memref<128xi32, #tpu.memory_space<vmem>>
      %dma_start3A_91 = arith.constant 0 : i32
      %dma_start3A_92 = arith.constant 0 : i32
      %dma_start3A_93 = tpu.memref_slice %arg2[%dma_start3A_91, %dma_start3A_92] : memref<10000x128xf32, #tpu.memory_space<hbm>> -> memref<10000x128xf32, #tpu.memory_space<hbm>>
      tpu.enqueue_indirect_dma source(%dma_start3A_93 : memref<10000x128xf32, #tpu.memory_space<hbm>>) target(%arg10 : memref<128x128xf32, #tpu.memory_space<vmem>>) offsets(%dma_start3A_90 : memref<128xi32, #tpu.memory_space<vmem>>) semaphore(%arg14 : memref<!tpu.dma_semaphore, #tpu.memory_space<semaphore_mem>>)
      %dma_start3A_94 = arith.constant 1 : i32
      %dma_start3A_95 = arith.constant 0 : i32
      %dma_start3A_96 = tpu.memref_slice %arg8[%dma_start3A_94, %dma_start3A_95] : memref<32x128xi32, #tpu.memory_space<vmem>> -> memref<1x128xi32, #tpu.memory_space<vmem>>
      %dma_start3A_97 = tpu.memref_squeeze %dma_start3A_96 : memref<1x128xi32, #tpu.memory_space<vmem>> -> memref<128xi32, #tpu.memory_space<vmem>>
      %dma_start3A_98 = arith.constant 0 : i32
      %dma_start3A_99 = arith.constant 0 : i32
      %dma_start3A_100 = tpu.memref_slice %arg2[%dma_start3A_98, %dma_start3A_99] : memref<10000x128xf32, #tpu.memory_space<hbm>> -> memref<10000x128xf32, #tpu.memory_space<hbm>>
      tpu.enqueue_indirect_dma source(%dma_start3A_100 : memref<10000x128xf32, #tpu.memory_space<hbm>>) target(%arg11 : memref<128x128xf32, #tpu.memory_space<vmem>>) offsets(%dma_start3A_97 : memref<128xi32, #tpu.memory_space<vmem>>) semaphore(%arg15 : memref<!tpu.dma_semaphore, #tpu.memory_space<semaphore_mem>>)
      %scan3A_101 = arith.constant 0 : i32
      %scan3A_102 = arith.constant 0 : i32
      %scan3A_103 = arith.constant 16 : i32
      %scan3A_104 = arith.addi %scan3A_102, %scan3A_103 : i32
      %scan3A_105 = arith.constant 1 : i32
      %scan3A_106 = scf.for %scan3A_108 = %scan3A_102 to %scan3A_104 step %scan3A_105 iter_args(%scan3A_109 = %scan3A_101) -> (i32)  : i32 {
        %mul3A_110 = arith.constant 2 : i32
        %mul3A_111 = arith.muli %scan3A_108, %mul3A_110 : i32
        %add3A = arith.constant 0 : i32
        %add3A_112 = arith.addi %mul3A_111, %add3A : i32
        %dma_wait3A = arith.constant 0 : i32
        %dma_wait3A_113 = tpu.memref_slice %arg8[%add3A_112, %dma_wait3A] : memref<32x128xi32, #tpu.memory_space<vmem>> -> memref<1x128xi32, #tpu.memory_space<vmem>>
        %dma_wait3A_114 = tpu.memref_squeeze %dma_wait3A_113 : memref<1x128xi32, #tpu.memory_space<vmem>> -> memref<128xi32, #tpu.memory_space<vmem>>
        %dma_wait3A_115 = arith.constant 0 : i32
        %dma_wait3A_116 = arith.constant 0 : i32
        %dma_wait3A_117 = tpu.memref_slice %arg2[%dma_wait3A_115, %dma_wait3A_116] : memref<10000x128xf32, #tpu.memory_space<hbm>> -> memref<10000x128xf32, #tpu.memory_space<hbm>>
        tpu.wait_indirect_dma semaphore(%arg14 : memref<!tpu.dma_semaphore, #tpu.memory_space<semaphore_mem>>) src(%dma_wait3A_117 : memref<10000x128xf32, #tpu.memory_space<hbm>>) dst(%arg10 : memref<128x128xf32, #tpu.memory_space<vmem>>)
        "tpu.region"() ({
          %run_scoped3A = tpu.sem_alloc : memref<!tpu.dma_semaphore, #tpu.memory_space<semaphore_mem>>
          %dma_start3A_142 = arith.constant 0 : i32
          %dma_start3A_143 = tpu.memref_slice %arg9[%add3A_112, %dma_start3A_142] : memref<32x128xi32, #tpu.memory_space<vmem>> -> memref<1x128xi32, #tpu.memory_space<vmem>>
          %dma_start3A_144 = tpu.memref_squeeze %dma_start3A_143 : memref<1x128xi32, #tpu.memory_space<vmem>> -> memref<128xi32, #tpu.memory_space<vmem>>
          %dma_start3A_145 = arith.constant 0 : i32
          %dma_start3A_146 = arith.constant 0 : i32
          %dma_start3A_147 = tpu.memref_slice %arg13[%dma_start3A_145, %dma_start3A_146] : memref<10240x128xf32, #tpu.memory_space<vmem_shared>> -> memref<10240x128xf32, #tpu.memory_space<vmem_shared>>
          tpu.enqueue_indirect_dma source(%arg10 : memref<128x128xf32, #tpu.memory_space<vmem>>) target(%dma_start3A_147 : memref<10240x128xf32, #tpu.memory_space<vmem_shared>>) offsets(%dma_start3A_144 : memref<128xi32, #tpu.memory_space<vmem>>) semaphore(%run_scoped3A : memref<!tpu.dma_semaphore, #tpu.memory_space<semaphore_mem>>) {add = true}
          %dma_wait3A_148 = arith.constant 0 : i32
          %dma_wait3A_149 = tpu.memref_slice %arg9[%add3A_112, %dma_wait3A_148] : memref<32x128xi32, #tpu.memory_space<vmem>> -> memref<1x128xi32, #tpu.memory_space<vmem>>
          %dma_wait3A_150 = tpu.memref_squeeze %dma_wait3A_149 : memref<1x128xi32, #tpu.memory_space<vmem>> -> memref<128xi32, #tpu.memory_space<vmem>>
          %dma_wait3A_151 = arith.constant 0 : i32
          %dma_wait3A_152 = arith.constant 0 : i32
          %dma_wait3A_153 = tpu.memref_slice %arg13[%dma_wait3A_151, %dma_wait3A_152] : memref<10240x128xf32, #tpu.memory_space<vmem_shared>> -> memref<10240x128xf32, #tpu.memory_space<vmem_shared>>
          tpu.wait_indirect_dma semaphore(%run_scoped3A : memref<!tpu.dma_semaphore, #tpu.memory_space<semaphore_mem>>) src(%arg10 : memref<128x128xf32, #tpu.memory_space<vmem>>) dst(%dma_wait3A_153 : memref<10240x128xf32, #tpu.memory_space<vmem_shared>>)
          tpu.yield
        }) : () -> ()
        %add3A_118 = arith.constant 2 : i32
        %add3A_119 = arith.addi %add3A_112, %add3A_118 : i32
        %lt3A = arith.constant 32 : i32
        %lt3A_120 = arith.cmpi slt, %add3A_119, %lt3A : i32
        %convert_element_type3A_121 = arith.extui %lt3A_120 : i1 to i32
        %cond3A_122 = arith.constant 0 : i32
        %cond3A_123 = arith.cmpi ne, %convert_element_type3A_121, %cond3A_122 : i32
        scf.if %cond3A_123 {
          %dma_start3A_142 = arith.constant 0 : i32
          %dma_start3A_143 = tpu.memref_slice %arg8[%add3A_119, %dma_start3A_142] : memref<32x128xi32, #tpu.memory_space<vmem>> -> memref<1x128xi32, #tpu.memory_space<vmem>>
          %dma_start3A_144 = tpu.memref_squeeze %dma_start3A_143 : memref<1x128xi32, #tpu.memory_space<vmem>> -> memref<128xi32, #tpu.memory_space<vmem>>
          %dma_start3A_145 = arith.constant 0 : i32
          %dma_start3A_146 = arith.constant 0 : i32
          %dma_start3A_147 = tpu.memref_slice %arg2[%dma_start3A_145, %dma_start3A_146] : memref<10000x128xf32, #tpu.memory_space<hbm>> -> memref<10000x128xf32, #tpu.memory_space<hbm>>
          tpu.enqueue_indirect_dma source(%dma_start3A_147 : memref<10000x128xf32, #tpu.memory_space<hbm>>) target(%arg10 : memref<128x128xf32, #tpu.memory_space<vmem>>) offsets(%dma_start3A_144 : memref<128xi32, #tpu.memory_space<vmem>>) semaphore(%arg14 : memref<!tpu.dma_semaphore, #tpu.memory_space<semaphore_mem>>)
        } else {
        }
        %mul3A_124 = arith.constant 2 : i32
        %mul3A_125 = arith.muli %scan3A_108, %mul3A_124 : i32
        %add3A_126 = arith.constant 1 : i32
        %add3A_127 = arith.addi %mul3A_125, %add3A_126 : i32
        %dma_wait3A_128 = arith.constant 0 : i32
        %dma_wait3A_129 = tpu.memref_slice %arg8[%add3A_127, %dma_wait3A_128] : memref<32x128xi32, #tpu.memory_space<vmem>> -> memref<1x128xi32, #tpu.memory_space<vmem>>
        %dma_wait3A_130 = tpu.memref_squeeze %dma_wait3A_129 : memref<1x128xi32, #tpu.memory_space<vmem>> -> memref<128xi32, #tpu.memory_space<vmem>>
        %dma_wait3A_131 = arith.constant 0 : i32
        %dma_wait3A_132 = arith.constant 0 : i32
        %dma_wait3A_133 = tpu.memref_slice %arg2[%dma_wait3A_131, %dma_wait3A_132] : memref<10000x128xf32, #tpu.memory_space<hbm>> -> memref<10000x128xf32, #tpu.memory_space<hbm>>
        tpu.wait_indirect_dma semaphore(%arg15 : memref<!tpu.dma_semaphore, #tpu.memory_space<semaphore_mem>>) src(%dma_wait3A_133 : memref<10000x128xf32, #tpu.memory_space<hbm>>) dst(%arg11 : memref<128x128xf32, #tpu.memory_space<vmem>>)
        "tpu.region"() ({
          %run_scoped3A = tpu.sem_alloc : memref<!tpu.dma_semaphore, #tpu.memory_space<semaphore_mem>>
          %dma_start3A_142 = arith.constant 0 : i32
          %dma_start3A_143 = tpu.memref_slice %arg9[%add3A_127, %dma_start3A_142] : memref<32x128xi32, #tpu.memory_space<vmem>> -> memref<1x128xi32, #tpu.memory_space<vmem>>
          %dma_start3A_144 = tpu.memref_squeeze %dma_start3A_143 : memref<1x128xi32, #tpu.memory_space<vmem>> -> memref<128xi32, #tpu.memory_space<vmem>>
          %dma_start3A_145 = arith.constant 0 : i32
          %dma_start3A_146 = arith.constant 0 : i32
          %dma_start3A_147 = tpu.memref_slice %arg13[%dma_start3A_145, %dma_start3A_146] : memref<10240x128xf32, #tpu.memory_space<vmem_shared>> -> memref<10240x128xf32, #tpu.memory_space<vmem_shared>>
          tpu.enqueue_indirect_dma source(%arg11 : memref<128x128xf32, #tpu.memory_space<vmem>>) target(%dma_start3A_147 : memref<10240x128xf32, #tpu.memory_space<vmem_shared>>) offsets(%dma_start3A_144 : memref<128xi32, #tpu.memory_space<vmem>>) semaphore(%run_scoped3A : memref<!tpu.dma_semaphore, #tpu.memory_space<semaphore_mem>>) {add = true}
          %dma_wait3A_148 = arith.constant 0 : i32
          %dma_wait3A_149 = tpu.memref_slice %arg9[%add3A_127, %dma_wait3A_148] : memref<32x128xi32, #tpu.memory_space<vmem>> -> memref<1x128xi32, #tpu.memory_space<vmem>>
          %dma_wait3A_150 = tpu.memref_squeeze %dma_wait3A_149 : memref<1x128xi32, #tpu.memory_space<vmem>> -> memref<128xi32, #tpu.memory_space<vmem>>
          %dma_wait3A_151 = arith.constant 0 : i32
          %dma_wait3A_152 = arith.constant 0 : i32
          %dma_wait3A_153 = tpu.memref_slice %arg13[%dma_wait3A_151, %dma_wait3A_152] : memref<10240x128xf32, #tpu.memory_space<vmem_shared>> -> memref<10240x128xf32, #tpu.memory_space<vmem_shared>>
          tpu.wait_indirect_dma semaphore(%run_scoped3A : memref<!tpu.dma_semaphore, #tpu.memory_space<semaphore_mem>>) src(%arg11 : memref<128x128xf32, #tpu.memory_space<vmem>>) dst(%dma_wait3A_153 : memref<10240x128xf32, #tpu.memory_space<vmem_shared>>)
          tpu.yield
        }) : () -> ()
        %add3A_134 = arith.constant 2 : i32
        %add3A_135 = arith.addi %add3A_127, %add3A_134 : i32
        %lt3A_136 = arith.constant 32 : i32
        %lt3A_137 = arith.cmpi slt, %add3A_135, %lt3A_136 : i32
        %convert_element_type3A_138 = arith.extui %lt3A_137 : i1 to i32
        %cond3A_139 = arith.constant 0 : i32
        %cond3A_140 = arith.cmpi ne, %convert_element_type3A_138, %cond3A_139 : i32
        scf.if %cond3A_140 {
          %dma_start3A_142 = arith.constant 0 : i32
          %dma_start3A_143 = tpu.memref_slice %arg8[%add3A_135, %dma_start3A_142] : memref<32x128xi32, #tpu.memory_space<vmem>> -> memref<1x128xi32, #tpu.memory_space<vmem>>
          %dma_start3A_144 = tpu.memref_squeeze %dma_start3A_143 : memref<1x128xi32, #tpu.memory_space<vmem>> -> memref<128xi32, #tpu.memory_space<vmem>>
          %dma_start3A_145 = arith.constant 0 : i32
          %dma_start3A_146 = arith.constant 0 : i32
          %dma_start3A_147 = tpu.memref_slice %arg2[%dma_start3A_145, %dma_start3A_146] : memref<10000x128xf32, #tpu.memory_space<hbm>> -> memref<10000x128xf32, #tpu.memory_space<hbm>>
          tpu.enqueue_indirect_dma source(%dma_start3A_147 : memref<10000x128xf32, #tpu.memory_space<hbm>>) target(%arg11 : memref<128x128xf32, #tpu.memory_space<vmem>>) offsets(%dma_start3A_144 : memref<128xi32, #tpu.memory_space<vmem>>) semaphore(%arg15 : memref<!tpu.dma_semaphore, #tpu.memory_space<semaphore_mem>>)
        } else {
        }
        %scan3A_141 = arith.constant 0 : i32
        scf.yield %scan3A_141 : i32
      }
      %scan3A_107 = arith.constant 16 : i32
    } else {
    }
    %eq3A_16 = arith.constant 1 : i32
    %eq3A_17 = arith.cmpi eq, %arg0, %eq3A_16 : i32
    %convert_element_type3A_18 = arith.extui %eq3A_17 : i1 to i32
    %cond3A_19 = arith.constant 0 : i32
    %cond3A_20 = arith.cmpi ne, %convert_element_type3A_18, %cond3A_19 : i32
    scf.if %cond3A_20 {
      "tpu.region"() ({
        %run_scoped3A = tpu.sem_alloc : memref<!tpu.dma_semaphore, #tpu.memory_space<semaphore_mem>>
        %dma_start3A_45 = arith.constant 0 : i32
        %dma_start3A_46 = arith.constant 0 : i32
        %dma_start3A_47 = tpu.memref_slice %arg5[%arg1, %dma_start3A_45, %dma_start3A_46] : memref<16x32x128xi32, #tpu.memory_space<hbm>> -> memref<1x32x128xi32, #tpu.memory_space<hbm>>
        %dma_start3A_48 = tpu.memref_squeeze %dma_start3A_47 : memref<1x32x128xi32, #tpu.memory_space<hbm>> -> memref<32x128xi32, #tpu.memory_space<hbm>>
        %dma_start3A_49 = arith.constant 0 : i32
        %dma_start3A_50 = arith.constant 0 : i32
        %dma_start3A_51 = tpu.memref_slice %arg5[%arg1, %dma_start3A_49, %dma_start3A_50] : memref<16x32x128xi32, #tpu.memory_space<hbm>> -> memref<1x32x128xi32, #tpu.memory_space<hbm>>
        %dma_start3A_52 = tpu.memref_squeeze %dma_start3A_51 : memref<1x32x128xi32, #tpu.memory_space<hbm>> -> memref<32x128xi32, #tpu.memory_space<hbm>>
        tpu.enqueue_dma source(%dma_start3A_52 : memref<32x128xi32, #tpu.memory_space<hbm>>) target(%arg8 : memref<32x128xi32, #tpu.memory_space<vmem>>) target_semaphore(%run_scoped3A : memref<!tpu.dma_semaphore, #tpu.memory_space<semaphore_mem>>)
        %dma_wait3A = arith.constant 0 : i32
        %dma_wait3A_53 = arith.constant 0 : i32
        %dma_wait3A_54 = tpu.memref_slice %arg5[%arg1, %dma_wait3A, %dma_wait3A_53] : memref<16x32x128xi32, #tpu.memory_space<hbm>> -> memref<1x32x128xi32, #tpu.memory_space<hbm>>
        %dma_wait3A_55 = tpu.memref_squeeze %dma_wait3A_54 : memref<1x32x128xi32, #tpu.memory_space<hbm>> -> memref<32x128xi32, #tpu.memory_space<hbm>>
        %dma_wait3A_56 = arith.constant 0 : i32
        %dma_wait3A_57 = arith.constant 0 : i32
        %dma_wait3A_58 = tpu.memref_slice %arg5[%arg1, %dma_wait3A_56, %dma_wait3A_57] : memref<16x32x128xi32, #tpu.memory_space<hbm>> -> memref<1x32x128xi32, #tpu.memory_space<hbm>>
        %dma_wait3A_59 = tpu.memref_squeeze %dma_wait3A_58 : memref<1x32x128xi32, #tpu.memory_space<hbm>> -> memref<32x128xi32, #tpu.memory_space<hbm>>
        tpu.wait_dma2 semaphore(%run_scoped3A : memref<!tpu.dma_semaphore, #tpu.memory_space<semaphore_mem>>) src(%dma_wait3A_59 : memref<32x128xi32, #tpu.memory_space<hbm>>) dst(%arg8 : memref<32x128xi32, #tpu.memory_space<vmem>>)
        tpu.yield
      }) : () -> ()
      "tpu.region"() ({
        %run_scoped3A = tpu.sem_alloc : memref<!tpu.dma_semaphore, #tpu.memory_space<semaphore_mem>>
        %dma_start3A_45 = arith.constant 0 : i32
        %dma_start3A_46 = arith.constant 0 : i32
        %dma_start3A_47 = tpu.memref_slice %arg6[%arg1, %dma_start3A_45, %dma_start3A_46] : memref<16x32x128xi32, #tpu.memory_space<hbm>> -> memref<1x32x128xi32, #tpu.memory_space<hbm>>
        %dma_start3A_48 = tpu.memref_squeeze %dma_start3A_47 : memref<1x32x128xi32, #tpu.memory_space<hbm>> -> memref<32x128xi32, #tpu.memory_space<hbm>>
        %dma_start3A_49 = arith.constant 0 : i32
        %dma_start3A_50 = arith.constant 0 : i32
        %dma_start3A_51 = tpu.memref_slice %arg6[%arg1, %dma_start3A_49, %dma_start3A_50] : memref<16x32x128xi32, #tpu.memory_space<hbm>> -> memref<1x32x128xi32, #tpu.memory_space<hbm>>
        %dma_start3A_52 = tpu.memref_squeeze %dma_start3A_51 : memref<1x32x128xi32, #tpu.memory_space<hbm>> -> memref<32x128xi32, #tpu.memory_space<hbm>>
        tpu.enqueue_dma source(%dma_start3A_52 : memref<32x128xi32, #tpu.memory_space<hbm>>) target(%arg9 : memref<32x128xi32, #tpu.memory_space<vmem>>) target_semaphore(%run_scoped3A : memref<!tpu.dma_semaphore, #tpu.memory_space<semaphore_mem>>)
        %dma_wait3A = arith.constant 0 : i32
        %dma_wait3A_53 = arith.constant 0 : i32
        %dma_wait3A_54 = tpu.memref_slice %arg6[%arg1, %dma_wait3A, %dma_wait3A_53] : memref<16x32x128xi32, #tpu.memory_space<hbm>> -> memref<1x32x128xi32, #tpu.memory_space<hbm>>
        %dma_wait3A_55 = tpu.memref_squeeze %dma_wait3A_54 : memref<1x32x128xi32, #tpu.memory_space<hbm>> -> memref<32x128xi32, #tpu.memory_space<hbm>>
        %dma_wait3A_56 = arith.constant 0 : i32
        %dma_wait3A_57 = arith.constant 0 : i32
        %dma_wait3A_58 = tpu.memref_slice %arg6[%arg1, %dma_wait3A_56, %dma_wait3A_57] : memref<16x32x128xi32, #tpu.memory_space<hbm>> -> memref<1x32x128xi32, #tpu.memory_space<hbm>>
        %dma_wait3A_59 = tpu.memref_squeeze %dma_wait3A_58 : memref<1x32x128xi32, #tpu.memory_space<hbm>> -> memref<32x128xi32, #tpu.memory_space<hbm>>
        tpu.wait_dma2 semaphore(%run_scoped3A : memref<!tpu.dma_semaphore, #tpu.memory_space<semaphore_mem>>) src(%dma_wait3A_59 : memref<32x128xi32, #tpu.memory_space<hbm>>) dst(%arg9 : memref<32x128xi32, #tpu.memory_space<vmem>>)
        tpu.yield
      }) : () -> ()
      %dma_start3A = arith.constant 0 : i32
      %dma_start3A_25 = arith.constant 0 : i32
      %dma_start3A_26 = tpu.memref_slice %arg8[%dma_start3A, %dma_start3A_25] : memref<32x128xi32, #tpu.memory_space<vmem>> -> memref<1x128xi32, #tpu.memory_space<vmem>>
      %dma_start3A_27 = tpu.memref_squeeze %dma_start3A_26 : memref<1x128xi32, #tpu.memory_space<vmem>> -> memref<128xi32, #tpu.memory_space<vmem>>
      %dma_start3A_28 = arith.constant 0 : i32
      %dma_start3A_29 = arith.constant 0 : i32
      %dma_start3A_30 = tpu.memref_slice %arg2[%dma_start3A_28, %dma_start3A_29] : memref<10000x128xf32, #tpu.memory_space<hbm>> -> memref<10000x128xf32, #tpu.memory_space<hbm>>
      tpu.enqueue_indirect_dma source(%dma_start3A_30 : memref<10000x128xf32, #tpu.memory_space<hbm>>) target(%arg10 : memref<128x128xf32, #tpu.memory_space<vmem>>) offsets(%dma_start3A_27 : memref<128xi32, #tpu.memory_space<vmem>>) semaphore(%arg14 : memref<!tpu.dma_semaphore, #tpu.memory_space<semaphore_mem>>)
      %dma_start3A_31 = arith.constant 1 : i32
      %dma_start3A_32 = arith.constant 0 : i32
      %dma_start3A_33 = tpu.memref_slice %arg8[%dma_start3A_31, %dma_start3A_32] : memref<32x128xi32, #tpu.memory_space<vmem>> -> memref<1x128xi32, #tpu.memory_space<vmem>>
      %dma_start3A_34 = tpu.memref_squeeze %dma_start3A_33 : memref<1x128xi32, #tpu.memory_space<vmem>> -> memref<128xi32, #tpu.memory_space<vmem>>
      %dma_start3A_35 = arith.constant 0 : i32
      %dma_start3A_36 = arith.constant 0 : i32
      %dma_start3A_37 = tpu.memref_slice %arg2[%dma_start3A_35, %dma_start3A_36] : memref<10000x128xf32, #tpu.memory_space<hbm>> -> memref<10000x128xf32, #tpu.memory_space<hbm>>
      tpu.enqueue_indirect_dma source(%dma_start3A_37 : memref<10000x128xf32, #tpu.memory_space<hbm>>) target(%arg11 : memref<128x128xf32, #tpu.memory_space<vmem>>) offsets(%dma_start3A_34 : memref<128xi32, #tpu.memory_space<vmem>>) semaphore(%arg15 : memref<!tpu.dma_semaphore, #tpu.memory_space<semaphore_mem>>)
      %scan3A_38 = arith.constant 0 : i32
      %scan3A_39 = arith.constant 0 : i32
      %scan3A_40 = arith.constant 16 : i32
      %scan3A_41 = arith.addi %scan3A_39, %scan3A_40 : i32
      %scan3A_42 = arith.constant 1 : i32
      %scan3A_43 = scf.for %scan3A_45 = %scan3A_39 to %scan3A_41 step %scan3A_42 iter_args(%scan3A_46 = %scan3A_38) -> (i32)  : i32 {
        %mul3A_47 = arith.constant 2 : i32
        %mul3A_48 = arith.muli %scan3A_45, %mul3A_47 : i32
        %add3A = arith.constant 0 : i32
        %add3A_49 = arith.addi %mul3A_48, %add3A : i32
        %dma_wait3A = arith.constant 0 : i32
        %dma_wait3A_50 = tpu.memref_slice %arg8[%add3A_49, %dma_wait3A] : memref<32x128xi32, #tpu.memory_space<vmem>> -> memref<1x128xi32, #tpu.memory_space<vmem>>
        %dma_wait3A_51 = tpu.memref_squeeze %dma_wait3A_50 : memref<1x128xi32, #tpu.memory_space<vmem>> -> memref<128xi32, #tpu.memory_space<vmem>>
        %dma_wait3A_52 = arith.constant 0 : i32
        %dma_wait3A_53 = arith.constant 0 : i32
        %dma_wait3A_54 = tpu.memref_slice %arg2[%dma_wait3A_52, %dma_wait3A_53] : memref<10000x128xf32, #tpu.memory_space<hbm>> -> memref<10000x128xf32, #tpu.memory_space<hbm>>
        tpu.wait_indirect_dma semaphore(%arg14 : memref<!tpu.dma_semaphore, #tpu.memory_space<semaphore_mem>>) src(%dma_wait3A_54 : memref<10000x128xf32, #tpu.memory_space<hbm>>) dst(%arg10 : memref<128x128xf32, #tpu.memory_space<vmem>>)
        "tpu.region"() ({
          %run_scoped3A = tpu.sem_alloc : memref<!tpu.dma_semaphore, #tpu.memory_space<semaphore_mem>>
          %dma_start3A_79 = arith.constant 0 : i32
          %dma_start3A_80 = tpu.memref_slice %arg9[%add3A_49, %dma_start3A_79] : memref<32x128xi32, #tpu.memory_space<vmem>> -> memref<1x128xi32, #tpu.memory_space<vmem>>
          %dma_start3A_81 = tpu.memref_squeeze %dma_start3A_80 : memref<1x128xi32, #tpu.memory_space<vmem>> -> memref<128xi32, #tpu.memory_space<vmem>>
          %dma_start3A_82 = arith.constant 0 : i32
          %dma_start3A_83 = arith.constant 0 : i32
          %dma_start3A_84 = tpu.memref_slice %arg13[%dma_start3A_82, %dma_start3A_83] : memref<10240x128xf32, #tpu.memory_space<vmem_shared>> -> memref<10240x128xf32, #tpu.memory_space<vmem_shared>>
          tpu.enqueue_indirect_dma source(%arg10 : memref<128x128xf32, #tpu.memory_space<vmem>>) target(%dma_start3A_84 : memref<10240x128xf32, #tpu.memory_space<vmem_shared>>) offsets(%dma_start3A_81 : memref<128xi32, #tpu.memory_space<vmem>>) semaphore(%run_scoped3A : memref<!tpu.dma_semaphore, #tpu.memory_space<semaphore_mem>>) {add = true}
          %dma_wait3A_85 = arith.constant 0 : i32
          %dma_wait3A_86 = tpu.memref_slice %arg9[%add3A_49, %dma_wait3A_85] : memref<32x128xi32, #tpu.memory_space<vmem>> -> memref<1x128xi32, #tpu.memory_space<vmem>>
          %dma_wait3A_87 = tpu.memref_squeeze %dma_wait3A_86 : memref<1x128xi32, #tpu.memory_space<vmem>> -> memref<128xi32, #tpu.memory_space<vmem>>
          %dma_wait3A_88 = arith.constant 0 : i32
          %dma_wait3A_89 = arith.constant 0 : i32
          %dma_wait3A_90 = tpu.memref_slice %arg13[%dma_wait3A_88, %dma_wait3A_89] : memref<10240x128xf32, #tpu.memory_space<vmem_shared>> -> memref<10240x128xf32, #tpu.memory_space<vmem_shared>>
          tpu.wait_indirect_dma semaphore(%run_scoped3A : memref<!tpu.dma_semaphore, #tpu.memory_space<semaphore_mem>>) src(%arg10 : memref<128x128xf32, #tpu.memory_space<vmem>>) dst(%dma_wait3A_90 : memref<10240x128xf32, #tpu.memory_space<vmem_shared>>)
          tpu.yield
        }) : () -> ()
        %add3A_55 = arith.constant 2 : i32
        %add3A_56 = arith.addi %add3A_49, %add3A_55 : i32
        %lt3A = arith.constant 32 : i32
        %lt3A_57 = arith.cmpi slt, %add3A_56, %lt3A : i32
        %convert_element_type3A_58 = arith.extui %lt3A_57 : i1 to i32
        %cond3A_59 = arith.constant 0 : i32
        %cond3A_60 = arith.cmpi ne, %convert_element_type3A_58, %cond3A_59 : i32
        scf.if %cond3A_60 {
          %dma_start3A_79 = arith.constant 0 : i32
          %dma_start3A_80 = tpu.memref_slice %arg8[%add3A_56, %dma_start3A_79] : memref<32x128xi32, #tpu.memory_space<vmem>> -> memref<1x128xi32, #tpu.memory_space<vmem>>
          %dma_start3A_81 = tpu.memref_squeeze %dma_start3A_80 : memref<1x128xi32, #tpu.memory_space<vmem>> -> memref<128xi32, #tpu.memory_space<vmem>>
          %dma_start3A_82 = arith.constant 0 : i32
          %dma_start3A_83 = arith.constant 0 : i32
          %dma_start3A_84 = tpu.memref_slice %arg2[%dma_start3A_82, %dma_start3A_83] : memref<10000x128xf32, #tpu.memory_space<hbm>> -> memref<10000x128xf32, #tpu.memory_space<hbm>>
          tpu.enqueue_indirect_dma source(%dma_start3A_84 : memref<10000x128xf32, #tpu.memory_space<hbm>>) target(%arg10 : memref<128x128xf32, #tpu.memory_space<vmem>>) offsets(%dma_start3A_81 : memref<128xi32, #tpu.memory_space<vmem>>) semaphore(%arg14 : memref<!tpu.dma_semaphore, #tpu.memory_space<semaphore_mem>>)
        } else {
        }
        %mul3A_61 = arith.constant 2 : i32
        %mul3A_62 = arith.muli %scan3A_45, %mul3A_61 : i32
        %add3A_63 = arith.constant 1 : i32
        %add3A_64 = arith.addi %mul3A_62, %add3A_63 : i32
        %dma_wait3A_65 = arith.constant 0 : i32
        %dma_wait3A_66 = tpu.memref_slice %arg8[%add3A_64, %dma_wait3A_65] : memref<32x128xi32, #tpu.memory_space<vmem>> -> memref<1x128xi32, #tpu.memory_space<vmem>>
        %dma_wait3A_67 = tpu.memref_squeeze %dma_wait3A_66 : memref<1x128xi32, #tpu.memory_space<vmem>> -> memref<128xi32, #tpu.memory_space<vmem>>
        %dma_wait3A_68 = arith.constant 0 : i32
        %dma_wait3A_69 = arith.constant 0 : i32
        %dma_wait3A_70 = tpu.memref_slice %arg2[%dma_wait3A_68, %dma_wait3A_69] : memref<10000x128xf32, #tpu.memory_space<hbm>> -> memref<10000x128xf32, #tpu.memory_space<hbm>>
        tpu.wait_indirect_dma semaphore(%arg15 : memref<!tpu.dma_semaphore, #tpu.memory_space<semaphore_mem>>) src(%dma_wait3A_70 : memref<10000x128xf32, #tpu.memory_space<hbm>>) dst(%arg11 : memref<128x128xf32, #tpu.memory_space<vmem>>)
        "tpu.region"() ({
          %run_scoped3A = tpu.sem_alloc : memref<!tpu.dma_semaphore, #tpu.memory_space<semaphore_mem>>
          %dma_start3A_79 = arith.constant 0 : i32
          %dma_start3A_80 = tpu.memref_slice %arg9[%add3A_64, %dma_start3A_79] : memref<32x128xi32, #tpu.memory_space<vmem>> -> memref<1x128xi32, #tpu.memory_space<vmem>>
          %dma_start3A_81 = tpu.memref_squeeze %dma_start3A_80 : memref<1x128xi32, #tpu.memory_space<vmem>> -> memref<128xi32, #tpu.memory_space<vmem>>
          %dma_start3A_82 = arith.constant 0 : i32
          %dma_start3A_83 = arith.constant 0 : i32
          %dma_start3A_84 = tpu.memref_slice %arg13[%dma_start3A_82, %dma_start3A_83] : memref<10240x128xf32, #tpu.memory_space<vmem_shared>> -> memref<10240x128xf32, #tpu.memory_space<vmem_shared>>
          tpu.enqueue_indirect_dma source(%arg11 : memref<128x128xf32, #tpu.memory_space<vmem>>) target(%dma_start3A_84 : memref<10240x128xf32, #tpu.memory_space<vmem_shared>>) offsets(%dma_start3A_81 : memref<128xi32, #tpu.memory_space<vmem>>) semaphore(%run_scoped3A : memref<!tpu.dma_semaphore, #tpu.memory_space<semaphore_mem>>) {add = true}
          %dma_wait3A_85 = arith.constant 0 : i32
          %dma_wait3A_86 = tpu.memref_slice %arg9[%add3A_64, %dma_wait3A_85] : memref<32x128xi32, #tpu.memory_space<vmem>> -> memref<1x128xi32, #tpu.memory_space<vmem>>
          %dma_wait3A_87 = tpu.memref_squeeze %dma_wait3A_86 : memref<1x128xi32, #tpu.memory_space<vmem>> -> memref<128xi32, #tpu.memory_space<vmem>>
          %dma_wait3A_88 = arith.constant 0 : i32
          %dma_wait3A_89 = arith.constant 0 : i32
          %dma_wait3A_90 = tpu.memref_slice %arg13[%dma_wait3A_88, %dma_wait3A_89] : memref<10240x128xf32, #tpu.memory_space<vmem_shared>> -> memref<10240x128xf32, #tpu.memory_space<vmem_shared>>
          tpu.wait_indirect_dma semaphore(%run_scoped3A : memref<!tpu.dma_semaphore, #tpu.memory_space<semaphore_mem>>) src(%arg11 : memref<128x128xf32, #tpu.memory_space<vmem>>) dst(%dma_wait3A_90 : memref<10240x128xf32, #tpu.memory_space<vmem_shared>>)
          tpu.yield
        }) : () -> ()
        %add3A_71 = arith.constant 2 : i32
        %add3A_72 = arith.addi %add3A_64, %add3A_71 : i32
        %lt3A_73 = arith.constant 32 : i32
        %lt3A_74 = arith.cmpi slt, %add3A_72, %lt3A_73 : i32
        %convert_element_type3A_75 = arith.extui %lt3A_74 : i1 to i32
        %cond3A_76 = arith.constant 0 : i32
        %cond3A_77 = arith.cmpi ne, %convert_element_type3A_75, %cond3A_76 : i32
        scf.if %cond3A_77 {
          %dma_start3A_79 = arith.constant 0 : i32
          %dma_start3A_80 = tpu.memref_slice %arg8[%add3A_72, %dma_start3A_79] : memref<32x128xi32, #tpu.memory_space<vmem>> -> memref<1x128xi32, #tpu.memory_space<vmem>>
          %dma_start3A_81 = tpu.memref_squeeze %dma_start3A_80 : memref<1x128xi32, #tpu.memory_space<vmem>> -> memref<128xi32, #tpu.memory_space<vmem>>
          %dma_start3A_82 = arith.constant 0 : i32
          %dma_start3A_83 = arith.constant 0 : i32
          %dma_start3A_84 = tpu.memref_slice %arg2[%dma_start3A_82, %dma_start3A_83] : memref<10000x128xf32, #tpu.memory_space<hbm>> -> memref<10000x128xf32, #tpu.memory_space<hbm>>
          tpu.enqueue_indirect_dma source(%dma_start3A_84 : memref<10000x128xf32, #tpu.memory_space<hbm>>) target(%arg11 : memref<128x128xf32, #tpu.memory_space<vmem>>) offsets(%dma_start3A_81 : memref<128xi32, #tpu.memory_space<vmem>>) semaphore(%arg15 : memref<!tpu.dma_semaphore, #tpu.memory_space<semaphore_mem>>)
        } else {
        }
        %scan3A_78 = arith.constant 0 : i32
        scf.yield %scan3A_78 : i32
      }
      %scan3A_44 = arith.constant 16 : i32
    } else {
    }
    %barrier3A_21 = arith.constant 0 : index
    tpu.barrier barrier_id(%barrier3A_21)
    %mul3A = arith.constant 640 : i32
    %mul3A_22 = arith.muli %arg1, %mul3A : i32
    %mul3A_23 = arith.constant 640 : i32
    %mul3A_24 = arith.muli %arg1, %mul3A_23 : i32
    "tpu.region"() ({
      %run_scoped3A = tpu.sem_alloc : memref<!tpu.dma_semaphore, #tpu.memory_space<semaphore_mem>>
      %dma_start3A = arith.constant 0 : i32
      %dma_start3A_25 = tpu.memref_slice %arg7[%arg0, %mul3A_24, %dma_start3A] : memref<2x10240x128xf32, #tpu.memory_space<hbm>> -> memref<1x640x128xf32, #tpu.memory_space<hbm>>
      %dma_start3A_26 = tpu.memref_squeeze %dma_start3A_25 : memref<1x640x128xf32, #tpu.memory_space<hbm>> -> memref<640x128xf32, #tpu.memory_space<hbm>>
      %dma_start3A_27 = arith.constant 0 : i32
      %dma_start3A_28 = tpu.memref_slice %arg13[%mul3A_22, %dma_start3A_27] : memref<10240x128xf32, #tpu.memory_space<vmem_shared>> -> memref<640x128xf32, #tpu.memory_space<vmem_shared>>
      tpu.enqueue_dma source(%dma_start3A_28 : memref<640x128xf32, #tpu.memory_space<vmem_shared>>) target(%dma_start3A_26 : memref<640x128xf32, #tpu.memory_space<hbm>>) target_semaphore(%run_scoped3A : memref<!tpu.dma_semaphore, #tpu.memory_space<semaphore_mem>>)
      %dma_wait3A = arith.constant 0 : i32
      %dma_wait3A_29 = tpu.memref_slice %arg7[%arg0, %mul3A_24, %dma_wait3A] : memref<2x10240x128xf32, #tpu.memory_space<hbm>> -> memref<1x640x128xf32, #tpu.memory_space<hbm>>
      %dma_wait3A_30 = tpu.memref_squeeze %dma_wait3A_29 : memref<1x640x128xf32, #tpu.memory_space<hbm>> -> memref<640x128xf32, #tpu.memory_space<hbm>>
      %dma_wait3A_31 = arith.constant 0 : i32
      %dma_wait3A_32 = tpu.memref_slice %arg13[%mul3A_22, %dma_wait3A_31] : memref<10240x128xf32, #tpu.memory_space<vmem_shared>> -> memref<640x128xf32, #tpu.memory_space<vmem_shared>>
      tpu.wait_dma2 semaphore(%run_scoped3A : memref<!tpu.dma_semaphore, #tpu.memory_space<semaphore_mem>>) src(%dma_wait3A_32 : memref<640x128xf32, #tpu.memory_space<vmem_shared>>) dst(%dma_wait3A_30 : memref<640x128xf32, #tpu.memory_space<hbm>>)
      tpu.yield
    }) : () -> ()
    return
  }
}

module attributes {stable_mosaic.version = 14 : i64} {
  func.func @_scale_body(%arg0: i32, %arg1: memref<400x128xf32, #tpu.memory_space<vmem>>, %arg2: memref<400x1xf32, #tpu.memory_space<vmem>>, %arg3: memref<400x128xf32, #tpu.memory_space<vmem>>) attributes {dimension_semantics = [#tpu.dimension_semantics<arbitrary>], iteration_bounds = array<i64: 25>, scalar_prefetch = 0 : i64, scratch_operands = 0 : i64, tpu.core_type = #tpu.core_type<tc>, window_params = [{transform_indices = @transform_0, window_bounds = array<i64: 400, 128>}, {transform_indices = @transform_1, window_bounds = array<i64: 400, 1>}, {transform_indices = @transform_2, window_bounds = array<i64: 400, 128>}]} {
    %get3A = arith.constant 0 : index
    %get3A_0 = arith.constant 0 : index
    %get3A_1 = vector.load %arg1[%get3A, %get3A_0] : memref<400x128xf32, #tpu.memory_space<vmem>>, vector<400x128xf32>
    %get3A_2 = arith.constant 0 : index
    %get3A_3 = arith.constant 0 : index
    %get3A_4 = vector.load %arg2[%get3A_2, %get3A_3] : memref<400x1xf32, #tpu.memory_space<vmem>>, vector<400x1xf32>
    %mul3A = vector.broadcast %get3A_4 : vector<400x1xf32> to vector<400x128xf32>
    %mul3A_5 = arith.mulf %get3A_1, %mul3A : vector<400x128xf32>
    %swap3A = arith.constant 0 : index
    %swap3A_6 = arith.constant 0 : index
    %swap3A_7 = vector.load %arg3[%swap3A, %swap3A_6] : memref<400x128xf32, #tpu.memory_space<vmem>>, vector<400x128xf32>
    tpu.vector_store %arg3[%swap3A, %swap3A_6], %mul3A_5 {strides = array<i32>} : memref<400x128xf32, #tpu.memory_space<vmem>>, vector<400x128xf32>,
    return
  }
  func.func @transform_0(%arg0: i32) -> (i32, i32) {
    %c0_i32 = arith.constant 0 : i32
    %c0_i32_0 = arith.constant 0 : i32
    return %arg0, %c0_i32 : i32, i32
  }
  func.func @transform_1(%arg0: i32) -> (i32, i32) {
    %c0_i32 = arith.constant 0 : i32
    %c0_i32_0 = arith.constant 0 : i32
    return %arg0, %c0_i32 : i32, i32
  }
  func.func @transform_2(%arg0: i32) -> (i32, i32) {
    %c0_i32 = arith.constant 0 : i32
    %c0_i32_0 = arith.constant 0 : i32
    return %arg0, %c0_i32 : i32, i32
  }
}

module attributes {stable_mosaic.version = 14 : i64} {
  func.func @_scale2_body(%arg0: i32, %arg1: memref<2x512x128xf32, #tpu.memory_space<vmem>>, %arg2: memref<512x1xf32, #tpu.memory_space<vmem>>, %arg3: memref<512x128xf32, #tpu.memory_space<vmem>>) attributes {dimension_semantics = [#tpu.dimension_semantics<arbitrary>], iteration_bounds = array<i64: 20>, scalar_prefetch = 0 : i64, scratch_operands = 0 : i64, tpu.core_type = #tpu.core_type<tc>, window_params = [{transform_indices = @transform_0, window_bounds = array<i64: 2, 512, 128>}, {transform_indices = @transform_1, window_bounds = array<i64: 512, 1>}, {transform_indices = @transform_2, window_bounds = array<i64: 512, 128>}]} {
    %get3A = arith.constant 0 : index
    %get3A_0 = arith.constant 0 : index
    %get3A_1 = arith.constant 0 : index
    %get3A_2 = vector.load %arg1[%get3A, %get3A_0, %get3A_1] : memref<2x512x128xf32, #tpu.memory_space<vmem>>, vector<1x512x128xf32>
    %get3A_3 = vector.shape_cast %get3A_2 : vector<1x512x128xf32> to vector<512x128xf32>
    %get3A_4 = arith.constant 1 : index
    %get3A_5 = arith.constant 0 : index
    %get3A_6 = arith.constant 0 : index
    %get3A_7 = vector.load %arg1[%get3A_4, %get3A_5, %get3A_6] : memref<2x512x128xf32, #tpu.memory_space<vmem>>, vector<1x512x128xf32>
    %get3A_8 = vector.shape_cast %get3A_7 : vector<1x512x128xf32> to vector<512x128xf32>
    %add3A = arith.addf %get3A_3, %get3A_8 : vector<512x128xf32>
    %get3A_9 = arith.constant 0 : index
    %get3A_10 = arith.constant 0 : index
    %get3A_11 = vector.load %arg2[%get3A_9, %get3A_10] : memref<512x1xf32, #tpu.memory_space<vmem>>, vector<512x1xf32>
    %mul3A = vector.broadcast %get3A_11 : vector<512x1xf32> to vector<512x128xf32>
    %mul3A_12 = arith.mulf %add3A, %mul3A : vector<512x128xf32>
    %swap3A = arith.constant 0 : index
    %swap3A_13 = arith.constant 0 : index
    %swap3A_14 = vector.load %arg3[%swap3A, %swap3A_13] : memref<512x128xf32, #tpu.memory_space<vmem>>, vector<512x128xf32>
    tpu.vector_store %arg3[%swap3A, %swap3A_13], %mul3A_12 {strides = array<i32>} : memref<512x128xf32, #tpu.memory_space<vmem>>, vector<512x128xf32>,
    return
  }
  func.func @transform_0(%arg0: i32) -> (i32, i32, i32) {
    %c0_i32 = arith.constant 0 : i32
    %c0_i32_0 = arith.constant 0 : i32
    %c0_i32_1 = arith.constant 0 : i32
    return %c0_i32, %arg0, %c0_i32_0 : i32, i32, i32
  }
  func.func @transform_1(%arg0: i32) -> (i32, i32) {
    %c0_i32 = arith.constant 0 : i32
    %c0_i32_0 = arith.constant 0 : i32
    return %arg0, %c0_i32 : i32, i32
  }
  func.func @transform_2(%arg0: i32) -> (i32, i32) {
    %c0_i32 = arith.constant 0 : i32
    %c0_i32_0 = arith.constant 0 : i32
    return %arg0, %c0_i32 : i32, i32
  }
}

module attributes {stable_mosaic.version = 14 : i64} {
  func.func @_final_body(%arg0: i32, %arg1: memref<400x128xf32, #tpu.memory_space<vmem>>, %arg2: memref<400x128xf32, #tpu.memory_space<vmem>>, %arg3: memref<2x400x128xf32, #tpu.memory_space<vmem>>, %arg4: memref<400x1xf32, #tpu.memory_space<vmem>>, %arg5: memref<400x1xf32, #tpu.memory_space<vmem>>, %arg6: memref<3x128x128xf32, #tpu.memory_space<vmem>>, %arg7: memref<1x128xf32, #tpu.memory_space<vmem>>, %arg8: memref<400x128xf32, #tpu.memory_space<vmem>>) attributes {dimension_semantics = [#tpu.dimension_semantics<arbitrary>], iteration_bounds = array<i64: 25>, scalar_prefetch = 0 : i64, scratch_operands = 0 : i64, tpu.core_type = #tpu.core_type<tc>, window_params = [{transform_indices = @transform_0, window_bounds = array<i64: 400, 128>}, {transform_indices = @transform_1, window_bounds = array<i64: 400, 128>}, {transform_indices = @transform_2, window_bounds = array<i64: 2, 400, 128>}, {transform_indices = @transform_3, window_bounds = array<i64: 400, 1>}, {transform_indices = @transform_4, window_bounds = array<i64: 400, 1>}, {pipeline_mode = #tpu.pipeline_mode<synchronous>, transform_indices = @transform_5, window_bounds = array<i64: 3, 128, 128>}, {pipeline_mode = #tpu.pipeline_mode<synchronous>, transform_indices = @transform_6, window_bounds = array<i64: 1, 128>}, {transform_indices = @transform_7, window_bounds = array<i64: 400, 128>}]} {
    %get3A = arith.constant 0 : index
    %get3A_0 = arith.constant 0 : index
    %get3A_1 = vector.load %arg1[%get3A, %get3A_0] : memref<400x128xf32, #tpu.memory_space<vmem>>, vector<400x128xf32>
    %get3A_2 = arith.constant 0 : index
    %get3A_3 = arith.constant 0 : index
    %get3A_4 = vector.load %arg2[%get3A_2, %get3A_3] : memref<400x128xf32, #tpu.memory_space<vmem>>, vector<400x128xf32>
    %get3A_5 = arith.constant 0 : index
    %get3A_6 = arith.constant 0 : index
    %get3A_7 = vector.load %arg4[%get3A_5, %get3A_6] : memref<400x1xf32, #tpu.memory_space<vmem>>, vector<400x1xf32>
    %mul3A = vector.broadcast %get3A_7 : vector<400x1xf32> to vector<400x128xf32>
    %mul3A_8 = arith.mulf %get3A_4, %mul3A : vector<400x128xf32>
    %get3A_9 = arith.constant 0 : index
    %get3A_10 = arith.constant 0 : index
    %get3A_11 = arith.constant 0 : index
    %get3A_12 = vector.load %arg3[%get3A_9, %get3A_10, %get3A_11] : memref<2x400x128xf32, #tpu.memory_space<vmem>>, vector<1x400x128xf32>
    %get3A_13 = vector.shape_cast %get3A_12 : vector<1x400x128xf32> to vector<400x128xf32>
    %get3A_14 = arith.constant 1 : index
    %get3A_15 = arith.constant 0 : index
    %get3A_16 = arith.constant 0 : index
    %get3A_17 = vector.load %arg3[%get3A_14, %get3A_15, %get3A_16] : memref<2x400x128xf32, #tpu.memory_space<vmem>>, vector<1x400x128xf32>
    %get3A_18 = vector.shape_cast %get3A_17 : vector<1x400x128xf32> to vector<400x128xf32>
    %add3A = arith.addf %get3A_13, %get3A_18 : vector<400x128xf32>
    %get3A_19 = arith.constant 0 : index
    %get3A_20 = arith.constant 0 : index
    %get3A_21 = vector.load %arg5[%get3A_19, %get3A_20] : memref<400x1xf32, #tpu.memory_space<vmem>>, vector<400x1xf32>
    %mul3A_22 = vector.broadcast %get3A_21 : vector<400x1xf32> to vector<400x128xf32>
    %mul3A_23 = arith.mulf %add3A, %mul3A_22 : vector<400x128xf32>
    %get3A_24 = arith.constant 0 : index
    %get3A_25 = arith.constant 0 : index
    %get3A_26 = arith.constant 0 : index
    %get3A_27 = vector.load %arg6[%get3A_24, %get3A_25, %get3A_26] : memref<3x128x128xf32, #tpu.memory_space<vmem>>, vector<3x128x128xf32>
    %slice3A = vector.extract_strided_slice %get3A_27 {offsets = [0, 0, 0], sizes = [1, 128, 128], strides = [1, 1, 1]} : vector<3x128x128xf32> to vector<1x128x128xf32>
    %squeeze3A = vector.shape_cast %slice3A : vector<1x128x128xf32> to vector<128x128xf32>
    %dot_general3A = arith.constant dense<0.000000e+00> : vector<400x128xf32>
    %dot_general3A_28 = tpu.matmul %get3A_1, %squeeze3A, %dot_general3A {dimension_numbers = #tpu.dot_dimension_numbers<[1], [0], [0], [1], [0, 0, 1, 1], [], []>, transpose_lhs_hint = false} : vector<400x128xf32>, vector<128x128xf32>, vector<400x128xf32> -> vector<400x128xf32>
    %slice3A_29 = vector.extract_strided_slice %get3A_27 {offsets = [1, 0, 0], sizes = [1, 128, 128], strides = [1, 1, 1]} : vector<3x128x128xf32> to vector<1x128x128xf32>
    %squeeze3A_30 = vector.shape_cast %slice3A_29 : vector<1x128x128xf32> to vector<128x128xf32>
    %dot_general3A_31 = arith.constant dense<0.000000e+00> : vector<400x128xf32>
    %dot_general3A_32 = tpu.matmul %mul3A_8, %squeeze3A_30, %dot_general3A_31 {dimension_numbers = #tpu.dot_dimension_numbers<[1], [0], [0], [1], [0, 0, 1, 1], [], []>, transpose_lhs_hint = false} : vector<400x128xf32>, vector<128x128xf32>, vector<400x128xf32> -> vector<400x128xf32>
    %add3A_33 = arith.addf %dot_general3A_28, %dot_general3A_32 : vector<400x128xf32>
    %slice3A_34 = vector.extract_strided_slice %get3A_27 {offsets = [2, 0, 0], sizes = [1, 128, 128], strides = [1, 1, 1]} : vector<3x128x128xf32> to vector<1x128x128xf32>
    %squeeze3A_35 = vector.shape_cast %slice3A_34 : vector<1x128x128xf32> to vector<128x128xf32>
    %dot_general3A_36 = arith.constant dense<0.000000e+00> : vector<400x128xf32>
    %dot_general3A_37 = tpu.matmul %mul3A_23, %squeeze3A_35, %dot_general3A_36 {dimension_numbers = #tpu.dot_dimension_numbers<[1], [0], [0], [1], [0, 0, 1, 1], [], []>, transpose_lhs_hint = false} : vector<400x128xf32>, vector<128x128xf32>, vector<400x128xf32> -> vector<400x128xf32>
    %add3A_38 = arith.addf %add3A_33, %dot_general3A_37 : vector<400x128xf32>
    %get3A_39 = arith.constant 0 : index
    %get3A_40 = arith.constant 0 : index
    %get3A_41 = vector.load %arg7[%get3A_39, %get3A_40] : memref<1x128xf32, #tpu.memory_space<vmem>>, vector<1x128xf32>
    %add3A_42 = vector.broadcast %get3A_41 : vector<1x128xf32> to vector<400x128xf32>
    %add3A_43 = arith.addf %add3A_38, %add3A_42 : vector<400x128xf32>
    %swap3A = arith.constant 0 : index
    %swap3A_44 = arith.constant 0 : index
    %swap3A_45 = vector.load %arg8[%swap3A, %swap3A_44] : memref<400x128xf32, #tpu.memory_space<vmem>>, vector<400x128xf32>
    tpu.vector_store %arg8[%swap3A, %swap3A_44], %add3A_43 {strides = array<i32>} : memref<400x128xf32, #tpu.memory_space<vmem>>, vector<400x128xf32>,
    return
  }
  func.func @transform_0(%arg0: i32) -> (i32, i32) {
    %c0_i32 = arith.constant 0 : i32
    %c0_i32_0 = arith.constant 0 : i32
    return %arg0, %c0_i32 : i32, i32
  }
  func.func @transform_1(%arg0: i32) -> (i32, i32) {
    %c0_i32 = arith.constant 0 : i32
    %c0_i32_0 = arith.constant 0 : i32
    return %arg0, %c0_i32 : i32, i32
  }
  func.func @transform_2(%arg0: i32) -> (i32, i32, i32) {
    %c0_i32 = arith.constant 0 : i32
    %c0_i32_0 = arith.constant 0 : i32
    %c0_i32_1 = arith.constant 0 : i32
    return %c0_i32, %arg0, %c0_i32_0 : i32, i32, i32
  }
  func.func @transform_3(%arg0: i32) -> (i32, i32) {
    %c0_i32 = arith.constant 0 : i32
    %c0_i32_0 = arith.constant 0 : i32
    return %arg0, %c0_i32 : i32, i32
  }
  func.func @transform_4(%arg0: i32) -> (i32, i32) {
    %c0_i32 = arith.constant 0 : i32
    %c0_i32_0 = arith.constant 0 : i32
    return %arg0, %c0_i32 : i32, i32
  }
  func.func @transform_5(%arg0: i32) -> (i32, i32, i32) {
    %c0_i32 = arith.constant 0 : i32
    %c0_i32_0 = arith.constant 0 : i32
    %c0_i32_1 = arith.constant 0 : i32
    %c0_i32_2 = arith.constant 0 : i32
    return %c0_i32, %c0_i32_0, %c0_i32_1 : i32, i32, i32
  }
  func.func @transform_6(%arg0: i32) -> (i32, i32) {
    %c0_i32 = arith.constant 0 : i32
    %c0_i32_0 = arith.constant 0 : i32
    %c0_i32_1 = arith.constant 0 : i32
    return %c0_i32, %c0_i32_0 : i32, i32
  }
  func.func @transform_7(%arg0: i32) -> (i32, i32) {
    %c0_i32 = arith.constant 0 : i32
    %c0_i32_0 = arith.constant 0 : i32
    return %arg0, %c0_i32 : i32, i32
  }
}

</mosaic_0001>

<sc_bundles>
// kernel: kernel.11.cloned.1.call-start
scs
__scs_entry_jumppad:
0x0: {  	(pc) =	sbr.rel $0x88, $3  }
0x1: {  	(tag) =	ssettag $0x0;
	lr =	simm.s32 $0x1  }
0x2: {  	[smem:$0x3F9D] =	sst lr;
	_ =	strace $0xD0000000  }
0x3: {  	_ = 	snop  }
0x4: {  	_ = 	snop  }
0x5: {  	_ = 	snop  }
0x6: {  	_ = 	snop  }
0x7: {  	_ = 	snop  }
__scs_overlays_trampoline_lowered:
0x8: {  	[smem:$0x3FAC] =	sst s0  }
0x9: {  	[smem:$0x3FAD] =	sst s1  }
0xa: {  	[smem:$0x3FAE] =	sst s2  }
0xb: {  	[smem:$0x3FAF] =	sst s3  }
0xc: {  	[smem:$0x3FB0] =	sst s4  }
0xd: {  	[smem:$0x3FB1] =	sst s5  }
0xe: {  	[smem:$0x3FB2] =	sst s6  }
0xf: {  	[smem:$0x3FB3] =	sst s7  }
0x10: {  	[smem:$0x3FB4] =	sst s8  }
0x11: {  	[smem:$0x3FB5] =	sst s9;
	s0 =	simm.s32 @!p0 $0x0  }
0x12: {  	s1 =	sld [smem:$0x3F9B];
	s0 =	simm.s32 @p0 $0x1  }
0x13: {  	[smem:$0x3FB6] =	sst s0;
	s0 =	simm.s32 @!p1 $0x0  }
0x14: {  	s2 =	sld [smem:$0x3F9A];
	s0 =	simm.s32 @p1 $0x1  }
0x15: {  	[smem:$0x3FB7] =	sst s0;
	s0 =	simm.s32 @!p2 $0x0  }
0x16: {  	s3 =	sld [smem:$0x3FDB];
	s0 =	simm.s32 @p2 $0x1  }
0x17: {  	s4 =	simm.s32 $0x1BF5;
	[smem:$0x3FB9] =	sst s0  }
0x18: {  	s0 =	sld [smem:$0x3F9C];
	_ =	swait.ge [sflag:s4], $0x0  }
0x19: {  	s7 =	sld [smem:$0x3F9D]  }
0x1a: {  	s8 =	sadd.s32 $0xFFFFE003, lr  }
0x1b: {  	s9 =	sadd.s32 $0xFFFFFEF7, lr;
	s5 =	simm.s32 $0xFFFFFFFF;
	p2 =	slt.u32 s8, $0xFFFFF086  }
0x1c: {  	p1 =	slt.u32 s9, $0xF7A;
	s5 =	simm.s32 @!p2 $0x0  }
0x1d: {  	s5 =	simm.s32 @p1 $0x1;
	p0 =	seq.s32 s7, s2  }
0x1e: {  	s7 =	smul.u32 @!p0 $0xF7A, s2;
	p2 =	seq.s32 @!p0 s5, $0x0  }
0x1f: {  	s9 =	smul.u32 $0xF7A, s1;
	s8 =	simm.s32 @!p0 $0x1BF5;
	p2 =	por !p2, p0  }
0x20: {  	[sflag:s8] =	ssyncset.s32 @!p0 $0xFFFFF086;
	s6 =	sadd.s32 @!p0 s3, s7;
	s7 =	simm.s32 @!p0 $0x108  }
0x21: {  	s3 =	sadd.s32 s3, s9;
	s6 =	sadd.s32 @!p0 $0x88, s6;
	s7 =	simm.s32 @p2 $0x1082  }
0x22: {  	[simem:s7], [sflag:s8] =	dma.local @!p0 [hbm:s6], $0xF7A  }
0x23: {  	s9 =	sor.u32 $0xD0000000, s2;
	s6 =	simm.s32 $0x108;
	_ =	swait.ge @!p0 [sflag:s8], $0x0  }
0x24: {  	s3 =	sadd.s32 $0x88, s3;
	s6 =	simm.s32 @!p1 $0x1082;
	[sflag:s4] =	ssyncset.s32 $0xFFFFF086  }
0x25: {  	[simem:s6], [sflag:s4] =	dma.local [hbm:s3], $0xF7A  }
0x26: {  	[smem:$0x3F9D] =	sst s1;
	(tag) =	ssettag s2;
	_ =	strace s9  }
0x27: {  	s1 =	sld [smem:$0x3FAD]  }
0x28: {  	s2 =	sld [smem:$0x3FAE]  }
0x29: {  	s4 =	sld [smem:$0x3FB0]  }
0x2a: {  	p0 =	seq.s32 s5, $0x0;
	s5 =	sld [smem:$0x3FB1]  }
0x2b: {  	s6 =	sld [smem:$0x3FB2]  }
0x2c: {  	s7 =	sld [smem:$0x3FB3]  }
0x2d: {  	s3 =	simm.s32 $0x108;
	s8 =	sld [smem:$0x3FB4]  }
0x2e: {  	s3 =	simm.s32 @!p0 $0x1082;
	s9 =	sld [smem:$0x3FB5]  }
0x2f: {  	lr =	sadd.s32 s0, s3;
	s0 =	sld [smem:$0x3FAC]  }
0x30: {  	s3 =	sld [smem:$0x3FAF]  }
0x31: {  	[smem:$0x3FB8] =	sst s10  }
0x32: {  	s10 =	sld [smem:$0x3FB6];
	_ =	sdelay $0x3  }
0x33: {  	p0 =	seq.s32 s10, $0x1;
	s10 =	sld [smem:$0x3FB8];
	_ =	sdelay $0x3  }
0x34: {  	[smem:$0x3FB8] =	sst s10  }
0x35: {  	s10 =	sld [smem:$0x3FB7];
	_ =	sdelay $0x3  }
0x36: {  	p1 =	seq.s32 s10, $0x1;
	s10 =	sld [smem:$0x3FB8];
	_ =	sdelay $0x3  }
0x37: {  	[smem:$0x3FB8] =	sst s10  }
0x38: {  	s10 =	sld [smem:$0x3FB9]  }
0x39: {  	_ = 	snop;
	(pc) =	sbr.ind lr, $3  }
0x3a: {  	_ = 	snop  }
0x3b: {  	_ = 	snop  }
0x3c: {  	p2 =	seq.s32 s10, $0x1;
	s10 =	sld [smem:$0x3FB8]  }
0x3d: {  	_ =	shalt  }
0x3e: {  	_ =	shalt  }
0x3f: {  	_ =	shalt  }
0x40: {  	_ =	shalt  }
0x41: {  	_ =	shalt  }
0x42: {  	_ =	shalt  }
0x43: {  	_ =	shalt  }
0x44: {  	_ =	shalt  }
0x45: {  	_ =	shalt  }
0x46: {  	_ =	shalt  }
0x47: {  	_ =	shalt  }
0x48: {  	_ =	shalt  }
0x49: {  	_ =	shalt  }
0x4a: {  	_ =	shalt  }
0x4b: {  	_ =	shalt  }
0x4c: {  	_ =	shalt  }
0x4d: {  	_ =	shalt  }
0x4e: {  	_ =	shalt  }
0x4f: {  	_ =	shalt  }
0x50: {  	_ =	shalt  }
0x51: {  	_ =	shalt  }
0x52: {  	_ =	shalt  }
0x53: {  	_ =	shalt  }
0x54: {  	_ =	shalt  }
0x55: {  	_ =	shalt  }
0x56: {  	_ =	shalt  }
0x57: {  	_ =	shalt  }
0x58: {  	_ =	shalt  }
0x59: {  	_ =	shalt  }
0x5a: {  	_ =	shalt  }
0x5b: {  	_ =	shalt  }
0x5c: {  	_ =	shalt  }
0x5d: {  	_ =	shalt  }
0x5e: {  	_ =	shalt  }
0x5f: {  	_ =	shalt  }
0x60: {  	_ =	shalt  }
0x61: {  	_ =	shalt  }
0x62: {  	_ =	shalt  }
0x63: {  	_ =	shalt  }
0x64: {  	_ =	shalt  }
0x65: {  	_ =	shalt  }
0x66: {  	_ =	shalt  }
0x67: {  	_ =	shalt  }
0x68: {  	_ =	shalt  }
0x69: {  	_ =	shalt  }
0x6a: {  	_ =	shalt  }
0x6b: {  	_ =	shalt  }
0x6c: {  	_ =	shalt  }
0x6d: {  	_ =	shalt  }
0x6e: {  	_ =	shalt  }
0x6f: {  	_ =	shalt  }
0x70: {  	_ =	shalt  }
0x71: {  	_ =	shalt  }
0x72: {  	_ =	shalt  }
0x73: {  	_ =	shalt  }
0x74: {  	_ =	shalt  }
0x75: {  	_ =	shalt  }
0x76: {  	_ =	shalt  }
0x77: {  	_ =	shalt  }
0x78: {  	_ =	shalt  }
0x79: {  	_ =	shalt  }
0x7a: {  	_ =	shalt  }
0x7b: {  	_ =	shalt  }
0x7c: {  	_ =	shalt  }
0x7d: {  	_ =	shalt  }
0x7e: {  	_ =	shalt  }
0x7f: {  	_ =	shalt  }
0x80: {  	_ =	shalt  }
0x81: {  	_ =	shalt  }
0x82: {  	_ =	shalt  }
0x83: {  	_ =	shalt  }
0x84: {  	_ =	shalt  }
0x85: {  	_ =	shalt  }
0x86: {  	_ =	shalt  }
0x87: {  	_ =	shalt  }
.Lfunc_end0:
.L_simem_size_0:
called_computation.1_lowered:
.L_overlay_start_0:
0x88: {  	s2 =	sld [smem:$0x3FD9]  }
0x89: {  	s3 =	sld [smem:$0x3FFE];
	_ =	sdelay $0x1  }
0x8a: {  	s1 =	srdreg.scid  }
0x8b: {  	s0 =	sand.u32 $0x1, s1  }
0x8c: {  	s17 =	sshll.u32 s0, $0xA;
	s2 =	sadd.s32 s3, s2  }
0x8d: {  	s2 =	sadd.s32 s2, s17  }
0x8e: {  	[smem:$0x3FC4] =	sst s2  }
0x8f: {  	_ = 	snop  }
0x90: {  	s2 =	sld [smem:$0x3FD0];
	(tm) =	ssettm $0x1  }
0x91: {  	s18 =	sld [smem:$0x3FFB];
	_ =	sdelay $0x3  }
0x92: {  	_ =	strace s18  }
0x93: {  	s3 =	sld [smem:$0x3FFC];
	_ =	sdelay $0x3  }
0x94: {  	_ =	strace s3  }
0x95: {  	s3 =	sld [smem:$0x3FFD];
	_ =	sdelay $0x3  }
0x96: {  	_ =	strace s3  }
0x97: {  	_ =	strace $0x8FFFFFFF  }
0x98: {  	s19 =	sld [smem:$0x3FDB];
	_ =	sdelay $0x1  }
0x99: {  	s4 =	simm.s32 $_scs_section_size  }
0x9a: {  	s5 =	simm.s32 $_size__tile_overlayer_lowered;
	s6 =	simm.s32 $_tile_overlayer_lowered  }
0x9b: {  	s22 =	simm.s32 $0x1BFF;
	s21 =	sshll.u32 s6, $0x1;
	s3 =	sadd.s32 s4, s19  }
0x9c: {  	s7 =	simm.s32 $0x0;
	s20 =	sshll.u32 s5, $0x1;
	s5 =	sadd.s32 s21, s3  }
0x9d: {  	[timem:s7], [sflag:s22] =	dma.local [hbm:s5], s20  }
0x9e: {  	_ =	swait.ge [sflag:s22], s20  }
0x9f: {  	s4 =	ssub.s32 $0x0, s20;
	[sflag:s22] =	ssyncset.done $0x0  }
0xa0: {  	[sflag:s22] =	ssyncadd.s32 s4;
	_ =	sdelay $0x1  }
0xa1: {  	s23 =	simm.s32 $0x1B8B  }
0xa2: {  	_ =	swait.ge [sflag:s23], $0x1  }
0xa3: {  	[sflag:s23] =	ssyncset.done $0x0  }
0xa4: {  	s25 =	simm.s32 $0x1B8E;
	s24 =	sld [smem:$0x3FFE];
	[sflag:s23] =	ssyncadd.s32 $0xFFFFFFFF  }
0xa5: {  	s26 =	simm.s32 $execute0_lowered;
	[smem:$0x3FD2] =	sst s25  }
0xa6: {  	s5 =	sshll.u32 s26, $0x1;
	_ =	strace $0x80000049;
	[dreg:$0x1] =	wrdreg $0xFFFFFFFF  }
0xa7: {  	s28 =	simm.s32 $_size_execute0_lowered;
	s3 =	sadd.s32 s3, s5;
	[dreg:$0x0] =	wrdreg $0x0  }
0xa8: {  	s5 =	sshll.u32 s28, $0x1;
	[dreg:$0x2] =	wrdreg s3  }
0xa9: {  	[dreg:$0x3] =	wrdreg s5  }
0xaa: {  	[dreg:$0x4] =	wrdreg $0xC0  }
0xab: {  	_ =	task [dreg:s7], $0x5FFFF  }
0xac: {  	[dreg:$0x1] =	wrdreg $0xFFFFFFFF  }
0xad: {  	[dreg:$0x0] =	wrdreg $0x60  }
0xae: {  	[dreg:$0x2] =	wrdreg s2  }
0xaf: {  	[dreg:$0x3] =	wrdreg s24  }
0xb0: {  	[dreg:$0x4] =	wrdreg $0xA8000  }
0xb1: {  	[dreg:$0x5] =	wrdreg $0x9  }
0xb2: {  	_ =	task.clear_ibuf [dreg:s7], $0x6FFFF;
	_ =	strace $0x90000049  }
0xb3: {  	s29 =	simm.s32 $0x9;
	_ =	strace $0x8000004B  }
0xb4: {  	_ =	swait.ge [sflag:s29], $0x1  }
0xb5: {  	[sflag:s29] =	ssyncadd.s32 $0xFFFFFFFF  }
0xb6: {  	_ =	strace $0x9000004B  }
0xb7: {  	_ =	sfence  }
0xb8: {  	s30 =	sld [smem:$0x0];
	_ =	sdelay $0x2  }
0xb9: {  	s31 =	sshll.u32 s1, $0xD;
	s1 =	sshrl.u32 s1, $0x2  }
0xba: {  	s3 =	sand.u32 $0x4000, s31;
	s1 =	sadd.s32 s1, s30  }
0xbb: {  	s0 =	sor.u32 s3, s0;
	s1 =	sshll.u32 s1, $0x11  }
0xbc: {  	s0 =	sor.u32 s1, s0  }
0xbd: {  	s0 =	sadd.s32 $0x8F2B, s0  }
0xbe: {  	[sflag:s0] =	ssyncadd.remote.s32 $0x1  }
0xbf: {  	_ =	sfence.sel $0xFFFF  }
0xc0: {  	[dreg:$0x0] =	wrdreg $0xFFFFFFFF;
	(pc) =	sbr.abs _section_cstart, $3  }
0xc1: {  	[dreg:$0x1] =	wrdreg $0xFFFFFFFF  }
0xc2: {  	_ =	task.clear_ibuf [dreg:s7], $0x2FFFF;
	_ =	strace $0x9FFFFFFF  }
0xc3: {  	(tm) =	ssettm $0x7FFFFFFF  }
tec
execute0_lowered:
.L_overlay_start_1:
0x0: {  	(tag) =	ssettag $0x1  }
0x1: {  	s1 =	rddreg [dreg:$0x0]  }
0x2: {  	s5 =	rddreg [dreg:$0x1]  }
0x3: {  	s2 =	rddreg [dreg:$0x2]  }
0x4: {  	s3 =	srdreg.scid;
	s0 =	rddreg [dreg:$0x3]  }
0x5: {  	s4 =	simm.s32 $0x0;
	s18 =	simm.s32 $0xA000;
	s19 =	simm.s32 $0x3  }
0x6: {  	s20 =	simm.s32 $0x1000;
	s21 =	simm.s32 $0x80;
	s22 =	simm.s32 $0x2000  }
0x7: {  	s23 =	simm.s32 $0x6000;
	s24 =	simm.s32 $0x1;
	s28 =	simm.s32 $0x1F80  }
0x8: {  	s6 =	sand.u32 $0x1, s3;
	s3 =	stileid.u32;
	[smem:$0x7FF] =	sst s4  }
0x9: {  	s12 =	sadd.s32 $0xEE00, s5;
	s13 =	sadd.s32 $0x6E00, s5;
	s7 =	smul.u32 $0x140000, s6  }
0xa: {  	s8 =	smul.u32 $0x14000, s3;
	_ =	strace $0x8000004A;
	s9 =	sshll.u32 s3, $0x9  }
0xb: {  	s25 =	ssub.s32 $0x2, s6;
	s10 =	smul.u32 $0x50000, s3;
	s30 =	sshll.u32 s3, $0xB  }
0xc: {  	p0 =	seq.s32 s6, $0x1;
	s15 =	sadd.s32 s9, s5;
	s26 =	sshrl.u32 s25, $0x1  }
0xd: {  	s31 =	sor.u32 $0x200, s30;
	s6 =	sadd.s32 s12, s30;
	s11 =	sor.u32 $0x400, s30  }
0xe: {  	s14 =	sor.u32 $0x600, s30;
	s7 =	sadd.s32 s8, s7;
	s17 =	ssub.s32 s25, s26  }
0xf: {  	s29 =	sshrl.u32 s10, $0x2;
	s8 =	sadd.s32 s12, s31;
	s9 =	sadd.s32 s13, s31  }
.Ltmp0:
0x10: {  	s10 =	sadd.s32 s12, s11;
	s11 =	sadd.s32 s13, s11;
	(pc) =	sbr.rel .LBB2_1-.Ltmp0, $4  }
0x11: {  	s12 =	sadd.s32 s12, s14;
	s25 =	simm.s32 $0x2;
	s7 =	sshrl.u32 s7, $0x3  }
0x12: {  	s26 =	simm.s32 $0x1F00;
	s17 =	smax.u32 s17, $0x1;
	s16 =	sadd.s32 s7, s5  }
0x13: {  	s5 =	sadd.s32 s29, s2;
	s7 =	sadd.s32 s13, s30;
	s13 =	sadd.s32 s13, s14  }
0x14: {  	v0 =	vimm.f32 $0.0e+00;
	s14 =	sadd.s32 $0x4E00, s15;
	s15 =	sadd.s32 $0x2E00, s15;
	s16 =	sadd.s32 $0x16E00, s16  }
.LBB2_14:
0x15: {  	[tilespmem:s23], [sflag:$0x2] =	stream.indirect.gather [hbm4b:s1+s21], $0x80, s30, s21, $0xb8;
	[tilespmem:$0x1E800] =	vst v63  }
.LBB2_18:
0x16: {  	_ =	swait.ge [sflag:s24], $0x4000  }
0x17: {  	[sflag:s24] =	ssyncset.done $0x0  }
0x18: {  	[sflag:s24] =	ssyncadd.s32 $0xFFFFC000  }
0x19: {  	[spmem:s2] =	stream.indirect.scatter.add.f32 [tilespmem:s22], [sflag:$0x3], $0x80, s26, s21, $0xb8;
	[tilespmem:$0x1E800] =	vst v63  }
0x1a: {  	_ =	swait.ge [sflag:s19], $0x4000  }
0x1b: {  	[sflag:s19] =	ssyncset.done $0x0  }
0x1c: {  	[sflag:s19] =	ssyncadd.s32 $0xFFFFC000  }
0x1d: {  	_ =	swait.ge [sflag:s25], $0x4000  }
0x1e: {  	[sflag:s25] =	ssyncset.done $0x0  }
0x1f: {  	[sflag:s25] =	ssyncadd.s32 $0xFFFFC000  }
0x20: {  	[spmem:s2] =	stream.indirect.scatter.add.f32 [tilespmem:s23], [sflag:$0x3], $0x80, s28, s21, $0xb8;
	[tilespmem:$0x1E800] =	vst v63  }
0x21: {  	_ =	swait.ge [sflag:s19], $0x4000  }
0x22: {  	s29 =	sshll.u32 s3, $0x6;
	s4 =	sadd.s32 $0x1, s4;
	[sflag:s19] =	ssyncset.done $0x0  }
0x23: {  	s30 =	sshrl.u32 s5, $0x3;
	p1 =	sne.s32 s4, s17;
	[sflag:s19] =	ssyncadd.s32 $0xFFFFC000  }
.Ltmp1:
0x24: {  	s29 =	sor.u32 $0x1C03, s29;
	[bflag:$0x0] =	sbarrier.arrive $0xFFFF;
	(pc) =	sbr.rel @!p1 .LBB2_19-.Ltmp1, $4  }
0x25: {  	[hbm:s16], [sflag:s29] =	dma.local [spmem:s30], $0x2800  }
0x26: {  	_ =	swait.ge [sflag:s19], $0x2800  }
0x27: {  	[sflag:s19] =	ssyncset.done $0x0  }
0x28: {  	[sflag:s19] =	ssyncadd.s32 $0xFFFFD800  }
.LBB2_1:
0x29: {  	s29 =	simm.s32 $0x0;
	s30 =	simm.s32 $0x200  }
.LBB2_2:
0x2a: {  	p1 =	sne.s32 s30, $0x1E00;
	[tilespmem:s29+$0xA070] =	vst v0  }
0x2b: {  	[tilespmem:s29+$0xA000] =	vst v0  }
0x2c: {  	[tilespmem:s29+$0xA010] =	vst v0  }
.Ltmp2:
0x2d: {  	[tilespmem:s29+$0xA020] =	vst v0;
	(pc) =	sbr.rel @p1 .LBB2_2-.Ltmp2, $4  }
0x2e: {  	[tilespmem:s29+$0xA030] =	vst v0  }
0x2f: {  	[tilespmem:s29+$0xA040] =	vst v0  }
0x30: {  	[tilespmem:s29+$0xA050] =	vst v0  }
0x31: {  	[tilespmem:s29+$0xA060] =	vst v0;
	s29 =	sshra.s32 s30, $0x2;
	s30 =	sadd.s32 $0x200, s30  }
0x32: {  	[tilespmem:s29+$0xA070] =	vst v0  }
0x33: {  	[tilespmem:s29+$0xA000] =	vst v0  }
0x34: {  	[tilespmem:s29+$0xA010] =	vst v0  }
0x35: {  	[tilespmem:s29+$0xA020] =	vst v0  }
0x36: {  	[tilespmem:s29+$0xA030] =	vst v0  }
0x37: {  	[tilespmem:s29+$0xA040] =	vst v0  }
0x38: {  	[tilespmem:s29+$0xA050] =	vst v0  }
0x39: {  	[tilespmem:s29+$0xA060] =	vst v0;
	s29 =	sadd.s32 $0x0, s5  }
0x3a: {  	[spmem:s29] =	stream.linear.scatter [tilespmem:s18], [sflag:$0x3], $0x800, $0x38;
	[tilespmem:$0x1E800] =	vst v63  }
0x3b: {  	s29 =	simm.s32 $0x2000;
	_ =	swait.ge [sflag:s19], $0x800  }
.LBB2_4:
0x3c: {  	s30 =	sshra.s32 s29, $0x2;
	[sflag:s19] =	ssyncset.done $0x0;
	p1 =	sne.s32 s29, $0x4E000  }
.Ltmp3:
0x3d: {  	s30 =	sadd.s32 s30, s5;
	[sflag:s19] =	ssyncadd.s32 $0xFFFFF800;
	(pc) =	sbr.rel @p1 .LBB2_4-.Ltmp3, $3  }
0x3e: {  	[spmem:s30] =	stream.linear.scatter [tilespmem:s18], [sflag:$0x3], $0x800, $0x38;
	[tilespmem:$0x1E800] =	vst v63  }
0x3f: {  	s29 =	sadd.s32 $0x2000, s29;
	_ =	sdelay $0x1  }
0x40: {  	_ =	swait.ge [sflag:s19], $0x800  }
.Ltmp4:
0x41: {  	(pc) =	sbr.rel @!p0 .LBB2_6-.Ltmp4, $4  }
0x42: {  	[sflag:s19] =	ssyncset.done $0x0  }
0x43: {  	[sflag:s19] =	ssyncadd.s32 $0xFFFFF800  }
0x44: {  	[bflag:$0x0] =	sbarrier.arrive $0xFFFF  }
0x45: {  	s29 =	simm.s32 $0x0  }
0x46: {  	[tilespmem:s29], [sflag:$0x3] =	stream.linear.gather [hbm4b:s14+s29], $0x1000, $0x38;
	[tilespmem:$0x1E800] =	vst v63  }
0x47: {  	_ =	swait.ge [sflag:s19], $0x1000  }
0x48: {  	[sflag:s19] =	ssyncset.done $0x0  }
0x49: {  	[sflag:s19] =	ssyncadd.s32 $0xFFFFF000  }
0x4a: {  	[tilespmem:s20], [sflag:$0x3] =	stream.linear.gather [hbm4b:s15+s29], $0x1000, $0x38;
	[tilespmem:$0x1E800] =	vst v63  }
0x4b: {  	_ =	swait.ge [sflag:s19], $0x1000  }
0x4c: {  	[sflag:s19] =	ssyncset.done $0x0  }
0x4d: {  	[sflag:s19] =	ssyncadd.s32 $0xFFFFF000  }
0x4e: {  	[tilespmem:s22], [sflag:$0x1] =	stream.indirect.gather [hbm4b:s1+s21], $0x80, s29, s21, $0xb8;
	[tilespmem:$0x1E800] =	vst v63  }
0x4f: {  	_ = 	snop  }
0x50: {  	[tilespmem:s23], [sflag:$0x2] =	stream.indirect.gather [hbm4b:s1+s21], $0x80, s21, s21, $0xb8;
	[tilespmem:$0x1E800] =	vst v63  }
0x51: {  	_ =	swait.ge [sflag:s24], $0x4000  }
0x52: {  	[sflag:s24] =	ssyncset.done $0x0  }
0x53: {  	s29 =	simm.s32 $0x1000;
	[sflag:s24] =	ssyncadd.s32 $0xFFFFC000  }
0x54: {  	[spmem:s2] =	stream.indirect.scatter.add.f32 [tilespmem:s22], [sflag:$0x3], $0x80, s29, s21, $0xb8;
	[tilespmem:$0x1E800] =	vst v63  }
0x55: {  	_ =	swait.ge [sflag:s19], $0x4000  }
0x56: {  	[sflag:s19] =	ssyncset.done $0x0  }
0x57: {  	s29 =	simm.s32 $0x100;
	[sflag:s19] =	ssyncadd.s32 $0xFFFFC000  }
0x58: {  	[tilespmem:s22], [sflag:$0x1] =	stream.indirect.gather [hbm4b:s1+s21], $0x80, s29, s21, $0xb8;
	[tilespmem:$0x1E800] =	vst v63  }
0x59: {  	_ =	swait.ge [sflag:s25], $0x4000  }
0x5a: {  	[sflag:s25] =	ssyncset.done $0x0  }
0x5b: {  	s29 =	simm.s32 $0x1080;
	[sflag:s25] =	ssyncadd.s32 $0xFFFFC000  }
0x5c: {  	[spmem:s2] =	stream.indirect.scatter.add.f32 [tilespmem:s23], [sflag:$0x3], $0x80, s29, s21, $0xb8;
	[tilespmem:$0x1E800] =	vst v63  }
0x5d: {  	_ =	swait.ge [sflag:s19], $0x4000  }
0x5e: {  	[sflag:s19] =	ssyncset.done $0x0  }
0x5f: {  	s30 =	simm.s32 $0x180;
	s29 =	simm.s32 $0x400;
	[sflag:s19] =	ssyncadd.s32 $0xFFFFC000  }
.LBB2_16:
0x60: {  	[tilespmem:s23], [sflag:$0x2] =	stream.indirect.gather [hbm4b:s1+s21], $0x80, s30, s21, $0xb8;
	[tilespmem:$0x1E800] =	vst v63  }
0x61: {  	s30 =	smov.u32 s29  }
0x62: {  	p1 =	sne.s32 s29, $0x3800;
	s29 =	sadd.s32 $0x400, s29;
	_ =	swait.ge [sflag:s24], $0x4000  }
0x63: {  	s30 =	sshra.s32 s30, $0x2;
	[sflag:s24] =	ssyncset.done $0x0  }
0x64: {  	s31 =	sadd.s32 $0x1000, s30;
	[sflag:s24] =	ssyncadd.s32 $0xFFFFC000  }
0x65: {  	[spmem:s2] =	stream.indirect.scatter.add.f32 [tilespmem:s22], [sflag:$0x3], $0x80, s31, s21, $0xb8;
	[tilespmem:$0x1E800] =	vst v63  }
0x66: {  	_ =	swait.ge [sflag:s19], $0x4000  }
0x67: {  	[sflag:s19] =	ssyncset.done $0x0  }
0x68: {  	s31 =	sadd.s32 $0x100, s30;
	[sflag:s19] =	ssyncadd.s32 $0xFFFFC000  }
0x69: {  	[tilespmem:s22], [sflag:$0x1] =	stream.indirect.gather [hbm4b:s1+s21], $0x80, s31, s21, $0xb8;
	[tilespmem:$0x1E800] =	vst v63  }
0x6a: {  	_ =	swait.ge [sflag:s25], $0x4000  }
0x6b: {  	[sflag:s25] =	ssyncset.done $0x0  }
.Ltmp5:
0x6c: {  	s31 =	sadd.s32 $0x1080, s30;
	[sflag:s25] =	ssyncadd.s32 $0xFFFFC000;
	(pc) =	sbr.rel @p1 .LBB2_16-.Ltmp5, $4  }
0x6d: {  	[spmem:s2] =	stream.indirect.scatter.add.f32 [tilespmem:s23], [sflag:$0x3], $0x80, s31, s21, $0xb8;
	[tilespmem:$0x1E800] =	vst v63  }
0x6e: {  	_ =	swait.ge [sflag:s19], $0x4000  }
0x6f: {  	[sflag:s19] =	ssyncset.done $0x0  }
0x70: {  	s30 =	sadd.s32 $0x180, s30;
	[sflag:s19] =	ssyncadd.s32 $0xFFFFC000  }
.Ltmp6:
0x71: {  	(pc) =	sbr.rel .LBB2_18-.Ltmp6, $2  }
0x72: {  	_ =	sdelay $0x2  }
0x73: {  	[tilespmem:s23], [sflag:$0x2] =	stream.indirect.gather [hbm4b:s1+s21], $0x80, s30, s21, $0xb8;
	[tilespmem:$0x1E800] =	vst v63  }
.LBB2_6:
0x74: {  	[tilespmem:s29], [sflag:$0x3] =	stream.linear.gather [hbm4b:s6+s29], $0x1000, $0x38;
	[tilespmem:$0x1E800] =	vst v63  }
0x75: {  	_ =	swait.ge [sflag:s19], $0x1000  }
0x76: {  	[sflag:s19] =	ssyncset.done $0x0  }
0x77: {  	[sflag:s19] =	ssyncadd.s32 $0xFFFFF000  }
0x78: {  	[tilespmem:s20], [sflag:$0x3] =	stream.linear.gather [hbm4b:s7+s29], $0x1000, $0x38;
	[tilespmem:$0x1E800] =	vst v63  }
0x79: {  	_ =	swait.ge [sflag:s19], $0x1000  }
0x7a: {  	[sflag:s19] =	ssyncset.done $0x0  }
0x7b: {  	[sflag:s19] =	ssyncadd.s32 $0xFFFFF000  }
0x7c: {  	[tilespmem:s22], [sflag:$0x1] =	stream.indirect.gather [hbm4b:s1+s21], $0x80, s29, s21, $0xb8;
	[tilespmem:$0x1E800] =	vst v63  }
0x7d: {  	_ = 	snop  }
0x7e: {  	[tilespmem:s23], [sflag:$0x2] =	stream.indirect.gather [hbm4b:s1+s21], $0x80, s21, s21, $0xb8;
	[tilespmem:$0x1E800] =	vst v63  }
0x7f: {  	_ =	swait.ge [sflag:s24], $0x4000  }
0x80: {  	[sflag:s24] =	ssyncset.done $0x0  }
0x81: {  	s29 =	simm.s32 $0x1000;
	[sflag:s24] =	ssyncadd.s32 $0xFFFFC000  }
0x82: {  	[spmem:s2] =	stream.indirect.scatter.add.f32 [tilespmem:s22], [sflag:$0x3], $0x80, s29, s21, $0xb8;
	[tilespmem:$0x1E800] =	vst v63  }
0x83: {  	_ =	swait.ge [sflag:s19], $0x4000  }
0x84: {  	[sflag:s19] =	ssyncset.done $0x0  }
0x85: {  	s29 =	simm.s32 $0x100;
	[sflag:s19] =	ssyncadd.s32 $0xFFFFC000  }
0x86: {  	[tilespmem:s22], [sflag:$0x1] =	stream.indirect.gather [hbm4b:s1+s21], $0x80, s29, s21, $0xb8;
	[tilespmem:$0x1E800] =	vst v63  }
0x87: {  	_ =	swait.ge [sflag:s25], $0x4000  }
0x88: {  	[sflag:s25] =	ssyncset.done $0x0  }
0x89: {  	s29 =	simm.s32 $0x1080;
	[sflag:s25] =	ssyncadd.s32 $0xFFFFC000  }
0x8a: {  	[spmem:s2] =	stream.indirect.scatter.add.f32 [tilespmem:s23], [sflag:$0x3], $0x80, s29, s21, $0xb8;
	[tilespmem:$0x1E800] =	vst v63  }
0x8b: {  	_ =	swait.ge [sflag:s19], $0x4000  }
0x8c: {  	[sflag:s19] =	ssyncset.done $0x0  }
0x8d: {  	s30 =	simm.s32 $0x180;
	s29 =	simm.s32 $0x400;
	[sflag:s19] =	ssyncadd.s32 $0xFFFFC000  }
.LBB2_7:
0x8e: {  	[tilespmem:s23], [sflag:$0x2] =	stream.indirect.gather [hbm4b:s1+s21], $0x80, s30, s21, $0xb8;
	[tilespmem:$0x1E800] =	vst v63  }
0x8f: {  	s30 =	smov.u32 s29  }
0x90: {  	p1 =	sne.s32 s29, $0x3800;
	s29 =	sadd.s32 $0x400, s29;
	_ =	swait.ge [sflag:s24], $0x4000  }
0x91: {  	s30 =	sshra.s32 s30, $0x2;
	[sflag:s24] =	ssyncset.done $0x0  }
0x92: {  	s31 =	sadd.s32 $0x1000, s30;
	[sflag:s24] =	ssyncadd.s32 $0xFFFFC000  }
0x93: {  	[spmem:s2] =	stream.indirect.scatter.add.f32 [tilespmem:s22], [sflag:$0x3], $0x80, s31, s21, $0xb8;
	[tilespmem:$0x1E800] =	vst v63  }
0x94: {  	_ =	swait.ge [sflag:s19], $0x4000  }
0x95: {  	[sflag:s19] =	ssyncset.done $0x0  }
0x96: {  	s31 =	sadd.s32 $0x100, s30;
	[sflag:s19] =	ssyncadd.s32 $0xFFFFC000  }
0x97: {  	[tilespmem:s22], [sflag:$0x1] =	stream.indirect.gather [hbm4b:s1+s21], $0x80, s31, s21, $0xb8;
	[tilespmem:$0x1E800] =	vst v63  }
0x98: {  	_ =	swait.ge [sflag:s25], $0x4000  }
0x99: {  	[sflag:s25] =	ssyncset.done $0x0  }
.Ltmp7:
0x9a: {  	s31 =	sadd.s32 $0x1080, s30;
	[sflag:s25] =	ssyncadd.s32 $0xFFFFC000;
	(pc) =	sbr.rel @p1 .LBB2_7-.Ltmp7, $4  }
0x9b: {  	[spmem:s2] =	stream.indirect.scatter.add.f32 [tilespmem:s23], [sflag:$0x3], $0x80, s31, s21, $0xb8;
	[tilespmem:$0x1E800] =	vst v63  }
0x9c: {  	_ =	swait.ge [sflag:s19], $0x4000  }
0x9d: {  	[sflag:s19] =	ssyncset.done $0x0  }
0x9e: {  	s30 =	sadd.s32 $0x180, s30;
	[sflag:s19] =	ssyncadd.s32 $0xFFFFC000  }
0x9f: {  	[tilespmem:s23], [sflag:$0x2] =	stream.indirect.gather [hbm4b:s1+s21], $0x80, s30, s21, $0xb8;
	[tilespmem:$0x1E800] =	vst v63  }
0xa0: {  	_ =	swait.ge [sflag:s24], $0x4000  }
0xa1: {  	[sflag:s24] =	ssyncset.done $0x0  }
0xa2: {  	[sflag:s24] =	ssyncadd.s32 $0xFFFFC000  }
0xa3: {  	[spmem:s2] =	stream.indirect.scatter.add.f32 [tilespmem:s22], [sflag:$0x3], $0x80, s26, s21, $0xb8;
	[tilespmem:$0x1E800] =	vst v63  }
0xa4: {  	_ =	swait.ge [sflag:s19], $0x4000  }
0xa5: {  	[sflag:s19] =	ssyncset.done $0x0  }
0xa6: {  	[sflag:s19] =	ssyncadd.s32 $0xFFFFC000  }
0xa7: {  	_ =	swait.ge [sflag:s25], $0x4000  }
0xa8: {  	[sflag:s25] =	ssyncset.done $0x0  }
0xa9: {  	[sflag:s25] =	ssyncadd.s32 $0xFFFFC000  }
0xaa: {  	[spmem:s2] =	stream.indirect.scatter.add.f32 [tilespmem:s23], [sflag:$0x3], $0x80, s28, s21, $0xb8;
	[tilespmem:$0x1E800] =	vst v63  }
0xab: {  	_ =	swait.ge [sflag:s19], $0x4000  }
0xac: {  	[sflag:s19] =	ssyncset.done $0x0  }
0xad: {  	s29 =	simm.s32 $0x0;
	[sflag:s19] =	ssyncadd.s32 $0xFFFFC000  }
0xae: {  	[tilespmem:s29], [sflag:$0x3] =	stream.linear.gather [hbm4b:s8+s29], $0x1000, $0x38;
	[tilespmem:$0x1E800] =	vst v63  }
0xaf: {  	_ =	swait.ge [sflag:s19], $0x1000  }
0xb0: {  	[sflag:s19] =	ssyncset.done $0x0  }
0xb1: {  	[sflag:s19] =	ssyncadd.s32 $0xFFFFF000  }
0xb2: {  	[tilespmem:s20], [sflag:$0x3] =	stream.linear.gather [hbm4b:s9+s29], $0x1000, $0x38;
	[tilespmem:$0x1E800] =	vst v63  }
0xb3: {  	_ =	swait.ge [sflag:s19], $0x1000  }
0xb4: {  	[sflag:s19] =	ssyncset.done $0x0  }
0xb5: {  	[sflag:s19] =	ssyncadd.s32 $0xFFFFF000  }
0xb6: {  	[tilespmem:s22], [sflag:$0x1] =	stream.indirect.gather [hbm4b:s1+s21], $0x80, s29, s21, $0xb8;
	[tilespmem:$0x1E800] =	vst v63  }
0xb7: {  	_ = 	snop  }
0xb8: {  	[tilespmem:s23], [sflag:$0x2] =	stream.indirect.gather [hbm4b:s1+s21], $0x80, s21, s21, $0xb8;
	[tilespmem:$0x1E800] =	vst v63  }
0xb9: {  	_ =	swait.ge [sflag:s24], $0x4000  }
0xba: {  	[sflag:s24] =	ssyncset.done $0x0  }
0xbb: {  	s29 =	simm.s32 $0x1000;
	[sflag:s24] =	ssyncadd.s32 $0xFFFFC000  }
0xbc: {  	[spmem:s2] =	stream.indirect.scatter.add.f32 [tilespmem:s22], [sflag:$0x3], $0x80, s29, s21, $0xb8;
	[tilespmem:$0x1E800] =	vst v63  }
0xbd: {  	_ =	swait.ge [sflag:s19], $0x4000  }
0xbe: {  	[sflag:s19] =	ssyncset.done $0x0  }
0xbf: {  	s29 =	simm.s32 $0x100;
	[sflag:s19] =	ssyncadd.s32 $0xFFFFC000  }
0xc0: {  	[tilespmem:s22], [sflag:$0x1] =	stream.indirect.gather [hbm4b:s1+s21], $0x80, s29, s21, $0xb8;
	[tilespmem:$0x1E800] =	vst v63  }
0xc1: {  	_ =	swait.ge [sflag:s25], $0x4000  }
0xc2: {  	[sflag:s25] =	ssyncset.done $0x0  }
0xc3: {  	s29 =	simm.s32 $0x1080;
	[sflag:s25] =	ssyncadd.s32 $0xFFFFC000  }
0xc4: {  	[spmem:s2] =	stream.indirect.scatter.add.f32 [tilespmem:s23], [sflag:$0x3], $0x80, s29, s21, $0xb8;
	[tilespmem:$0x1E800] =	vst v63  }
0xc5: {  	_ =	swait.ge [sflag:s19], $0x4000  }
0xc6: {  	[sflag:s19] =	ssyncset.done $0x0  }
0xc7: {  	s30 =	simm.s32 $0x180;
	s29 =	simm.s32 $0x400;
	[sflag:s19] =	ssyncadd.s32 $0xFFFFC000  }
.LBB2_9:
0xc8: {  	[tilespmem:s23], [sflag:$0x2] =	stream.indirect.gather [hbm4b:s1+s21], $0x80, s30, s21, $0xb8;
	[tilespmem:$0x1E800] =	vst v63  }
0xc9: {  	s30 =	smov.u32 s29  }
0xca: {  	p1 =	sne.s32 s29, $0x3800;
	s29 =	sadd.s32 $0x400, s29;
	_ =	swait.ge [sflag:s24], $0x4000  }
0xcb: {  	s30 =	sshra.s32 s30, $0x2;
	[sflag:s24] =	ssyncset.done $0x0  }
0xcc: {  	s31 =	sadd.s32 $0x1000, s30;
	[sflag:s24] =	ssyncadd.s32 $0xFFFFC000  }
0xcd: {  	[spmem:s2] =	stream.indirect.scatter.add.f32 [tilespmem:s22], [sflag:$0x3], $0x80, s31, s21, $0xb8;
	[tilespmem:$0x1E800] =	vst v63  }
0xce: {  	_ =	swait.ge [sflag:s19], $0x4000  }
0xcf: {  	[sflag:s19] =	ssyncset.done $0x0  }
0xd0: {  	s31 =	sadd.s32 $0x100, s30;
	[sflag:s19] =	ssyncadd.s32 $0xFFFFC000  }
0xd1: {  	[tilespmem:s22], [sflag:$0x1] =	stream.indirect.gather [hbm4b:s1+s21], $0x80, s31, s21, $0xb8;
	[tilespmem:$0x1E800] =	vst v63  }
0xd2: {  	_ =	swait.ge [sflag:s25], $0x4000  }
0xd3: {  	[sflag:s25] =	ssyncset.done $0x0  }
.Ltmp8:
0xd4: {  	s31 =	sadd.s32 $0x1080, s30;
	[sflag:s25] =	ssyncadd.s32 $0xFFFFC000;
	(pc) =	sbr.rel @p1 .LBB2_9-.Ltmp8, $4  }
0xd5: {  	[spmem:s2] =	stream.indirect.scatter.add.f32 [tilespmem:s23], [sflag:$0x3], $0x80, s31, s21, $0xb8;
	[tilespmem:$0x1E800] =	vst v63  }
0xd6: {  	_ =	swait.ge [sflag:s19], $0x4000  }
0xd7: {  	[sflag:s19] =	ssyncset.done $0x0  }
0xd8: {  	s30 =	sadd.s32 $0x180, s30;
	[sflag:s19] =	ssyncadd.s32 $0xFFFFC000  }
0xd9: {  	[tilespmem:s23], [sflag:$0x2] =	stream.indirect.gather [hbm4b:s1+s21], $0x80, s30, s21, $0xb8;
	[tilespmem:$0x1E800] =	vst v63  }
0xda: {  	_ =	swait.ge [sflag:s24], $0x4000  }
0xdb: {  	[sflag:s24] =	ssyncset.done $0x0  }
0xdc: {  	[sflag:s24] =	ssyncadd.s32 $0xFFFFC000  }
0xdd: {  	[spmem:s2] =	stream.indirect.scatter.add.f32 [tilespmem:s22], [sflag:$0x3], $0x80, s26, s21, $0xb8;
	[tilespmem:$0x1E800] =	vst v63  }
0xde: {  	_ =	swait.ge [sflag:s19], $0x4000  }
0xdf: {  	[sflag:s19] =	ssyncset.done $0x0  }
0xe0: {  	[sflag:s19] =	ssyncadd.s32 $0xFFFFC000  }
0xe1: {  	_ =	swait.ge [sflag:s25], $0x4000  }
0xe2: {  	[sflag:s25] =	ssyncset.done $0x0  }
0xe3: {  	[sflag:s25] =	ssyncadd.s32 $0xFFFFC000  }
0xe4: {  	[spmem:s2] =	stream.indirect.scatter.add.f32 [tilespmem:s23], [sflag:$0x3], $0x80, s28, s21, $0xb8;
	[tilespmem:$0x1E800] =	vst v63  }
0xe5: {  	_ =	swait.ge [sflag:s19], $0x4000  }
0xe6: {  	[sflag:s19] =	ssyncset.done $0x0  }
0xe7: {  	s29 =	simm.s32 $0x0;
	[sflag:s19] =	ssyncadd.s32 $0xFFFFC000  }
0xe8: {  	[tilespmem:s29], [sflag:$0x3] =	stream.linear.gather [hbm4b:s10+s29], $0x1000, $0x38;
	[tilespmem:$0x1E800] =	vst v63  }
0xe9: {  	_ =	swait.ge [sflag:s19], $0x1000  }
0xea: {  	[sflag:s19] =	ssyncset.done $0x0  }
0xeb: {  	[sflag:s19] =	ssyncadd.s32 $0xFFFFF000  }
0xec: {  	[tilespmem:s20], [sflag:$0x3] =	stream.linear.gather [hbm4b:s11+s29], $0x1000, $0x38;
	[tilespmem:$0x1E800] =	vst v63  }
0xed: {  	_ =	swait.ge [sflag:s19], $0x1000  }
0xee: {  	[sflag:s19] =	ssyncset.done $0x0  }
0xef: {  	[sflag:s19] =	ssyncadd.s32 $0xFFFFF000  }
0xf0: {  	[tilespmem:s22], [sflag:$0x1] =	stream.indirect.gather [hbm4b:s1+s21], $0x80, s29, s21, $0xb8;
	[tilespmem:$0x1E800] =	vst v63  }
0xf1: {  	_ = 	snop  }
0xf2: {  	[tilespmem:s23], [sflag:$0x2] =	stream.indirect.gather [hbm4b:s1+s21], $0x80, s21, s21, $0xb8;
	[tilespmem:$0x1E800] =	vst v63  }
0xf3: {  	_ =	swait.ge [sflag:s24], $0x4000  }
0xf4: {  	[sflag:s24] =	ssyncset.done $0x0  }
0xf5: {  	s29 =	simm.s32 $0x1000;
	[sflag:s24] =	ssyncadd.s32 $0xFFFFC000  }
0xf6: {  	[spmem:s2] =	stream.indirect.scatter.add.f32 [tilespmem:s22], [sflag:$0x3], $0x80, s29, s21, $0xb8;
	[tilespmem:$0x1E800] =	vst v63  }
0xf7: {  	_ =	swait.ge [sflag:s19], $0x4000  }
0xf8: {  	[sflag:s19] =	ssyncset.done $0x0  }
0xf9: {  	s29 =	simm.s32 $0x100;
	[sflag:s19] =	ssyncadd.s32 $0xFFFFC000  }
0xfa: {  	[tilespmem:s22], [sflag:$0x1] =	stream.indirect.gather [hbm4b:s1+s21], $0x80, s29, s21, $0xb8;
	[tilespmem:$0x1E800] =	vst v63  }
0xfb: {  	_ =	swait.ge [sflag:s25], $0x4000  }
0xfc: {  	[sflag:s25] =	ssyncset.done $0x0  }
0xfd: {  	s29 =	simm.s32 $0x1080;
	[sflag:s25] =	ssyncadd.s32 $0xFFFFC000  }
0xfe: {  	[spmem:s2] =	stream.indirect.scatter.add.f32 [tilespmem:s23], [sflag:$0x3], $0x80, s29, s21, $0xb8;
	[tilespmem:$0x1E800] =	vst v63  }
0xff: {  	_ =	swait.ge [sflag:s19], $0x4000  }
0x100: {  	[sflag:s19] =	ssyncset.done $0x0  }
0x101: {  	s30 =	simm.s32 $0x180;
	s29 =	simm.s32 $0x400;
	[sflag:s19] =	ssyncadd.s32 $0xFFFFC000  }
.LBB2_11:
0x102: {  	[tilespmem:s23], [sflag:$0x2] =	stream.indirect.gather [hbm4b:s1+s21], $0x80, s30, s21, $0xb8;
	[tilespmem:$0x1E800] =	vst v63  }
0x103: {  	s30 =	smov.u32 s29  }
0x104: {  	p1 =	sne.s32 s29, $0x3800;
	s29 =	sadd.s32 $0x400, s29;
	_ =	swait.ge [sflag:s24], $0x4000  }
0x105: {  	s30 =	sshra.s32 s30, $0x2;
	[sflag:s24] =	ssyncset.done $0x0  }
0x106: {  	s31 =	sadd.s32 $0x1000, s30;
	[sflag:s24] =	ssyncadd.s32 $0xFFFFC000  }
0x107: {  	[spmem:s2] =	stream.indirect.scatter.add.f32 [tilespmem:s22], [sflag:$0x3], $0x80, s31, s21, $0xb8;
	[tilespmem:$0x1E800] =	vst v63  }
0x108: {  	_ =	swait.ge [sflag:s19], $0x4000  }
0x109: {  	[sflag:s19] =	ssyncset.done $0x0  }
0x10a: {  	s31 =	sadd.s32 $0x100, s30;
	[sflag:s19] =	ssyncadd.s32 $0xFFFFC000  }
0x10b: {  	[tilespmem:s22], [sflag:$0x1] =	stream.indirect.gather [hbm4b:s1+s21], $0x80, s31, s21, $0xb8;
	[tilespmem:$0x1E800] =	vst v63  }
0x10c: {  	_ =	swait.ge [sflag:s25], $0x4000  }
0x10d: {  	[sflag:s25] =	ssyncset.done $0x0  }
.Ltmp9:
0x10e: {  	s31 =	sadd.s32 $0x1080, s30;
	[sflag:s25] =	ssyncadd.s32 $0xFFFFC000;
	(pc) =	sbr.rel @p1 .LBB2_11-.Ltmp9, $4  }
0x10f: {  	[spmem:s2] =	stream.indirect.scatter.add.f32 [tilespmem:s23], [sflag:$0x3], $0x80, s31, s21, $0xb8;
	[tilespmem:$0x1E800] =	vst v63  }
0x110: {  	_ =	swait.ge [sflag:s19], $0x4000  }
0x111: {  	[sflag:s19] =	ssyncset.done $0x0  }
0x112: {  	s30 =	sadd.s32 $0x180, s30;
	[sflag:s19] =	ssyncadd.s32 $0xFFFFC000  }
0x113: {  	[tilespmem:s23], [sflag:$0x2] =	stream.indirect.gather [hbm4b:s1+s21], $0x80, s30, s21, $0xb8;
	[tilespmem:$0x1E800] =	vst v63  }
0x114: {  	_ =	swait.ge [sflag:s24], $0x4000  }
0x115: {  	[sflag:s24] =	ssyncset.done $0x0  }
0x116: {  	[sflag:s24] =	ssyncadd.s32 $0xFFFFC000  }
0x117: {  	[spmem:s2] =	stream.indirect.scatter.add.f32 [tilespmem:s22], [sflag:$0x3], $0x80, s26, s21, $0xb8;
	[tilespmem:$0x1E800] =	vst v63  }
0x118: {  	_ =	swait.ge [sflag:s19], $0x4000  }
0x119: {  	[sflag:s19] =	ssyncset.done $0x0  }
0x11a: {  	[sflag:s19] =	ssyncadd.s32 $0xFFFFC000  }
0x11b: {  	_ =	swait.ge [sflag:s25], $0x4000  }
0x11c: {  	[sflag:s25] =	ssyncset.done $0x0  }
0x11d: {  	[sflag:s25] =	ssyncadd.s32 $0xFFFFC000  }
0x11e: {  	[spmem:s2] =	stream.indirect.scatter.add.f32 [tilespmem:s23], [sflag:$0x3], $0x80, s28, s21, $0xb8;
	[tilespmem:$0x1E800] =	vst v63  }
0x11f: {  	_ =	swait.ge [sflag:s19], $0x4000  }
0x120: {  	[sflag:s19] =	ssyncset.done $0x0  }
0x121: {  	s29 =	simm.s32 $0x0;
	[sflag:s19] =	ssyncadd.s32 $0xFFFFC000  }
0x122: {  	[tilespmem:s29], [sflag:$0x3] =	stream.linear.gather [hbm4b:s12+s29], $0x1000, $0x38;
	[tilespmem:$0x1E800] =	vst v63  }
0x123: {  	_ =	swait.ge [sflag:s19], $0x1000  }
0x124: {  	[sflag:s19] =	ssyncset.done $0x0  }
0x125: {  	[sflag:s19] =	ssyncadd.s32 $0xFFFFF000  }
0x126: {  	[tilespmem:s20], [sflag:$0x3] =	stream.linear.gather [hbm4b:s13+s29], $0x1000, $0x38;
	[tilespmem:$0x1E800] =	vst v63  }
0x127: {  	_ =	swait.ge [sflag:s19], $0x1000  }
0x128: {  	[sflag:s19] =	ssyncset.done $0x0  }
0x129: {  	[sflag:s19] =	ssyncadd.s32 $0xFFFFF000  }
0x12a: {  	[tilespmem:s22], [sflag:$0x1] =	stream.indirect.gather [hbm4b:s1+s21], $0x80, s29, s21, $0xb8;
	[tilespmem:$0x1E800] =	vst v63  }
0x12b: {  	_ = 	snop  }
0x12c: {  	[tilespmem:s23], [sflag:$0x2] =	stream.indirect.gather [hbm4b:s1+s21], $0x80, s21, s21, $0xb8;
	[tilespmem:$0x1E800] =	vst v63  }
0x12d: {  	_ =	swait.ge [sflag:s24], $0x4000  }
0x12e: {  	[sflag:s24] =	ssyncset.done $0x0  }
0x12f: {  	s29 =	simm.s32 $0x1000;
	[sflag:s24] =	ssyncadd.s32 $0xFFFFC000  }
0x130: {  	[spmem:s2] =	stream.indirect.scatter.add.f32 [tilespmem:s22], [sflag:$0x3], $0x80, s29, s21, $0xb8;
	[tilespmem:$0x1E800] =	vst v63  }
0x131: {  	_ =	swait.ge [sflag:s19], $0x4000  }
0x132: {  	[sflag:s19] =	ssyncset.done $0x0  }
0x133: {  	s29 =	simm.s32 $0x100;
	[sflag:s19] =	ssyncadd.s32 $0xFFFFC000  }
0x134: {  	[tilespmem:s22], [sflag:$0x1] =	stream.indirect.gather [hbm4b:s1+s21], $0x80, s29, s21, $0xb8;
	[tilespmem:$0x1E800] =	vst v63  }
0x135: {  	_ =	swait.ge [sflag:s25], $0x4000  }
0x136: {  	[sflag:s25] =	ssyncset.done $0x0  }
0x137: {  	s29 =	simm.s32 $0x1080;
	[sflag:s25] =	ssyncadd.s32 $0xFFFFC000  }
0x138: {  	[spmem:s2] =	stream.indirect.scatter.add.f32 [tilespmem:s23], [sflag:$0x3], $0x80, s29, s21, $0xb8;
	[tilespmem:$0x1E800] =	vst v63  }
0x139: {  	_ =	swait.ge [sflag:s19], $0x4000  }
0x13a: {  	[sflag:s19] =	ssyncset.done $0x0  }
0x13b: {  	s30 =	simm.s32 $0x180;
	s29 =	simm.s32 $0x400;
	[sflag:s19] =	ssyncadd.s32 $0xFFFFC000  }
.LBB2_13:
0x13c: {  	[tilespmem:s23], [sflag:$0x2] =	stream.indirect.gather [hbm4b:s1+s21], $0x80, s30, s21, $0xb8;
	[tilespmem:$0x1E800] =	vst v63  }
0x13d: {  	s30 =	smov.u32 s29  }
0x13e: {  	p1 =	seq.s32 s29, $0x3800;
	s29 =	sadd.s32 $0x400, s29;
	_ =	swait.ge [sflag:s24], $0x4000  }
0x13f: {  	s30 =	sshra.s32 s30, $0x2;
	[sflag:s24] =	ssyncset.done $0x0  }
0x140: {  	s31 =	sadd.s32 $0x1000, s30;
	[sflag:s24] =	ssyncadd.s32 $0xFFFFC000  }
0x141: {  	[spmem:s2] =	stream.indirect.scatter.add.f32 [tilespmem:s22], [sflag:$0x3], $0x80, s31, s21, $0xb8;
	[tilespmem:$0x1E800] =	vst v63  }
0x142: {  	_ =	swait.ge [sflag:s19], $0x4000  }
0x143: {  	[sflag:s19] =	ssyncset.done $0x0  }
0x144: {  	s31 =	sadd.s32 $0x100, s30;
	[sflag:s19] =	ssyncadd.s32 $0xFFFFC000  }
0x145: {  	[tilespmem:s22], [sflag:$0x1] =	stream.indirect.gather [hbm4b:s1+s21], $0x80, s31, s21, $0xb8;
	[tilespmem:$0x1E800] =	vst v63  }
0x146: {  	_ =	swait.ge [sflag:s25], $0x4000  }
0x147: {  	[sflag:s25] =	ssyncset.done $0x0  }
.Ltmp10:
0x148: {  	s31 =	sadd.s32 $0x1080, s30;
	[sflag:s25] =	ssyncadd.s32 $0xFFFFC000;
	(pc) =	sbr.rel @!p1 .LBB2_13-.Ltmp10, $4  }
0x149: {  	[spmem:s2] =	stream.indirect.scatter.add.f32 [tilespmem:s23], [sflag:$0x3], $0x80, s31, s21, $0xb8;
	[tilespmem:$0x1E800] =	vst v63  }
0x14a: {  	_ =	swait.ge [sflag:s19], $0x4000  }
0x14b: {  	[sflag:s19] =	ssyncset.done $0x0  }
0x14c: {  	s30 =	sadd.s32 $0x180, s30;
	[sflag:s19] =	ssyncadd.s32 $0xFFFFC000  }
.Ltmp11:
0x14d: {  	_ = 	snop;
	(pc) =	sbr.rel .LBB2_14-.Ltmp11, $1  }
0x14e: {  	_ =	sdelay $0x3  }
.LBB2_19:
0x14f: {  	_ =	sfence.sel $0x180000  }
0x150: {  	[bflag:$0x0] =	sbarrier.arrive $0xFFFF  }
0x151: {  	p0 =	sne.s32 s3, $0x0;
	_ =	strace $0x9000004A  }
0x152: {  	s0 =	sadd.s32 @!p0 $0x100000, s0;
	[bflag:$0x2] =	sbarrier.arrive $0xFFFF  }
0x153: {  	[sflag:s0] =	ssyncadd.tile.s32 @!p0 $0x1;
	_ =	shalt  }
.Lfunc_end2:
_tile_overlayer_lowered:
.L_overlay_start_2:
0x154: {  	(tag) =	ssettag $0x2  }
0x155: {  	s0 =	rddreg [dreg:$0x0];
	s2 =	stileid.u32  }
0x156: {  	s1 =	rddreg [dreg:$0x1];
	p0 =	sne.s32 s2, $0x0  }
0x157: {  	s3 =	rddreg [dreg:$0x2];
	[bflag:$0x3] =	sbarrier.arrive $0xFFFF;
	s2 =	simm.s32 @!p0 $0x1C03  }
0x158: {  	[timem:s3], [sflag:s2] =	dma.local @!p0 [hbm:s0], s1  }
0x159: {  	s0 =	simm.s32 @!p0 $0x3  }
0x15a: {  	_ =	swait.ge @!p0 [sflag:s0], s1  }
0x15b: {  	s1 =	ssub.s32 @!p0 $0x0, s1;
	[sflag:s0] =	ssyncset.done @!p0 $0x0  }
0x15c: {  	[sflag:s0] =	ssyncadd.s32 @!p0 s1  }
0x15d: {  	[bflag:$0x3] =	sbarrier.arrive $0xFFFF  }
0x15e: {  	_ =	shalt  }

// kernel: kernel.14.cloned.1.call-start
scs
__scs_entry_jumppad:
0x0: {  	(pc) =	sbr.rel $0x88, $3  }
0x1: {  	(tag) =	ssettag $0x0;
	lr =	simm.s32 $0x1  }
0x2: {  	[smem:$0x3F9D] =	sst lr;
	_ =	strace $0xD0000000  }
0x3: {  	_ = 	snop  }
0x4: {  	_ = 	snop  }
0x5: {  	_ = 	snop  }
0x6: {  	_ = 	snop  }
0x7: {  	_ = 	snop  }
__scs_overlays_trampoline_lowered:
0x8: {  	[smem:$0x3FAC] =	sst s0  }
0x9: {  	[smem:$0x3FAD] =	sst s1  }
0xa: {  	[smem:$0x3FAE] =	sst s2  }
0xb: {  	[smem:$0x3FAF] =	sst s3  }
0xc: {  	[smem:$0x3FB0] =	sst s4  }
0xd: {  	[smem:$0x3FB1] =	sst s5  }
0xe: {  	[smem:$0x3FB2] =	sst s6  }
0xf: {  	[smem:$0x3FB3] =	sst s7  }
0x10: {  	[smem:$0x3FB4] =	sst s8  }
0x11: {  	[smem:$0x3FB5] =	sst s9;
	s0 =	simm.s32 @!p0 $0x0  }
0x12: {  	s1 =	sld [smem:$0x3F9B];
	s0 =	simm.s32 @p0 $0x1  }
0x13: {  	[smem:$0x3FB6] =	sst s0;
	s0 =	simm.s32 @!p1 $0x0  }
0x14: {  	s2 =	sld [smem:$0x3F9A];
	s0 =	simm.s32 @p1 $0x1  }
0x15: {  	[smem:$0x3FB7] =	sst s0;
	s0 =	simm.s32 @!p2 $0x0  }
0x16: {  	s3 =	sld [smem:$0x3FDB];
	s0 =	simm.s32 @p2 $0x1  }
0x17: {  	s4 =	simm.s32 $0x1BF5;
	[smem:$0x3FB9] =	sst s0  }
0x18: {  	s0 =	sld [smem:$0x3F9C];
	_ =	swait.ge [sflag:s4], $0x0  }
0x19: {  	s7 =	sld [smem:$0x3F9D]  }
0x1a: {  	s8 =	sadd.s32 $0xFFFFE003, lr  }
0x1b: {  	s9 =	sadd.s32 $0xFFFFFEF7, lr;
	s5 =	simm.s32 $0xFFFFFFFF;
	p2 =	slt.u32 s8, $0xFFFFF086  }
0x1c: {  	p1 =	slt.u32 s9, $0xF7A;
	s5 =	simm.s32 @!p2 $0x0  }
0x1d: {  	s5 =	simm.s32 @p1 $0x1;
	p0 =	seq.s32 s7, s2  }
0x1e: {  	s7 =	smul.u32 @!p0 $0xF7A, s2;
	p2 =	seq.s32 @!p0 s5, $0x0  }
0x1f: {  	s9 =	smul.u32 $0xF7A, s1;
	s8 =	simm.s32 @!p0 $0x1BF5;
	p2 =	por !p2, p0  }
0x20: {  	[sflag:s8] =	ssyncset.s32 @!p0 $0xFFFFF086;
	s6 =	sadd.s32 @!p0 s3, s7;
	s7 =	simm.s32 @!p0 $0x108  }
0x21: {  	s3 =	sadd.s32 s3, s9;
	s6 =	sadd.s32 @!p0 $0x88, s6;
	s7 =	simm.s32 @p2 $0x1082  }
0x22: {  	[simem:s7], [sflag:s8] =	dma.local @!p0 [hbm:s6], $0xF7A  }
0x23: {  	s9 =	sor.u32 $0xD0000000, s2;
	s6 =	simm.s32 $0x108;
	_ =	swait.ge @!p0 [sflag:s8], $0x0  }
0x24: {  	s3 =	sadd.s32 $0x88, s3;
	s6 =	simm.s32 @!p1 $0x1082;
	[sflag:s4] =	ssyncset.s32 $0xFFFFF086  }
0x25: {  	[simem:s6], [sflag:s4] =	dma.local [hbm:s3], $0xF7A  }
0x26: {  	[smem:$0x3F9D] =	sst s1;
	(tag) =	ssettag s2;
	_ =	strace s9  }
0x27: {  	s1 =	sld [smem:$0x3FAD]  }
0x28: {  	s2 =	sld [smem:$0x3FAE]  }
0x29: {  	s4 =	sld [smem:$0x3FB0]  }
0x2a: {  	p0 =	seq.s32 s5, $0x0;
	s5 =	sld [smem:$0x3FB1]  }
0x2b: {  	s6 =	sld [smem:$0x3FB2]  }
0x2c: {  	s7 =	sld [smem:$0x3FB3]  }
0x2d: {  	s3 =	simm.s32 $0x108;
	s8 =	sld [smem:$0x3FB4]  }
0x2e: {  	s3 =	simm.s32 @!p0 $0x1082;
	s9 =	sld [smem:$0x3FB5]  }
0x2f: {  	lr =	sadd.s32 s0, s3;
	s0 =	sld [smem:$0x3FAC]  }
0x30: {  	s3 =	sld [smem:$0x3FAF]  }
0x31: {  	[smem:$0x3FB8] =	sst s10  }
0x32: {  	s10 =	sld [smem:$0x3FB6];
	_ =	sdelay $0x3  }
0x33: {  	p0 =	seq.s32 s10, $0x1;
	s10 =	sld [smem:$0x3FB8];
	_ =	sdelay $0x3  }
0x34: {  	[smem:$0x3FB8] =	sst s10  }
0x35: {  	s10 =	sld [smem:$0x3FB7];
	_ =	sdelay $0x3  }
0x36: {  	p1 =	seq.s32 s10, $0x1;
	s10 =	sld [smem:$0x3FB8];
	_ =	sdelay $0x3  }
0x37: {  	[smem:$0x3FB8] =	sst s10  }
0x38: {  	s10 =	sld [smem:$0x3FB9]  }
0x39: {  	_ = 	snop;
	(pc) =	sbr.ind lr, $3  }
0x3a: {  	_ = 	snop  }
0x3b: {  	_ = 	snop  }
0x3c: {  	p2 =	seq.s32 s10, $0x1;
	s10 =	sld [smem:$0x3FB8]  }
0x3d: {  	_ =	shalt  }
0x3e: {  	_ =	shalt  }
0x3f: {  	_ =	shalt  }
0x40: {  	_ =	shalt  }
0x41: {  	_ =	shalt  }
0x42: {  	_ =	shalt  }
0x43: {  	_ =	shalt  }
0x44: {  	_ =	shalt  }
0x45: {  	_ =	shalt  }
0x46: {  	_ =	shalt  }
0x47: {  	_ =	shalt  }
0x48: {  	_ =	shalt  }
0x49: {  	_ =	shalt  }
0x4a: {  	_ =	shalt  }
0x4b: {  	_ =	shalt  }
0x4c: {  	_ =	shalt  }
0x4d: {  	_ =	shalt  }
0x4e: {  	_ =	shalt  }
0x4f: {  	_ =	shalt  }
0x50: {  	_ =	shalt  }
0x51: {  	_ =	shalt  }
0x52: {  	_ =	shalt  }
0x53: {  	_ =	shalt  }
0x54: {  	_ =	shalt  }
0x55: {  	_ =	shalt  }
0x56: {  	_ =	shalt  }
0x57: {  	_ =	shalt  }
0x58: {  	_ =	shalt  }
0x59: {  	_ =	shalt  }
0x5a: {  	_ =	shalt  }
0x5b: {  	_ =	shalt  }
0x5c: {  	_ =	shalt  }
0x5d: {  	_ =	shalt  }
0x5e: {  	_ =	shalt  }
0x5f: {  	_ =	shalt  }
0x60: {  	_ =	shalt  }
0x61: {  	_ =	shalt  }
0x62: {  	_ =	shalt  }
0x63: {  	_ =	shalt  }
0x64: {  	_ =	shalt  }
0x65: {  	_ =	shalt  }
0x66: {  	_ =	shalt  }
0x67: {  	_ =	shalt  }
0x68: {  	_ =	shalt  }
0x69: {  	_ =	shalt  }
0x6a: {  	_ =	shalt  }
0x6b: {  	_ =	shalt  }
0x6c: {  	_ =	shalt  }
0x6d: {  	_ =	shalt  }
0x6e: {  	_ =	shalt  }
0x6f: {  	_ =	shalt  }
0x70: {  	_ =	shalt  }
0x71: {  	_ =	shalt  }
0x72: {  	_ =	shalt  }
0x73: {  	_ =	shalt  }
0x74: {  	_ =	shalt  }
0x75: {  	_ =	shalt  }
0x76: {  	_ =	shalt  }
0x77: {  	_ =	shalt  }
0x78: {  	_ =	shalt  }
0x79: {  	_ =	shalt  }
0x7a: {  	_ =	shalt  }
0x7b: {  	_ =	shalt  }
0x7c: {  	_ =	shalt  }
0x7d: {  	_ =	shalt  }
0x7e: {  	_ =	shalt  }
0x7f: {  	_ =	shalt  }
0x80: {  	_ =	shalt  }
0x81: {  	_ =	shalt  }
0x82: {  	_ =	shalt  }
0x83: {  	_ =	shalt  }
0x84: {  	_ =	shalt  }
0x85: {  	_ =	shalt  }
0x86: {  	_ =	shalt  }
0x87: {  	_ =	shalt  }
.Lfunc_end0:
.L_simem_size_0:
called_computation.2_lowered:
.L_overlay_start_0:
0x88: {  	s2 =	sld [smem:$0x3FD9]  }
0x89: {  	s3 =	sld [smem:$0x3FFE];
	_ =	sdelay $0x1  }
0x8a: {  	s1 =	srdreg.scid  }
0x8b: {  	s0 =	sand.u32 $0x1, s1  }
0x8c: {  	s16 =	sshll.u32 s0, $0xA;
	s2 =	sadd.s32 s3, s2  }
0x8d: {  	s2 =	sadd.s32 s2, s16  }
0x8e: {  	[smem:$0x3FC4] =	sst s2  }
0x8f: {  	_ = 	snop  }
0x90: {  	(tm) =	ssettm $0x1  }
0x91: {  	s17 =	sld [smem:$0x3FFB];
	_ =	sdelay $0x3  }
0x92: {  	_ =	strace s17  }
0x93: {  	s2 =	sld [smem:$0x3FFC];
	_ =	sdelay $0x3  }
0x94: {  	_ =	strace s2  }
0x95: {  	s2 =	sld [smem:$0x3FFD];
	_ =	sdelay $0x3  }
0x96: {  	_ =	strace s2  }
0x97: {  	_ =	strace $0x8FFFFFFF  }
0x98: {  	s18 =	sld [smem:$0x3FDB];
	_ =	sdelay $0x1  }
0x99: {  	s19 =	simm.s32 $_scs_section_size  }
0x9a: {  	s4 =	simm.s32 $_size__tile_overlayer_lowered;
	s5 =	simm.s32 $_tile_overlayer_lowered  }
0x9b: {  	s22 =	simm.s32 $0x1BFF;
	s21 =	sshll.u32 s5, $0x1;
	s2 =	sadd.s32 s19, s18  }
0x9c: {  	s6 =	simm.s32 $0x0;
	s20 =	sshll.u32 s4, $0x1;
	s4 =	sadd.s32 s21, s2  }
0x9d: {  	[timem:s6], [sflag:s22] =	dma.local [hbm:s4], s20  }
0x9e: {  	_ =	swait.ge [sflag:s22], s20  }
0x9f: {  	s3 =	ssub.s32 $0x0, s20;
	[sflag:s22] =	ssyncset.done $0x0  }
0xa0: {  	[sflag:s22] =	ssyncadd.s32 s3;
	_ =	sdelay $0x1  }
0xa1: {  	s23 =	simm.s32 $0x1B8B  }
0xa2: {  	_ =	swait.ge [sflag:s23], $0x1  }
0xa3: {  	[sflag:s23] =	ssyncset.done $0x0  }
0xa4: {  	s25 =	simm.s32 $0x1B8E;
	s24 =	sld [smem:$0x3FFE];
	[sflag:s23] =	ssyncadd.s32 $0xFFFFFFFF  }
0xa5: {  	s26 =	simm.s32 $execute0_lowered;
	[smem:$0x3FD2] =	sst s25  }
0xa6: {  	s4 =	sshll.u32 s26, $0x1;
	_ =	strace $0x8000004C;
	[dreg:$0x1] =	wrdreg $0xFFFFFFFF  }
0xa7: {  	s28 =	simm.s32 $_size_execute0_lowered;
	s2 =	sadd.s32 s2, s4;
	[dreg:$0x0] =	wrdreg $0x0  }
0xa8: {  	s4 =	sshll.u32 s28, $0x1;
	[dreg:$0x2] =	wrdreg s2  }
0xa9: {  	[dreg:$0x3] =	wrdreg s4  }
0xaa: {  	[dreg:$0x4] =	wrdreg $0xC0  }
0xab: {  	_ =	task [dreg:s6], $0x5FFFF  }
0xac: {  	[dreg:$0x1] =	wrdreg $0xFFFFFFFF  }
0xad: {  	[dreg:$0x0] =	wrdreg $0x60  }
0xae: {  	[dreg:$0x2] =	wrdreg s24  }
0xaf: {  	[dreg:$0x3] =	wrdreg $0xA8000  }
0xb0: {  	[dreg:$0x4] =	wrdreg $0x9  }
0xb1: {  	_ =	task.clear_ibuf [dreg:s6], $0x5FFFF;
	_ =	strace $0x9000004C  }
0xb2: {  	s29 =	simm.s32 $0x9;
	_ =	strace $0x8000004E  }
0xb3: {  	_ =	swait.ge [sflag:s29], $0x1  }
0xb4: {  	[sflag:s29] =	ssyncadd.s32 $0xFFFFFFFF  }
0xb5: {  	_ =	strace $0x9000004E  }
0xb6: {  	_ =	sfence  }
0xb7: {  	s30 =	sld [smem:$0x0];
	_ =	sdelay $0x2  }
0xb8: {  	s31 =	sshll.u32 s1, $0xD;
	s1 =	sshrl.u32 s1, $0x2  }
0xb9: {  	s3 =	sand.u32 $0x4000, s31;
	s1 =	sadd.s32 s1, s30  }
0xba: {  	s0 =	sor.u32 s3, s0;
	s1 =	sshll.u32 s1, $0x11  }
0xbb: {  	s0 =	sor.u32 s1, s0  }
0xbc: {  	s0 =	sadd.s32 $0x8F2B, s0  }
0xbd: {  	[sflag:s0] =	ssyncadd.remote.s32 $0x1  }
0xbe: {  	_ =	sfence.sel $0xFFFF  }
0xbf: {  	[dreg:$0x0] =	wrdreg $0xFFFFFFFF;
	(pc) =	sbr.abs _section_cstart, $3  }
0xc0: {  	[dreg:$0x1] =	wrdreg $0xFFFFFFFF  }
0xc1: {  	_ =	task.clear_ibuf [dreg:s6], $0x2FFFF;
	_ =	strace $0x9FFFFFFF  }
0xc2: {  	(tm) =	ssettm $0x7FFFFFFF  }
0xc3: {  	_ =	shalt  }
tec
execute0_lowered:
.L_overlay_start_1:
0x0: {  	(tag) =	ssettag $0x1  }
0x1: {  	s5 =	rddreg [dreg:$0x0]  }
0x2: {  	s1 =	rddreg [dreg:$0x1]  }
0x3: {  	s2 =	srdreg.scid;
	s0 =	rddreg [dreg:$0x2];
	s3 =	simm.s32 $0x0  }
0x4: {  	s18 =	simm.s32 $0xA000;
	s19 =	simm.s32 $0x3;
	s20 =	simm.s32 $0x1000  }
0x5: {  	s21 =	simm.s32 $0x80;
	s22 =	simm.s32 $0x2000;
	s23 =	simm.s32 $0x6000  }
0x6: {  	s24 =	simm.s32 $0x1;
	s28 =	simm.s32 $0x1F80;
	s6 =	sand.u32 $0x1, s2  }
0x7: {  	s2 =	stileid.u32;
	[smem:$0x7FF] =	sst s3;
	s4 =	sadd.s32 $0x16E00, s5  }
0x8: {  	s12 =	sadd.s32 $0xEE00, s5;
	s13 =	sadd.s32 $0x6E00, s5;
	s7 =	smul.u32 $0x140000, s6  }
0x9: {  	s8 =	smul.u32 $0x14000, s2;
	_ =	strace $0x8000004D;
	s9 =	sshll.u32 s2, $0x9  }
0xa: {  	s25 =	ssub.s32 $0x2, s6;
	s10 =	smul.u32 $0x50000, s2;
	s30 =	sshll.u32 s2, $0xB  }
0xb: {  	p0 =	seq.s32 s6, $0x1;
	s15 =	sadd.s32 s9, s5;
	s26 =	sshrl.u32 s25, $0x1  }
0xc: {  	s31 =	sor.u32 $0x200, s30;
	s6 =	sadd.s32 s12, s30;
	s11 =	sor.u32 $0x400, s30  }
0xd: {  	s14 =	sor.u32 $0x600, s30;
	s7 =	sadd.s32 s8, s7;
	s17 =	ssub.s32 s25, s26  }
0xe: {  	s29 =	sshrl.u32 s10, $0x2;
	s8 =	sadd.s32 s12, s31;
	s9 =	sadd.s32 s13, s31  }
.Ltmp0:
0xf: {  	s10 =	sadd.s32 s12, s11;
	s11 =	sadd.s32 s13, s11;
	(pc) =	sbr.rel .LBB2_1-.Ltmp0, $4  }
0x10: {  	s12 =	sadd.s32 s12, s14;
	s25 =	simm.s32 $0x2;
	s7 =	sshrl.u32 s7, $0x3  }
0x11: {  	s26 =	simm.s32 $0x1F00;
	s17 =	smax.u32 s17, $0x1;
	s16 =	sadd.s32 s7, s5  }
0x12: {  	s5 =	sadd.s32 s29, s1;
	s7 =	sadd.s32 s13, s30;
	s13 =	sadd.s32 s13, s14  }
0x13: {  	v0 =	vimm.f32 $0.0e+00;
	s14 =	sadd.s32 $0x4E00, s15;
	s15 =	sadd.s32 $0x2E00, s15;
	s16 =	sadd.s32 $0x3EE00, s16  }
.LBB2_14:
0x14: {  	[tilespmem:s23], [sflag:$0x2] =	stream.indirect.gather [hbm4b:s4+s21], $0x80, s30, s21, $0xb8;
	[tilespmem:$0x1E800] =	vst v63  }
.LBB2_18:
0x15: {  	_ =	swait.ge [sflag:s24], $0x4000  }
0x16: {  	[sflag:s24] =	ssyncset.done $0x0  }
0x17: {  	[sflag:s24] =	ssyncadd.s32 $0xFFFFC000  }
0x18: {  	[spmem:s1] =	stream.indirect.scatter.add.f32 [tilespmem:s22], [sflag:$0x3], $0x80, s26, s21, $0xb8;
	[tilespmem:$0x1E800] =	vst v63  }
0x19: {  	_ =	swait.ge [sflag:s19], $0x4000  }
0x1a: {  	[sflag:s19] =	ssyncset.done $0x0  }
0x1b: {  	[sflag:s19] =	ssyncadd.s32 $0xFFFFC000  }
0x1c: {  	_ =	swait.ge [sflag:s25], $0x4000  }
0x1d: {  	[sflag:s25] =	ssyncset.done $0x0  }
0x1e: {  	[sflag:s25] =	ssyncadd.s32 $0xFFFFC000  }
0x1f: {  	[spmem:s1] =	stream.indirect.scatter.add.f32 [tilespmem:s23], [sflag:$0x3], $0x80, s28, s21, $0xb8;
	[tilespmem:$0x1E800] =	vst v63  }
0x20: {  	_ =	swait.ge [sflag:s19], $0x4000  }
0x21: {  	s29 =	sshll.u32 s2, $0x6;
	s3 =	sadd.s32 $0x1, s3;
	[sflag:s19] =	ssyncset.done $0x0  }
0x22: {  	s30 =	sshrl.u32 s5, $0x3;
	p1 =	sne.s32 s3, s17;
	[sflag:s19] =	ssyncadd.s32 $0xFFFFC000  }
.Ltmp1:
0x23: {  	s29 =	sor.u32 $0x1C03, s29;
	[bflag:$0x0] =	sbarrier.arrive $0xFFFF;
	(pc) =	sbr.rel @!p1 .LBB2_19-.Ltmp1, $4  }
0x24: {  	[hbm:s16], [sflag:s29] =	dma.local [spmem:s30], $0x2800  }
0x25: {  	_ =	swait.ge [sflag:s19], $0x2800  }
0x26: {  	[sflag:s19] =	ssyncset.done $0x0  }
0x27: {  	[sflag:s19] =	ssyncadd.s32 $0xFFFFD800  }
.LBB2_1:
0x28: {  	s29 =	simm.s32 $0x0;
	s30 =	simm.s32 $0x200  }
.LBB2_2:
0x29: {  	p1 =	sne.s32 s30, $0x1E00;
	[tilespmem:s29+$0xA070] =	vst v0  }
0x2a: {  	[tilespmem:s29+$0xA000] =	vst v0  }
0x2b: {  	[tilespmem:s29+$0xA010] =	vst v0  }
.Ltmp2:
0x2c: {  	[tilespmem:s29+$0xA020] =	vst v0;
	(pc) =	sbr.rel @p1 .LBB2_2-.Ltmp2, $4  }
0x2d: {  	[tilespmem:s29+$0xA030] =	vst v0  }
0x2e: {  	[tilespmem:s29+$0xA040] =	vst v0  }
0x2f: {  	[tilespmem:s29+$0xA050] =	vst v0  }
0x30: {  	[tilespmem:s29+$0xA060] =	vst v0;
	s29 =	sshra.s32 s30, $0x2;
	s30 =	sadd.s32 $0x200, s30  }
0x31: {  	[tilespmem:s29+$0xA070] =	vst v0  }
0x32: {  	[tilespmem:s29+$0xA000] =	vst v0  }
0x33: {  	[tilespmem:s29+$0xA010] =	vst v0  }
0x34: {  	[tilespmem:s29+$0xA020] =	vst v0  }
0x35: {  	[tilespmem:s29+$0xA030] =	vst v0  }
0x36: {  	[tilespmem:s29+$0xA040] =	vst v0  }
0x37: {  	[tilespmem:s29+$0xA050] =	vst v0  }
0x38: {  	[tilespmem:s29+$0xA060] =	vst v0;
	s29 =	sadd.s32 $0x0, s5  }
0x39: {  	[spmem:s29] =	stream.linear.scatter [tilespmem:s18], [sflag:$0x3], $0x800, $0x38;
	[tilespmem:$0x1E800] =	vst v63  }
0x3a: {  	s29 =	simm.s32 $0x2000;
	_ =	swait.ge [sflag:s19], $0x800  }
.LBB2_4:
0x3b: {  	s30 =	sshra.s32 s29, $0x2;
	[sflag:s19] =	ssyncset.done $0x0;
	p1 =	sne.s32 s29, $0x4E000  }
.Ltmp3:
0x3c: {  	s30 =	sadd.s32 s30, s5;
	[sflag:s19] =	ssyncadd.s32 $0xFFFFF800;
	(pc) =	sbr.rel @p1 .LBB2_4-.Ltmp3, $3  }
0x3d: {  	[spmem:s30] =	stream.linear.scatter [tilespmem:s18], [sflag:$0x3], $0x800, $0x38;
	[tilespmem:$0x1E800] =	vst v63  }
0x3e: {  	s29 =	sadd.s32 $0x2000, s29;
	_ =	sdelay $0x1  }
0x3f: {  	_ =	swait.ge [sflag:s19], $0x800  }
.Ltmp4:
0x40: {  	(pc) =	sbr.rel @!p0 .LBB2_6-.Ltmp4, $4  }
0x41: {  	[sflag:s19] =	ssyncset.done $0x0  }
0x42: {  	[sflag:s19] =	ssyncadd.s32 $0xFFFFF800  }
0x43: {  	[bflag:$0x0] =	sbarrier.arrive $0xFFFF  }
0x44: {  	s29 =	simm.s32 $0x0  }
0x45: {  	[tilespmem:s29], [sflag:$0x3] =	stream.linear.gather [hbm4b:s14+s29], $0x1000, $0x38;
	[tilespmem:$0x1E800] =	vst v63  }
0x46: {  	_ =	swait.ge [sflag:s19], $0x1000  }
0x47: {  	[sflag:s19] =	ssyncset.done $0x0  }
0x48: {  	[sflag:s19] =	ssyncadd.s32 $0xFFFFF000  }
0x49: {  	[tilespmem:s20], [sflag:$0x3] =	stream.linear.gather [hbm4b:s15+s29], $0x1000, $0x38;
	[tilespmem:$0x1E800] =	vst v63  }
0x4a: {  	_ =	swait.ge [sflag:s19], $0x1000  }
0x4b: {  	[sflag:s19] =	ssyncset.done $0x0  }
0x4c: {  	[sflag:s19] =	ssyncadd.s32 $0xFFFFF000  }
0x4d: {  	[tilespmem:s22], [sflag:$0x1] =	stream.indirect.gather [hbm4b:s4+s21], $0x80, s29, s21, $0xb8;
	[tilespmem:$0x1E800] =	vst v63  }
0x4e: {  	_ = 	snop  }
0x4f: {  	[tilespmem:s23], [sflag:$0x2] =	stream.indirect.gather [hbm4b:s4+s21], $0x80, s21, s21, $0xb8;
	[tilespmem:$0x1E800] =	vst v63  }
0x50: {  	_ =	swait.ge [sflag:s24], $0x4000  }
0x51: {  	[sflag:s24] =	ssyncset.done $0x0  }
0x52: {  	s29 =	simm.s32 $0x1000;
	[sflag:s24] =	ssyncadd.s32 $0xFFFFC000  }
0x53: {  	[spmem:s1] =	stream.indirect.scatter.add.f32 [tilespmem:s22], [sflag:$0x3], $0x80, s29, s21, $0xb8;
	[tilespmem:$0x1E800] =	vst v63  }
0x54: {  	_ =	swait.ge [sflag:s19], $0x4000  }
0x55: {  	[sflag:s19] =	ssyncset.done $0x0  }
0x56: {  	s29 =	simm.s32 $0x100;
	[sflag:s19] =	ssyncadd.s32 $0xFFFFC000  }
0x57: {  	[tilespmem:s22], [sflag:$0x1] =	stream.indirect.gather [hbm4b:s4+s21], $0x80, s29, s21, $0xb8;
	[tilespmem:$0x1E800] =	vst v63  }
0x58: {  	_ =	swait.ge [sflag:s25], $0x4000  }
0x59: {  	[sflag:s25] =	ssyncset.done $0x0  }
0x5a: {  	s29 =	simm.s32 $0x1080;
	[sflag:s25] =	ssyncadd.s32 $0xFFFFC000  }
0x5b: {  	[spmem:s1] =	stream.indirect.scatter.add.f32 [tilespmem:s23], [sflag:$0x3], $0x80, s29, s21, $0xb8;
	[tilespmem:$0x1E800] =	vst v63  }
0x5c: {  	_ =	swait.ge [sflag:s19], $0x4000  }
0x5d: {  	[sflag:s19] =	ssyncset.done $0x0  }
0x5e: {  	s30 =	simm.s32 $0x180;
	s29 =	simm.s32 $0x400;
	[sflag:s19] =	ssyncadd.s32 $0xFFFFC000  }
.LBB2_16:
0x5f: {  	[tilespmem:s23], [sflag:$0x2] =	stream.indirect.gather [hbm4b:s4+s21], $0x80, s30, s21, $0xb8;
	[tilespmem:$0x1E800] =	vst v63  }
0x60: {  	s30 =	smov.u32 s29  }
0x61: {  	p1 =	sne.s32 s29, $0x3800;
	s29 =	sadd.s32 $0x400, s29;
	_ =	swait.ge [sflag:s24], $0x4000  }
0x62: {  	s30 =	sshra.s32 s30, $0x2;
	[sflag:s24] =	ssyncset.done $0x0  }
0x63: {  	s31 =	sadd.s32 $0x1000, s30;
	[sflag:s24] =	ssyncadd.s32 $0xFFFFC000  }
0x64: {  	[spmem:s1] =	stream.indirect.scatter.add.f32 [tilespmem:s22], [sflag:$0x3], $0x80, s31, s21, $0xb8;
	[tilespmem:$0x1E800] =	vst v63  }
0x65: {  	_ =	swait.ge [sflag:s19], $0x4000  }
0x66: {  	[sflag:s19] =	ssyncset.done $0x0  }
0x67: {  	s31 =	sadd.s32 $0x100, s30;
	[sflag:s19] =	ssyncadd.s32 $0xFFFFC000  }
0x68: {  	[tilespmem:s22], [sflag:$0x1] =	stream.indirect.gather [hbm4b:s4+s21], $0x80, s31, s21, $0xb8;
	[tilespmem:$0x1E800] =	vst v63  }
0x69: {  	_ =	swait.ge [sflag:s25], $0x4000  }
0x6a: {  	[sflag:s25] =	ssyncset.done $0x0  }
.Ltmp5:
0x6b: {  	s31 =	sadd.s32 $0x1080, s30;
	[sflag:s25] =	ssyncadd.s32 $0xFFFFC000;
	(pc) =	sbr.rel @p1 .LBB2_16-.Ltmp5, $4  }
0x6c: {  	[spmem:s1] =	stream.indirect.scatter.add.f32 [tilespmem:s23], [sflag:$0x3], $0x80, s31, s21, $0xb8;
	[tilespmem:$0x1E800] =	vst v63  }
0x6d: {  	_ =	swait.ge [sflag:s19], $0x4000  }
0x6e: {  	[sflag:s19] =	ssyncset.done $0x0  }
0x6f: {  	s30 =	sadd.s32 $0x180, s30;
	[sflag:s19] =	ssyncadd.s32 $0xFFFFC000  }
.Ltmp6:
0x70: {  	(pc) =	sbr.rel .LBB2_18-.Ltmp6, $2  }
0x71: {  	_ =	sdelay $0x2  }
0x72: {  	[tilespmem:s23], [sflag:$0x2] =	stream.indirect.gather [hbm4b:s4+s21], $0x80, s30, s21, $0xb8;
	[tilespmem:$0x1E800] =	vst v63  }
.LBB2_6:
0x73: {  	[tilespmem:s29], [sflag:$0x3] =	stream.linear.gather [hbm4b:s6+s29], $0x1000, $0x38;
	[tilespmem:$0x1E800] =	vst v63  }
0x74: {  	_ =	swait.ge [sflag:s19], $0x1000  }
0x75: {  	[sflag:s19] =	ssyncset.done $0x0  }
0x76: {  	[sflag:s19] =	ssyncadd.s32 $0xFFFFF000  }
0x77: {  	[tilespmem:s20], [sflag:$0x3] =	stream.linear.gather [hbm4b:s7+s29], $0x1000, $0x38;
	[tilespmem:$0x1E800] =	vst v63  }
0x78: {  	_ =	swait.ge [sflag:s19], $0x1000  }
0x79: {  	[sflag:s19] =	ssyncset.done $0x0  }
0x7a: {  	[sflag:s19] =	ssyncadd.s32 $0xFFFFF000  }
0x7b: {  	[tilespmem:s22], [sflag:$0x1] =	stream.indirect.gather [hbm4b:s4+s21], $0x80, s29, s21, $0xb8;
	[tilespmem:$0x1E800] =	vst v63  }
0x7c: {  	_ = 	snop  }
0x7d: {  	[tilespmem:s23], [sflag:$0x2] =	stream.indirect.gather [hbm4b:s4+s21], $0x80, s21, s21, $0xb8;
	[tilespmem:$0x1E800] =	vst v63  }
0x7e: {  	_ =	swait.ge [sflag:s24], $0x4000  }
0x7f: {  	[sflag:s24] =	ssyncset.done $0x0  }
0x80: {  	s29 =	simm.s32 $0x1000;
	[sflag:s24] =	ssyncadd.s32 $0xFFFFC000  }
0x81: {  	[spmem:s1] =	stream.indirect.scatter.add.f32 [tilespmem:s22], [sflag:$0x3], $0x80, s29, s21, $0xb8;
	[tilespmem:$0x1E800] =	vst v63  }
0x82: {  	_ =	swait.ge [sflag:s19], $0x4000  }
0x83: {  	[sflag:s19] =	ssyncset.done $0x0  }
0x84: {  	s29 =	simm.s32 $0x100;
	[sflag:s19] =	ssyncadd.s32 $0xFFFFC000  }
0x85: {  	[tilespmem:s22], [sflag:$0x1] =	stream.indirect.gather [hbm4b:s4+s21], $0x80, s29, s21, $0xb8;
	[tilespmem:$0x1E800] =	vst v63  }
0x86: {  	_ =	swait.ge [sflag:s25], $0x4000  }
0x87: {  	[sflag:s25] =	ssyncset.done $0x0  }
0x88: {  	s29 =	simm.s32 $0x1080;
	[sflag:s25] =	ssyncadd.s32 $0xFFFFC000  }
0x89: {  	[spmem:s1] =	stream.indirect.scatter.add.f32 [tilespmem:s23], [sflag:$0x3], $0x80, s29, s21, $0xb8;
	[tilespmem:$0x1E800] =	vst v63  }
0x8a: {  	_ =	swait.ge [sflag:s19], $0x4000  }
0x8b: {  	[sflag:s19] =	ssyncset.done $0x0  }
0x8c: {  	s30 =	simm.s32 $0x180;
	s29 =	simm.s32 $0x400;
	[sflag:s19] =	ssyncadd.s32 $0xFFFFC000  }
.LBB2_7:
0x8d: {  	[tilespmem:s23], [sflag:$0x2] =	stream.indirect.gather [hbm4b:s4+s21], $0x80, s30, s21, $0xb8;
	[tilespmem:$0x1E800] =	vst v63  }
0x8e: {  	s30 =	smov.u32 s29  }
0x8f: {  	p1 =	sne.s32 s29, $0x3800;
	s29 =	sadd.s32 $0x400, s29;
	_ =	swait.ge [sflag:s24], $0x4000  }
0x90: {  	s30 =	sshra.s32 s30, $0x2;
	[sflag:s24] =	ssyncset.done $0x0  }
0x91: {  	s31 =	sadd.s32 $0x1000, s30;
	[sflag:s24] =	ssyncadd.s32 $0xFFFFC000  }
0x92: {  	[spmem:s1] =	stream.indirect.scatter.add.f32 [tilespmem:s22], [sflag:$0x3], $0x80, s31, s21, $0xb8;
	[tilespmem:$0x1E800] =	vst v63  }
0x93: {  	_ =	swait.ge [sflag:s19], $0x4000  }
0x94: {  	[sflag:s19] =	ssyncset.done $0x0  }
0x95: {  	s31 =	sadd.s32 $0x100, s30;
	[sflag:s19] =	ssyncadd.s32 $0xFFFFC000  }
0x96: {  	[tilespmem:s22], [sflag:$0x1] =	stream.indirect.gather [hbm4b:s4+s21], $0x80, s31, s21, $0xb8;
	[tilespmem:$0x1E800] =	vst v63  }
0x97: {  	_ =	swait.ge [sflag:s25], $0x4000  }
0x98: {  	[sflag:s25] =	ssyncset.done $0x0  }
.Ltmp7:
0x99: {  	s31 =	sadd.s32 $0x1080, s30;
	[sflag:s25] =	ssyncadd.s32 $0xFFFFC000;
	(pc) =	sbr.rel @p1 .LBB2_7-.Ltmp7, $4  }
0x9a: {  	[spmem:s1] =	stream.indirect.scatter.add.f32 [tilespmem:s23], [sflag:$0x3], $0x80, s31, s21, $0xb8;
	[tilespmem:$0x1E800] =	vst v63  }
0x9b: {  	_ =	swait.ge [sflag:s19], $0x4000  }
0x9c: {  	[sflag:s19] =	ssyncset.done $0x0  }
0x9d: {  	s30 =	sadd.s32 $0x180, s30;
	[sflag:s19] =	ssyncadd.s32 $0xFFFFC000  }
0x9e: {  	[tilespmem:s23], [sflag:$0x2] =	stream.indirect.gather [hbm4b:s4+s21], $0x80, s30, s21, $0xb8;
	[tilespmem:$0x1E800] =	vst v63  }
0x9f: {  	_ =	swait.ge [sflag:s24], $0x4000  }
0xa0: {  	[sflag:s24] =	ssyncset.done $0x0  }
0xa1: {  	[sflag:s24] =	ssyncadd.s32 $0xFFFFC000  }
0xa2: {  	[spmem:s1] =	stream.indirect.scatter.add.f32 [tilespmem:s22], [sflag:$0x3], $0x80, s26, s21, $0xb8;
	[tilespmem:$0x1E800] =	vst v63  }
0xa3: {  	_ =	swait.ge [sflag:s19], $0x4000  }
0xa4: {  	[sflag:s19] =	ssyncset.done $0x0  }
0xa5: {  	[sflag:s19] =	ssyncadd.s32 $0xFFFFC000  }
0xa6: {  	_ =	swait.ge [sflag:s25], $0x4000  }
0xa7: {  	[sflag:s25] =	ssyncset.done $0x0  }
0xa8: {  	[sflag:s25] =	ssyncadd.s32 $0xFFFFC000  }
0xa9: {  	[spmem:s1] =	stream.indirect.scatter.add.f32 [tilespmem:s23], [sflag:$0x3], $0x80, s28, s21, $0xb8;
	[tilespmem:$0x1E800] =	vst v63  }
0xaa: {  	_ =	swait.ge [sflag:s19], $0x4000  }
0xab: {  	[sflag:s19] =	ssyncset.done $0x0  }
0xac: {  	s29 =	simm.s32 $0x0;
	[sflag:s19] =	ssyncadd.s32 $0xFFFFC000  }
0xad: {  	[tilespmem:s29], [sflag:$0x3] =	stream.linear.gather [hbm4b:s8+s29], $0x1000, $0x38;
	[tilespmem:$0x1E800] =	vst v63  }
0xae: {  	_ =	swait.ge [sflag:s19], $0x1000  }
0xaf: {  	[sflag:s19] =	ssyncset.done $0x0  }
0xb0: {  	[sflag:s19] =	ssyncadd.s32 $0xFFFFF000  }
0xb1: {  	[tilespmem:s20], [sflag:$0x3] =	stream.linear.gather [hbm4b:s9+s29], $0x1000, $0x38;
	[tilespmem:$0x1E800] =	vst v63  }
0xb2: {  	_ =	swait.ge [sflag:s19], $0x1000  }
0xb3: {  	[sflag:s19] =	ssyncset.done $0x0  }
0xb4: {  	[sflag:s19] =	ssyncadd.s32 $0xFFFFF000  }
0xb5: {  	[tilespmem:s22], [sflag:$0x1] =	stream.indirect.gather [hbm4b:s4+s21], $0x80, s29, s21, $0xb8;
	[tilespmem:$0x1E800] =	vst v63  }
0xb6: {  	_ = 	snop  }
0xb7: {  	[tilespmem:s23], [sflag:$0x2] =	stream.indirect.gather [hbm4b:s4+s21], $0x80, s21, s21, $0xb8;
	[tilespmem:$0x1E800] =	vst v63  }
0xb8: {  	_ =	swait.ge [sflag:s24], $0x4000  }
0xb9: {  	[sflag:s24] =	ssyncset.done $0x0  }
0xba: {  	s29 =	simm.s32 $0x1000;
	[sflag:s24] =	ssyncadd.s32 $0xFFFFC000  }
0xbb: {  	[spmem:s1] =	stream.indirect.scatter.add.f32 [tilespmem:s22], [sflag:$0x3], $0x80, s29, s21, $0xb8;
	[tilespmem:$0x1E800] =	vst v63  }
0xbc: {  	_ =	swait.ge [sflag:s19], $0x4000  }
0xbd: {  	[sflag:s19] =	ssyncset.done $0x0  }
0xbe: {  	s29 =	simm.s32 $0x100;
	[sflag:s19] =	ssyncadd.s32 $0xFFFFC000  }
0xbf: {  	[tilespmem:s22], [sflag:$0x1] =	stream.indirect.gather [hbm4b:s4+s21], $0x80, s29, s21, $0xb8;
	[tilespmem:$0x1E800] =	vst v63  }
0xc0: {  	_ =	swait.ge [sflag:s25], $0x4000  }
0xc1: {  	[sflag:s25] =	ssyncset.done $0x0  }
0xc2: {  	s29 =	simm.s32 $0x1080;
	[sflag:s25] =	ssyncadd.s32 $0xFFFFC000  }
0xc3: {  	[spmem:s1] =	stream.indirect.scatter.add.f32 [tilespmem:s23], [sflag:$0x3], $0x80, s29, s21, $0xb8;
	[tilespmem:$0x1E800] =	vst v63  }
0xc4: {  	_ =	swait.ge [sflag:s19], $0x4000  }
0xc5: {  	[sflag:s19] =	ssyncset.done $0x0  }
0xc6: {  	s30 =	simm.s32 $0x180;
	s29 =	simm.s32 $0x400;
	[sflag:s19] =	ssyncadd.s32 $0xFFFFC000  }
.LBB2_9:
0xc7: {  	[tilespmem:s23], [sflag:$0x2] =	stream.indirect.gather [hbm4b:s4+s21], $0x80, s30, s21, $0xb8;
	[tilespmem:$0x1E800] =	vst v63  }
0xc8: {  	s30 =	smov.u32 s29  }
0xc9: {  	p1 =	sne.s32 s29, $0x3800;
	s29 =	sadd.s32 $0x400, s29;
	_ =	swait.ge [sflag:s24], $0x4000  }
0xca: {  	s30 =	sshra.s32 s30, $0x2;
	[sflag:s24] =	ssyncset.done $0x0  }
0xcb: {  	s31 =	sadd.s32 $0x1000, s30;
	[sflag:s24] =	ssyncadd.s32 $0xFFFFC000  }
0xcc: {  	[spmem:s1] =	stream.indirect.scatter.add.f32 [tilespmem:s22], [sflag:$0x3], $0x80, s31, s21, $0xb8;
	[tilespmem:$0x1E800] =	vst v63  }
0xcd: {  	_ =	swait.ge [sflag:s19], $0x4000  }
0xce: {  	[sflag:s19] =	ssyncset.done $0x0  }
0xcf: {  	s31 =	sadd.s32 $0x100, s30;
	[sflag:s19] =	ssyncadd.s32 $0xFFFFC000  }
0xd0: {  	[tilespmem:s22], [sflag:$0x1] =	stream.indirect.gather [hbm4b:s4+s21], $0x80, s31, s21, $0xb8;
	[tilespmem:$0x1E800] =	vst v63  }
0xd1: {  	_ =	swait.ge [sflag:s25], $0x4000  }
0xd2: {  	[sflag:s25] =	ssyncset.done $0x0  }
.Ltmp8:
0xd3: {  	s31 =	sadd.s32 $0x1080, s30;
	[sflag:s25] =	ssyncadd.s32 $0xFFFFC000;
	(pc) =	sbr.rel @p1 .LBB2_9-.Ltmp8, $4  }
0xd4: {  	[spmem:s1] =	stream.indirect.scatter.add.f32 [tilespmem:s23], [sflag:$0x3], $0x80, s31, s21, $0xb8;
	[tilespmem:$0x1E800] =	vst v63  }
0xd5: {  	_ =	swait.ge [sflag:s19], $0x4000  }
0xd6: {  	[sflag:s19] =	ssyncset.done $0x0  }
0xd7: {  	s30 =	sadd.s32 $0x180, s30;
	[sflag:s19] =	ssyncadd.s32 $0xFFFFC000  }
0xd8: {  	[tilespmem:s23], [sflag:$0x2] =	stream.indirect.gather [hbm4b:s4+s21], $0x80, s30, s21, $0xb8;
	[tilespmem:$0x1E800] =	vst v63  }
0xd9: {  	_ =	swait.ge [sflag:s24], $0x4000  }
0xda: {  	[sflag:s24] =	ssyncset.done $0x0  }
0xdb: {  	[sflag:s24] =	ssyncadd.s32 $0xFFFFC000  }
0xdc: {  	[spmem:s1] =	stream.indirect.scatter.add.f32 [tilespmem:s22], [sflag:$0x3], $0x80, s26, s21, $0xb8;
	[tilespmem:$0x1E800] =	vst v63  }
0xdd: {  	_ =	swait.ge [sflag:s19], $0x4000  }
0xde: {  	[sflag:s19] =	ssyncset.done $0x0  }
0xdf: {  	[sflag:s19] =	ssyncadd.s32 $0xFFFFC000  }
0xe0: {  	_ =	swait.ge [sflag:s25], $0x4000  }
0xe1: {  	[sflag:s25] =	ssyncset.done $0x0  }
0xe2: {  	[sflag:s25] =	ssyncadd.s32 $0xFFFFC000  }
0xe3: {  	[spmem:s1] =	stream.indirect.scatter.add.f32 [tilespmem:s23], [sflag:$0x3], $0x80, s28, s21, $0xb8;
	[tilespmem:$0x1E800] =	vst v63  }
0xe4: {  	_ =	swait.ge [sflag:s19], $0x4000  }
0xe5: {  	[sflag:s19] =	ssyncset.done $0x0  }
0xe6: {  	s29 =	simm.s32 $0x0;
	[sflag:s19] =	ssyncadd.s32 $0xFFFFC000  }
0xe7: {  	[tilespmem:s29], [sflag:$0x3] =	stream.linear.gather [hbm4b:s10+s29], $0x1000, $0x38;
	[tilespmem:$0x1E800] =	vst v63  }
0xe8: {  	_ =	swait.ge [sflag:s19], $0x1000  }
0xe9: {  	[sflag:s19] =	ssyncset.done $0x0  }
0xea: {  	[sflag:s19] =	ssyncadd.s32 $0xFFFFF000  }
0xeb: {  	[tilespmem:s20], [sflag:$0x3] =	stream.linear.gather [hbm4b:s11+s29], $0x1000, $0x38;
	[tilespmem:$0x1E800] =	vst v63  }
0xec: {  	_ =	swait.ge [sflag:s19], $0x1000  }
0xed: {  	[sflag:s19] =	ssyncset.done $0x0  }
0xee: {  	[sflag:s19] =	ssyncadd.s32 $0xFFFFF000  }
0xef: {  	[tilespmem:s22], [sflag:$0x1] =	stream.indirect.gather [hbm4b:s4+s21], $0x80, s29, s21, $0xb8;
	[tilespmem:$0x1E800] =	vst v63  }
0xf0: {  	_ = 	snop  }
0xf1: {  	[tilespmem:s23], [sflag:$0x2] =	stream.indirect.gather [hbm4b:s4+s21], $0x80, s21, s21, $0xb8;
	[tilespmem:$0x1E800] =	vst v63  }
0xf2: {  	_ =	swait.ge [sflag:s24], $0x4000  }
0xf3: {  	[sflag:s24] =	ssyncset.done $0x0  }
0xf4: {  	s29 =	simm.s32 $0x1000;
	[sflag:s24] =	ssyncadd.s32 $0xFFFFC000  }
0xf5: {  	[spmem:s1] =	stream.indirect.scatter.add.f32 [tilespmem:s22], [sflag:$0x3], $0x80, s29, s21, $0xb8;
	[tilespmem:$0x1E800] =	vst v63  }
0xf6: {  	_ =	swait.ge [sflag:s19], $0x4000  }
0xf7: {  	[sflag:s19] =	ssyncset.done $0x0  }
0xf8: {  	s29 =	simm.s32 $0x100;
	[sflag:s19] =	ssyncadd.s32 $0xFFFFC000  }
0xf9: {  	[tilespmem:s22], [sflag:$0x1] =	stream.indirect.gather [hbm4b:s4+s21], $0x80, s29, s21, $0xb8;
	[tilespmem:$0x1E800] =	vst v63  }
0xfa: {  	_ =	swait.ge [sflag:s25], $0x4000  }
0xfb: {  	[sflag:s25] =	ssyncset.done $0x0  }
0xfc: {  	s29 =	simm.s32 $0x1080;
	[sflag:s25] =	ssyncadd.s32 $0xFFFFC000  }
0xfd: {  	[spmem:s1] =	stream.indirect.scatter.add.f32 [tilespmem:s23], [sflag:$0x3], $0x80, s29, s21, $0xb8;
	[tilespmem:$0x1E800] =	vst v63  }
0xfe: {  	_ =	swait.ge [sflag:s19], $0x4000  }
0xff: {  	[sflag:s19] =	ssyncset.done $0x0  }
0x100: {  	s30 =	simm.s32 $0x180;
	s29 =	simm.s32 $0x400;
	[sflag:s19] =	ssyncadd.s32 $0xFFFFC000  }
.LBB2_11:
0x101: {  	[tilespmem:s23], [sflag:$0x2] =	stream.indirect.gather [hbm4b:s4+s21], $0x80, s30, s21, $0xb8;
	[tilespmem:$0x1E800] =	vst v63  }
0x102: {  	s30 =	smov.u32 s29  }
0x103: {  	p1 =	sne.s32 s29, $0x3800;
	s29 =	sadd.s32 $0x400, s29;
	_ =	swait.ge [sflag:s24], $0x4000  }
0x104: {  	s30 =	sshra.s32 s30, $0x2;
	[sflag:s24] =	ssyncset.done $0x0  }
0x105: {  	s31 =	sadd.s32 $0x1000, s30;
	[sflag:s24] =	ssyncadd.s32 $0xFFFFC000  }
0x106: {  	[spmem:s1] =	stream.indirect.scatter.add.f32 [tilespmem:s22], [sflag:$0x3], $0x80, s31, s21, $0xb8;
	[tilespmem:$0x1E800] =	vst v63  }
0x107: {  	_ =	swait.ge [sflag:s19], $0x4000  }
0x108: {  	[sflag:s19] =	ssyncset.done $0x0  }
0x109: {  	s31 =	sadd.s32 $0x100, s30;
	[sflag:s19] =	ssyncadd.s32 $0xFFFFC000  }
0x10a: {  	[tilespmem:s22], [sflag:$0x1] =	stream.indirect.gather [hbm4b:s4+s21], $0x80, s31, s21, $0xb8;
	[tilespmem:$0x1E800] =	vst v63  }
0x10b: {  	_ =	swait.ge [sflag:s25], $0x4000  }
0x10c: {  	[sflag:s25] =	ssyncset.done $0x0  }
.Ltmp9:
0x10d: {  	s31 =	sadd.s32 $0x1080, s30;
	[sflag:s25] =	ssyncadd.s32 $0xFFFFC000;
	(pc) =	sbr.rel @p1 .LBB2_11-.Ltmp9, $4  }
0x10e: {  	[spmem:s1] =	stream.indirect.scatter.add.f32 [tilespmem:s23], [sflag:$0x3], $0x80, s31, s21, $0xb8;
	[tilespmem:$0x1E800] =	vst v63  }
0x10f: {  	_ =	swait.ge [sflag:s19], $0x4000  }
0x110: {  	[sflag:s19] =	ssyncset.done $0x0  }
0x111: {  	s30 =	sadd.s32 $0x180, s30;
	[sflag:s19] =	ssyncadd.s32 $0xFFFFC000  }
0x112: {  	[tilespmem:s23], [sflag:$0x2] =	stream.indirect.gather [hbm4b:s4+s21], $0x80, s30, s21, $0xb8;
	[tilespmem:$0x1E800] =	vst v63  }
0x113: {  	_ =	swait.ge [sflag:s24], $0x4000  }
0x114: {  	[sflag:s24] =	ssyncset.done $0x0  }
0x115: {  	[sflag:s24] =	ssyncadd.s32 $0xFFFFC000  }
0x116: {  	[spmem:s1] =	stream.indirect.scatter.add.f32 [tilespmem:s22], [sflag:$0x3], $0x80, s26, s21, $0xb8;
	[tilespmem:$0x1E800] =	vst v63  }
0x117: {  	_ =	swait.ge [sflag:s19], $0x4000  }
0x118: {  	[sflag:s19] =	ssyncset.done $0x0  }
0x119: {  	[sflag:s19] =	ssyncadd.s32 $0xFFFFC000  }
0x11a: {  	_ =	swait.ge [sflag:s25], $0x4000  }
0x11b: {  	[sflag:s25] =	ssyncset.done $0x0  }
0x11c: {  	[sflag:s25] =	ssyncadd.s32 $0xFFFFC000  }
0x11d: {  	[spmem:s1] =	stream.indirect.scatter.add.f32 [tilespmem:s23], [sflag:$0x3], $0x80, s28, s21, $0xb8;
	[tilespmem:$0x1E800] =	vst v63  }
0x11e: {  	_ =	swait.ge [sflag:s19], $0x4000  }
0x11f: {  	[sflag:s19] =	ssyncset.done $0x0  }
0x120: {  	s29 =	simm.s32 $0x0;
	[sflag:s19] =	ssyncadd.s32 $0xFFFFC000  }
0x121: {  	[tilespmem:s29], [sflag:$0x3] =	stream.linear.gather [hbm4b:s12+s29], $0x1000, $0x38;
	[tilespmem:$0x1E800] =	vst v63  }
0x122: {  	_ =	swait.ge [sflag:s19], $0x1000  }
0x123: {  	[sflag:s19] =	ssyncset.done $0x0  }
0x124: {  	[sflag:s19] =	ssyncadd.s32 $0xFFFFF000  }
0x125: {  	[tilespmem:s20], [sflag:$0x3] =	stream.linear.gather [hbm4b:s13+s29], $0x1000, $0x38;
	[tilespmem:$0x1E800] =	vst v63  }
0x126: {  	_ =	swait.ge [sflag:s19], $0x1000  }
0x127: {  	[sflag:s19] =	ssyncset.done $0x0  }
0x128: {  	[sflag:s19] =	ssyncadd.s32 $0xFFFFF000  }
0x129: {  	[tilespmem:s22], [sflag:$0x1] =	stream.indirect.gather [hbm4b:s4+s21], $0x80, s29, s21, $0xb8;
	[tilespmem:$0x1E800] =	vst v63  }
0x12a: {  	_ = 	snop  }
0x12b: {  	[tilespmem:s23], [sflag:$0x2] =	stream.indirect.gather [hbm4b:s4+s21], $0x80, s21, s21, $0xb8;
	[tilespmem:$0x1E800] =	vst v63  }
0x12c: {  	_ =	swait.ge [sflag:s24], $0x4000  }
0x12d: {  	[sflag:s24] =	ssyncset.done $0x0  }
0x12e: {  	s29 =	simm.s32 $0x1000;
	[sflag:s24] =	ssyncadd.s32 $0xFFFFC000  }
0x12f: {  	[spmem:s1] =	stream.indirect.scatter.add.f32 [tilespmem:s22], [sflag:$0x3], $0x80, s29, s21, $0xb8;
	[tilespmem:$0x1E800] =	vst v63  }
0x130: {  	_ =	swait.ge [sflag:s19], $0x4000  }
0x131: {  	[sflag:s19] =	ssyncset.done $0x0  }
0x132: {  	s29 =	simm.s32 $0x100;
	[sflag:s19] =	ssyncadd.s32 $0xFFFFC000  }
0x133: {  	[tilespmem:s22], [sflag:$0x1] =	stream.indirect.gather [hbm4b:s4+s21], $0x80, s29, s21, $0xb8;
	[tilespmem:$0x1E800] =	vst v63  }
0x134: {  	_ =	swait.ge [sflag:s25], $0x4000  }
0x135: {  	[sflag:s25] =	ssyncset.done $0x0  }
0x136: {  	s29 =	simm.s32 $0x1080;
	[sflag:s25] =	ssyncadd.s32 $0xFFFFC000  }
0x137: {  	[spmem:s1] =	stream.indirect.scatter.add.f32 [tilespmem:s23], [sflag:$0x3], $0x80, s29, s21, $0xb8;
	[tilespmem:$0x1E800] =	vst v63  }
0x138: {  	_ =	swait.ge [sflag:s19], $0x4000  }
0x139: {  	[sflag:s19] =	ssyncset.done $0x0  }
0x13a: {  	s30 =	simm.s32 $0x180;
	s29 =	simm.s32 $0x400;
	[sflag:s19] =	ssyncadd.s32 $0xFFFFC000  }
.LBB2_13:
0x13b: {  	[tilespmem:s23], [sflag:$0x2] =	stream.indirect.gather [hbm4b:s4+s21], $0x80, s30, s21, $0xb8;
	[tilespmem:$0x1E800] =	vst v63  }
0x13c: {  	s30 =	smov.u32 s29  }
0x13d: {  	p1 =	seq.s32 s29, $0x3800;
	s29 =	sadd.s32 $0x400, s29;
	_ =	swait.ge [sflag:s24], $0x4000  }
0x13e: {  	s30 =	sshra.s32 s30, $0x2;
	[sflag:s24] =	ssyncset.done $0x0  }
0x13f: {  	s31 =	sadd.s32 $0x1000, s30;
	[sflag:s24] =	ssyncadd.s32 $0xFFFFC000  }
0x140: {  	[spmem:s1] =	stream.indirect.scatter.add.f32 [tilespmem:s22], [sflag:$0x3], $0x80, s31, s21, $0xb8;
	[tilespmem:$0x1E800] =	vst v63  }
0x141: {  	_ =	swait.ge [sflag:s19], $0x4000  }
0x142: {  	[sflag:s19] =	ssyncset.done $0x0  }
0x143: {  	s31 =	sadd.s32 $0x100, s30;
	[sflag:s19] =	ssyncadd.s32 $0xFFFFC000  }
0x144: {  	[tilespmem:s22], [sflag:$0x1] =	stream.indirect.gather [hbm4b:s4+s21], $0x80, s31, s21, $0xb8;
	[tilespmem:$0x1E800] =	vst v63  }
0x145: {  	_ =	swait.ge [sflag:s25], $0x4000  }
0x146: {  	[sflag:s25] =	ssyncset.done $0x0  }
.Ltmp10:
0x147: {  	s31 =	sadd.s32 $0x1080, s30;
	[sflag:s25] =	ssyncadd.s32 $0xFFFFC000;
	(pc) =	sbr.rel @!p1 .LBB2_13-.Ltmp10, $4  }
0x148: {  	[spmem:s1] =	stream.indirect.scatter.add.f32 [tilespmem:s23], [sflag:$0x3], $0x80, s31, s21, $0xb8;
	[tilespmem:$0x1E800] =	vst v63  }
0x149: {  	_ =	swait.ge [sflag:s19], $0x4000  }
0x14a: {  	[sflag:s19] =	ssyncset.done $0x0  }
0x14b: {  	s30 =	sadd.s32 $0x180, s30;
	[sflag:s19] =	ssyncadd.s32 $0xFFFFC000  }
.Ltmp11:
0x14c: {  	_ = 	snop;
	(pc) =	sbr.rel .LBB2_14-.Ltmp11, $1  }
0x14d: {  	_ =	sdelay $0x3  }
.LBB2_19:
0x14e: {  	_ =	sfence.sel $0x180000  }
0x14f: {  	[bflag:$0x0] =	sbarrier.arrive $0xFFFF  }
0x150: {  	p0 =	sne.s32 s2, $0x0;
	_ =	strace $0x9000004D  }
0x151: {  	s0 =	sadd.s32 @!p0 $0x100000, s0;
	[bflag:$0x2] =	sbarrier.arrive $0xFFFF  }
0x152: {  	[sflag:s0] =	ssyncadd.tile.s32 @!p0 $0x1;
	_ =	shalt  }
.Lfunc_end2:
_tile_overlayer_lowered:
.L_overlay_start_2:
0x153: {  	(tag) =	ssettag $0x2  }
0x154: {  	s0 =	rddreg [dreg:$0x0];
	s2 =	stileid.u32  }
0x155: {  	s1 =	rddreg [dreg:$0x1];
	p0 =	sne.s32 s2, $0x0  }
0x156: {  	s3 =	rddreg [dreg:$0x2];
	[bflag:$0x3] =	sbarrier.arrive $0xFFFF;
	s2 =	simm.s32 @!p0 $0x1C03  }
0x157: {  	[timem:s3], [sflag:s2] =	dma.local @!p0 [hbm:s0], s1  }
0x158: {  	s0 =	simm.s32 @!p0 $0x3  }
0x159: {  	_ =	swait.ge @!p0 [sflag:s0], s1  }
0x15a: {  	s1 =	ssub.s32 @!p0 $0x0, s1;
	[sflag:s0] =	ssyncset.done @!p0 $0x0  }
0x15b: {  	[sflag:s0] =	ssyncadd.s32 @!p0 s1  }
0x15c: {  	[bflag:$0x3] =	sbarrier.arrive $0xFFFF  }
0x15d: {  	_ =	shalt  }

// kernel: kernel.8.cloned.1.call-start
scs
__scs_entry_jumppad:
0x0: {  	(pc) =	sbr.rel $0x88, $3  }
0x1: {  	(tag) =	ssettag $0x0;
	lr =	simm.s32 $0x1  }
0x2: {  	[smem:$0x3F9D] =	sst lr;
	_ =	strace $0xD0000000  }
0x3: {  	_ = 	snop  }
0x4: {  	_ = 	snop  }
0x5: {  	_ = 	snop  }
0x6: {  	_ = 	snop  }
0x7: {  	_ = 	snop  }
__scs_overlays_trampoline_lowered:
0x8: {  	[smem:$0x3FAC] =	sst s0  }
0x9: {  	[smem:$0x3FAD] =	sst s1  }
0xa: {  	[smem:$0x3FAE] =	sst s2  }
0xb: {  	[smem:$0x3FAF] =	sst s3  }
0xc: {  	[smem:$0x3FB0] =	sst s4  }
0xd: {  	[smem:$0x3FB1] =	sst s5  }
0xe: {  	[smem:$0x3FB2] =	sst s6  }
0xf: {  	[smem:$0x3FB3] =	sst s7  }
0x10: {  	[smem:$0x3FB4] =	sst s8  }
0x11: {  	[smem:$0x3FB5] =	sst s9;
	s0 =	simm.s32 @!p0 $0x0  }
0x12: {  	s1 =	sld [smem:$0x3F9B];
	s0 =	simm.s32 @p0 $0x1  }
0x13: {  	[smem:$0x3FB6] =	sst s0;
	s0 =	simm.s32 @!p1 $0x0  }
0x14: {  	s2 =	sld [smem:$0x3F9A];
	s0 =	simm.s32 @p1 $0x1  }
0x15: {  	[smem:$0x3FB7] =	sst s0;
	s0 =	simm.s32 @!p2 $0x0  }
0x16: {  	s3 =	sld [smem:$0x3FDB];
	s0 =	simm.s32 @p2 $0x1  }
0x17: {  	s4 =	simm.s32 $0x1BF5;
	[smem:$0x3FB9] =	sst s0  }
0x18: {  	s0 =	sld [smem:$0x3F9C];
	_ =	swait.ge [sflag:s4], $0x0  }
0x19: {  	s7 =	sld [smem:$0x3F9D]  }
0x1a: {  	s8 =	sadd.s32 $0xFFFFE003, lr  }
0x1b: {  	s9 =	sadd.s32 $0xFFFFFEF7, lr;
	s5 =	simm.s32 $0xFFFFFFFF;
	p2 =	slt.u32 s8, $0xFFFFF086  }
0x1c: {  	p1 =	slt.u32 s9, $0xF7A;
	s5 =	simm.s32 @!p2 $0x0  }
0x1d: {  	s5 =	simm.s32 @p1 $0x1;
	p0 =	seq.s32 s7, s2  }
0x1e: {  	s7 =	smul.u32 @!p0 $0xF7A, s2;
	p2 =	seq.s32 @!p0 s5, $0x0  }
0x1f: {  	s9 =	smul.u32 $0xF7A, s1;
	s8 =	simm.s32 @!p0 $0x1BF5;
	p2 =	por !p2, p0  }
0x20: {  	[sflag:s8] =	ssyncset.s32 @!p0 $0xFFFFF086;
	s6 =	sadd.s32 @!p0 s3, s7;
	s7 =	simm.s32 @!p0 $0x108  }
0x21: {  	s3 =	sadd.s32 s3, s9;
	s6 =	sadd.s32 @!p0 $0x88, s6;
	s7 =	simm.s32 @p2 $0x1082  }
0x22: {  	[simem:s7], [sflag:s8] =	dma.local @!p0 [hbm:s6], $0xF7A  }
0x23: {  	s9 =	sor.u32 $0xD0000000, s2;
	s6 =	simm.s32 $0x108;
	_ =	swait.ge @!p0 [sflag:s8], $0x0  }
0x24: {  	s3 =	sadd.s32 $0x88, s3;
	s6 =	simm.s32 @!p1 $0x1082;
	[sflag:s4] =	ssyncset.s32 $0xFFFFF086  }
0x25: {  	[simem:s6], [sflag:s4] =	dma.local [hbm:s3], $0xF7A  }
0x26: {  	[smem:$0x3F9D] =	sst s1;
	(tag) =	ssettag s2;
	_ =	strace s9  }
0x27: {  	s1 =	sld [smem:$0x3FAD]  }
0x28: {  	s2 =	sld [smem:$0x3FAE]  }
0x29: {  	s4 =	sld [smem:$0x3FB0]  }
0x2a: {  	p0 =	seq.s32 s5, $0x0;
	s5 =	sld [smem:$0x3FB1]  }
0x2b: {  	s6 =	sld [smem:$0x3FB2]  }
0x2c: {  	s7 =	sld [smem:$0x3FB3]  }
0x2d: {  	s3 =	simm.s32 $0x108;
	s8 =	sld [smem:$0x3FB4]  }
0x2e: {  	s3 =	simm.s32 @!p0 $0x1082;
	s9 =	sld [smem:$0x3FB5]  }
0x2f: {  	lr =	sadd.s32 s0, s3;
	s0 =	sld [smem:$0x3FAC]  }
0x30: {  	s3 =	sld [smem:$0x3FAF]  }
0x31: {  	[smem:$0x3FB8] =	sst s10  }
0x32: {  	s10 =	sld [smem:$0x3FB6];
	_ =	sdelay $0x3  }
0x33: {  	p0 =	seq.s32 s10, $0x1;
	s10 =	sld [smem:$0x3FB8];
	_ =	sdelay $0x3  }
0x34: {  	[smem:$0x3FB8] =	sst s10  }
0x35: {  	s10 =	sld [smem:$0x3FB7];
	_ =	sdelay $0x3  }
0x36: {  	p1 =	seq.s32 s10, $0x1;
	s10 =	sld [smem:$0x3FB8];
	_ =	sdelay $0x3  }
0x37: {  	[smem:$0x3FB8] =	sst s10  }
0x38: {  	s10 =	sld [smem:$0x3FB9]  }
0x39: {  	_ = 	snop;
	(pc) =	sbr.ind lr, $3  }
0x3a: {  	_ = 	snop  }
0x3b: {  	_ = 	snop  }
0x3c: {  	p2 =	seq.s32 s10, $0x1;
	s10 =	sld [smem:$0x3FB8]  }
0x3d: {  	_ =	shalt  }
0x3e: {  	_ =	shalt  }
0x3f: {  	_ =	shalt  }
0x40: {  	_ =	shalt  }
0x41: {  	_ =	shalt  }
0x42: {  	_ =	shalt  }
0x43: {  	_ =	shalt  }
0x44: {  	_ =	shalt  }
0x45: {  	_ =	shalt  }
0x46: {  	_ =	shalt  }
0x47: {  	_ =	shalt  }
0x48: {  	_ =	shalt  }
0x49: {  	_ =	shalt  }
0x4a: {  	_ =	shalt  }
0x4b: {  	_ =	shalt  }
0x4c: {  	_ =	shalt  }
0x4d: {  	_ =	shalt  }
0x4e: {  	_ =	shalt  }
0x4f: {  	_ =	shalt  }
0x50: {  	_ =	shalt  }
0x51: {  	_ =	shalt  }
0x52: {  	_ =	shalt  }
0x53: {  	_ =	shalt  }
0x54: {  	_ =	shalt  }
0x55: {  	_ =	shalt  }
0x56: {  	_ =	shalt  }
0x57: {  	_ =	shalt  }
0x58: {  	_ =	shalt  }
0x59: {  	_ =	shalt  }
0x5a: {  	_ =	shalt  }
0x5b: {  	_ =	shalt  }
0x5c: {  	_ =	shalt  }
0x5d: {  	_ =	shalt  }
0x5e: {  	_ =	shalt  }
0x5f: {  	_ =	shalt  }
0x60: {  	_ =	shalt  }
0x61: {  	_ =	shalt  }
0x62: {  	_ =	shalt  }
0x63: {  	_ =	shalt  }
0x64: {  	_ =	shalt  }
0x65: {  	_ =	shalt  }
0x66: {  	_ =	shalt  }
0x67: {  	_ =	shalt  }
0x68: {  	_ =	shalt  }
0x69: {  	_ =	shalt  }
0x6a: {  	_ =	shalt  }
0x6b: {  	_ =	shalt  }
0x6c: {  	_ =	shalt  }
0x6d: {  	_ =	shalt  }
0x6e: {  	_ =	shalt  }
0x6f: {  	_ =	shalt  }
0x70: {  	_ =	shalt  }
0x71: {  	_ =	shalt  }
0x72: {  	_ =	shalt  }
0x73: {  	_ =	shalt  }
0x74: {  	_ =	shalt  }
0x75: {  	_ =	shalt  }
0x76: {  	_ =	shalt  }
0x77: {  	_ =	shalt  }
0x78: {  	_ =	shalt  }
0x79: {  	_ =	shalt  }
0x7a: {  	_ =	shalt  }
0x7b: {  	_ =	shalt  }
0x7c: {  	_ =	shalt  }
0x7d: {  	_ =	shalt  }
0x7e: {  	_ =	shalt  }
0x7f: {  	_ =	shalt  }
0x80: {  	_ =	shalt  }
0x81: {  	_ =	shalt  }
0x82: {  	_ =	shalt  }
0x83: {  	_ =	shalt  }
0x84: {  	_ =	shalt  }
0x85: {  	_ =	shalt  }
0x86: {  	_ =	shalt  }
0x87: {  	_ =	shalt  }
.Lfunc_end0:
.L_simem_size_0:
called_computation_lowered:
.L_overlay_start_0:
0x88: {  	s2 =	sld [smem:$0x3FD9]  }
0x89: {  	s3 =	sld [smem:$0x3FFE];
	_ =	sdelay $0x1  }
0x8a: {  	s1 =	srdreg.scid  }
0x8b: {  	s0 =	sand.u32 $0x1, s1  }
0x8c: {  	s17 =	sshll.u32 s0, $0xA;
	s2 =	sadd.s32 s3, s2  }
0x8d: {  	s2 =	sadd.s32 s2, s17  }
0x8e: {  	[smem:$0x3FC4] =	sst s2  }
0x8f: {  	_ = 	snop  }
0x90: {  	s2 =	sld [smem:$0x3FD0];
	(tm) =	ssettm $0x1  }
0x91: {  	s18 =	sld [smem:$0x3FFB];
	_ =	sdelay $0x3  }
0x92: {  	_ =	strace s18  }
0x93: {  	s3 =	sld [smem:$0x3FFC];
	_ =	sdelay $0x3  }
0x94: {  	_ =	strace s3  }
0x95: {  	s3 =	sld [smem:$0x3FFD];
	_ =	sdelay $0x3  }
0x96: {  	_ =	strace s3  }
0x97: {  	_ =	strace $0x8FFFFFFF  }
0x98: {  	s19 =	sld [smem:$0x3FDB];
	_ =	sdelay $0x1  }
0x99: {  	s4 =	simm.s32 $_scs_section_size  }
0x9a: {  	s5 =	simm.s32 $_size__tile_overlayer_lowered;
	s6 =	simm.s32 $_tile_overlayer_lowered  }
0x9b: {  	s22 =	simm.s32 $0x1BFF;
	s21 =	sshll.u32 s6, $0x1;
	s3 =	sadd.s32 s4, s19  }
0x9c: {  	s7 =	simm.s32 $0x0;
	s20 =	sshll.u32 s5, $0x1;
	s5 =	sadd.s32 s21, s3  }
0x9d: {  	[timem:s7], [sflag:s22] =	dma.local [hbm:s5], s20  }
0x9e: {  	_ =	swait.ge [sflag:s22], s20  }
0x9f: {  	s4 =	ssub.s32 $0x0, s20;
	[sflag:s22] =	ssyncset.done $0x0  }
0xa0: {  	[sflag:s22] =	ssyncadd.s32 s4;
	_ =	sdelay $0x1  }
0xa1: {  	s23 =	simm.s32 $0x1B8B  }
0xa2: {  	_ =	swait.ge [sflag:s23], $0x1  }
0xa3: {  	[sflag:s23] =	ssyncset.done $0x0  }
0xa4: {  	s25 =	simm.s32 $0x1B8E;
	s24 =	sld [smem:$0x3FFE];
	[sflag:s23] =	ssyncadd.s32 $0xFFFFFFFF  }
0xa5: {  	s26 =	simm.s32 $execute0_lowered;
	[smem:$0x3FD2] =	sst s25  }
0xa6: {  	s5 =	sshll.u32 s26, $0x1;
	_ =	strace $0x80000046;
	[dreg:$0x1] =	wrdreg $0xFFFFFFFF  }
0xa7: {  	s28 =	simm.s32 $_size_execute0_lowered;
	s3 =	sadd.s32 s3, s5;
	[dreg:$0x0] =	wrdreg $0x0  }
0xa8: {  	s5 =	sshll.u32 s28, $0x1;
	[dreg:$0x2] =	wrdreg s3  }
0xa9: {  	[dreg:$0x3] =	wrdreg s5  }
0xaa: {  	[dreg:$0x4] =	wrdreg $0xC0  }
0xab: {  	_ =	task [dreg:s7], $0x5FFFF  }
0xac: {  	[dreg:$0x1] =	wrdreg $0xFFFFFFFF  }
0xad: {  	[dreg:$0x0] =	wrdreg $0x60  }
0xae: {  	[dreg:$0x2] =	wrdreg s2  }
0xaf: {  	[dreg:$0x3] =	wrdreg s24  }
0xb0: {  	[dreg:$0x4] =	wrdreg $0x2B000  }
0xb1: {  	[dreg:$0x5] =	wrdreg $0x9  }
0xb2: {  	_ =	task.clear_ibuf [dreg:s7], $0x6FFFF;
	_ =	strace $0x90000046  }
0xb3: {  	s29 =	simm.s32 $0x9;
	_ =	strace $0x80000048  }
0xb4: {  	_ =	swait.ge [sflag:s29], $0x1  }
0xb5: {  	[sflag:s29] =	ssyncadd.s32 $0xFFFFFFFF  }
0xb6: {  	_ =	strace $0x90000048  }
0xb7: {  	_ =	sfence  }
0xb8: {  	s30 =	sld [smem:$0x0];
	_ =	sdelay $0x2  }
0xb9: {  	s31 =	sshll.u32 s1, $0xD;
	s1 =	sshrl.u32 s1, $0x2  }
0xba: {  	s3 =	sand.u32 $0x4000, s31;
	s1 =	sadd.s32 s1, s30  }
0xbb: {  	s0 =	sor.u32 s3, s0;
	s1 =	sshll.u32 s1, $0x11  }
0xbc: {  	s0 =	sor.u32 s1, s0  }
0xbd: {  	s0 =	sadd.s32 $0x8F2B, s0  }
0xbe: {  	[sflag:s0] =	ssyncadd.remote.s32 $0x1  }
0xbf: {  	_ =	sfence.sel $0xFFFF  }
0xc0: {  	[dreg:$0x0] =	wrdreg $0xFFFFFFFF;
	(pc) =	sbr.abs _section_cstart, $3  }
0xc1: {  	[dreg:$0x1] =	wrdreg $0xFFFFFFFF  }
0xc2: {  	_ =	task.clear_ibuf [dreg:s7], $0x2FFFF;
	_ =	strace $0x9FFFFFFF  }
0xc3: {  	(tm) =	ssettm $0x7FFFFFFF  }
tec
execute0_lowered:
.L_overlay_start_1:
0x0: {  	(tag) =	ssettag $0x1  }
0x1: {  	s4 =	rddreg [dreg:$0x0]  }
0x2: {  	s5 =	rddreg [dreg:$0x1]  }
0x3: {  	s2 =	rddreg [dreg:$0x2]  }
0x4: {  	s0 =	rddreg [dreg:$0x3]  }
0x5: {  	s3 =	simm.s32 $0x0;
	s6 =	srdreg.scid;
	s1 =	stileid.u32  }
0x6: {  	s11 =	simm.s32 $0x2800;
	s14 =	simm.s32 $0x20;
	s15 =	simm.s32 $0x10  }
0x7: {  	s16 =	simm.s32 $0x0;
	[smem:$0x7FF] =	sst s3;
	s7 =	smul.u32 $0x500, s1  }
0x8: {  	s6 =	sand.u32 $0x1, s6;
	s30 =	smul.u32 $0xA00, s1;
	s12 =	sshll.u32 s1, $0x6  }
0x9: {  	_ =	strace $0x80000047;
	s8 =	sshll.u32 s6, $0x7;
	s9 =	sshll.u32 s6, $0x4  }
0xa: {  	s6 =	ssub.s32 $0x2, s6;
	s12 =	sor.u32 $0x1C01, s12;
	s7 =	sor.u32 s8, s7  }
0xb: {  	s29 =	sor.u32 s1, s9;
	s31 =	sshrl.u32 s6, $0x1;
	s9 =	sshrl.u32 s30, $0x2  }
0xc: {  	s7 =	sshrl.u32 s7, $0x3;
	s8 =	smul.u32 $0x500, s29;
	s10 =	ssub.s32 s6, s31  }
0xd: {  	s7 =	sadd.s32 s7, s5;
	s5 =	sadd.s32 s9, s2;
	s9 =	simm.s32 $0x2880  }
0xe: {  	s4 =	sadd.s32 s4, s8;
	s6 =	sadd.s32 $0x2400, s7;
	s7 =	smax.u32 s10, $0x1  }
0xf: {  	v0 =	vimm.f32 $1.000000000e+00;
	v1 =	vimm.f32 $0.0e+00;
	s8 =	simm.s32 $0x1;
	s10 =	simm.s32 $0x80;
	s13 =	sshrl.u32 s5, $0x3  }
.LBB2_1:
0x10: {  	[tilespmem:$0x2800] =	vst v0  }
0x11: {  	[tilespmem:$0x2810] =	vst v0  }
0x12: {  	[tilespmem:$0x2820] =	vst v0  }
0x13: {  	[tilespmem:$0x2830] =	vst v0  }
0x14: {  	[tilespmem:$0x2840] =	vst v0  }
0x15: {  	[tilespmem:$0x2850] =	vst v0  }
0x16: {  	[tilespmem:$0x2860] =	vst v0  }
0x17: {  	[tilespmem:$0x2870] =	vst v0  }
0x18: {  	[tilespmem:$0x2880] =	vst v1  }
0x19: {  	[tilespmem:$0x2890] =	vst v1  }
0x1a: {  	[tilespmem:$0x28A0] =	vst v1  }
0x1b: {  	[tilespmem:$0x28B0] =	vst v1  }
0x1c: {  	[tilespmem:$0x28C0] =	vst v1  }
0x1d: {  	[tilespmem:$0x28D0] =	vst v1  }
0x1e: {  	[tilespmem:$0x28E0] =	vst v1  }
0x1f: {  	[tilespmem:$0x28F0] =	vst v1  }
0x20: {  	[tilespmem:$0x2900] =	vst v1  }
0x21: {  	[tilespmem:$0x2910] =	vst v1  }
0x22: {  	[tilespmem:$0x2920] =	vst v1  }
0x23: {  	[tilespmem:$0x2930] =	vst v1  }
0x24: {  	[tilespmem:$0x2940] =	vst v1  }
0x25: {  	[tilespmem:$0x2950] =	vst v1  }
0x26: {  	[tilespmem:$0x2960] =	vst v1  }
0x27: {  	[tilespmem:$0x2970] =	vst v1  }
0x28: {  	[tilespmem:$0x2980] =	vst v1  }
0x29: {  	[tilespmem:$0x2990] =	vst v1  }
0x2a: {  	[tilespmem:$0x29A0] =	vst v1  }
0x2b: {  	[tilespmem:$0x29B0] =	vst v1  }
0x2c: {  	[tilespmem:$0x29C0] =	vst v1  }
0x2d: {  	[tilespmem:$0x29D0] =	vst v1  }
0x2e: {  	[tilespmem:$0x29E0] =	vst v1  }
0x2f: {  	[tilespmem:$0x29F0] =	vst v1  }
0x30: {  	[tilespmem:$0x2A00] =	vst v1  }
0x31: {  	[tilespmem:$0x2A10] =	vst v1  }
0x32: {  	[tilespmem:$0x2A20] =	vst v1  }
0x33: {  	[tilespmem:$0x2A30] =	vst v1  }
0x34: {  	[tilespmem:$0x2A40] =	vst v1  }
0x35: {  	[tilespmem:$0x2A50] =	vst v1  }
0x36: {  	[tilespmem:$0x2A60] =	vst v1  }
0x37: {  	[tilespmem:$0x2A70] =	vst v1  }
0x38: {  	[tilespmem:$0x2A80] =	vst v1  }
0x39: {  	[tilespmem:$0x2A90] =	vst v1  }
0x3a: {  	[tilespmem:$0x2AA0] =	vst v1  }
0x3b: {  	[tilespmem:$0x2AB0] =	vst v1  }
0x3c: {  	[tilespmem:$0x2AC0] =	vst v1  }
0x3d: {  	[tilespmem:$0x2AD0] =	vst v1  }
0x3e: {  	[tilespmem:$0x2AE0] =	vst v1  }
0x3f: {  	[tilespmem:$0x2AF0] =	vst v1  }
0x40: {  	[tilespmem:s3], [sflag:$0x1] =	stream.linear.gather [hbm4b:s4+s3], $0x2800, $0x38;
	[tilespmem:$0x2D80] =	vst v63  }
0x41: {  	_ =	swait.ge [sflag:s8], $0x2800  }
0x42: {  	[sflag:s8] =	ssyncset.done $0x0  }
0x43: {  	[sflag:s8] =	ssyncadd.s32 $0xFFFFD800  }
0x44: {  	[spmem:s5] =	stream.linear.scatter [tilespmem:s9], [sflag:$0x1], $0x280, $0x38;
	[tilespmem:$0x2D80] =	vst v63  }
0x45: {  	_ =	swait.ge [sflag:s8], $0x280  }
0x46: {  	[sflag:s8] =	ssyncset.done $0x0  }
0x47: {  	[sflag:s8] =	ssyncadd.s32 $0xFFFFFD80  }
0x48: {  	s17 =	simm.s32 $0x0;
	[bflag:$0x0] =	sbarrier.arrive $0xFFFF  }
0x49: {  	[spmem:s2] =	stream.indirect.scatter.add.f32 [tilespmem:s11], [sflag:$0x1], $0x1, s17, s10, $0xb8;
	[tilespmem:$0x2D80] =	vst v63  }
0x4a: {  	_ =	swait.ge [sflag:s8], $0x80  }
0x4b: {  	s17 =	simm.s32 $0x200;
	[sflag:s8] =	ssyncset.done $0x0  }
.LBB2_2:
0x4c: {  	s18 =	sshra.s32 s17, $0x2;
	[sflag:s8] =	ssyncadd.s32 $0xFFFFFF80;
	p0 =	sne.s32 s17, $0x9E00  }
0x4d: {  	[spmem:s2] =	stream.indirect.scatter.add.f32 [tilespmem:s11], [sflag:$0x1], $0x1, s18, s10, $0xb8;
	[tilespmem:$0x2D80] =	vst v63  }
.Ltmp0:
0x4e: {  	_ = 	snop;
	(pc) =	sbr.rel @p0 .LBB2_2-.Ltmp0, $4  }
0x4f: {  	_ = 	snop  }
0x50: {  	s17 =	sadd.s32 $0x200, s17  }
0x51: {  	_ =	swait.ge [sflag:s8], $0x80  }
0x52: {  	[sflag:s8] =	ssyncset.done $0x0  }
0x53: {  	s16 =	sadd.s32 $0x1, s16  }
0x54: {  	[sflag:s8] =	ssyncadd.s32 $0xFFFFFF80;
	p0 =	sne.s32 s16, s7  }
.Ltmp1:
0x55: {  	[bflag:$0x0] =	sbarrier.arrive $0xFFFF;
	(pc) =	sbr.rel @p0 .LBB2_1-.Ltmp1, $4  }
0x56: {  	[hbm:s6@s14], [sflag:s12] =	dma.strided [spmem:s13@s15], $0x50, s8, $0x10   }
0x57: {  	_ =	swait.ge [sflag:s8], $0x50  }
0x58: {  	[sflag:s8] =	ssyncset.done $0x0  }
0x59: {  	[sflag:s8] =	ssyncadd.s32 $0xFFFFFFB0  }
0x5a: {  	_ =	sfence.sel $0x180000  }
0x5b: {  	[bflag:$0x0] =	sbarrier.arrive $0xFFFF  }
0x5c: {  	p0 =	sne.s32 s1, $0x0;
	_ =	strace $0x90000047  }
0x5d: {  	s0 =	sadd.s32 @!p0 $0x100000, s0;
	[bflag:$0x2] =	sbarrier.arrive $0xFFFF  }
0x5e: {  	[sflag:s0] =	ssyncadd.tile.s32 @!p0 $0x1;
	_ =	shalt  }
.Lfunc_end2:
_tile_overlayer_lowered:
.L_overlay_start_2:
0x5f: {  	(tag) =	ssettag $0x2  }
0x60: {  	s0 =	rddreg [dreg:$0x0];
	s2 =	stileid.u32  }
0x61: {  	s1 =	rddreg [dreg:$0x1];
	p0 =	sne.s32 s2, $0x0  }
0x62: {  	s3 =	rddreg [dreg:$0x2];
	[bflag:$0x3] =	sbarrier.arrive $0xFFFF;
	s2 =	simm.s32 @!p0 $0x1C01  }
0x63: {  	[timem:s3], [sflag:s2] =	dma.local @!p0 [hbm:s0], s1  }
0x64: {  	s0 =	simm.s32 @!p0 $0x1  }
0x65: {  	_ =	swait.ge @!p0 [sflag:s0], s1  }
0x66: {  	s1 =	ssub.s32 @!p0 $0x0, s1;
	[sflag:s0] =	ssyncset.done @!p0 $0x0  }
0x67: {  	[sflag:s0] =	ssyncadd.s32 @!p0 s1  }
0x68: {  	[bflag:$0x3] =	sbarrier.arrive $0xFFFF  }
0x69: {  	_ =	shalt  }

</sc_bundles>
